<compile_context>
chip_gen: v7x
topology: tpu7x:2x2x1
jax: 0.10.2.dev20260603
libtpu: 0.0.44.dev20260713+nightly
codegen_flags: <defaults>
</compile_context>

<pallas_src>
import functools

import jax
import jax.numpy as jnp
from jax import lax
from jax.experimental import pallas as pl
from jax.experimental.pallas import tpu as pltpu
from jax.experimental.pallas import tpu_sc as plsc

N0 = 10000
N1 = 2500
NC = 2
NS = 16
NT = NC * NS

CH0, NCH0 = 120, 16
E0P = NT * NCH0 * CH0
CH1, NCH1 = 96, 5
E1P = NT * NCH1 * CH1
R0 = 10112
SLAB0 = R0 // NS
R1 = 2560
SLAB1 = R1 // NS


def _pad_edges(ei, epad, nch, ch, slop_row):
  e = ei.shape[1]
  src = jnp.concatenate([ei[0], jnp.zeros((epad - e,), jnp.int32)])
  dst = jnp.concatenate([ei[1], jnp.full((epad - e,), slop_row, jnp.int32)])
  return src.reshape(NT, nch, ch), dst.reshape(NT, nch, ch)


NB = 8


def _sc_seg_feat2(x1, x2, src3, dst3):
  mesh = plsc.VectorSubcoreMesh(core_axis_name="c", subcore_axis_name="s")

  @functools.partial(
      pl.kernel,
      out_type=(jax.ShapeDtypeStruct((NC, R0, 32), jnp.float32),
                jax.ShapeDtypeStruct((NC, R0, 32), jnp.float32)),
      mesh=mesh,
      scratch_types=[
          pltpu.VMEM((NCH0, CH0), jnp.int32),
          pltpu.VMEM((NCH0, CH0), jnp.int32),
          pltpu.VMEM((NB, CH0, 32), jnp.float32),
          pltpu.VMEM((NB, CH0, 32), jnp.float32),
          pltpu.VMEM((SLAB0, 32), jnp.float32),
          pltpu.VMEM_SHARED((R0, 32), jnp.float32),
          pltpu.VMEM_SHARED((R0, 32), jnp.float32),
          pltpu.SemaphoreType.DMA,
          pltpu.SemaphoreType.DMA,
      ],
      compiler_params=pltpu.CompilerParams(needs_layout_passes=False,
                                           use_tc_tiling_on_sc=False),
  )
  def k(x1_hbm, x2_hbm, src_hbm, dst_hbm, s1_hbm, s2_hbm,
        srcv, dstv, rows1, rows2, zf, acc1, acc2, gsem, ssem):
    c = lax.axis_index("c")
    s = lax.axis_index("s")
    t = c * NS + s
    zv = jnp.zeros((16,), jnp.float32)

    def fill_zero(i, _):
      for r in range(8):
        for f in range(2):
          zf[8 * i + r, pl.ds(16 * f, 16)] = zv
      return 0
    lax.fori_loop(0, SLAB0 // 8, fill_zero, 0)

    pltpu.sync_copy(zf, acc1.at[pl.ds(s * SLAB0, SLAB0)])
    pltpu.sync_copy(zf, acc2.at[pl.ds(s * SLAB0, SLAB0)])
    pltpu.sync_copy(src_hbm.at[t], srcv)
    pltpu.sync_copy(dst_hbm.at[t], dstv)
    plsc.subcore_barrier()

    def round_(r, _):
      base = r * NB
      gd = []
      for b in range(NB):
        gd.append(pltpu.async_copy(x1_hbm.at[srcv.at[base + b]], rows1.at[b],
                                   gsem))
        gd.append(pltpu.async_copy(x2_hbm.at[srcv.at[base + b]], rows2.at[b],
                                   gsem))
      sd = []
      for b in range(NB):
        gd[2 * b].wait()
        gd[2 * b + 1].wait()
        sd.append(pltpu.async_copy(rows1.at[b], acc1.at[dstv.at[base + b]],
                                   ssem, add=True))
        sd.append(pltpu.async_copy(rows2.at[b], acc2.at[dstv.at[base + b]],
                                   ssem, add=True))
      for d in sd:
        d.wait()
      return 0
    lax.fori_loop(0, NCH0 // NB, round_, 0)

    plsc.subcore_barrier()
    sl = pl.ds(s * SLAB0, SLAB0)
    pltpu.sync_copy(acc1.at[sl], s1_hbm.at[c, sl])
    pltpu.sync_copy(acc2.at[sl], s2_hbm.at[c, sl])

  return k(x1, x2, src3, dst3)


def _sc_seg_feat(x, src3, dst3, nfeat, with_counts):
  mesh = plsc.VectorSubcoreMesh(core_axis_name="c", subcore_axis_name="s")

  outs = [jax.ShapeDtypeStruct((NC, R0, nfeat), jnp.float32)]
  scratch = [
      pltpu.VMEM((NCH0, CH0), jnp.int32),
      pltpu.VMEM((NCH0, CH0), jnp.int32),
      pltpu.VMEM((NB, CH0, nfeat), jnp.float32),
      pltpu.VMEM((SLAB0, nfeat), jnp.float32),
      pltpu.VMEM_SHARED((R0, nfeat), jnp.float32),
      pltpu.SemaphoreType.DMA,
      pltpu.SemaphoreType.DMA,
  ]
  if with_counts:
    outs.append(jax.ShapeDtypeStruct((NC, R0, 16), jnp.float32))
    scratch += [
        pltpu.VMEM((CH0, 16), jnp.float32),
        pltpu.VMEM((SLAB0, 16), jnp.float32),
        pltpu.VMEM_SHARED((R0, 16), jnp.float32),
    ]

  @functools.partial(
      pl.kernel,
      out_type=tuple(outs) if with_counts else outs[0],
      mesh=mesh,
      scratch_types=scratch,
      compiler_params=pltpu.CompilerParams(needs_layout_passes=False,
                                           use_tc_tiling_on_sc=False),
  )
  def k(x_hbm, src_hbm, dst_hbm, sums_hbm, *rest):
    if with_counts:
      (cnts_hbm, srcv, dstv, rows, zf, accs, gsem, ssem,
       ones, zc, accc) = rest
    else:
      srcv, dstv, rows, zf, accs, gsem, ssem = rest
    c = lax.axis_index("c")
    s = lax.axis_index("s")
    t = c * NS + s
    zv = jnp.zeros((16,), jnp.float32)
    ov = jnp.ones((16,), jnp.float32)

    def fill_zero(i, _):
      for r in range(8):
        for f in range(nfeat // 16):
          zf[8 * i + r, pl.ds(16 * f, 16)] = zv
        if with_counts:
          zc[8 * i + r, pl.ds(0, 16)] = zv
      return 0
    lax.fori_loop(0, SLAB0 // 8, fill_zero, 0)
    if with_counts:
      def fill_ones(i, _):
        for r in range(8):
          ones[8 * i + r, pl.ds(0, 16)] = ov
        return 0
      lax.fori_loop(0, CH0 // 8, fill_ones, 0)

    pltpu.sync_copy(zf, accs.at[pl.ds(s * SLAB0, SLAB0)])
    if with_counts:
      pltpu.sync_copy(zc, accc.at[pl.ds(s * SLAB0, SLAB0)])
    pltpu.sync_copy(src_hbm.at[t], srcv)
    pltpu.sync_copy(dst_hbm.at[t], dstv)
    plsc.subcore_barrier()

    def round_(r, _):
      base = r * NB
      gd = [pltpu.async_copy(x_hbm.at[srcv.at[base + b]], rows.at[b], gsem)
            for b in range(NB)]
      sd = []
      for b in range(NB):
        gd[b].wait()
        sd.append(pltpu.async_copy(rows.at[b], accs.at[dstv.at[base + b]],
                                   ssem, add=True))
        if with_counts:
          sd.append(pltpu.async_copy(ones, accc.at[dstv.at[base + b]],
                                     ssem, add=True))
      for d in sd:
        d.wait()
      return 0
    lax.fori_loop(0, NCH0 // NB, round_, 0)

    plsc.subcore_barrier()
    sl = pl.ds(s * SLAB0, SLAB0)
    pltpu.sync_copy(accs.at[sl], sums_hbm.at[c, sl])
    if with_counts:
      pltpu.sync_copy(accc.at[sl], cnts_hbm.at[c, sl])

  return k(x, src3, dst3)


def _sc_seg_scalar(r1, src3, dst3):
  mesh = plsc.VectorSubcoreMesh(core_axis_name="c", subcore_axis_name="s")

  @functools.partial(
      pl.kernel,
      out_type=(jax.ShapeDtypeStruct((NC * R1,), jnp.float32),
                jax.ShapeDtypeStruct((NC * R1,), jnp.float32)),
      mesh=mesh,
      scratch_types=[
          pltpu.VMEM((N1,), jnp.float32),
          pltpu.VMEM((CH1,), jnp.int32),
          pltpu.VMEM((NCH1, CH1), jnp.int32),
          pltpu.VMEM((CH1,), jnp.float32),
          pltpu.VMEM((CH1,), jnp.float32),
          pltpu.VMEM((SLAB1,), jnp.float32),
          pltpu.VMEM_SHARED((R1,), jnp.float32),
          pltpu.VMEM_SHARED((R1,), jnp.float32),
      ],
      compiler_params=pltpu.CompilerParams(needs_layout_passes=False, use_tc_tiling_on_sc=False),
  )
  def k(r1_hbm, src_hbm, dst_hbm, sums_hbm, cnts_hbm,
        r1v, srcv, dstv, vals, ones, zb, accs, accc):
    c = lax.axis_index("c")
    s = lax.axis_index("s")
    t = c * NS + s
    zv = jnp.zeros((16,), jnp.float32)
    ov = jnp.ones((16,), jnp.float32)

    for i in range(SLAB1 // 16):
      zb[pl.ds(16 * i, 16)] = zv
    for i in range(CH1 // 16):
      ones[pl.ds(16 * i, 16)] = ov

    pltpu.sync_copy(zb, accs.at[pl.ds(s * SLAB1, SLAB1)])
    pltpu.sync_copy(zb, accc.at[pl.ds(s * SLAB1, SLAB1)])
    pltpu.sync_copy(r1_hbm, r1v)
    pltpu.sync_copy(dst_hbm.at[t], dstv)
    plsc.subcore_barrier()

    def chunk(ch, _):
      pltpu.sync_copy(src_hbm.at[t, ch], srcv)
      for j in range(CH1 // 16):
        sidx = srcv[pl.ds(16 * j, 16)]
        vals[pl.ds(16 * j, 16)] = plsc.load_gather(r1v, [sidx])
      pltpu.sync_copy(vals, accs.at[dstv.at[ch]], add=True)
      pltpu.sync_copy(ones, accc.at[dstv.at[ch]], add=True)
      return 0
    lax.fori_loop(0, NCH1, chunk, 0)

    plsc.subcore_barrier()
    sl = pl.ds(s * SLAB1, SLAB1)
    osl = pl.ds(c * R1 + s * SLAB1, SLAB1)
    pltpu.sync_copy(accs.at[sl], zb)
    pltpu.sync_copy(zb, sums_hbm.at[osl])
    pltpu.sync_copy(accc.at[sl], zb)
    pltpu.sync_copy(zb, cnts_hbm.at[osl])

  sums, cnts = k(r1, src3, dst3)
  return sums.reshape(NC, R1), cnts.reshape(NC, R1)


def _tc_prep(z, lin_W, lin_b, U1):
  bs = z.shape[0]
  d = lin_W.shape[0]

  def body(z_ref, w_ref, b_ref, u_ref, o_x, o_r1):
    x = lax.dot_general(
        z_ref[...], w_ref[...], (((1,), (1,)), ((), ())),
        preferred_element_type=jnp.float32) + b_ref[...][None, :]
    o_x[...] = x
    o_r1[...] = jnp.sum(u_ref[...], axis=1, keepdims=True)

  return pl.pallas_call(
      body,
      out_shape=(jax.ShapeDtypeStruct((bs, d), jnp.float32),
                 jax.ShapeDtypeStruct((N1, 1), jnp.float32)))(
          z, lin_W, lin_b, U1)


def _tc_h1(x, m1s, m1c, g0_W, g0_b, bng_g, bng_b, bs):
  total = float(bs * N1)
  nconst = float((bs - 1) * N1)

  def body(x_ref, m_ref, c_ref, w_ref, b_ref, g_ref, bt_ref, o_ref):
    v = x_ref[0:1, 0:16]
    p = jnp.dot(v, w_ref[...], preferred_element_type=jnp.float32)
    ssum = (m_ref[0] + m_ref[1])[:N1][:, None]
    cnt = (c_ref[0] + c_ref[1])[:N1][:, None]
    mbar = ssum / jnp.maximum(cnt, 1.0)
    b = b_ref[...][None, :]
    h = mbar * p + b
    mu = (jnp.sum(h, axis=0, keepdims=True) + nconst * b) / total
    e2 = (jnp.sum(h * h, axis=0, keepdims=True) + nconst * b * b) / total
    var = e2 - mu * mu
    y = (h - mu) / jnp.sqrt(var + 1e-5) * g_ref[...][None, :] + bt_ref[...][None, :]
    o_ref[...] = jnp.where(y >= 0, y, 0.01 * y)

  return pl.pallas_call(
      body, out_shape=jax.ShapeDtypeStruct((N1, 32), jnp.float32))(
          x, m1s, m1c, g0_W, g0_b, bng_g, bng_b)


def _tc_u0mm(U0, h1n):
  blk = N0 // 10

  def body(u_hbm, h_ref, o_ref, ubuf, sem0, sem1):
    i = pl.program_id(0)
    sems = [sem0, sem1]

    def start(j, slot):
      return pltpu.make_async_copy(
          u_hbm.at[pl.ds(j * blk, blk), :], ubuf.at[slot], sems[slot])

    @pl.when(i == 0)
    def _():
      start(0, 0).start()

    @pl.when(i + 1 < 10)
    def _():
      @pl.when(i % 2 == 0)
      def _():
        start(i + 1, 1).start()

      @pl.when(i % 2 == 1)
      def _():
        start(i + 1, 0).start()

    @pl.when(i % 2 == 0)
    def _():
      start(i, 0).wait()
      o_ref[...] = jnp.dot(ubuf[0], h_ref[...],
                           preferred_element_type=jnp.float32)

    @pl.when(i % 2 == 1)
    def _():
      start(i, 1).wait()
      o_ref[...] = jnp.dot(ubuf[1], h_ref[...],
                           preferred_element_type=jnp.float32)

  return pl.pallas_call(
      body,
      grid=(10,),
      in_specs=[pl.BlockSpec(memory_space=pltpu.MemorySpace.HBM),
                pl.BlockSpec((N1, 32), lambda i: (0, 0))],
      out_specs=pl.BlockSpec((blk, 32), lambda i: (i, 0)),
      out_shape=jax.ShapeDtypeStruct((N0, 32), jnp.float32),
      scratch_shapes=[pltpu.VMEM((2, blk, N1), jnp.float32),
                      pltpu.SemaphoreType.DMA,
                      pltpu.SemaphoreType.DMA])(U0, h1n)


def _tc_loc(locW3, x, loc_b2):
  def body(a_ref, x_ref, b_ref, o_ref):
    w = x_ref[0:1, 16:]
    o_ref[...] = jnp.sum(a_ref[...] * w[None, :, :], axis=-1) + b_ref[...]

  return pl.pallas_call(
      body,
      grid=(10,),
      in_specs=[pl.BlockSpec((N0 // 10, 16, 128), lambda i: (i, 0, 0)),
                pl.BlockSpec(x.shape, lambda i: (0, 0)),
                pl.BlockSpec((N0 // 10, 16), lambda i: (i, 0))],
      out_specs=pl.BlockSpec((N0 // 10, 16), lambda i: (i, 0)),
      out_shape=jax.ShapeDtypeStruct((N0, 16), jnp.float32))(
          locW3, x, loc_b2)


def _tc_hl(sums, cnts, l0_W, l0_b, bnl_g, bnl_b, bs):
  total = float(bs * N0)
  nconst = float((bs - 1) * N0)

  def body(s_ref, c_ref, w_ref, b_ref, g_ref, bt_ref, o_ref):
    st = s_ref[0] + s_ref[1]
    ct = c_ref[0] + c_ref[1]
    cnt = ct[:N0, 0:1]
    agg = st[:N0, :] / jnp.maximum(cnt, 1.0)
    b = b_ref[...][None, :]
    h = jnp.dot(agg, w_ref[...], preferred_element_type=jnp.float32) + b
    mu = (jnp.sum(h, axis=0, keepdims=True) + nconst * b) / total
    e2 = (jnp.sum(h * h, axis=0, keepdims=True) + nconst * b * b) / total
    var = e2 - mu * mu
    y = (h - mu) / jnp.sqrt(var + 1e-5) * g_ref[...][None, :] + bt_ref[...][None, :]
    o_ref[...] = jnp.where(y >= 0, y, 0.01 * y)

  return pl.pallas_call(
      body, out_shape=jax.ShapeDtypeStruct((N0, 32), jnp.float32))(
          sums, cnts, l0_W, l0_b, bnl_g, bnl_b)


def _tc_final(sums_g, sums_l1, cnts, g1_W, g1_b, l1_W, l1_b, bs):
  def body(sg_ref, sl_ref, c_ref, wg_ref, bg_ref, wl_ref, bl_ref, o_ref):
    i = pl.program_id(0)
    crow = (0.01 * bg_ref[...] + 0.99 * bl_ref[...])[None, :]

    @pl.when(i == 0)
    def _():
      ct = c_ref[0] + c_ref[1]
      cnt = jnp.maximum(ct[:N0, 0:1], 1.0)
      agg_g = (sg_ref[0] + sg_ref[1])[:N0, :] / cnt
      agg_l = (sl_ref[0] + sl_ref[1])[:N0, :] / cnt
      xg = jnp.dot(agg_g, wg_ref[...],
                   preferred_element_type=jnp.float32) + bg_ref[...][None, :]
      xl = jnp.dot(agg_l, wl_ref[...],
                   preferred_element_type=jnp.float32) + bl_ref[...][None, :]
      o_ref[...] = 0.01 * xg + 0.99 * xl

    @pl.when(i != 0)
    def _():
      o_ref[...] = jnp.broadcast_to(crow, (N0, 64))

  full = pl.BlockSpec((NC, R0, 32), lambda i: (0, 0, 0))
  return pl.pallas_call(
      body,
      grid=(bs,),
      in_specs=[full, full,
                pl.BlockSpec((NC, R0, 16), lambda i: (0, 0, 0)),
                pl.BlockSpec((32, 64), lambda i: (0, 0)),
                pl.BlockSpec((64,), lambda i: (0,)),
                pl.BlockSpec((32, 64), lambda i: (0, 0)),
                pl.BlockSpec((64,), lambda i: (0,))],
      out_specs=pl.BlockSpec((N0, 64), lambda i: (i, 0)),
      out_shape=jax.ShapeDtypeStruct((bs * N0, 64), jnp.float32))(
          sums_g, sums_l1, cnts, g1_W, g1_b, l1_W, l1_b)


def kernel(z, batch_size, A0, A1, U0, U1, lin_W, lin_b, loc_W, loc_b,
           g0_W, g0_u, g0_c, g0_b, g1_W, g1_u, g1_c, g1_b,
           l0_W, l0_u, l0_c, l0_b, l1_W, l1_u, l1_c, l1_b,
           bng_g, bng_b, bnl_g, bnl_b):
  del batch_size, g0_u, g0_c, g1_u, g1_c, l0_u, l0_c, l1_u, l1_c
  bs = z.shape[0]

  src0, dst0 = _pad_edges(A0, E0P, NCH0, CH0, N0)
  src1, dst1 = _pad_edges(A1, E1P, NCH1, CH1, N1)

  x, r1 = _tc_prep(z, lin_W, lin_b, U1)

  xl0 = _tc_loc(loc_W.reshape(N0, 16, 128), x, loc_b.reshape(N0, 16))

  m1s, m1c = _sc_seg_scalar(r1[:, 0], src1, dst1)
  h1n = _tc_h1(x, m1s, m1c, g0_W, g0_b, bng_g, bng_b, bs)
  y0 = _tc_u0mm(U0, h1n)

  sums_l0, cnts0 = _sc_seg_feat(xl0, src0, dst0, 16, True)
  hln = _tc_hl(sums_l0, cnts0, l0_W, l0_b, bnl_g, bnl_b, bs)
  sums_l1, sums_g = _sc_seg_feat2(hln, y0, src0, dst0)

  return _tc_final(sums_g, sums_l1, cnts0, g1_W, g1_b, l1_W, l1_b, bs)

# --- scband reference (transcript-rebuilt; emitter-appended) ---
"""Pipeline reference for scband-fmgen-decoder-10634339025015 (READ-ONLY COPY).

The authoritative reference and input builder live on the scoring server;
editing this copy changes nothing except your own understanding.
"""

import jax, jax.numpy as jnp
import numpy as np

N0, N1, N2 = 10000, 2500, 625
E0, E1 = 60000, 15000
BATCH = 4
ZLEN = 128
FEATS = [64, 32, 16]


def feast_conv(x, ei, W, u, c, b):
    # FeaStConv (heads=1): q = softmax((x_j - x_i) @ u + c); msg = q * (x_j @ W); mean-aggregate at dst; + bias
    src, dst = ei[0], ei[1]
    n = x.shape[0]
    x_i = x[dst]
    x_j = x[src]
    H = u.shape[1]
    out = b.shape[0]
    q = jax.nn.softmax((x_j - x_i) @ u + c, axis=-1)
    m = ((x_j @ W).reshape(-1, H, out) * q[:, :, None]).sum(axis=1)
    s = jax.ops.segment_sum(m, dst, num_segments=n)
    cnt = jax.ops.segment_sum(jnp.ones((dst.shape[0], 1), x.dtype), dst, num_segments=n)
    return s / jnp.maximum(cnt, 1.0) + b


def batch_norm(x, g, bta):
    mu = x.mean(axis=0)
    var = x.var(axis=0)
    return (x - mu) / jnp.sqrt(var + 1e-5) * g + bta


def setup_inputs(seed: int = 0):
    key = jax.random.key(seed)
    ks = jax.random.split(key, 16)
    inp = {}
    inp['z'] = jax.random.normal(ks[0], (BATCH, ZLEN), jnp.float32)
    inp['batch_size'] = BATCH
    inp['A0'] = jax.random.randint(ks[1], (2, E0), 0, N0, jnp.int32)
    inp['A1'] = jax.random.randint(ks[2], (2, E1), 0, N1, jnp.int32)
    inp['U0'] = jax.random.normal(ks[3], (N0, N1), jnp.float32) * 0.02
    inp['U1'] = jax.random.normal(ks[4], (N1, N2), jnp.float32) * 0.02
    inp['lin_W'] = jax.random.normal(ks[5], (ZLEN + FEATS[2], ZLEN), jnp.float32) * 0.1
    inp['lin_b'] = jnp.zeros((ZLEN + FEATS[2],), jnp.float32)
    inp['loc_W'] = jax.random.normal(ks[6], (FEATS[2] * N0, ZLEN), jnp.float32) * 0.1
    inp['loc_b'] = jnp.zeros((FEATS[2] * N0,), jnp.float32)

    def conv_p(k, cin, cout):
        k1, k2 = jax.random.split(k)
        W = jax.random.normal(k1, (cin, cout), jnp.float32) * (1.0 / np.sqrt(cin))
        u = jax.random.normal(k2, (cin, 1), jnp.float32) * (1.0 / np.sqrt(cin))
        return W, u, jnp.zeros((1,), jnp.float32), jnp.zeros((cout,), jnp.float32)

    for nm, k, cin, cout in [('g0', ks[7], 16, 32), ('g1', ks[8], 32, 64), ('l0', ks[9], 16, 32), ('l1', ks[10], 32, 64)]:
        W, u, c, b = conv_p(k, cin, cout)
        inp[nm + '_W'] = W
        inp[nm + '_u'] = u
        inp[nm + '_c'] = c
        inp[nm + '_b'] = b
    inp['bng_g'] = jnp.ones((32,), jnp.float32)
    inp['bng_b'] = jnp.zeros((32,), jnp.float32)
    inp['bnl_g'] = jnp.ones((32,), jnp.float32)
    inp['bnl_b'] = jnp.zeros((32,), jnp.float32)
    return inp


def reference(z, batch_size, A0, A1, U0, U1, lin_W, lin_b, loc_W, loc_b,
              g0_W, g0_u, g0_c, g0_b, g1_W, g1_u, g1_c, g1_b,
              l0_W, l0_u, l0_c, l0_b, l1_W, l1_u, l1_c, l1_b,
              bng_g, bng_b, bnl_g, bnl_b):
    bs = z.shape[0]
    x = z @ lin_W.T + lin_b
    x = x + (batch_size - batch_size)
    xg = x[:, :FEATS[2]]
    xl = x[:, FEATS[2]:]
    # global branch
    xg = jnp.repeat(xg[:, None, :], N2, axis=1)
    xg = xg.reshape(bs, -1, FEATS[2])
    xg = jnp.einsum('nm,bmf->bnf', U1, xg).reshape(-1, FEATS[2])
    xg = feast_conv(xg, A1, g0_W, g0_u, g0_c, g0_b)
    xg = batch_norm(xg, bng_g, bng_b)
    xg = jax.nn.leaky_relu(xg, 0.01)
    xg = xg.reshape(bs, -1, FEATS[1])
    xg = jnp.einsum('nm,bmf->bnf', U0, xg).reshape(-1, FEATS[1])
    xg = feast_conv(xg, A0, g1_W, g1_u, g1_c, g1_b)
    xg = xg.reshape(-1, FEATS[0])
    # local branch
    xl = xl @ loc_W.T + loc_b
    xl = xl.reshape(-1, FEATS[2])
    xl = feast_conv(xl, A0, l0_W, l0_u, l0_c, l0_b)
    xl = batch_norm(xl, bnl_g, bnl_b)
    xl = jax.nn.leaky_relu(xl, 0.01)
    xl = feast_conv(xl, A0, l1_W, l1_u, l1_c, l1_b)
    return 0.01 * xg + 0.99 * xl

if __name__ == "__main__":
    import jax
    _d = setup_inputs()
    print(jax.jit(kernel)(*tuple(_d.values())))

</pallas_src>

<mosaic_0001>
#map = affine_map<(d0, d1) -> (0, 0)>
#map1 = affine_map<(d0, d1) -> (0, 0, 0)>
module attributes {stable_mosaic.version = 14 : i64} {
  func.func @k(%arg0: i32, %arg1: i32, %arg2: memref<10000x32xf32, #tpu.memory_space<hbm>>, %arg3: memref<10000x32xf32, #tpu.memory_space<hbm>>, %arg4: memref<32x16x120xi32, #tpu.memory_space<hbm>>, %arg5: memref<32x16x120xi32, #tpu.memory_space<hbm>>, %arg6: memref<2x10112x32xf32, #tpu.memory_space<hbm>>, %arg7: memref<2x10112x32xf32, #tpu.memory_space<hbm>>, %arg8: memref<16x120xi32, #tpu.memory_space<vmem>>, %arg9: memref<16x120xi32, #tpu.memory_space<vmem>>, %arg10: memref<8x120x32xf32, #tpu.memory_space<vmem>>, %arg11: memref<8x120x32xf32, #tpu.memory_space<vmem>>, %arg12: memref<632x32xf32, #tpu.memory_space<vmem>>, %arg13: memref<10112x32xf32, #tpu.memory_space<vmem_shared>>, %arg14: memref<10112x32xf32, #tpu.memory_space<vmem_shared>>, %arg15: memref<!tpu.dma_semaphore, #tpu.memory_space<semaphore_mem>>, %arg16: memref<!tpu.dma_semaphore, #tpu.memory_space<semaphore_mem>>) attributes {dimension_semantics = [#tpu.dimension_semantics<core_parallel>, #tpu.dimension_semantics<subcore_parallel>], iteration_bounds = array<i64: 2, 16>, scalar_prefetch = 0 : i64, scratch_operands = 9 : i64, tpu.core_type = #tpu.core_type<sc_vector_subcore>, window_params = [{transform_indices = #map}, {transform_indices = #map}, {transform_indices = #map1}, {transform_indices = #map1}, {transform_indices = #map1}, {transform_indices = #map1}]} {
    %mul3A = arith.constant 16 : i32
    %mul3A_0 = arith.muli %arg0, %mul3A : i32
    %add3A = arith.addi %mul3A_0, %arg1 : i32
    %broadcast_in_dim3A = arith.constant 0.000000e+00 : f32
    %broadcast_in_dim3A_1 = vector.broadcast %broadcast_in_dim3A : f32 to vector<16xf32>
    %scan3A = arith.constant 0 : i32
    %scan3A_2 = arith.constant 0 : i32
    %scan3A_3 = arith.constant 79 : i32
    %scan3A_4 = arith.addi %scan3A_2, %scan3A_3 : i32
    %scan3A_5 = arith.constant 1 : i32
    %scan3A_6 = scf.for %scan3A_22 = %scan3A_2 to %scan3A_4 step %scan3A_5 iter_args(%scan3A_23 = %scan3A) -> (i32)  : i32 {
      %mul3A_24 = arith.constant 8 : i32
      %mul3A_25 = arith.muli %mul3A_24, %scan3A_22 : i32
      %add3A_26 = arith.constant 0 : i32
      %add3A_27 = arith.addi %mul3A_25, %add3A_26 : i32
      %swap3A = arith.index_cast %add3A_27 : i32 to index
      %swap3A_28 = arith.constant 0 : index
      %swap3A_29 = tpu.vector_load %arg12[%swap3A, %swap3A_28] {strides = array<i32>} : memref<632x32xf32, #tpu.memory_space<vmem>>, vector<16xf32>,
      tpu.vector_store %arg12[%swap3A, %swap3A_28], %broadcast_in_dim3A_1 {strides = array<i32>} : memref<632x32xf32, #tpu.memory_space<vmem>>, vector<16xf32>,
      %mul3A_30 = arith.constant 8 : i32
      %mul3A_31 = arith.muli %mul3A_30, %scan3A_22 : i32
      %add3A_32 = arith.constant 0 : i32
      %add3A_33 = arith.addi %mul3A_31, %add3A_32 : i32
      %swap3A_34 = arith.index_cast %add3A_33 : i32 to index
      %swap3A_35 = arith.constant 16 : index
      %swap3A_36 = tpu.vector_load %arg12[%swap3A_34, %swap3A_35] {strides = array<i32>} : memref<632x32xf32, #tpu.memory_space<vmem>>, vector<16xf32>,
      tpu.vector_store %arg12[%swap3A_34, %swap3A_35], %broadcast_in_dim3A_1 {strides = array<i32>} : memref<632x32xf32, #tpu.memory_space<vmem>>, vector<16xf32>,
      %mul3A_37 = arith.constant 8 : i32
      %mul3A_38 = arith.muli %mul3A_37, %scan3A_22 : i32
      %add3A_39 = arith.constant 1 : i32
      %add3A_40 = arith.addi %mul3A_38, %add3A_39 : i32
      %swap3A_41 = arith.index_cast %add3A_40 : i32 to index
      %swap3A_42 = arith.constant 0 : index
      %swap3A_43 = tpu.vector_load %arg12[%swap3A_41, %swap3A_42] {strides = array<i32>} : memref<632x32xf32, #tpu.memory_space<vmem>>, vector<16xf32>,
      tpu.vector_store %arg12[%swap3A_41, %swap3A_42], %broadcast_in_dim3A_1 {strides = array<i32>} : memref<632x32xf32, #tpu.memory_space<vmem>>, vector<16xf32>,
      %mul3A_44 = arith.constant 8 : i32
      %mul3A_45 = arith.muli %mul3A_44, %scan3A_22 : i32
      %add3A_46 = arith.constant 1 : i32
      %add3A_47 = arith.addi %mul3A_45, %add3A_46 : i32
      %swap3A_48 = arith.index_cast %add3A_47 : i32 to index
      %swap3A_49 = arith.constant 16 : index
      %swap3A_50 = tpu.vector_load %arg12[%swap3A_48, %swap3A_49] {strides = array<i32>} : memref<632x32xf32, #tpu.memory_space<vmem>>, vector<16xf32>,
      tpu.vector_store %arg12[%swap3A_48, %swap3A_49], %broadcast_in_dim3A_1 {strides = array<i32>} : memref<632x32xf32, #tpu.memory_space<vmem>>, vector<16xf32>,
      %mul3A_51 = arith.constant 8 : i32
      %mul3A_52 = arith.muli %mul3A_51, %scan3A_22 : i32
      %add3A_53 = arith.constant 2 : i32
      %add3A_54 = arith.addi %mul3A_52, %add3A_53 : i32
      %swap3A_55 = arith.index_cast %add3A_54 : i32 to index
      %swap3A_56 = arith.constant 0 : index
      %swap3A_57 = tpu.vector_load %arg12[%swap3A_55, %swap3A_56] {strides = array<i32>} : memref<632x32xf32, #tpu.memory_space<vmem>>, vector<16xf32>,
      tpu.vector_store %arg12[%swap3A_55, %swap3A_56], %broadcast_in_dim3A_1 {strides = array<i32>} : memref<632x32xf32, #tpu.memory_space<vmem>>, vector<16xf32>,
      %mul3A_58 = arith.constant 8 : i32
      %mul3A_59 = arith.muli %mul3A_58, %scan3A_22 : i32
      %add3A_60 = arith.constant 2 : i32
      %add3A_61 = arith.addi %mul3A_59, %add3A_60 : i32
      %swap3A_62 = arith.index_cast %add3A_61 : i32 to index
      %swap3A_63 = arith.constant 16 : index
      %swap3A_64 = tpu.vector_load %arg12[%swap3A_62, %swap3A_63] {strides = array<i32>} : memref<632x32xf32, #tpu.memory_space<vmem>>, vector<16xf32>,
      tpu.vector_store %arg12[%swap3A_62, %swap3A_63], %broadcast_in_dim3A_1 {strides = array<i32>} : memref<632x32xf32, #tpu.memory_space<vmem>>, vector<16xf32>,
      %mul3A_65 = arith.constant 8 : i32
      %mul3A_66 = arith.muli %mul3A_65, %scan3A_22 : i32
      %add3A_67 = arith.constant 3 : i32
      %add3A_68 = arith.addi %mul3A_66, %add3A_67 : i32
      %swap3A_69 = arith.index_cast %add3A_68 : i32 to index
      %swap3A_70 = arith.constant 0 : index
      %swap3A_71 = tpu.vector_load %arg12[%swap3A_69, %swap3A_70] {strides = array<i32>} : memref<632x32xf32, #tpu.memory_space<vmem>>, vector<16xf32>,
      tpu.vector_store %arg12[%swap3A_69, %swap3A_70], %broadcast_in_dim3A_1 {strides = array<i32>} : memref<632x32xf32, #tpu.memory_space<vmem>>, vector<16xf32>,
      %mul3A_72 = arith.constant 8 : i32
      %mul3A_73 = arith.muli %mul3A_72, %scan3A_22 : i32
      %add3A_74 = arith.constant 3 : i32
      %add3A_75 = arith.addi %mul3A_73, %add3A_74 : i32
      %swap3A_76 = arith.index_cast %add3A_75 : i32 to index
      %swap3A_77 = arith.constant 16 : index
      %swap3A_78 = tpu.vector_load %arg12[%swap3A_76, %swap3A_77] {strides = array<i32>} : memref<632x32xf32, #tpu.memory_space<vmem>>, vector<16xf32>,
      tpu.vector_store %arg12[%swap3A_76, %swap3A_77], %broadcast_in_dim3A_1 {strides = array<i32>} : memref<632x32xf32, #tpu.memory_space<vmem>>, vector<16xf32>,
      %mul3A_79 = arith.constant 8 : i32
      %mul3A_80 = arith.muli %mul3A_79, %scan3A_22 : i32
      %add3A_81 = arith.constant 4 : i32
      %add3A_82 = arith.addi %mul3A_80, %add3A_81 : i32
      %swap3A_83 = arith.index_cast %add3A_82 : i32 to index
      %swap3A_84 = arith.constant 0 : index
      %swap3A_85 = tpu.vector_load %arg12[%swap3A_83, %swap3A_84] {strides = array<i32>} : memref<632x32xf32, #tpu.memory_space<vmem>>, vector<16xf32>,
      tpu.vector_store %arg12[%swap3A_83, %swap3A_84], %broadcast_in_dim3A_1 {strides = array<i32>} : memref<632x32xf32, #tpu.memory_space<vmem>>, vector<16xf32>,
      %mul3A_86 = arith.constant 8 : i32
      %mul3A_87 = arith.muli %mul3A_86, %scan3A_22 : i32
      %add3A_88 = arith.constant 4 : i32
      %add3A_89 = arith.addi %mul3A_87, %add3A_88 : i32
      %swap3A_90 = arith.index_cast %add3A_89 : i32 to index
      %swap3A_91 = arith.constant 16 : index
      %swap3A_92 = tpu.vector_load %arg12[%swap3A_90, %swap3A_91] {strides = array<i32>} : memref<632x32xf32, #tpu.memory_space<vmem>>, vector<16xf32>,
      tpu.vector_store %arg12[%swap3A_90, %swap3A_91], %broadcast_in_dim3A_1 {strides = array<i32>} : memref<632x32xf32, #tpu.memory_space<vmem>>, vector<16xf32>,
      %mul3A_93 = arith.constant 8 : i32
      %mul3A_94 = arith.muli %mul3A_93, %scan3A_22 : i32
      %add3A_95 = arith.constant 5 : i32
      %add3A_96 = arith.addi %mul3A_94, %add3A_95 : i32
      %swap3A_97 = arith.index_cast %add3A_96 : i32 to index
      %swap3A_98 = arith.constant 0 : index
      %swap3A_99 = tpu.vector_load %arg12[%swap3A_97, %swap3A_98] {strides = array<i32>} : memref<632x32xf32, #tpu.memory_space<vmem>>, vector<16xf32>,
      tpu.vector_store %arg12[%swap3A_97, %swap3A_98], %broadcast_in_dim3A_1 {strides = array<i32>} : memref<632x32xf32, #tpu.memory_space<vmem>>, vector<16xf32>,
      %mul3A_100 = arith.constant 8 : i32
      %mul3A_101 = arith.muli %mul3A_100, %scan3A_22 : i32
      %add3A_102 = arith.constant 5 : i32
      %add3A_103 = arith.addi %mul3A_101, %add3A_102 : i32
      %swap3A_104 = arith.index_cast %add3A_103 : i32 to index
      %swap3A_105 = arith.constant 16 : index
      %swap3A_106 = tpu.vector_load %arg12[%swap3A_104, %swap3A_105] {strides = array<i32>} : memref<632x32xf32, #tpu.memory_space<vmem>>, vector<16xf32>,
      tpu.vector_store %arg12[%swap3A_104, %swap3A_105], %broadcast_in_dim3A_1 {strides = array<i32>} : memref<632x32xf32, #tpu.memory_space<vmem>>, vector<16xf32>,
      %mul3A_107 = arith.constant 8 : i32
      %mul3A_108 = arith.muli %mul3A_107, %scan3A_22 : i32
      %add3A_109 = arith.constant 6 : i32
      %add3A_110 = arith.addi %mul3A_108, %add3A_109 : i32
      %swap3A_111 = arith.index_cast %add3A_110 : i32 to index
      %swap3A_112 = arith.constant 0 : index
      %swap3A_113 = tpu.vector_load %arg12[%swap3A_111, %swap3A_112] {strides = array<i32>} : memref<632x32xf32, #tpu.memory_space<vmem>>, vector<16xf32>,
      tpu.vector_store %arg12[%swap3A_111, %swap3A_112], %broadcast_in_dim3A_1 {strides = array<i32>} : memref<632x32xf32, #tpu.memory_space<vmem>>, vector<16xf32>,
      %mul3A_114 = arith.constant 8 : i32
      %mul3A_115 = arith.muli %mul3A_114, %scan3A_22 : i32
      %add3A_116 = arith.constant 6 : i32
      %add3A_117 = arith.addi %mul3A_115, %add3A_116 : i32
      %swap3A_118 = arith.index_cast %add3A_117 : i32 to index
      %swap3A_119 = arith.constant 16 : index
      %swap3A_120 = tpu.vector_load %arg12[%swap3A_118, %swap3A_119] {strides = array<i32>} : memref<632x32xf32, #tpu.memory_space<vmem>>, vector<16xf32>,
      tpu.vector_store %arg12[%swap3A_118, %swap3A_119], %broadcast_in_dim3A_1 {strides = array<i32>} : memref<632x32xf32, #tpu.memory_space<vmem>>, vector<16xf32>,
      %mul3A_121 = arith.constant 8 : i32
      %mul3A_122 = arith.muli %mul3A_121, %scan3A_22 : i32
      %add3A_123 = arith.constant 7 : i32
      %add3A_124 = arith.addi %mul3A_122, %add3A_123 : i32
      %swap3A_125 = arith.index_cast %add3A_124 : i32 to index
      %swap3A_126 = arith.constant 0 : index
      %swap3A_127 = tpu.vector_load %arg12[%swap3A_125, %swap3A_126] {strides = array<i32>} : memref<632x32xf32, #tpu.memory_space<vmem>>, vector<16xf32>,
      tpu.vector_store %arg12[%swap3A_125, %swap3A_126], %broadcast_in_dim3A_1 {strides = array<i32>} : memref<632x32xf32, #tpu.memory_space<vmem>>, vector<16xf32>,
      %mul3A_128 = arith.constant 8 : i32
      %mul3A_129 = arith.muli %mul3A_128, %scan3A_22 : i32
      %add3A_130 = arith.constant 7 : i32
      %add3A_131 = arith.addi %mul3A_129, %add3A_130 : i32
      %swap3A_132 = arith.index_cast %add3A_131 : i32 to index
      %swap3A_133 = arith.constant 16 : index
      %swap3A_134 = tpu.vector_load %arg12[%swap3A_132, %swap3A_133] {strides = array<i32>} : memref<632x32xf32, #tpu.memory_space<vmem>>, vector<16xf32>,
      tpu.vector_store %arg12[%swap3A_132, %swap3A_133], %broadcast_in_dim3A_1 {strides = array<i32>} : memref<632x32xf32, #tpu.memory_space<vmem>>, vector<16xf32>,
      %scan3A_135 = arith.constant 0 : i32
      scf.yield %scan3A_135 : i32
    }
    %scan3A_7 = arith.constant 79 : i32
    %mul3A_8 = arith.constant 632 : i32
    %mul3A_9 = arith.muli %arg1, %mul3A_8 : i32
    "tpu.region"() ({
      %run_scoped3A = tpu.sem_alloc : memref<!tpu.dma_semaphore, #tpu.memory_space<semaphore_mem>>
      %dma_start3A = arith.constant 0 : i32
      %dma_start3A_22 = tpu.memref_slice %arg13[%mul3A_9, %dma_start3A] : memref<10112x32xf32, #tpu.memory_space<vmem_shared>> -> memref<632x32xf32, #tpu.memory_space<vmem_shared>>
      %dma_start3A_23 = arith.constant 0 : i32
      %dma_start3A_24 = tpu.memref_slice %arg13[%mul3A_9, %dma_start3A_23] : memref<10112x32xf32, #tpu.memory_space<vmem_shared>> -> memref<632x32xf32, #tpu.memory_space<vmem_shared>>
      tpu.enqueue_dma source(%arg12 : memref<632x32xf32, #tpu.memory_space<vmem>>) target(%dma_start3A_24 : memref<632x32xf32, #tpu.memory_space<vmem_shared>>) target_semaphore(%run_scoped3A : memref<!tpu.dma_semaphore, #tpu.memory_space<semaphore_mem>>)
      %dma_wait3A = arith.constant 0 : i32
      %dma_wait3A_25 = tpu.memref_slice %arg13[%mul3A_9, %dma_wait3A] : memref<10112x32xf32, #tpu.memory_space<vmem_shared>> -> memref<632x32xf32, #tpu.memory_space<vmem_shared>>
      %dma_wait3A_26 = arith.constant 0 : i32
      %dma_wait3A_27 = tpu.memref_slice %arg13[%mul3A_9, %dma_wait3A_26] : memref<10112x32xf32, #tpu.memory_space<vmem_shared>> -> memref<632x32xf32, #tpu.memory_space<vmem_shared>>
      tpu.wait_dma2 semaphore(%run_scoped3A : memref<!tpu.dma_semaphore, #tpu.memory_space<semaphore_mem>>) src(%arg12 : memref<632x32xf32, #tpu.memory_space<vmem>>) dst(%dma_wait3A_27 : memref<632x32xf32, #tpu.memory_space<vmem_shared>>)
      tpu.yield
    }) : () -> ()
    %mul3A_10 = arith.constant 632 : i32
    %mul3A_11 = arith.muli %arg1, %mul3A_10 : i32
    "tpu.region"() ({
      %run_scoped3A = tpu.sem_alloc : memref<!tpu.dma_semaphore, #tpu.memory_space<semaphore_mem>>
      %dma_start3A = arith.constant 0 : i32
      %dma_start3A_22 = tpu.memref_slice %arg14[%mul3A_11, %dma_start3A] : memref<10112x32xf32, #tpu.memory_space<vmem_shared>> -> memref<632x32xf32, #tpu.memory_space<vmem_shared>>
      %dma_start3A_23 = arith.constant 0 : i32
      %dma_start3A_24 = tpu.memref_slice %arg14[%mul3A_11, %dma_start3A_23] : memref<10112x32xf32, #tpu.memory_space<vmem_shared>> -> memref<632x32xf32, #tpu.memory_space<vmem_shared>>
      tpu.enqueue_dma source(%arg12 : memref<632x32xf32, #tpu.memory_space<vmem>>) target(%dma_start3A_24 : memref<632x32xf32, #tpu.memory_space<vmem_shared>>) target_semaphore(%run_scoped3A : memref<!tpu.dma_semaphore, #tpu.memory_space<semaphore_mem>>)
      %dma_wait3A = arith.constant 0 : i32
      %dma_wait3A_25 = tpu.memref_slice %arg14[%mul3A_11, %dma_wait3A] : memref<10112x32xf32, #tpu.memory_space<vmem_shared>> -> memref<632x32xf32, #tpu.memory_space<vmem_shared>>
      %dma_wait3A_26 = arith.constant 0 : i32
      %dma_wait3A_27 = tpu.memref_slice %arg14[%mul3A_11, %dma_wait3A_26] : memref<10112x32xf32, #tpu.memory_space<vmem_shared>> -> memref<632x32xf32, #tpu.memory_space<vmem_shared>>
      tpu.wait_dma2 semaphore(%run_scoped3A : memref<!tpu.dma_semaphore, #tpu.memory_space<semaphore_mem>>) src(%arg12 : memref<632x32xf32, #tpu.memory_space<vmem>>) dst(%dma_wait3A_27 : memref<632x32xf32, #tpu.memory_space<vmem_shared>>)
      tpu.yield
    }) : () -> ()
    "tpu.region"() ({
      %run_scoped3A = tpu.sem_alloc : memref<!tpu.dma_semaphore, #tpu.memory_space<semaphore_mem>>
      %dma_start3A = arith.constant 0 : i32
      %dma_start3A_22 = arith.constant 0 : i32
      %dma_start3A_23 = tpu.memref_slice %arg4[%add3A, %dma_start3A, %dma_start3A_22] : memref<32x16x120xi32, #tpu.memory_space<hbm>> -> memref<1x16x120xi32, #tpu.memory_space<hbm>>
      %dma_start3A_24 = tpu.memref_squeeze %dma_start3A_23 : memref<1x16x120xi32, #tpu.memory_space<hbm>> -> memref<16x120xi32, #tpu.memory_space<hbm>>
      %dma_start3A_25 = arith.constant 0 : i32
      %dma_start3A_26 = arith.constant 0 : i32
      %dma_start3A_27 = tpu.memref_slice %arg4[%add3A, %dma_start3A_25, %dma_start3A_26] : memref<32x16x120xi32, #tpu.memory_space<hbm>> -> memref<1x16x120xi32, #tpu.memory_space<hbm>>
      %dma_start3A_28 = tpu.memref_squeeze %dma_start3A_27 : memref<1x16x120xi32, #tpu.memory_space<hbm>> -> memref<16x120xi32, #tpu.memory_space<hbm>>
      tpu.enqueue_dma source(%dma_start3A_28 : memref<16x120xi32, #tpu.memory_space<hbm>>) target(%arg8 : memref<16x120xi32, #tpu.memory_space<vmem>>) target_semaphore(%run_scoped3A : memref<!tpu.dma_semaphore, #tpu.memory_space<semaphore_mem>>)
      %dma_wait3A = arith.constant 0 : i32
      %dma_wait3A_29 = arith.constant 0 : i32
      %dma_wait3A_30 = tpu.memref_slice %arg4[%add3A, %dma_wait3A, %dma_wait3A_29] : memref<32x16x120xi32, #tpu.memory_space<hbm>> -> memref<1x16x120xi32, #tpu.memory_space<hbm>>
      %dma_wait3A_31 = tpu.memref_squeeze %dma_wait3A_30 : memref<1x16x120xi32, #tpu.memory_space<hbm>> -> memref<16x120xi32, #tpu.memory_space<hbm>>
      %dma_wait3A_32 = arith.constant 0 : i32
      %dma_wait3A_33 = arith.constant 0 : i32
      %dma_wait3A_34 = tpu.memref_slice %arg4[%add3A, %dma_wait3A_32, %dma_wait3A_33] : memref<32x16x120xi32, #tpu.memory_space<hbm>> -> memref<1x16x120xi32, #tpu.memory_space<hbm>>
      %dma_wait3A_35 = tpu.memref_squeeze %dma_wait3A_34 : memref<1x16x120xi32, #tpu.memory_space<hbm>> -> memref<16x120xi32, #tpu.memory_space<hbm>>
      tpu.wait_dma2 semaphore(%run_scoped3A : memref<!tpu.dma_semaphore, #tpu.memory_space<semaphore_mem>>) src(%dma_wait3A_35 : memref<16x120xi32, #tpu.memory_space<hbm>>) dst(%arg8 : memref<16x120xi32, #tpu.memory_space<vmem>>)
      tpu.yield
    }) : () -> ()
    "tpu.region"() ({
      %run_scoped3A = tpu.sem_alloc : memref<!tpu.dma_semaphore, #tpu.memory_space<semaphore_mem>>
      %dma_start3A = arith.constant 0 : i32
      %dma_start3A_22 = arith.constant 0 : i32
      %dma_start3A_23 = tpu.memref_slice %arg5[%add3A, %dma_start3A, %dma_start3A_22] : memref<32x16x120xi32, #tpu.memory_space<hbm>> -> memref<1x16x120xi32, #tpu.memory_space<hbm>>
      %dma_start3A_24 = tpu.memref_squeeze %dma_start3A_23 : memref<1x16x120xi32, #tpu.memory_space<hbm>> -> memref<16x120xi32, #tpu.memory_space<hbm>>
      %dma_start3A_25 = arith.constant 0 : i32
      %dma_start3A_26 = arith.constant 0 : i32
      %dma_start3A_27 = tpu.memref_slice %arg5[%add3A, %dma_start3A_25, %dma_start3A_26] : memref<32x16x120xi32, #tpu.memory_space<hbm>> -> memref<1x16x120xi32, #tpu.memory_space<hbm>>
      %dma_start3A_28 = tpu.memref_squeeze %dma_start3A_27 : memref<1x16x120xi32, #tpu.memory_space<hbm>> -> memref<16x120xi32, #tpu.memory_space<hbm>>
      tpu.enqueue_dma source(%dma_start3A_28 : memref<16x120xi32, #tpu.memory_space<hbm>>) target(%arg9 : memref<16x120xi32, #tpu.memory_space<vmem>>) target_semaphore(%run_scoped3A : memref<!tpu.dma_semaphore, #tpu.memory_space<semaphore_mem>>)
      %dma_wait3A = arith.constant 0 : i32
      %dma_wait3A_29 = arith.constant 0 : i32
      %dma_wait3A_30 = tpu.memref_slice %arg5[%add3A, %dma_wait3A, %dma_wait3A_29] : memref<32x16x120xi32, #tpu.memory_space<hbm>> -> memref<1x16x120xi32, #tpu.memory_space<hbm>>
      %dma_wait3A_31 = tpu.memref_squeeze %dma_wait3A_30 : memref<1x16x120xi32, #tpu.memory_space<hbm>> -> memref<16x120xi32, #tpu.memory_space<hbm>>
      %dma_wait3A_32 = arith.constant 0 : i32
      %dma_wait3A_33 = arith.constant 0 : i32
      %dma_wait3A_34 = tpu.memref_slice %arg5[%add3A, %dma_wait3A_32, %dma_wait3A_33] : memref<32x16x120xi32, #tpu.memory_space<hbm>> -> memref<1x16x120xi32, #tpu.memory_space<hbm>>
      %dma_wait3A_35 = tpu.memref_squeeze %dma_wait3A_34 : memref<1x16x120xi32, #tpu.memory_space<hbm>> -> memref<16x120xi32, #tpu.memory_space<hbm>>
      tpu.wait_dma2 semaphore(%run_scoped3A : memref<!tpu.dma_semaphore, #tpu.memory_space<semaphore_mem>>) src(%dma_wait3A_35 : memref<16x120xi32, #tpu.memory_space<hbm>>) dst(%arg9 : memref<16x120xi32, #tpu.memory_space<vmem>>)
      tpu.yield
    }) : () -> ()
    %barrier3A = arith.constant 0 : index
    tpu.barrier barrier_id(%barrier3A)
    %scan3A_12 = arith.constant 0 : i32
    %scan3A_13 = arith.constant 0 : i32
    %scan3A_14 = arith.constant 2 : i32
    %scan3A_15 = arith.addi %scan3A_13, %scan3A_14 : i32
    %scan3A_16 = arith.constant 1 : i32
    %scan3A_17 = scf.for %scan3A_22 = %scan3A_13 to %scan3A_15 step %scan3A_16 iter_args(%scan3A_23 = %scan3A_12) -> (i32)  : i32 {
      %mul3A_24 = arith.constant 8 : i32
      %mul3A_25 = arith.muli %scan3A_22, %mul3A_24 : i32
      %add3A_26 = arith.constant 0 : i32
      %add3A_27 = arith.addi %mul3A_25, %add3A_26 : i32
      %dma_start3A = arith.constant 0 : i32
      %dma_start3A_28 = arith.constant 0 : i32
      %dma_start3A_29 = arith.constant 0 : i32
      %dma_start3A_30 = tpu.memref_slice %arg10[%dma_start3A, %dma_start3A_28, %dma_start3A_29] : memref<8x120x32xf32, #tpu.memory_space<vmem>> -> memref<1x120x32xf32, #tpu.memory_space<vmem>>
      %dma_start3A_31 = tpu.memref_squeeze %dma_start3A_30 : memref<1x120x32xf32, #tpu.memory_space<vmem>> -> memref<120x32xf32, #tpu.memory_space<vmem>>
      %dma_start3A_32 = arith.constant 0 : i32
      %dma_start3A_33 = tpu.memref_slice %arg8[%add3A_27, %dma_start3A_32] : memref<16x120xi32, #tpu.memory_space<vmem>> -> memref<1x120xi32, #tpu.memory_space<vmem>>
      %dma_start3A_34 = tpu.memref_squeeze %dma_start3A_33 : memref<1x120xi32, #tpu.memory_space<vmem>> -> memref<120xi32, #tpu.memory_space<vmem>>
      %dma_start3A_35 = arith.constant 0 : i32
      %dma_start3A_36 = arith.constant 0 : i32
      %dma_start3A_37 = tpu.memref_slice %arg2[%dma_start3A_35, %dma_start3A_36] : memref<10000x32xf32, #tpu.memory_space<hbm>> -> memref<10000x32xf32, #tpu.memory_space<hbm>>
      tpu.enqueue_indirect_dma source(%dma_start3A_37 : memref<10000x32xf32, #tpu.memory_space<hbm>>) target(%dma_start3A_31 : memref<120x32xf32, #tpu.memory_space<vmem>>) offsets(%dma_start3A_34 : memref<120xi32, #tpu.memory_space<vmem>>) semaphore(%arg15 : memref<!tpu.dma_semaphore, #tpu.memory_space<semaphore_mem>>)
      %add3A_38 = arith.constant 0 : i32
      %add3A_39 = arith.addi %mul3A_25, %add3A_38 : i32
      %dma_start3A_40 = arith.constant 0 : i32
      %dma_start3A_41 = arith.constant 0 : i32
      %dma_start3A_42 = arith.constant 0 : i32
      %dma_start3A_43 = tpu.memref_slice %arg11[%dma_start3A_40, %dma_start3A_41, %dma_start3A_42] : memref<8x120x32xf32, #tpu.memory_space<vmem>> -> memref<1x120x32xf32, #tpu.memory_space<vmem>>
      %dma_start3A_44 = tpu.memref_squeeze %dma_start3A_43 : memref<1x120x32xf32, #tpu.memory_space<vmem>> -> memref<120x32xf32, #tpu.memory_space<vmem>>
      %dma_start3A_45 = arith.constant 0 : i32
      %dma_start3A_46 = tpu.memref_slice %arg8[%add3A_39, %dma_start3A_45] : memref<16x120xi32, #tpu.memory_space<vmem>> -> memref<1x120xi32, #tpu.memory_space<vmem>>
      %dma_start3A_47 = tpu.memref_squeeze %dma_start3A_46 : memref<1x120xi32, #tpu.memory_space<vmem>> -> memref<120xi32, #tpu.memory_space<vmem>>
      %dma_start3A_48 = arith.constant 0 : i32
      %dma_start3A_49 = arith.constant 0 : i32
      %dma_start3A_50 = tpu.memref_slice %arg3[%dma_start3A_48, %dma_start3A_49] : memref<10000x32xf32, #tpu.memory_space<hbm>> -> memref<10000x32xf32, #tpu.memory_space<hbm>>
      tpu.enqueue_indirect_dma source(%dma_start3A_50 : memref<10000x32xf32, #tpu.memory_space<hbm>>) target(%dma_start3A_44 : memref<120x32xf32, #tpu.memory_space<vmem>>) offsets(%dma_start3A_47 : memref<120xi32, #tpu.memory_space<vmem>>) semaphore(%arg15 : memref<!tpu.dma_semaphore, #tpu.memory_space<semaphore_mem>>)
      %add3A_51 = arith.constant 1 : i32
      %add3A_52 = arith.addi %mul3A_25, %add3A_51 : i32
      %dma_start3A_53 = arith.constant 1 : i32
      %dma_start3A_54 = arith.constant 0 : i32
      %dma_start3A_55 = arith.constant 0 : i32
      %dma_start3A_56 = tpu.memref_slice %arg10[%dma_start3A_53, %dma_start3A_54, %dma_start3A_55] : memref<8x120x32xf32, #tpu.memory_space<vmem>> -> memref<1x120x32xf32, #tpu.memory_space<vmem>>
      %dma_start3A_57 = tpu.memref_squeeze %dma_start3A_56 : memref<1x120x32xf32, #tpu.memory_space<vmem>> -> memref<120x32xf32, #tpu.memory_space<vmem>>
      %dma_start3A_58 = arith.constant 0 : i32
      %dma_start3A_59 = tpu.memref_slice %arg8[%add3A_52, %dma_start3A_58] : memref<16x120xi32, #tpu.memory_space<vmem>> -> memref<1x120xi32, #tpu.memory_space<vmem>>
      %dma_start3A_60 = tpu.memref_squeeze %dma_start3A_59 : memref<1x120xi32, #tpu.memory_space<vmem>> -> memref<120xi32, #tpu.memory_space<vmem>>
      %dma_start3A_61 = arith.constant 0 : i32
      %dma_start3A_62 = arith.constant 0 : i32
      %dma_start3A_63 = tpu.memref_slice %arg2[%dma_start3A_61, %dma_start3A_62] : memref<10000x32xf32, #tpu.memory_space<hbm>> -> memref<10000x32xf32, #tpu.memory_space<hbm>>
      tpu.enqueue_indirect_dma source(%dma_start3A_63 : memref<10000x32xf32, #tpu.memory_space<hbm>>) target(%dma_start3A_57 : memref<120x32xf32, #tpu.memory_space<vmem>>) offsets(%dma_start3A_60 : memref<120xi32, #tpu.memory_space<vmem>>) semaphore(%arg15 : memref<!tpu.dma_semaphore, #tpu.memory_space<semaphore_mem>>)
      %add3A_64 = arith.constant 1 : i32
      %add3A_65 = arith.addi %mul3A_25, %add3A_64 : i32
      %dma_start3A_66 = arith.constant 1 : i32
      %dma_start3A_67 = arith.constant 0 : i32
      %dma_start3A_68 = arith.constant 0 : i32
      %dma_start3A_69 = tpu.memref_slice %arg11[%dma_start3A_66, %dma_start3A_67, %dma_start3A_68] : memref<8x120x32xf32, #tpu.memory_space<vmem>> -> memref<1x120x32xf32, #tpu.memory_space<vmem>>
      %dma_start3A_70 = tpu.memref_squeeze %dma_start3A_69 : memref<1x120x32xf32, #tpu.memory_space<vmem>> -> memref<120x32xf32, #tpu.memory_space<vmem>>
      %dma_start3A_71 = arith.constant 0 : i32
      %dma_start3A_72 = tpu.memref_slice %arg8[%add3A_65, %dma_start3A_71] : memref<16x120xi32, #tpu.memory_space<vmem>> -> memref<1x120xi32, #tpu.memory_space<vmem>>
      %dma_start3A_73 = tpu.memref_squeeze %dma_start3A_72 : memref<1x120xi32, #tpu.memory_space<vmem>> -> memref<120xi32, #tpu.memory_space<vmem>>
      %dma_start3A_74 = arith.constant 0 : i32
      %dma_start3A_75 = arith.constant 0 : i32
      %dma_start3A_76 = tpu.memref_slice %arg3[%dma_start3A_74, %dma_start3A_75] : memref<10000x32xf32, #tpu.memory_space<hbm>> -> memref<10000x32xf32, #tpu.memory_space<hbm>>
      tpu.enqueue_indirect_dma source(%dma_start3A_76 : memref<10000x32xf32, #tpu.memory_space<hbm>>) target(%dma_start3A_70 : memref<120x32xf32, #tpu.memory_space<vmem>>) offsets(%dma_start3A_73 : memref<120xi32, #tpu.memory_space<vmem>>) semaphore(%arg15 : memref<!tpu.dma_semaphore, #tpu.memory_space<semaphore_mem>>)
      %add3A_77 = arith.constant 2 : i32
      %add3A_78 = arith.addi %mul3A_25, %add3A_77 : i32
      %dma_start3A_79 = arith.constant 2 : i32
      %dma_start3A_80 = arith.constant 0 : i32
      %dma_start3A_81 = arith.constant 0 : i32
      %dma_start3A_82 = tpu.memref_slice %arg10[%dma_start3A_79, %dma_start3A_80, %dma_start3A_81] : memref<8x120x32xf32, #tpu.memory_space<vmem>> -> memref<1x120x32xf32, #tpu.memory_space<vmem>>
      %dma_start3A_83 = tpu.memref_squeeze %dma_start3A_82 : memref<1x120x32xf32, #tpu.memory_space<vmem>> -> memref<120x32xf32, #tpu.memory_space<vmem>>
      %dma_start3A_84 = arith.constant 0 : i32
      %dma_start3A_85 = tpu.memref_slice %arg8[%add3A_78, %dma_start3A_84] : memref<16x120xi32, #tpu.memory_space<vmem>> -> memref<1x120xi32, #tpu.memory_space<vmem>>
      %dma_start3A_86 = tpu.memref_squeeze %dma_start3A_85 : memref<1x120xi32, #tpu.memory_space<vmem>> -> memref<120xi32, #tpu.memory_space<vmem>>
      %dma_start3A_87 = arith.constant 0 : i32
      %dma_start3A_88 = arith.constant 0 : i32
      %dma_start3A_89 = tpu.memref_slice %arg2[%dma_start3A_87, %dma_start3A_88] : memref<10000x32xf32, #tpu.memory_space<hbm>> -> memref<10000x32xf32, #tpu.memory_space<hbm>>
      tpu.enqueue_indirect_dma source(%dma_start3A_89 : memref<10000x32xf32, #tpu.memory_space<hbm>>) target(%dma_start3A_83 : memref<120x32xf32, #tpu.memory_space<vmem>>) offsets(%dma_start3A_86 : memref<120xi32, #tpu.memory_space<vmem>>) semaphore(%arg15 : memref<!tpu.dma_semaphore, #tpu.memory_space<semaphore_mem>>)
      %add3A_90 = arith.constant 2 : i32
      %add3A_91 = arith.addi %mul3A_25, %add3A_90 : i32
      %dma_start3A_92 = arith.constant 2 : i32
      %dma_start3A_93 = arith.constant 0 : i32
      %dma_start3A_94 = arith.constant 0 : i32
      %dma_start3A_95 = tpu.memref_slice %arg11[%dma_start3A_92, %dma_start3A_93, %dma_start3A_94] : memref<8x120x32xf32, #tpu.memory_space<vmem>> -> memref<1x120x32xf32, #tpu.memory_space<vmem>>
      %dma_start3A_96 = tpu.memref_squeeze %dma_start3A_95 : memref<1x120x32xf32, #tpu.memory_space<vmem>> -> memref<120x32xf32, #tpu.memory_space<vmem>>
      %dma_start3A_97 = arith.constant 0 : i32
      %dma_start3A_98 = tpu.memref_slice %arg8[%add3A_91, %dma_start3A_97] : memref<16x120xi32, #tpu.memory_space<vmem>> -> memref<1x120xi32, #tpu.memory_space<vmem>>
      %dma_start3A_99 = tpu.memref_squeeze %dma_start3A_98 : memref<1x120xi32, #tpu.memory_space<vmem>> -> memref<120xi32, #tpu.memory_space<vmem>>
      %dma_start3A_100 = arith.constant 0 : i32
      %dma_start3A_101 = arith.constant 0 : i32
      %dma_start3A_102 = tpu.memref_slice %arg3[%dma_start3A_100, %dma_start3A_101] : memref<10000x32xf32, #tpu.memory_space<hbm>> -> memref<10000x32xf32, #tpu.memory_space<hbm>>
      tpu.enqueue_indirect_dma source(%dma_start3A_102 : memref<10000x32xf32, #tpu.memory_space<hbm>>) target(%dma_start3A_96 : memref<120x32xf32, #tpu.memory_space<vmem>>) offsets(%dma_start3A_99 : memref<120xi32, #tpu.memory_space<vmem>>) semaphore(%arg15 : memref<!tpu.dma_semaphore, #tpu.memory_space<semaphore_mem>>)
      %add3A_103 = arith.constant 3 : i32
      %add3A_104 = arith.addi %mul3A_25, %add3A_103 : i32
      %dma_start3A_105 = arith.constant 3 : i32
      %dma_start3A_106 = arith.constant 0 : i32
      %dma_start3A_107 = arith.constant 0 : i32
      %dma_start3A_108 = tpu.memref_slice %arg10[%dma_start3A_105, %dma_start3A_106, %dma_start3A_107] : memref<8x120x32xf32, #tpu.memory_space<vmem>> -> memref<1x120x32xf32, #tpu.memory_space<vmem>>
      %dma_start3A_109 = tpu.memref_squeeze %dma_start3A_108 : memref<1x120x32xf32, #tpu.memory_space<vmem>> -> memref<120x32xf32, #tpu.memory_space<vmem>>
      %dma_start3A_110 = arith.constant 0 : i32
      %dma_start3A_111 = tpu.memref_slice %arg8[%add3A_104, %dma_start3A_110] : memref<16x120xi32, #tpu.memory_space<vmem>> -> memref<1x120xi32, #tpu.memory_space<vmem>>
      %dma_start3A_112 = tpu.memref_squeeze %dma_start3A_111 : memref<1x120xi32, #tpu.memory_space<vmem>> -> memref<120xi32, #tpu.memory_space<vmem>>
      %dma_start3A_113 = arith.constant 0 : i32
      %dma_start3A_114 = arith.constant 0 : i32
      %dma_start3A_115 = tpu.memref_slice %arg2[%dma_start3A_113, %dma_start3A_114] : memref<10000x32xf32, #tpu.memory_space<hbm>> -> memref<10000x32xf32, #tpu.memory_space<hbm>>
      tpu.enqueue_indirect_dma source(%dma_start3A_115 : memref<10000x32xf32, #tpu.memory_space<hbm>>) target(%dma_start3A_109 : memref<120x32xf32, #tpu.memory_space<vmem>>) offsets(%dma_start3A_112 : memref<120xi32, #tpu.memory_space<vmem>>) semaphore(%arg15 : memref<!tpu.dma_semaphore, #tpu.memory_space<semaphore_mem>>)
      %add3A_116 = arith.constant 3 : i32
      %add3A_117 = arith.addi %mul3A_25, %add3A_116 : i32
      %dma_start3A_118 = arith.constant 3 : i32
      %dma_start3A_119 = arith.constant 0 : i32
      %dma_start3A_120 = arith.constant 0 : i32
      %dma_start3A_121 = tpu.memref_slice %arg11[%dma_start3A_118, %dma_start3A_119, %dma_start3A_120] : memref<8x120x32xf32, #tpu.memory_space<vmem>> -> memref<1x120x32xf32, #tpu.memory_space<vmem>>
      %dma_start3A_122 = tpu.memref_squeeze %dma_start3A_121 : memref<1x120x32xf32, #tpu.memory_space<vmem>> -> memref<120x32xf32, #tpu.memory_space<vmem>>
      %dma_start3A_123 = arith.constant 0 : i32
      %dma_start3A_124 = tpu.memref_slice %arg8[%add3A_117, %dma_start3A_123] : memref<16x120xi32, #tpu.memory_space<vmem>> -> memref<1x120xi32, #tpu.memory_space<vmem>>
      %dma_start3A_125 = tpu.memref_squeeze %dma_start3A_124 : memref<1x120xi32, #tpu.memory_space<vmem>> -> memref<120xi32, #tpu.memory_space<vmem>>
      %dma_start3A_126 = arith.constant 0 : i32
      %dma_start3A_127 = arith.constant 0 : i32
      %dma_start3A_128 = tpu.memref_slice %arg3[%dma_start3A_126, %dma_start3A_127] : memref<10000x32xf32, #tpu.memory_space<hbm>> -> memref<10000x32xf32, #tpu.memory_space<hbm>>
      tpu.enqueue_indirect_dma source(%dma_start3A_128 : memref<10000x32xf32, #tpu.memory_space<hbm>>) target(%dma_start3A_122 : memref<120x32xf32, #tpu.memory_space<vmem>>) offsets(%dma_start3A_125 : memref<120xi32, #tpu.memory_space<vmem>>) semaphore(%arg15 : memref<!tpu.dma_semaphore, #tpu.memory_space<semaphore_mem>>)
      %add3A_129 = arith.constant 4 : i32
      %add3A_130 = arith.addi %mul3A_25, %add3A_129 : i32
      %dma_start3A_131 = arith.constant 4 : i32
      %dma_start3A_132 = arith.constant 0 : i32
      %dma_start3A_133 = arith.constant 0 : i32
      %dma_start3A_134 = tpu.memref_slice %arg10[%dma_start3A_131, %dma_start3A_132, %dma_start3A_133] : memref<8x120x32xf32, #tpu.memory_space<vmem>> -> memref<1x120x32xf32, #tpu.memory_space<vmem>>
      %dma_start3A_135 = tpu.memref_squeeze %dma_start3A_134 : memref<1x120x32xf32, #tpu.memory_space<vmem>> -> memref<120x32xf32, #tpu.memory_space<vmem>>
      %dma_start3A_136 = arith.constant 0 : i32
      %dma_start3A_137 = tpu.memref_slice %arg8[%add3A_130, %dma_start3A_136] : memref<16x120xi32, #tpu.memory_space<vmem>> -> memref<1x120xi32, #tpu.memory_space<vmem>>
      %dma_start3A_138 = tpu.memref_squeeze %dma_start3A_137 : memref<1x120xi32, #tpu.memory_space<vmem>> -> memref<120xi32, #tpu.memory_space<vmem>>
      %dma_start3A_139 = arith.constant 0 : i32
      %dma_start3A_140 = arith.constant 0 : i32
      %dma_start3A_141 = tpu.memref_slice %arg2[%dma_start3A_139, %dma_start3A_140] : memref<10000x32xf32, #tpu.memory_space<hbm>> -> memref<10000x32xf32, #tpu.memory_space<hbm>>
      tpu.enqueue_indirect_dma source(%dma_start3A_141 : memref<10000x32xf32, #tpu.memory_space<hbm>>) target(%dma_start3A_135 : memref<120x32xf32, #tpu.memory_space<vmem>>) offsets(%dma_start3A_138 : memref<120xi32, #tpu.memory_space<vmem>>) semaphore(%arg15 : memref<!tpu.dma_semaphore, #tpu.memory_space<semaphore_mem>>)
      %add3A_142 = arith.constant 4 : i32
      %add3A_143 = arith.addi %mul3A_25, %add3A_142 : i32
      %dma_start3A_144 = arith.constant 4 : i32
      %dma_start3A_145 = arith.constant 0 : i32
      %dma_start3A_146 = arith.constant 0 : i32
      %dma_start3A_147 = tpu.memref_slice %arg11[%dma_start3A_144, %dma_start3A_145, %dma_start3A_146] : memref<8x120x32xf32, #tpu.memory_space<vmem>> -> memref<1x120x32xf32, #tpu.memory_space<vmem>>
      %dma_start3A_148 = tpu.memref_squeeze %dma_start3A_147 : memref<1x120x32xf32, #tpu.memory_space<vmem>> -> memref<120x32xf32, #tpu.memory_space<vmem>>
      %dma_start3A_149 = arith.constant 0 : i32
      %dma_start3A_150 = tpu.memref_slice %arg8[%add3A_143, %dma_start3A_149] : memref<16x120xi32, #tpu.memory_space<vmem>> -> memref<1x120xi32, #tpu.memory_space<vmem>>
      %dma_start3A_151 = tpu.memref_squeeze %dma_start3A_150 : memref<1x120xi32, #tpu.memory_space<vmem>> -> memref<120xi32, #tpu.memory_space<vmem>>
      %dma_start3A_152 = arith.constant 0 : i32
      %dma_start3A_153 = arith.constant 0 : i32
      %dma_start3A_154 = tpu.memref_slice %arg3[%dma_start3A_152, %dma_start3A_153] : memref<10000x32xf32, #tpu.memory_space<hbm>> -> memref<10000x32xf32, #tpu.memory_space<hbm>>
      tpu.enqueue_indirect_dma source(%dma_start3A_154 : memref<10000x32xf32, #tpu.memory_space<hbm>>) target(%dma_start3A_148 : memref<120x32xf32, #tpu.memory_space<vmem>>) offsets(%dma_start3A_151 : memref<120xi32, #tpu.memory_space<vmem>>) semaphore(%arg15 : memref<!tpu.dma_semaphore, #tpu.memory_space<semaphore_mem>>)
      %add3A_155 = arith.constant 5 : i32
      %add3A_156 = arith.addi %mul3A_25, %add3A_155 : i32
      %dma_start3A_157 = arith.constant 5 : i32
      %dma_start3A_158 = arith.constant 0 : i32
      %dma_start3A_159 = arith.constant 0 : i32
      %dma_start3A_160 = tpu.memref_slice %arg10[%dma_start3A_157, %dma_start3A_158, %dma_start3A_159] : memref<8x120x32xf32, #tpu.memory_space<vmem>> -> memref<1x120x32xf32, #tpu.memory_space<vmem>>
      %dma_start3A_161 = tpu.memref_squeeze %dma_start3A_160 : memref<1x120x32xf32, #tpu.memory_space<vmem>> -> memref<120x32xf32, #tpu.memory_space<vmem>>
      %dma_start3A_162 = arith.constant 0 : i32
      %dma_start3A_163 = tpu.memref_slice %arg8[%add3A_156, %dma_start3A_162] : memref<16x120xi32, #tpu.memory_space<vmem>> -> memref<1x120xi32, #tpu.memory_space<vmem>>
      %dma_start3A_164 = tpu.memref_squeeze %dma_start3A_163 : memref<1x120xi32, #tpu.memory_space<vmem>> -> memref<120xi32, #tpu.memory_space<vmem>>
      %dma_start3A_165 = arith.constant 0 : i32
      %dma_start3A_166 = arith.constant 0 : i32
      %dma_start3A_167 = tpu.memref_slice %arg2[%dma_start3A_165, %dma_start3A_166] : memref<10000x32xf32, #tpu.memory_space<hbm>> -> memref<10000x32xf32, #tpu.memory_space<hbm>>
      tpu.enqueue_indirect_dma source(%dma_start3A_167 : memref<10000x32xf32, #tpu.memory_space<hbm>>) target(%dma_start3A_161 : memref<120x32xf32, #tpu.memory_space<vmem>>) offsets(%dma_start3A_164 : memref<120xi32, #tpu.memory_space<vmem>>) semaphore(%arg15 : memref<!tpu.dma_semaphore, #tpu.memory_space<semaphore_mem>>)
      %add3A_168 = arith.constant 5 : i32
      %add3A_169 = arith.addi %mul3A_25, %add3A_168 : i32
      %dma_start3A_170 = arith.constant 5 : i32
      %dma_start3A_171 = arith.constant 0 : i32
      %dma_start3A_172 = arith.constant 0 : i32
      %dma_start3A_173 = tpu.memref_slice %arg11[%dma_start3A_170, %dma_start3A_171, %dma_start3A_172] : memref<8x120x32xf32, #tpu.memory_space<vmem>> -> memref<1x120x32xf32, #tpu.memory_space<vmem>>
      %dma_start3A_174 = tpu.memref_squeeze %dma_start3A_173 : memref<1x120x32xf32, #tpu.memory_space<vmem>> -> memref<120x32xf32, #tpu.memory_space<vmem>>
      %dma_start3A_175 = arith.constant 0 : i32
      %dma_start3A_176 = tpu.memref_slice %arg8[%add3A_169, %dma_start3A_175] : memref<16x120xi32, #tpu.memory_space<vmem>> -> memref<1x120xi32, #tpu.memory_space<vmem>>
      %dma_start3A_177 = tpu.memref_squeeze %dma_start3A_176 : memref<1x120xi32, #tpu.memory_space<vmem>> -> memref<120xi32, #tpu.memory_space<vmem>>
      %dma_start3A_178 = arith.constant 0 : i32
      %dma_start3A_179 = arith.constant 0 : i32
      %dma_start3A_180 = tpu.memref_slice %arg3[%dma_start3A_178, %dma_start3A_179] : memref<10000x32xf32, #tpu.memory_space<hbm>> -> memref<10000x32xf32, #tpu.memory_space<hbm>>
      tpu.enqueue_indirect_dma source(%dma_start3A_180 : memref<10000x32xf32, #tpu.memory_space<hbm>>) target(%dma_start3A_174 : memref<120x32xf32, #tpu.memory_space<vmem>>) offsets(%dma_start3A_177 : memref<120xi32, #tpu.memory_space<vmem>>) semaphore(%arg15 : memref<!tpu.dma_semaphore, #tpu.memory_space<semaphore_mem>>)
      %add3A_181 = arith.constant 6 : i32
      %add3A_182 = arith.addi %mul3A_25, %add3A_181 : i32
      %dma_start3A_183 = arith.constant 6 : i32
      %dma_start3A_184 = arith.constant 0 : i32
      %dma_start3A_185 = arith.constant 0 : i32
      %dma_start3A_186 = tpu.memref_slice %arg10[%dma_start3A_183, %dma_start3A_184, %dma_start3A_185] : memref<8x120x32xf32, #tpu.memory_space<vmem>> -> memref<1x120x32xf32, #tpu.memory_space<vmem>>
      %dma_start3A_187 = tpu.memref_squeeze %dma_start3A_186 : memref<1x120x32xf32, #tpu.memory_space<vmem>> -> memref<120x32xf32, #tpu.memory_space<vmem>>
      %dma_start3A_188 = arith.constant 0 : i32
      %dma_start3A_189 = tpu.memref_slice %arg8[%add3A_182, %dma_start3A_188] : memref<16x120xi32, #tpu.memory_space<vmem>> -> memref<1x120xi32, #tpu.memory_space<vmem>>
      %dma_start3A_190 = tpu.memref_squeeze %dma_start3A_189 : memref<1x120xi32, #tpu.memory_space<vmem>> -> memref<120xi32, #tpu.memory_space<vmem>>
      %dma_start3A_191 = arith.constant 0 : i32
      %dma_start3A_192 = arith.constant 0 : i32
      %dma_start3A_193 = tpu.memref_slice %arg2[%dma_start3A_191, %dma_start3A_192] : memref<10000x32xf32, #tpu.memory_space<hbm>> -> memref<10000x32xf32, #tpu.memory_space<hbm>>
      tpu.enqueue_indirect_dma source(%dma_start3A_193 : memref<10000x32xf32, #tpu.memory_space<hbm>>) target(%dma_start3A_187 : memref<120x32xf32, #tpu.memory_space<vmem>>) offsets(%dma_start3A_190 : memref<120xi32, #tpu.memory_space<vmem>>) semaphore(%arg15 : memref<!tpu.dma_semaphore, #tpu.memory_space<semaphore_mem>>)
      %add3A_194 = arith.constant 6 : i32
      %add3A_195 = arith.addi %mul3A_25, %add3A_194 : i32
      %dma_start3A_196 = arith.constant 6 : i32
      %dma_start3A_197 = arith.constant 0 : i32
      %dma_start3A_198 = arith.constant 0 : i32
      %dma_start3A_199 = tpu.memref_slice %arg11[%dma_start3A_196, %dma_start3A_197, %dma_start3A_198] : memref<8x120x32xf32, #tpu.memory_space<vmem>> -> memref<1x120x32xf32, #tpu.memory_space<vmem>>
      %dma_start3A_200 = tpu.memref_squeeze %dma_start3A_199 : memref<1x120x32xf32, #tpu.memory_space<vmem>> -> memref<120x32xf32, #tpu.memory_space<vmem>>
      %dma_start3A_201 = arith.constant 0 : i32
      %dma_start3A_202 = tpu.memref_slice %arg8[%add3A_195, %dma_start3A_201] : memref<16x120xi32, #tpu.memory_space<vmem>> -> memref<1x120xi32, #tpu.memory_space<vmem>>
      %dma_start3A_203 = tpu.memref_squeeze %dma_start3A_202 : memref<1x120xi32, #tpu.memory_space<vmem>> -> memref<120xi32, #tpu.memory_space<vmem>>
      %dma_start3A_204 = arith.constant 0 : i32
      %dma_start3A_205 = arith.constant 0 : i32
      %dma_start3A_206 = tpu.memref_slice %arg3[%dma_start3A_204, %dma_start3A_205] : memref<10000x32xf32, #tpu.memory_space<hbm>> -> memref<10000x32xf32, #tpu.memory_space<hbm>>
      tpu.enqueue_indirect_dma source(%dma_start3A_206 : memref<10000x32xf32, #tpu.memory_space<hbm>>) target(%dma_start3A_200 : memref<120x32xf32, #tpu.memory_space<vmem>>) offsets(%dma_start3A_203 : memref<120xi32, #tpu.memory_space<vmem>>) semaphore(%arg15 : memref<!tpu.dma_semaphore, #tpu.memory_space<semaphore_mem>>)
      %add3A_207 = arith.constant 7 : i32
      %add3A_208 = arith.addi %mul3A_25, %add3A_207 : i32
      %dma_start3A_209 = arith.constant 7 : i32
      %dma_start3A_210 = arith.constant 0 : i32
      %dma_start3A_211 = arith.constant 0 : i32
      %dma_start3A_212 = tpu.memref_slice %arg10[%dma_start3A_209, %dma_start3A_210, %dma_start3A_211] : memref<8x120x32xf32, #tpu.memory_space<vmem>> -> memref<1x120x32xf32, #tpu.memory_space<vmem>>
      %dma_start3A_213 = tpu.memref_squeeze %dma_start3A_212 : memref<1x120x32xf32, #tpu.memory_space<vmem>> -> memref<120x32xf32, #tpu.memory_space<vmem>>
      %dma_start3A_214 = arith.constant 0 : i32
      %dma_start3A_215 = tpu.memref_slice %arg8[%add3A_208, %dma_start3A_214] : memref<16x120xi32, #tpu.memory_space<vmem>> -> memref<1x120xi32, #tpu.memory_space<vmem>>
      %dma_start3A_216 = tpu.memref_squeeze %dma_start3A_215 : memref<1x120xi32, #tpu.memory_space<vmem>> -> memref<120xi32, #tpu.memory_space<vmem>>
      %dma_start3A_217 = arith.constant 0 : i32
      %dma_start3A_218 = arith.constant 0 : i32
      %dma_start3A_219 = tpu.memref_slice %arg2[%dma_start3A_217, %dma_start3A_218] : memref<10000x32xf32, #tpu.memory_space<hbm>> -> memref<10000x32xf32, #tpu.memory_space<hbm>>
      tpu.enqueue_indirect_dma source(%dma_start3A_219 : memref<10000x32xf32, #tpu.memory_space<hbm>>) target(%dma_start3A_213 : memref<120x32xf32, #tpu.memory_space<vmem>>) offsets(%dma_start3A_216 : memref<120xi32, #tpu.memory_space<vmem>>) semaphore(%arg15 : memref<!tpu.dma_semaphore, #tpu.memory_space<semaphore_mem>>)
      %add3A_220 = arith.constant 7 : i32
      %add3A_221 = arith.addi %mul3A_25, %add3A_220 : i32
      %dma_start3A_222 = arith.constant 7 : i32
      %dma_start3A_223 = arith.constant 0 : i32
      %dma_start3A_224 = arith.constant 0 : i32
      %dma_start3A_225 = tpu.memref_slice %arg11[%dma_start3A_222, %dma_start3A_223, %dma_start3A_224] : memref<8x120x32xf32, #tpu.memory_space<vmem>> -> memref<1x120x32xf32, #tpu.memory_space<vmem>>
      %dma_start3A_226 = tpu.memref_squeeze %dma_start3A_225 : memref<1x120x32xf32, #tpu.memory_space<vmem>> -> memref<120x32xf32, #tpu.memory_space<vmem>>
      %dma_start3A_227 = arith.constant 0 : i32
      %dma_start3A_228 = tpu.memref_slice %arg8[%add3A_221, %dma_start3A_227] : memref<16x120xi32, #tpu.memory_space<vmem>> -> memref<1x120xi32, #tpu.memory_space<vmem>>
      %dma_start3A_229 = tpu.memref_squeeze %dma_start3A_228 : memref<1x120xi32, #tpu.memory_space<vmem>> -> memref<120xi32, #tpu.memory_space<vmem>>
      %dma_start3A_230 = arith.constant 0 : i32
      %dma_start3A_231 = arith.constant 0 : i32
      %dma_start3A_232 = tpu.memref_slice %arg3[%dma_start3A_230, %dma_start3A_231] : memref<10000x32xf32, #tpu.memory_space<hbm>> -> memref<10000x32xf32, #tpu.memory_space<hbm>>
      tpu.enqueue_indirect_dma source(%dma_start3A_232 : memref<10000x32xf32, #tpu.memory_space<hbm>>) target(%dma_start3A_226 : memref<120x32xf32, #tpu.memory_space<vmem>>) offsets(%dma_start3A_229 : memref<120xi32, #tpu.memory_space<vmem>>) semaphore(%arg15 : memref<!tpu.dma_semaphore, #tpu.memory_space<semaphore_mem>>)
      %dma_wait3A = arith.constant 0 : i32
      %dma_wait3A_233 = arith.constant 0 : i32
      %dma_wait3A_234 = arith.constant 0 : i32
      %dma_wait3A_235 = tpu.memref_slice %arg10[%dma_wait3A, %dma_wait3A_233, %dma_wait3A_234] : memref<8x120x32xf32, #tpu.memory_space<vmem>> -> memref<1x120x32xf32, #tpu.memory_space<vmem>>
      %dma_wait3A_236 = tpu.memref_squeeze %dma_wait3A_235 : memref<1x120x32xf32, #tpu.memory_space<vmem>> -> memref<120x32xf32, #tpu.memory_space<vmem>>
      %dma_wait3A_237 = arith.constant 0 : i32
      %dma_wait3A_238 = tpu.memref_slice %arg8[%add3A_27, %dma_wait3A_237] : memref<16x120xi32, #tpu.memory_space<vmem>> -> memref<1x120xi32, #tpu.memory_space<vmem>>
      %dma_wait3A_239 = tpu.memref_squeeze %dma_wait3A_238 : memref<1x120xi32, #tpu.memory_space<vmem>> -> memref<120xi32, #tpu.memory_space<vmem>>
      %dma_wait3A_240 = arith.constant 0 : i32
      %dma_wait3A_241 = arith.constant 0 : i32
      %dma_wait3A_242 = tpu.memref_slice %arg2[%dma_wait3A_240, %dma_wait3A_241] : memref<10000x32xf32, #tpu.memory_space<hbm>> -> memref<10000x32xf32, #tpu.memory_space<hbm>>
      tpu.wait_indirect_dma semaphore(%arg15 : memref<!tpu.dma_semaphore, #tpu.memory_space<semaphore_mem>>) src(%dma_wait3A_242 : memref<10000x32xf32, #tpu.memory_space<hbm>>) dst(%dma_wait3A_236 : memref<120x32xf32, #tpu.memory_space<vmem>>)
      %dma_wait3A_243 = arith.constant 0 : i32
      %dma_wait3A_244 = arith.constant 0 : i32
      %dma_wait3A_245 = arith.constant 0 : i32
      %dma_wait3A_246 = tpu.memref_slice %arg11[%dma_wait3A_243, %dma_wait3A_244, %dma_wait3A_245] : memref<8x120x32xf32, #tpu.memory_space<vmem>> -> memref<1x120x32xf32, #tpu.memory_space<vmem>>
      %dma_wait3A_247 = tpu.memref_squeeze %dma_wait3A_246 : memref<1x120x32xf32, #tpu.memory_space<vmem>> -> memref<120x32xf32, #tpu.memory_space<vmem>>
      %dma_wait3A_248 = arith.constant 0 : i32
      %dma_wait3A_249 = tpu.memref_slice %arg8[%add3A_39, %dma_wait3A_248] : memref<16x120xi32, #tpu.memory_space<vmem>> -> memref<1x120xi32, #tpu.memory_space<vmem>>
      %dma_wait3A_250 = tpu.memref_squeeze %dma_wait3A_249 : memref<1x120xi32, #tpu.memory_space<vmem>> -> memref<120xi32, #tpu.memory_space<vmem>>
      %dma_wait3A_251 = arith.constant 0 : i32
      %dma_wait3A_252 = arith.constant 0 : i32
      %dma_wait3A_253 = tpu.memref_slice %arg3[%dma_wait3A_251, %dma_wait3A_252] : memref<10000x32xf32, #tpu.memory_space<hbm>> -> memref<10000x32xf32, #tpu.memory_space<hbm>>
      tpu.wait_indirect_dma semaphore(%arg15 : memref<!tpu.dma_semaphore, #tpu.memory_space<semaphore_mem>>) src(%dma_wait3A_253 : memref<10000x32xf32, #tpu.memory_space<hbm>>) dst(%dma_wait3A_247 : memref<120x32xf32, #tpu.memory_space<vmem>>)
      %add3A_254 = arith.constant 0 : i32
      %add3A_255 = arith.addi %mul3A_25, %add3A_254 : i32
      %dma_start3A_256 = arith.constant 0 : i32
      %dma_start3A_257 = arith.constant 0 : i32
      %dma_start3A_258 = arith.constant 0 : i32
      %dma_start3A_259 = tpu.memref_slice %arg10[%dma_start3A_256, %dma_start3A_257, %dma_start3A_258] : memref<8x120x32xf32, #tpu.memory_space<vmem>> -> memref<1x120x32xf32, #tpu.memory_space<vmem>>
      %dma_start3A_260 = tpu.memref_squeeze %dma_start3A_259 : memref<1x120x32xf32, #tpu.memory_space<vmem>> -> memref<120x32xf32, #tpu.memory_space<vmem>>
      %dma_start3A_261 = arith.constant 0 : i32
      %dma_start3A_262 = tpu.memref_slice %arg9[%add3A_255, %dma_start3A_261] : memref<16x120xi32, #tpu.memory_space<vmem>> -> memref<1x120xi32, #tpu.memory_space<vmem>>
      %dma_start3A_263 = tpu.memref_squeeze %dma_start3A_262 : memref<1x120xi32, #tpu.memory_space<vmem>> -> memref<120xi32, #tpu.memory_space<vmem>>
      %dma_start3A_264 = arith.constant 0 : i32
      %dma_start3A_265 = arith.constant 0 : i32
      %dma_start3A_266 = tpu.memref_slice %arg13[%dma_start3A_264, %dma_start3A_265] : memref<10112x32xf32, #tpu.memory_space<vmem_shared>> -> memref<10112x32xf32, #tpu.memory_space<vmem_shared>>
      tpu.enqueue_indirect_dma source(%dma_start3A_260 : memref<120x32xf32, #tpu.memory_space<vmem>>) target(%dma_start3A_266 : memref<10112x32xf32, #tpu.memory_space<vmem_shared>>) offsets(%dma_start3A_263 : memref<120xi32, #tpu.memory_space<vmem>>) semaphore(%arg16 : memref<!tpu.dma_semaphore, #tpu.memory_space<semaphore_mem>>) {add = true}
      %add3A_267 = arith.constant 0 : i32
      %add3A_268 = arith.addi %mul3A_25, %add3A_267 : i32
      %dma_start3A_269 = arith.constant 0 : i32
      %dma_start3A_270 = arith.constant 0 : i32
      %dma_start3A_271 = arith.constant 0 : i32
      %dma_start3A_272 = tpu.memref_slice %arg11[%dma_start3A_269, %dma_start3A_270, %dma_start3A_271] : memref<8x120x32xf32, #tpu.memory_space<vmem>> -> memref<1x120x32xf32, #tpu.memory_space<vmem>>
      %dma_start3A_273 = tpu.memref_squeeze %dma_start3A_272 : memref<1x120x32xf32, #tpu.memory_space<vmem>> -> memref<120x32xf32, #tpu.memory_space<vmem>>
      %dma_start3A_274 = arith.constant 0 : i32
      %dma_start3A_275 = tpu.memref_slice %arg9[%add3A_268, %dma_start3A_274] : memref<16x120xi32, #tpu.memory_space<vmem>> -> memref<1x120xi32, #tpu.memory_space<vmem>>
      %dma_start3A_276 = tpu.memref_squeeze %dma_start3A_275 : memref<1x120xi32, #tpu.memory_space<vmem>> -> memref<120xi32, #tpu.memory_space<vmem>>
      %dma_start3A_277 = arith.constant 0 : i32
      %dma_start3A_278 = arith.constant 0 : i32
      %dma_start3A_279 = tpu.memref_slice %arg14[%dma_start3A_277, %dma_start3A_278] : memref<10112x32xf32, #tpu.memory_space<vmem_shared>> -> memref<10112x32xf32, #tpu.memory_space<vmem_shared>>
      tpu.enqueue_indirect_dma source(%dma_start3A_273 : memref<120x32xf32, #tpu.memory_space<vmem>>) target(%dma_start3A_279 : memref<10112x32xf32, #tpu.memory_space<vmem_shared>>) offsets(%dma_start3A_276 : memref<120xi32, #tpu.memory_space<vmem>>) semaphore(%arg16 : memref<!tpu.dma_semaphore, #tpu.memory_space<semaphore_mem>>) {add = true}
      %dma_wait3A_280 = arith.constant 1 : i32
      %dma_wait3A_281 = arith.constant 0 : i32
      %dma_wait3A_282 = arith.constant 0 : i32
      %dma_wait3A_283 = tpu.memref_slice %arg10[%dma_wait3A_280, %dma_wait3A_281, %dma_wait3A_282] : memref<8x120x32xf32, #tpu.memory_space<vmem>> -> memref<1x120x32xf32, #tpu.memory_space<vmem>>
      %dma_wait3A_284 = tpu.memref_squeeze %dma_wait3A_283 : memref<1x120x32xf32, #tpu.memory_space<vmem>> -> memref<120x32xf32, #tpu.memory_space<vmem>>
      %dma_wait3A_285 = arith.constant 0 : i32
      %dma_wait3A_286 = tpu.memref_slice %arg8[%add3A_52, %dma_wait3A_285] : memref<16x120xi32, #tpu.memory_space<vmem>> -> memref<1x120xi32, #tpu.memory_space<vmem>>
      %dma_wait3A_287 = tpu.memref_squeeze %dma_wait3A_286 : memref<1x120xi32, #tpu.memory_space<vmem>> -> memref<120xi32, #tpu.memory_space<vmem>>
      %dma_wait3A_288 = arith.constant 0 : i32
      %dma_wait3A_289 = arith.constant 0 : i32
      %dma_wait3A_290 = tpu.memref_slice %arg2[%dma_wait3A_288, %dma_wait3A_289] : memref<10000x32xf32, #tpu.memory_space<hbm>> -> memref<10000x32xf32, #tpu.memory_space<hbm>>
      tpu.wait_indirect_dma semaphore(%arg15 : memref<!tpu.dma_semaphore, #tpu.memory_space<semaphore_mem>>) src(%dma_wait3A_290 : memref<10000x32xf32, #tpu.memory_space<hbm>>) dst(%dma_wait3A_284 : memref<120x32xf32, #tpu.memory_space<vmem>>)
      %dma_wait3A_291 = arith.constant 1 : i32
      %dma_wait3A_292 = arith.constant 0 : i32
      %dma_wait3A_293 = arith.constant 0 : i32
      %dma_wait3A_294 = tpu.memref_slice %arg11[%dma_wait3A_291, %dma_wait3A_292, %dma_wait3A_293] : memref<8x120x32xf32, #tpu.memory_space<vmem>> -> memref<1x120x32xf32, #tpu.memory_space<vmem>>
      %dma_wait3A_295 = tpu.memref_squeeze %dma_wait3A_294 : memref<1x120x32xf32, #tpu.memory_space<vmem>> -> memref<120x32xf32, #tpu.memory_space<vmem>>
      %dma_wait3A_296 = arith.constant 0 : i32
      %dma_wait3A_297 = tpu.memref_slice %arg8[%add3A_65, %dma_wait3A_296] : memref<16x120xi32, #tpu.memory_space<vmem>> -> memref<1x120xi32, #tpu.memory_space<vmem>>
      %dma_wait3A_298 = tpu.memref_squeeze %dma_wait3A_297 : memref<1x120xi32, #tpu.memory_space<vmem>> -> memref<120xi32, #tpu.memory_space<vmem>>
      %dma_wait3A_299 = arith.constant 0 : i32
      %dma_wait3A_300 = arith.constant 0 : i32
      %dma_wait3A_301 = tpu.memref_slice %arg3[%dma_wait3A_299, %dma_wait3A_300] : memref<10000x32xf32, #tpu.memory_space<hbm>> -> memref<10000x32xf32, #tpu.memory_space<hbm>>
      tpu.wait_indirect_dma semaphore(%arg15 : memref<!tpu.dma_semaphore, #tpu.memory_space<semaphore_mem>>) src(%dma_wait3A_301 : memref<10000x32xf32, #tpu.memory_space<hbm>>) dst(%dma_wait3A_295 : memref<120x32xf32, #tpu.memory_space<vmem>>)
      %add3A_302 = arith.constant 1 : i32
      %add3A_303 = arith.addi %mul3A_25, %add3A_302 : i32
      %dma_start3A_304 = arith.constant 1 : i32
      %dma_start3A_305 = arith.constant 0 : i32
      %dma_start3A_306 = arith.constant 0 : i32
      %dma_start3A_307 = tpu.memref_slice %arg10[%dma_start3A_304, %dma_start3A_305, %dma_start3A_306] : memref<8x120x32xf32, #tpu.memory_space<vmem>> -> memref<1x120x32xf32, #tpu.memory_space<vmem>>
      %dma_start3A_308 = tpu.memref_squeeze %dma_start3A_307 : memref<1x120x32xf32, #tpu.memory_space<vmem>> -> memref<120x32xf32, #tpu.memory_space<vmem>>
      %dma_start3A_309 = arith.constant 0 : i32
      %dma_start3A_310 = tpu.memref_slice %arg9[%add3A_303, %dma_start3A_309] : memref<16x120xi32, #tpu.memory_space<vmem>> -> memref<1x120xi32, #tpu.memory_space<vmem>>
      %dma_start3A_311 = tpu.memref_squeeze %dma_start3A_310 : memref<1x120xi32, #tpu.memory_space<vmem>> -> memref<120xi32, #tpu.memory_space<vmem>>
      %dma_start3A_312 = arith.constant 0 : i32
      %dma_start3A_313 = arith.constant 0 : i32
      %dma_start3A_314 = tpu.memref_slice %arg13[%dma_start3A_312, %dma_start3A_313] : memref<10112x32xf32, #tpu.memory_space<vmem_shared>> -> memref<10112x32xf32, #tpu.memory_space<vmem_shared>>
      tpu.enqueue_indirect_dma source(%dma_start3A_308 : memref<120x32xf32, #tpu.memory_space<vmem>>) target(%dma_start3A_314 : memref<10112x32xf32, #tpu.memory_space<vmem_shared>>) offsets(%dma_start3A_311 : memref<120xi32, #tpu.memory_space<vmem>>) semaphore(%arg16 : memref<!tpu.dma_semaphore, #tpu.memory_space<semaphore_mem>>) {add = true}
      %add3A_315 = arith.constant 1 : i32
      %add3A_316 = arith.addi %mul3A_25, %add3A_315 : i32
      %dma_start3A_317 = arith.constant 1 : i32
      %dma_start3A_318 = arith.constant 0 : i32
      %dma_start3A_319 = arith.constant 0 : i32
      %dma_start3A_320 = tpu.memref_slice %arg11[%dma_start3A_317, %dma_start3A_318, %dma_start3A_319] : memref<8x120x32xf32, #tpu.memory_space<vmem>> -> memref<1x120x32xf32, #tpu.memory_space<vmem>>
      %dma_start3A_321 = tpu.memref_squeeze %dma_start3A_320 : memref<1x120x32xf32, #tpu.memory_space<vmem>> -> memref<120x32xf32, #tpu.memory_space<vmem>>
      %dma_start3A_322 = arith.constant 0 : i32
      %dma_start3A_323 = tpu.memref_slice %arg9[%add3A_316, %dma_start3A_322] : memref<16x120xi32, #tpu.memory_space<vmem>> -> memref<1x120xi32, #tpu.memory_space<vmem>>
      %dma_start3A_324 = tpu.memref_squeeze %dma_start3A_323 : memref<1x120xi32, #tpu.memory_space<vmem>> -> memref<120xi32, #tpu.memory_space<vmem>>
      %dma_start3A_325 = arith.constant 0 : i32
      %dma_start3A_326 = arith.constant 0 : i32
      %dma_start3A_327 = tpu.memref_slice %arg14[%dma_start3A_325, %dma_start3A_326] : memref<10112x32xf32, #tpu.memory_space<vmem_shared>> -> memref<10112x32xf32, #tpu.memory_space<vmem_shared>>
      tpu.enqueue_indirect_dma source(%dma_start3A_321 : memref<120x32xf32, #tpu.memory_space<vmem>>) target(%dma_start3A_327 : memref<10112x32xf32, #tpu.memory_space<vmem_shared>>) offsets(%dma_start3A_324 : memref<120xi32, #tpu.memory_space<vmem>>) semaphore(%arg16 : memref<!tpu.dma_semaphore, #tpu.memory_space<semaphore_mem>>) {add = true}
      %dma_wait3A_328 = arith.constant 2 : i32
      %dma_wait3A_329 = arith.constant 0 : i32
      %dma_wait3A_330 = arith.constant 0 : i32
      %dma_wait3A_331 = tpu.memref_slice %arg10[%dma_wait3A_328, %dma_wait3A_329, %dma_wait3A_330] : memref<8x120x32xf32, #tpu.memory_space<vmem>> -> memref<1x120x32xf32, #tpu.memory_space<vmem>>
      %dma_wait3A_332 = tpu.memref_squeeze %dma_wait3A_331 : memref<1x120x32xf32, #tpu.memory_space<vmem>> -> memref<120x32xf32, #tpu.memory_space<vmem>>
      %dma_wait3A_333 = arith.constant 0 : i32
      %dma_wait3A_334 = tpu.memref_slice %arg8[%add3A_78, %dma_wait3A_333] : memref<16x120xi32, #tpu.memory_space<vmem>> -> memref<1x120xi32, #tpu.memory_space<vmem>>
      %dma_wait3A_335 = tpu.memref_squeeze %dma_wait3A_334 : memref<1x120xi32, #tpu.memory_space<vmem>> -> memref<120xi32, #tpu.memory_space<vmem>>
      %dma_wait3A_336 = arith.constant 0 : i32
      %dma_wait3A_337 = arith.constant 0 : i32
      %dma_wait3A_338 = tpu.memref_slice %arg2[%dma_wait3A_336, %dma_wait3A_337] : memref<10000x32xf32, #tpu.memory_space<hbm>> -> memref<10000x32xf32, #tpu.memory_space<hbm>>
      tpu.wait_indirect_dma semaphore(%arg15 : memref<!tpu.dma_semaphore, #tpu.memory_space<semaphore_mem>>) src(%dma_wait3A_338 : memref<10000x32xf32, #tpu.memory_space<hbm>>) dst(%dma_wait3A_332 : memref<120x32xf32, #tpu.memory_space<vmem>>)
      %dma_wait3A_339 = arith.constant 2 : i32
      %dma_wait3A_340 = arith.constant 0 : i32
      %dma_wait3A_341 = arith.constant 0 : i32
      %dma_wait3A_342 = tpu.memref_slice %arg11[%dma_wait3A_339, %dma_wait3A_340, %dma_wait3A_341] : memref<8x120x32xf32, #tpu.memory_space<vmem>> -> memref<1x120x32xf32, #tpu.memory_space<vmem>>
      %dma_wait3A_343 = tpu.memref_squeeze %dma_wait3A_342 : memref<1x120x32xf32, #tpu.memory_space<vmem>> -> memref<120x32xf32, #tpu.memory_space<vmem>>
      %dma_wait3A_344 = arith.constant 0 : i32
      %dma_wait3A_345 = tpu.memref_slice %arg8[%add3A_91, %dma_wait3A_344] : memref<16x120xi32, #tpu.memory_space<vmem>> -> memref<1x120xi32, #tpu.memory_space<vmem>>
      %dma_wait3A_346 = tpu.memref_squeeze %dma_wait3A_345 : memref<1x120xi32, #tpu.memory_space<vmem>> -> memref<120xi32, #tpu.memory_space<vmem>>
      %dma_wait3A_347 = arith.constant 0 : i32
      %dma_wait3A_348 = arith.constant 0 : i32
      %dma_wait3A_349 = tpu.memref_slice %arg3[%dma_wait3A_347, %dma_wait3A_348] : memref<10000x32xf32, #tpu.memory_space<hbm>> -> memref<10000x32xf32, #tpu.memory_space<hbm>>
      tpu.wait_indirect_dma semaphore(%arg15 : memref<!tpu.dma_semaphore, #tpu.memory_space<semaphore_mem>>) src(%dma_wait3A_349 : memref<10000x32xf32, #tpu.memory_space<hbm>>) dst(%dma_wait3A_343 : memref<120x32xf32, #tpu.memory_space<vmem>>)
      %add3A_350 = arith.constant 2 : i32
      %add3A_351 = arith.addi %mul3A_25, %add3A_350 : i32
      %dma_start3A_352 = arith.constant 2 : i32
      %dma_start3A_353 = arith.constant 0 : i32
      %dma_start3A_354 = arith.constant 0 : i32
      %dma_start3A_355 = tpu.memref_slice %arg10[%dma_start3A_352, %dma_start3A_353, %dma_start3A_354] : memref<8x120x32xf32, #tpu.memory_space<vmem>> -> memref<1x120x32xf32, #tpu.memory_space<vmem>>
      %dma_start3A_356 = tpu.memref_squeeze %dma_start3A_355 : memref<1x120x32xf32, #tpu.memory_space<vmem>> -> memref<120x32xf32, #tpu.memory_space<vmem>>
      %dma_start3A_357 = arith.constant 0 : i32
      %dma_start3A_358 = tpu.memref_slice %arg9[%add3A_351, %dma_start3A_357] : memref<16x120xi32, #tpu.memory_space<vmem>> -> memref<1x120xi32, #tpu.memory_space<vmem>>
      %dma_start3A_359 = tpu.memref_squeeze %dma_start3A_358 : memref<1x120xi32, #tpu.memory_space<vmem>> -> memref<120xi32, #tpu.memory_space<vmem>>
      %dma_start3A_360 = arith.constant 0 : i32
      %dma_start3A_361 = arith.constant 0 : i32
      %dma_start3A_362 = tpu.memref_slice %arg13[%dma_start3A_360, %dma_start3A_361] : memref<10112x32xf32, #tpu.memory_space<vmem_shared>> -> memref<10112x32xf32, #tpu.memory_space<vmem_shared>>
      tpu.enqueue_indirect_dma source(%dma_start3A_356 : memref<120x32xf32, #tpu.memory_space<vmem>>) target(%dma_start3A_362 : memref<10112x32xf32, #tpu.memory_space<vmem_shared>>) offsets(%dma_start3A_359 : memref<120xi32, #tpu.memory_space<vmem>>) semaphore(%arg16 : memref<!tpu.dma_semaphore, #tpu.memory_space<semaphore_mem>>) {add = true}
      %add3A_363 = arith.constant 2 : i32
      %add3A_364 = arith.addi %mul3A_25, %add3A_363 : i32
      %dma_start3A_365 = arith.constant 2 : i32
      %dma_start3A_366 = arith.constant 0 : i32
      %dma_start3A_367 = arith.constant 0 : i32
      %dma_start3A_368 = tpu.memref_slice %arg11[%dma_start3A_365, %dma_start3A_366, %dma_start3A_367] : memref<8x120x32xf32, #tpu.memory_space<vmem>> -> memref<1x120x32xf32, #tpu.memory_space<vmem>>
      %dma_start3A_369 = tpu.memref_squeeze %dma_start3A_368 : memref<1x120x32xf32, #tpu.memory_space<vmem>> -> memref<120x32xf32, #tpu.memory_space<vmem>>
      %dma_start3A_370 = arith.constant 0 : i32
      %dma_start3A_371 = tpu.memref_slice %arg9[%add3A_364, %dma_start3A_370] : memref<16x120xi32, #tpu.memory_space<vmem>> -> memref<1x120xi32, #tpu.memory_space<vmem>>
      %dma_start3A_372 = tpu.memref_squeeze %dma_start3A_371 : memref<1x120xi32, #tpu.memory_space<vmem>> -> memref<120xi32, #tpu.memory_space<vmem>>
      %dma_start3A_373 = arith.constant 0 : i32
      %dma_start3A_374 = arith.constant 0 : i32
      %dma_start3A_375 = tpu.memref_slice %arg14[%dma_start3A_373, %dma_start3A_374] : memref<10112x32xf32, #tpu.memory_space<vmem_shared>> -> memref<10112x32xf32, #tpu.memory_space<vmem_shared>>
      tpu.enqueue_indirect_dma source(%dma_start3A_369 : memref<120x32xf32, #tpu.memory_space<vmem>>) target(%dma_start3A_375 : memref<10112x32xf32, #tpu.memory_space<vmem_shared>>) offsets(%dma_start3A_372 : memref<120xi32, #tpu.memory_space<vmem>>) semaphore(%arg16 : memref<!tpu.dma_semaphore, #tpu.memory_space<semaphore_mem>>) {add = true}
      %dma_wait3A_376 = arith.constant 3 : i32
      %dma_wait3A_377 = arith.constant 0 : i32
      %dma_wait3A_378 = arith.constant 0 : i32
      %dma_wait3A_379 = tpu.memref_slice %arg10[%dma_wait3A_376, %dma_wait3A_377, %dma_wait3A_378] : memref<8x120x32xf32, #tpu.memory_space<vmem>> -> memref<1x120x32xf32, #tpu.memory_space<vmem>>
      %dma_wait3A_380 = tpu.memref_squeeze %dma_wait3A_379 : memref<1x120x32xf32, #tpu.memory_space<vmem>> -> memref<120x32xf32, #tpu.memory_space<vmem>>
      %dma_wait3A_381 = arith.constant 0 : i32
      %dma_wait3A_382 = tpu.memref_slice %arg8[%add3A_104, %dma_wait3A_381] : memref<16x120xi32, #tpu.memory_space<vmem>> -> memref<1x120xi32, #tpu.memory_space<vmem>>
      %dma_wait3A_383 = tpu.memref_squeeze %dma_wait3A_382 : memref<1x120xi32, #tpu.memory_space<vmem>> -> memref<120xi32, #tpu.memory_space<vmem>>
      %dma_wait3A_384 = arith.constant 0 : i32
      %dma_wait3A_385 = arith.constant 0 : i32
      %dma_wait3A_386 = tpu.memref_slice %arg2[%dma_wait3A_384, %dma_wait3A_385] : memref<10000x32xf32, #tpu.memory_space<hbm>> -> memref<10000x32xf32, #tpu.memory_space<hbm>>
      tpu.wait_indirect_dma semaphore(%arg15 : memref<!tpu.dma_semaphore, #tpu.memory_space<semaphore_mem>>) src(%dma_wait3A_386 : memref<10000x32xf32, #tpu.memory_space<hbm>>) dst(%dma_wait3A_380 : memref<120x32xf32, #tpu.memory_space<vmem>>)
      %dma_wait3A_387 = arith.constant 3 : i32
      %dma_wait3A_388 = arith.constant 0 : i32
      %dma_wait3A_389 = arith.constant 0 : i32
      %dma_wait3A_390 = tpu.memref_slice %arg11[%dma_wait3A_387, %dma_wait3A_388, %dma_wait3A_389] : memref<8x120x32xf32, #tpu.memory_space<vmem>> -> memref<1x120x32xf32, #tpu.memory_space<vmem>>
      %dma_wait3A_391 = tpu.memref_squeeze %dma_wait3A_390 : memref<1x120x32xf32, #tpu.memory_space<vmem>> -> memref<120x32xf32, #tpu.memory_space<vmem>>
      %dma_wait3A_392 = arith.constant 0 : i32
      %dma_wait3A_393 = tpu.memref_slice %arg8[%add3A_117, %dma_wait3A_392] : memref<16x120xi32, #tpu.memory_space<vmem>> -> memref<1x120xi32, #tpu.memory_space<vmem>>
      %dma_wait3A_394 = tpu.memref_squeeze %dma_wait3A_393 : memref<1x120xi32, #tpu.memory_space<vmem>> -> memref<120xi32, #tpu.memory_space<vmem>>
      %dma_wait3A_395 = arith.constant 0 : i32
      %dma_wait3A_396 = arith.constant 0 : i32
      %dma_wait3A_397 = tpu.memref_slice %arg3[%dma_wait3A_395, %dma_wait3A_396] : memref<10000x32xf32, #tpu.memory_space<hbm>> -> memref<10000x32xf32, #tpu.memory_space<hbm>>
      tpu.wait_indirect_dma semaphore(%arg15 : memref<!tpu.dma_semaphore, #tpu.memory_space<semaphore_mem>>) src(%dma_wait3A_397 : memref<10000x32xf32, #tpu.memory_space<hbm>>) dst(%dma_wait3A_391 : memref<120x32xf32, #tpu.memory_space<vmem>>)
      %add3A_398 = arith.constant 3 : i32
      %add3A_399 = arith.addi %mul3A_25, %add3A_398 : i32
      %dma_start3A_400 = arith.constant 3 : i32
      %dma_start3A_401 = arith.constant 0 : i32
      %dma_start3A_402 = arith.constant 0 : i32
      %dma_start3A_403 = tpu.memref_slice %arg10[%dma_start3A_400, %dma_start3A_401, %dma_start3A_402] : memref<8x120x32xf32, #tpu.memory_space<vmem>> -> memref<1x120x32xf32, #tpu.memory_space<vmem>>
      %dma_start3A_404 = tpu.memref_squeeze %dma_start3A_403 : memref<1x120x32xf32, #tpu.memory_space<vmem>> -> memref<120x32xf32, #tpu.memory_space<vmem>>
      %dma_start3A_405 = arith.constant 0 : i32
      %dma_start3A_406 = tpu.memref_slice %arg9[%add3A_399, %dma_start3A_405] : memref<16x120xi32, #tpu.memory_space<vmem>> -> memref<1x120xi32, #tpu.memory_space<vmem>>
      %dma_start3A_407 = tpu.memref_squeeze %dma_start3A_406 : memref<1x120xi32, #tpu.memory_space<vmem>> -> memref<120xi32, #tpu.memory_space<vmem>>
      %dma_start3A_408 = arith.constant 0 : i32
      %dma_start3A_409 = arith.constant 0 : i32
      %dma_start3A_410 = tpu.memref_slice %arg13[%dma_start3A_408, %dma_start3A_409] : memref<10112x32xf32, #tpu.memory_space<vmem_shared>> -> memref<10112x32xf32, #tpu.memory_space<vmem_shared>>
      tpu.enqueue_indirect_dma source(%dma_start3A_404 : memref<120x32xf32, #tpu.memory_space<vmem>>) target(%dma_start3A_410 : memref<10112x32xf32, #tpu.memory_space<vmem_shared>>) offsets(%dma_start3A_407 : memref<120xi32, #tpu.memory_space<vmem>>) semaphore(%arg16 : memref<!tpu.dma_semaphore, #tpu.memory_space<semaphore_mem>>) {add = true}
      %add3A_411 = arith.constant 3 : i32
      %add3A_412 = arith.addi %mul3A_25, %add3A_411 : i32
      %dma_start3A_413 = arith.constant 3 : i32
      %dma_start3A_414 = arith.constant 0 : i32
      %dma_start3A_415 = arith.constant 0 : i32
      %dma_start3A_416 = tpu.memref_slice %arg11[%dma_start3A_413, %dma_start3A_414, %dma_start3A_415] : memref<8x120x32xf32, #tpu.memory_space<vmem>> -> memref<1x120x32xf32, #tpu.memory_space<vmem>>
      %dma_start3A_417 = tpu.memref_squeeze %dma_start3A_416 : memref<1x120x32xf32, #tpu.memory_space<vmem>> -> memref<120x32xf32, #tpu.memory_space<vmem>>
      %dma_start3A_418 = arith.constant 0 : i32
      %dma_start3A_419 = tpu.memref_slice %arg9[%add3A_412, %dma_start3A_418] : memref<16x120xi32, #tpu.memory_space<vmem>> -> memref<1x120xi32, #tpu.memory_space<vmem>>
      %dma_start3A_420 = tpu.memref_squeeze %dma_start3A_419 : memref<1x120xi32, #tpu.memory_space<vmem>> -> memref<120xi32, #tpu.memory_space<vmem>>
      %dma_start3A_421 = arith.constant 0 : i32
      %dma_start3A_422 = arith.constant 0 : i32
      %dma_start3A_423 = tpu.memref_slice %arg14[%dma_start3A_421, %dma_start3A_422] : memref<10112x32xf32, #tpu.memory_space<vmem_shared>> -> memref<10112x32xf32, #tpu.memory_space<vmem_shared>>
      tpu.enqueue_indirect_dma source(%dma_start3A_417 : memref<120x32xf32, #tpu.memory_space<vmem>>) target(%dma_start3A_423 : memref<10112x32xf32, #tpu.memory_space<vmem_shared>>) offsets(%dma_start3A_420 : memref<120xi32, #tpu.memory_space<vmem>>) semaphore(%arg16 : memref<!tpu.dma_semaphore, #tpu.memory_space<semaphore_mem>>) {add = true}
      %dma_wait3A_424 = arith.constant 4 : i32
      %dma_wait3A_425 = arith.constant 0 : i32
      %dma_wait3A_426 = arith.constant 0 : i32
      %dma_wait3A_427 = tpu.memref_slice %arg10[%dma_wait3A_424, %dma_wait3A_425, %dma_wait3A_426] : memref<8x120x32xf32, #tpu.memory_space<vmem>> -> memref<1x120x32xf32, #tpu.memory_space<vmem>>
      %dma_wait3A_428 = tpu.memref_squeeze %dma_wait3A_427 : memref<1x120x32xf32, #tpu.memory_space<vmem>> -> memref<120x32xf32, #tpu.memory_space<vmem>>
      %dma_wait3A_429 = arith.constant 0 : i32
      %dma_wait3A_430 = tpu.memref_slice %arg8[%add3A_130, %dma_wait3A_429] : memref<16x120xi32, #tpu.memory_space<vmem>> -> memref<1x120xi32, #tpu.memory_space<vmem>>
      %dma_wait3A_431 = tpu.memref_squeeze %dma_wait3A_430 : memref<1x120xi32, #tpu.memory_space<vmem>> -> memref<120xi32, #tpu.memory_space<vmem>>
      %dma_wait3A_432 = arith.constant 0 : i32
      %dma_wait3A_433 = arith.constant 0 : i32
      %dma_wait3A_434 = tpu.memref_slice %arg2[%dma_wait3A_432, %dma_wait3A_433] : memref<10000x32xf32, #tpu.memory_space<hbm>> -> memref<10000x32xf32, #tpu.memory_space<hbm>>
      tpu.wait_indirect_dma semaphore(%arg15 : memref<!tpu.dma_semaphore, #tpu.memory_space<semaphore_mem>>) src(%dma_wait3A_434 : memref<10000x32xf32, #tpu.memory_space<hbm>>) dst(%dma_wait3A_428 : memref<120x32xf32, #tpu.memory_space<vmem>>)
      %dma_wait3A_435 = arith.constant 4 : i32
      %dma_wait3A_436 = arith.constant 0 : i32
      %dma_wait3A_437 = arith.constant 0 : i32
      %dma_wait3A_438 = tpu.memref_slice %arg11[%dma_wait3A_435, %dma_wait3A_436, %dma_wait3A_437] : memref<8x120x32xf32, #tpu.memory_space<vmem>> -> memref<1x120x32xf32, #tpu.memory_space<vmem>>
      %dma_wait3A_439 = tpu.memref_squeeze %dma_wait3A_438 : memref<1x120x32xf32, #tpu.memory_space<vmem>> -> memref<120x32xf32, #tpu.memory_space<vmem>>
      %dma_wait3A_440 = arith.constant 0 : i32
      %dma_wait3A_441 = tpu.memref_slice %arg8[%add3A_143, %dma_wait3A_440] : memref<16x120xi32, #tpu.memory_space<vmem>> -> memref<1x120xi32, #tpu.memory_space<vmem>>
      %dma_wait3A_442 = tpu.memref_squeeze %dma_wait3A_441 : memref<1x120xi32, #tpu.memory_space<vmem>> -> memref<120xi32, #tpu.memory_space<vmem>>
      %dma_wait3A_443 = arith.constant 0 : i32
      %dma_wait3A_444 = arith.constant 0 : i32
      %dma_wait3A_445 = tpu.memref_slice %arg3[%dma_wait3A_443, %dma_wait3A_444] : memref<10000x32xf32, #tpu.memory_space<hbm>> -> memref<10000x32xf32, #tpu.memory_space<hbm>>
      tpu.wait_indirect_dma semaphore(%arg15 : memref<!tpu.dma_semaphore, #tpu.memory_space<semaphore_mem>>) src(%dma_wait3A_445 : memref<10000x32xf32, #tpu.memory_space<hbm>>) dst(%dma_wait3A_439 : memref<120x32xf32, #tpu.memory_space<vmem>>)
      %add3A_446 = arith.constant 4 : i32
      %add3A_447 = arith.addi %mul3A_25, %add3A_446 : i32
      %dma_start3A_448 = arith.constant 4 : i32
      %dma_start3A_449 = arith.constant 0 : i32
      %dma_start3A_450 = arith.constant 0 : i32
      %dma_start3A_451 = tpu.memref_slice %arg10[%dma_start3A_448, %dma_start3A_449, %dma_start3A_450] : memref<8x120x32xf32, #tpu.memory_space<vmem>> -> memref<1x120x32xf32, #tpu.memory_space<vmem>>
      %dma_start3A_452 = tpu.memref_squeeze %dma_start3A_451 : memref<1x120x32xf32, #tpu.memory_space<vmem>> -> memref<120x32xf32, #tpu.memory_space<vmem>>
      %dma_start3A_453 = arith.constant 0 : i32
      %dma_start3A_454 = tpu.memref_slice %arg9[%add3A_447, %dma_start3A_453] : memref<16x120xi32, #tpu.memory_space<vmem>> -> memref<1x120xi32, #tpu.memory_space<vmem>>
      %dma_start3A_455 = tpu.memref_squeeze %dma_start3A_454 : memref<1x120xi32, #tpu.memory_space<vmem>> -> memref<120xi32, #tpu.memory_space<vmem>>
      %dma_start3A_456 = arith.constant 0 : i32
      %dma_start3A_457 = arith.constant 0 : i32
      %dma_start3A_458 = tpu.memref_slice %arg13[%dma_start3A_456, %dma_start3A_457] : memref<10112x32xf32, #tpu.memory_space<vmem_shared>> -> memref<10112x32xf32, #tpu.memory_space<vmem_shared>>
      tpu.enqueue_indirect_dma source(%dma_start3A_452 : memref<120x32xf32, #tpu.memory_space<vmem>>) target(%dma_start3A_458 : memref<10112x32xf32, #tpu.memory_space<vmem_shared>>) offsets(%dma_start3A_455 : memref<120xi32, #tpu.memory_space<vmem>>) semaphore(%arg16 : memref<!tpu.dma_semaphore, #tpu.memory_space<semaphore_mem>>) {add = true}
      %add3A_459 = arith.constant 4 : i32
      %add3A_460 = arith.addi %mul3A_25, %add3A_459 : i32
      %dma_start3A_461 = arith.constant 4 : i32
      %dma_start3A_462 = arith.constant 0 : i32
      %dma_start3A_463 = arith.constant 0 : i32
      %dma_start3A_464 = tpu.memref_slice %arg11[%dma_start3A_461, %dma_start3A_462, %dma_start3A_463] : memref<8x120x32xf32, #tpu.memory_space<vmem>> -> memref<1x120x32xf32, #tpu.memory_space<vmem>>
      %dma_start3A_465 = tpu.memref_squeeze %dma_start3A_464 : memref<1x120x32xf32, #tpu.memory_space<vmem>> -> memref<120x32xf32, #tpu.memory_space<vmem>>
      %dma_start3A_466 = arith.constant 0 : i32
      %dma_start3A_467 = tpu.memref_slice %arg9[%add3A_460, %dma_start3A_466] : memref<16x120xi32, #tpu.memory_space<vmem>> -> memref<1x120xi32, #tpu.memory_space<vmem>>
      %dma_start3A_468 = tpu.memref_squeeze %dma_start3A_467 : memref<1x120xi32, #tpu.memory_space<vmem>> -> memref<120xi32, #tpu.memory_space<vmem>>
      %dma_start3A_469 = arith.constant 0 : i32
      %dma_start3A_470 = arith.constant 0 : i32
      %dma_start3A_471 = tpu.memref_slice %arg14[%dma_start3A_469, %dma_start3A_470] : memref<10112x32xf32, #tpu.memory_space<vmem_shared>> -> memref<10112x32xf32, #tpu.memory_space<vmem_shared>>
      tpu.enqueue_indirect_dma source(%dma_start3A_465 : memref<120x32xf32, #tpu.memory_space<vmem>>) target(%dma_start3A_471 : memref<10112x32xf32, #tpu.memory_space<vmem_shared>>) offsets(%dma_start3A_468 : memref<120xi32, #tpu.memory_space<vmem>>) semaphore(%arg16 : memref<!tpu.dma_semaphore, #tpu.memory_space<semaphore_mem>>) {add = true}
      %dma_wait3A_472 = arith.constant 5 : i32
      %dma_wait3A_473 = arith.constant 0 : i32
      %dma_wait3A_474 = arith.constant 0 : i32
      %dma_wait3A_475 = tpu.memref_slice %arg10[%dma_wait3A_472, %dma_wait3A_473, %dma_wait3A_474] : memref<8x120x32xf32, #tpu.memory_space<vmem>> -> memref<1x120x32xf32, #tpu.memory_space<vmem>>
      %dma_wait3A_476 = tpu.memref_squeeze %dma_wait3A_475 : memref<1x120x32xf32, #tpu.memory_space<vmem>> -> memref<120x32xf32, #tpu.memory_space<vmem>>
      %dma_wait3A_477 = arith.constant 0 : i32
      %dma_wait3A_478 = tpu.memref_slice %arg8[%add3A_156, %dma_wait3A_477] : memref<16x120xi32, #tpu.memory_space<vmem>> -> memref<1x120xi32, #tpu.memory_space<vmem>>
      %dma_wait3A_479 = tpu.memref_squeeze %dma_wait3A_478 : memref<1x120xi32, #tpu.memory_space<vmem>> -> memref<120xi32, #tpu.memory_space<vmem>>
      %dma_wait3A_480 = arith.constant 0 : i32
      %dma_wait3A_481 = arith.constant 0 : i32
      %dma_wait3A_482 = tpu.memref_slice %arg2[%dma_wait3A_480, %dma_wait3A_481] : memref<10000x32xf32, #tpu.memory_space<hbm>> -> memref<10000x32xf32, #tpu.memory_space<hbm>>
      tpu.wait_indirect_dma semaphore(%arg15 : memref<!tpu.dma_semaphore, #tpu.memory_space<semaphore_mem>>) src(%dma_wait3A_482 : memref<10000x32xf32, #tpu.memory_space<hbm>>) dst(%dma_wait3A_476 : memref<120x32xf32, #tpu.memory_space<vmem>>)
      %dma_wait3A_483 = arith.constant 5 : i32
      %dma_wait3A_484 = arith.constant 0 : i32
      %dma_wait3A_485 = arith.constant 0 : i32
      %dma_wait3A_486 = tpu.memref_slice %arg11[%dma_wait3A_483, %dma_wait3A_484, %dma_wait3A_485] : memref<8x120x32xf32, #tpu.memory_space<vmem>> -> memref<1x120x32xf32, #tpu.memory_space<vmem>>
      %dma_wait3A_487 = tpu.memref_squeeze %dma_wait3A_486 : memref<1x120x32xf32, #tpu.memory_space<vmem>> -> memref<120x32xf32, #tpu.memory_space<vmem>>
      %dma_wait3A_488 = arith.constant 0 : i32
      %dma_wait3A_489 = tpu.memref_slice %arg8[%add3A_169, %dma_wait3A_488] : memref<16x120xi32, #tpu.memory_space<vmem>> -> memref<1x120xi32, #tpu.memory_space<vmem>>
      %dma_wait3A_490 = tpu.memref_squeeze %dma_wait3A_489 : memref<1x120xi32, #tpu.memory_space<vmem>> -> memref<120xi32, #tpu.memory_space<vmem>>
      %dma_wait3A_491 = arith.constant 0 : i32
      %dma_wait3A_492 = arith.constant 0 : i32
      %dma_wait3A_493 = tpu.memref_slice %arg3[%dma_wait3A_491, %dma_wait3A_492] : memref<10000x32xf32, #tpu.memory_space<hbm>> -> memref<10000x32xf32, #tpu.memory_space<hbm>>
      tpu.wait_indirect_dma semaphore(%arg15 : memref<!tpu.dma_semaphore, #tpu.memory_space<semaphore_mem>>) src(%dma_wait3A_493 : memref<10000x32xf32, #tpu.memory_space<hbm>>) dst(%dma_wait3A_487 : memref<120x32xf32, #tpu.memory_space<vmem>>)
      %add3A_494 = arith.constant 5 : i32
      %add3A_495 = arith.addi %mul3A_25, %add3A_494 : i32
      %dma_start3A_496 = arith.constant 5 : i32
      %dma_start3A_497 = arith.constant 0 : i32
      %dma_start3A_498 = arith.constant 0 : i32
      %dma_start3A_499 = tpu.memref_slice %arg10[%dma_start3A_496, %dma_start3A_497, %dma_start3A_498] : memref<8x120x32xf32, #tpu.memory_space<vmem>> -> memref<1x120x32xf32, #tpu.memory_space<vmem>>
      %dma_start3A_500 = tpu.memref_squeeze %dma_start3A_499 : memref<1x120x32xf32, #tpu.memory_space<vmem>> -> memref<120x32xf32, #tpu.memory_space<vmem>>
      %dma_start3A_501 = arith.constant 0 : i32
      %dma_start3A_502 = tpu.memref_slice %arg9[%add3A_495, %dma_start3A_501] : memref<16x120xi32, #tpu.memory_space<vmem>> -> memref<1x120xi32, #tpu.memory_space<vmem>>
      %dma_start3A_503 = tpu.memref_squeeze %dma_start3A_502 : memref<1x120xi32, #tpu.memory_space<vmem>> -> memref<120xi32, #tpu.memory_space<vmem>>
      %dma_start3A_504 = arith.constant 0 : i32
      %dma_start3A_505 = arith.constant 0 : i32
      %dma_start3A_506 = tpu.memref_slice %arg13[%dma_start3A_504, %dma_start3A_505] : memref<10112x32xf32, #tpu.memory_space<vmem_shared>> -> memref<10112x32xf32, #tpu.memory_space<vmem_shared>>
      tpu.enqueue_indirect_dma source(%dma_start3A_500 : memref<120x32xf32, #tpu.memory_space<vmem>>) target(%dma_start3A_506 : memref<10112x32xf32, #tpu.memory_space<vmem_shared>>) offsets(%dma_start3A_503 : memref<120xi32, #tpu.memory_space<vmem>>) semaphore(%arg16 : memref<!tpu.dma_semaphore, #tpu.memory_space<semaphore_mem>>) {add = true}
      %add3A_507 = arith.constant 5 : i32
      %add3A_508 = arith.addi %mul3A_25, %add3A_507 : i32
      %dma_start3A_509 = arith.constant 5 : i32
      %dma_start3A_510 = arith.constant 0 : i32
      %dma_start3A_511 = arith.constant 0 : i32
      %dma_start3A_512 = tpu.memref_slice %arg11[%dma_start3A_509, %dma_start3A_510, %dma_start3A_511] : memref<8x120x32xf32, #tpu.memory_space<vmem>> -> memref<1x120x32xf32, #tpu.memory_space<vmem>>
      %dma_start3A_513 = tpu.memref_squeeze %dma_start3A_512 : memref<1x120x32xf32, #tpu.memory_space<vmem>> -> memref<120x32xf32, #tpu.memory_space<vmem>>
      %dma_start3A_514 = arith.constant 0 : i32
      %dma_start3A_515 = tpu.memref_slice %arg9[%add3A_508, %dma_start3A_514] : memref<16x120xi32, #tpu.memory_space<vmem>> -> memref<1x120xi32, #tpu.memory_space<vmem>>
      %dma_start3A_516 = tpu.memref_squeeze %dma_start3A_515 : memref<1x120xi32, #tpu.memory_space<vmem>> -> memref<120xi32, #tpu.memory_space<vmem>>
      %dma_start3A_517 = arith.constant 0 : i32
      %dma_start3A_518 = arith.constant 0 : i32
      %dma_start3A_519 = tpu.memref_slice %arg14[%dma_start3A_517, %dma_start3A_518] : memref<10112x32xf32, #tpu.memory_space<vmem_shared>> -> memref<10112x32xf32, #tpu.memory_space<vmem_shared>>
      tpu.enqueue_indirect_dma source(%dma_start3A_513 : memref<120x32xf32, #tpu.memory_space<vmem>>) target(%dma_start3A_519 : memref<10112x32xf32, #tpu.memory_space<vmem_shared>>) offsets(%dma_start3A_516 : memref<120xi32, #tpu.memory_space<vmem>>) semaphore(%arg16 : memref<!tpu.dma_semaphore, #tpu.memory_space<semaphore_mem>>) {add = true}
      %dma_wait3A_520 = arith.constant 6 : i32
      %dma_wait3A_521 = arith.constant 0 : i32
      %dma_wait3A_522 = arith.constant 0 : i32
      %dma_wait3A_523 = tpu.memref_slice %arg10[%dma_wait3A_520, %dma_wait3A_521, %dma_wait3A_522] : memref<8x120x32xf32, #tpu.memory_space<vmem>> -> memref<1x120x32xf32, #tpu.memory_space<vmem>>
      %dma_wait3A_524 = tpu.memref_squeeze %dma_wait3A_523 : memref<1x120x32xf32, #tpu.memory_space<vmem>> -> memref<120x32xf32, #tpu.memory_space<vmem>>
      %dma_wait3A_525 = arith.constant 0 : i32
      %dma_wait3A_526 = tpu.memref_slice %arg8[%add3A_182, %dma_wait3A_525] : memref<16x120xi32, #tpu.memory_space<vmem>> -> memref<1x120xi32, #tpu.memory_space<vmem>>
      %dma_wait3A_527 = tpu.memref_squeeze %dma_wait3A_526 : memref<1x120xi32, #tpu.memory_space<vmem>> -> memref<120xi32, #tpu.memory_space<vmem>>
      %dma_wait3A_528 = arith.constant 0 : i32
      %dma_wait3A_529 = arith.constant 0 : i32
      %dma_wait3A_530 = tpu.memref_slice %arg2[%dma_wait3A_528, %dma_wait3A_529] : memref<10000x32xf32, #tpu.memory_space<hbm>> -> memref<10000x32xf32, #tpu.memory_space<hbm>>
      tpu.wait_indirect_dma semaphore(%arg15 : memref<!tpu.dma_semaphore, #tpu.memory_space<semaphore_mem>>) src(%dma_wait3A_530 : memref<10000x32xf32, #tpu.memory_space<hbm>>) dst(%dma_wait3A_524 : memref<120x32xf32, #tpu.memory_space<vmem>>)
      %dma_wait3A_531 = arith.constant 6 : i32
      %dma_wait3A_532 = arith.constant 0 : i32
      %dma_wait3A_533 = arith.constant 0 : i32
      %dma_wait3A_534 = tpu.memref_slice %arg11[%dma_wait3A_531, %dma_wait3A_532, %dma_wait3A_533] : memref<8x120x32xf32, #tpu.memory_space<vmem>> -> memref<1x120x32xf32, #tpu.memory_space<vmem>>
      %dma_wait3A_535 = tpu.memref_squeeze %dma_wait3A_534 : memref<1x120x32xf32, #tpu.memory_space<vmem>> -> memref<120x32xf32, #tpu.memory_space<vmem>>
      %dma_wait3A_536 = arith.constant 0 : i32
      %dma_wait3A_537 = tpu.memref_slice %arg8[%add3A_195, %dma_wait3A_536] : memref<16x120xi32, #tpu.memory_space<vmem>> -> memref<1x120xi32, #tpu.memory_space<vmem>>
      %dma_wait3A_538 = tpu.memref_squeeze %dma_wait3A_537 : memref<1x120xi32, #tpu.memory_space<vmem>> -> memref<120xi32, #tpu.memory_space<vmem>>
      %dma_wait3A_539 = arith.constant 0 : i32
      %dma_wait3A_540 = arith.constant 0 : i32
      %dma_wait3A_541 = tpu.memref_slice %arg3[%dma_wait3A_539, %dma_wait3A_540] : memref<10000x32xf32, #tpu.memory_space<hbm>> -> memref<10000x32xf32, #tpu.memory_space<hbm>>
      tpu.wait_indirect_dma semaphore(%arg15 : memref<!tpu.dma_semaphore, #tpu.memory_space<semaphore_mem>>) src(%dma_wait3A_541 : memref<10000x32xf32, #tpu.memory_space<hbm>>) dst(%dma_wait3A_535 : memref<120x32xf32, #tpu.memory_space<vmem>>)
      %add3A_542 = arith.constant 6 : i32
      %add3A_543 = arith.addi %mul3A_25, %add3A_542 : i32
      %dma_start3A_544 = arith.constant 6 : i32
      %dma_start3A_545 = arith.constant 0 : i32
      %dma_start3A_546 = arith.constant 0 : i32
      %dma_start3A_547 = tpu.memref_slice %arg10[%dma_start3A_544, %dma_start3A_545, %dma_start3A_546] : memref<8x120x32xf32, #tpu.memory_space<vmem>> -> memref<1x120x32xf32, #tpu.memory_space<vmem>>
      %dma_start3A_548 = tpu.memref_squeeze %dma_start3A_547 : memref<1x120x32xf32, #tpu.memory_space<vmem>> -> memref<120x32xf32, #tpu.memory_space<vmem>>
      %dma_start3A_549 = arith.constant 0 : i32
      %dma_start3A_550 = tpu.memref_slice %arg9[%add3A_543, %dma_start3A_549] : memref<16x120xi32, #tpu.memory_space<vmem>> -> memref<1x120xi32, #tpu.memory_space<vmem>>
      %dma_start3A_551 = tpu.memref_squeeze %dma_start3A_550 : memref<1x120xi32, #tpu.memory_space<vmem>> -> memref<120xi32, #tpu.memory_space<vmem>>
      %dma_start3A_552 = arith.constant 0 : i32
      %dma_start3A_553 = arith.constant 0 : i32
      %dma_start3A_554 = tpu.memref_slice %arg13[%dma_start3A_552, %dma_start3A_553] : memref<10112x32xf32, #tpu.memory_space<vmem_shared>> -> memref<10112x32xf32, #tpu.memory_space<vmem_shared>>
      tpu.enqueue_indirect_dma source(%dma_start3A_548 : memref<120x32xf32, #tpu.memory_space<vmem>>) target(%dma_start3A_554 : memref<10112x32xf32, #tpu.memory_space<vmem_shared>>) offsets(%dma_start3A_551 : memref<120xi32, #tpu.memory_space<vmem>>) semaphore(%arg16 : memref<!tpu.dma_semaphore, #tpu.memory_space<semaphore_mem>>) {add = true}
      %add3A_555 = arith.constant 6 : i32
      %add3A_556 = arith.addi %mul3A_25, %add3A_555 : i32
      %dma_start3A_557 = arith.constant 6 : i32
      %dma_start3A_558 = arith.constant 0 : i32
      %dma_start3A_559 = arith.constant 0 : i32
      %dma_start3A_560 = tpu.memref_slice %arg11[%dma_start3A_557, %dma_start3A_558, %dma_start3A_559] : memref<8x120x32xf32, #tpu.memory_space<vmem>> -> memref<1x120x32xf32, #tpu.memory_space<vmem>>
      %dma_start3A_561 = tpu.memref_squeeze %dma_start3A_560 : memref<1x120x32xf32, #tpu.memory_space<vmem>> -> memref<120x32xf32, #tpu.memory_space<vmem>>
      %dma_start3A_562 = arith.constant 0 : i32
      %dma_start3A_563 = tpu.memref_slice %arg9[%add3A_556, %dma_start3A_562] : memref<16x120xi32, #tpu.memory_space<vmem>> -> memref<1x120xi32, #tpu.memory_space<vmem>>
      %dma_start3A_564 = tpu.memref_squeeze %dma_start3A_563 : memref<1x120xi32, #tpu.memory_space<vmem>> -> memref<120xi32, #tpu.memory_space<vmem>>
      %dma_start3A_565 = arith.constant 0 : i32
      %dma_start3A_566 = arith.constant 0 : i32
      %dma_start3A_567 = tpu.memref_slice %arg14[%dma_start3A_565, %dma_start3A_566] : memref<10112x32xf32, #tpu.memory_space<vmem_shared>> -> memref<10112x32xf32, #tpu.memory_space<vmem_shared>>
      tpu.enqueue_indirect_dma source(%dma_start3A_561 : memref<120x32xf32, #tpu.memory_space<vmem>>) target(%dma_start3A_567 : memref<10112x32xf32, #tpu.memory_space<vmem_shared>>) offsets(%dma_start3A_564 : memref<120xi32, #tpu.memory_space<vmem>>) semaphore(%arg16 : memref<!tpu.dma_semaphore, #tpu.memory_space<semaphore_mem>>) {add = true}
      %dma_wait3A_568 = arith.constant 7 : i32
      %dma_wait3A_569 = arith.constant 0 : i32
      %dma_wait3A_570 = arith.constant 0 : i32
      %dma_wait3A_571 = tpu.memref_slice %arg10[%dma_wait3A_568, %dma_wait3A_569, %dma_wait3A_570] : memref<8x120x32xf32, #tpu.memory_space<vmem>> -> memref<1x120x32xf32, #tpu.memory_space<vmem>>
      %dma_wait3A_572 = tpu.memref_squeeze %dma_wait3A_571 : memref<1x120x32xf32, #tpu.memory_space<vmem>> -> memref<120x32xf32, #tpu.memory_space<vmem>>
      %dma_wait3A_573 = arith.constant 0 : i32
      %dma_wait3A_574 = tpu.memref_slice %arg8[%add3A_208, %dma_wait3A_573] : memref<16x120xi32, #tpu.memory_space<vmem>> -> memref<1x120xi32, #tpu.memory_space<vmem>>
      %dma_wait3A_575 = tpu.memref_squeeze %dma_wait3A_574 : memref<1x120xi32, #tpu.memory_space<vmem>> -> memref<120xi32, #tpu.memory_space<vmem>>
      %dma_wait3A_576 = arith.constant 0 : i32
      %dma_wait3A_577 = arith.constant 0 : i32
      %dma_wait3A_578 = tpu.memref_slice %arg2[%dma_wait3A_576, %dma_wait3A_577] : memref<10000x32xf32, #tpu.memory_space<hbm>> -> memref<10000x32xf32, #tpu.memory_space<hbm>>
      tpu.wait_indirect_dma semaphore(%arg15 : memref<!tpu.dma_semaphore, #tpu.memory_space<semaphore_mem>>) src(%dma_wait3A_578 : memref<10000x32xf32, #tpu.memory_space<hbm>>) dst(%dma_wait3A_572 : memref<120x32xf32, #tpu.memory_space<vmem>>)
      %dma_wait3A_579 = arith.constant 7 : i32
      %dma_wait3A_580 = arith.constant 0 : i32
      %dma_wait3A_581 = arith.constant 0 : i32
      %dma_wait3A_582 = tpu.memref_slice %arg11[%dma_wait3A_579, %dma_wait3A_580, %dma_wait3A_581] : memref<8x120x32xf32, #tpu.memory_space<vmem>> -> memref<1x120x32xf32, #tpu.memory_space<vmem>>
      %dma_wait3A_583 = tpu.memref_squeeze %dma_wait3A_582 : memref<1x120x32xf32, #tpu.memory_space<vmem>> -> memref<120x32xf32, #tpu.memory_space<vmem>>
      %dma_wait3A_584 = arith.constant 0 : i32
      %dma_wait3A_585 = tpu.memref_slice %arg8[%add3A_221, %dma_wait3A_584] : memref<16x120xi32, #tpu.memory_space<vmem>> -> memref<1x120xi32, #tpu.memory_space<vmem>>
      %dma_wait3A_586 = tpu.memref_squeeze %dma_wait3A_585 : memref<1x120xi32, #tpu.memory_space<vmem>> -> memref<120xi32, #tpu.memory_space<vmem>>
      %dma_wait3A_587 = arith.constant 0 : i32
      %dma_wait3A_588 = arith.constant 0 : i32
      %dma_wait3A_589 = tpu.memref_slice %arg3[%dma_wait3A_587, %dma_wait3A_588] : memref<10000x32xf32, #tpu.memory_space<hbm>> -> memref<10000x32xf32, #tpu.memory_space<hbm>>
      tpu.wait_indirect_dma semaphore(%arg15 : memref<!tpu.dma_semaphore, #tpu.memory_space<semaphore_mem>>) src(%dma_wait3A_589 : memref<10000x32xf32, #tpu.memory_space<hbm>>) dst(%dma_wait3A_583 : memref<120x32xf32, #tpu.memory_space<vmem>>)
      %add3A_590 = arith.constant 7 : i32
      %add3A_591 = arith.addi %mul3A_25, %add3A_590 : i32
      %dma_start3A_592 = arith.constant 7 : i32
      %dma_start3A_593 = arith.constant 0 : i32
      %dma_start3A_594 = arith.constant 0 : i32
      %dma_start3A_595 = tpu.memref_slice %arg10[%dma_start3A_592, %dma_start3A_593, %dma_start3A_594] : memref<8x120x32xf32, #tpu.memory_space<vmem>> -> memref<1x120x32xf32, #tpu.memory_space<vmem>>
      %dma_start3A_596 = tpu.memref_squeeze %dma_start3A_595 : memref<1x120x32xf32, #tpu.memory_space<vmem>> -> memref<120x32xf32, #tpu.memory_space<vmem>>
      %dma_start3A_597 = arith.constant 0 : i32
      %dma_start3A_598 = tpu.memref_slice %arg9[%add3A_591, %dma_start3A_597] : memref<16x120xi32, #tpu.memory_space<vmem>> -> memref<1x120xi32, #tpu.memory_space<vmem>>
      %dma_start3A_599 = tpu.memref_squeeze %dma_start3A_598 : memref<1x120xi32, #tpu.memory_space<vmem>> -> memref<120xi32, #tpu.memory_space<vmem>>
      %dma_start3A_600 = arith.constant 0 : i32
      %dma_start3A_601 = arith.constant 0 : i32
      %dma_start3A_602 = tpu.memref_slice %arg13[%dma_start3A_600, %dma_start3A_601] : memref<10112x32xf32, #tpu.memory_space<vmem_shared>> -> memref<10112x32xf32, #tpu.memory_space<vmem_shared>>
      tpu.enqueue_indirect_dma source(%dma_start3A_596 : memref<120x32xf32, #tpu.memory_space<vmem>>) target(%dma_start3A_602 : memref<10112x32xf32, #tpu.memory_space<vmem_shared>>) offsets(%dma_start3A_599 : memref<120xi32, #tpu.memory_space<vmem>>) semaphore(%arg16 : memref<!tpu.dma_semaphore, #tpu.memory_space<semaphore_mem>>) {add = true}
      %add3A_603 = arith.constant 7 : i32
      %add3A_604 = arith.addi %mul3A_25, %add3A_603 : i32
      %dma_start3A_605 = arith.constant 7 : i32
      %dma_start3A_606 = arith.constant 0 : i32
      %dma_start3A_607 = arith.constant 0 : i32
      %dma_start3A_608 = tpu.memref_slice %arg11[%dma_start3A_605, %dma_start3A_606, %dma_start3A_607] : memref<8x120x32xf32, #tpu.memory_space<vmem>> -> memref<1x120x32xf32, #tpu.memory_space<vmem>>
      %dma_start3A_609 = tpu.memref_squeeze %dma_start3A_608 : memref<1x120x32xf32, #tpu.memory_space<vmem>> -> memref<120x32xf32, #tpu.memory_space<vmem>>
      %dma_start3A_610 = arith.constant 0 : i32
      %dma_start3A_611 = tpu.memref_slice %arg9[%add3A_604, %dma_start3A_610] : memref<16x120xi32, #tpu.memory_space<vmem>> -> memref<1x120xi32, #tpu.memory_space<vmem>>
      %dma_start3A_612 = tpu.memref_squeeze %dma_start3A_611 : memref<1x120xi32, #tpu.memory_space<vmem>> -> memref<120xi32, #tpu.memory_space<vmem>>
      %dma_start3A_613 = arith.constant 0 : i32
      %dma_start3A_614 = arith.constant 0 : i32
      %dma_start3A_615 = tpu.memref_slice %arg14[%dma_start3A_613, %dma_start3A_614] : memref<10112x32xf32, #tpu.memory_space<vmem_shared>> -> memref<10112x32xf32, #tpu.memory_space<vmem_shared>>
      tpu.enqueue_indirect_dma source(%dma_start3A_609 : memref<120x32xf32, #tpu.memory_space<vmem>>) target(%dma_start3A_615 : memref<10112x32xf32, #tpu.memory_space<vmem_shared>>) offsets(%dma_start3A_612 : memref<120xi32, #tpu.memory_space<vmem>>) semaphore(%arg16 : memref<!tpu.dma_semaphore, #tpu.memory_space<semaphore_mem>>) {add = true}
      %dma_wait3A_616 = arith.constant 0 : i32
      %dma_wait3A_617 = arith.constant 0 : i32
      %dma_wait3A_618 = arith.constant 0 : i32
      %dma_wait3A_619 = tpu.memref_slice %arg10[%dma_wait3A_616, %dma_wait3A_617, %dma_wait3A_618] : memref<8x120x32xf32, #tpu.memory_space<vmem>> -> memref<1x120x32xf32, #tpu.memory_space<vmem>>
      %dma_wait3A_620 = tpu.memref_squeeze %dma_wait3A_619 : memref<1x120x32xf32, #tpu.memory_space<vmem>> -> memref<120x32xf32, #tpu.memory_space<vmem>>
      %dma_wait3A_621 = arith.constant 0 : i32
      %dma_wait3A_622 = tpu.memref_slice %arg9[%add3A_255, %dma_wait3A_621] : memref<16x120xi32, #tpu.memory_space<vmem>> -> memref<1x120xi32, #tpu.memory_space<vmem>>
      %dma_wait3A_623 = tpu.memref_squeeze %dma_wait3A_622 : memref<1x120xi32, #tpu.memory_space<vmem>> -> memref<120xi32, #tpu.memory_space<vmem>>
      %dma_wait3A_624 = arith.constant 0 : i32
      %dma_wait3A_625 = arith.constant 0 : i32
      %dma_wait3A_626 = tpu.memref_slice %arg13[%dma_wait3A_624, %dma_wait3A_625] : memref<10112x32xf32, #tpu.memory_space<vmem_shared>> -> memref<10112x32xf32, #tpu.memory_space<vmem_shared>>
      tpu.wait_indirect_dma semaphore(%arg16 : memref<!tpu.dma_semaphore, #tpu.memory_space<semaphore_mem>>) src(%dma_wait3A_620 : memref<120x32xf32, #tpu.memory_space<vmem>>) dst(%dma_wait3A_626 : memref<10112x32xf32, #tpu.memory_space<vmem_shared>>)
      %dma_wait3A_627 = arith.constant 0 : i32
      %dma_wait3A_628 = arith.constant 0 : i32
      %dma_wait3A_629 = arith.constant 0 : i32
      %dma_wait3A_630 = tpu.memref_slice %arg11[%dma_wait3A_627, %dma_wait3A_628, %dma_wait3A_629] : memref<8x120x32xf32, #tpu.memory_space<vmem>> -> memref<1x120x32xf32, #tpu.memory_space<vmem>>
      %dma_wait3A_631 = tpu.memref_squeeze %dma_wait3A_630 : memref<1x120x32xf32, #tpu.memory_space<vmem>> -> memref<120x32xf32, #tpu.memory_space<vmem>>
      %dma_wait3A_632 = arith.constant 0 : i32
      %dma_wait3A_633 = tpu.memref_slice %arg9[%add3A_268, %dma_wait3A_632] : memref<16x120xi32, #tpu.memory_space<vmem>> -> memref<1x120xi32, #tpu.memory_space<vmem>>
      %dma_wait3A_634 = tpu.memref_squeeze %dma_wait3A_633 : memref<1x120xi32, #tpu.memory_space<vmem>> -> memref<120xi32, #tpu.memory_space<vmem>>
      %dma_wait3A_635 = arith.constant 0 : i32
      %dma_wait3A_636 = arith.constant 0 : i32
      %dma_wait3A_637 = tpu.memref_slice %arg14[%dma_wait3A_635, %dma_wait3A_636] : memref<10112x32xf32, #tpu.memory_space<vmem_shared>> -> memref<10112x32xf32, #tpu.memory_space<vmem_shared>>
      tpu.wait_indirect_dma semaphore(%arg16 : memref<!tpu.dma_semaphore, #tpu.memory_space<semaphore_mem>>) src(%dma_wait3A_631 : memref<120x32xf32, #tpu.memory_space<vmem>>) dst(%dma_wait3A_637 : memref<10112x32xf32, #tpu.memory_space<vmem_shared>>)
      %dma_wait3A_638 = arith.constant 1 : i32
      %dma_wait3A_639 = arith.constant 0 : i32
      %dma_wait3A_640 = arith.constant 0 : i32
      %dma_wait3A_641 = tpu.memref_slice %arg10[%dma_wait3A_638, %dma_wait3A_639, %dma_wait3A_640] : memref<8x120x32xf32, #tpu.memory_space<vmem>> -> memref<1x120x32xf32, #tpu.memory_space<vmem>>
      %dma_wait3A_642 = tpu.memref_squeeze %dma_wait3A_641 : memref<1x120x32xf32, #tpu.memory_space<vmem>> -> memref<120x32xf32, #tpu.memory_space<vmem>>
      %dma_wait3A_643 = arith.constant 0 : i32
      %dma_wait3A_644 = tpu.memref_slice %arg9[%add3A_303, %dma_wait3A_643] : memref<16x120xi32, #tpu.memory_space<vmem>> -> memref<1x120xi32, #tpu.memory_space<vmem>>
      %dma_wait3A_645 = tpu.memref_squeeze %dma_wait3A_644 : memref<1x120xi32, #tpu.memory_space<vmem>> -> memref<120xi32, #tpu.memory_space<vmem>>
      %dma_wait3A_646 = arith.constant 0 : i32
      %dma_wait3A_647 = arith.constant 0 : i32
      %dma_wait3A_648 = tpu.memref_slice %arg13[%dma_wait3A_646, %dma_wait3A_647] : memref<10112x32xf32, #tpu.memory_space<vmem_shared>> -> memref<10112x32xf32, #tpu.memory_space<vmem_shared>>
      tpu.wait_indirect_dma semaphore(%arg16 : memref<!tpu.dma_semaphore, #tpu.memory_space<semaphore_mem>>) src(%dma_wait3A_642 : memref<120x32xf32, #tpu.memory_space<vmem>>) dst(%dma_wait3A_648 : memref<10112x32xf32, #tpu.memory_space<vmem_shared>>)
      %dma_wait3A_649 = arith.constant 1 : i32
      %dma_wait3A_650 = arith.constant 0 : i32
      %dma_wait3A_651 = arith.constant 0 : i32
      %dma_wait3A_652 = tpu.memref_slice %arg11[%dma_wait3A_649, %dma_wait3A_650, %dma_wait3A_651] : memref<8x120x32xf32, #tpu.memory_space<vmem>> -> memref<1x120x32xf32, #tpu.memory_space<vmem>>
      %dma_wait3A_653 = tpu.memref_squeeze %dma_wait3A_652 : memref<1x120x32xf32, #tpu.memory_space<vmem>> -> memref<120x32xf32, #tpu.memory_space<vmem>>
      %dma_wait3A_654 = arith.constant 0 : i32
      %dma_wait3A_655 = tpu.memref_slice %arg9[%add3A_316, %dma_wait3A_654] : memref<16x120xi32, #tpu.memory_space<vmem>> -> memref<1x120xi32, #tpu.memory_space<vmem>>
      %dma_wait3A_656 = tpu.memref_squeeze %dma_wait3A_655 : memref<1x120xi32, #tpu.memory_space<vmem>> -> memref<120xi32, #tpu.memory_space<vmem>>
      %dma_wait3A_657 = arith.constant 0 : i32
      %dma_wait3A_658 = arith.constant 0 : i32
      %dma_wait3A_659 = tpu.memref_slice %arg14[%dma_wait3A_657, %dma_wait3A_658] : memref<10112x32xf32, #tpu.memory_space<vmem_shared>> -> memref<10112x32xf32, #tpu.memory_space<vmem_shared>>
      tpu.wait_indirect_dma semaphore(%arg16 : memref<!tpu.dma_semaphore, #tpu.memory_space<semaphore_mem>>) src(%dma_wait3A_653 : memref<120x32xf32, #tpu.memory_space<vmem>>) dst(%dma_wait3A_659 : memref<10112x32xf32, #tpu.memory_space<vmem_shared>>)
      %dma_wait3A_660 = arith.constant 2 : i32
      %dma_wait3A_661 = arith.constant 0 : i32
      %dma_wait3A_662 = arith.constant 0 : i32
      %dma_wait3A_663 = tpu.memref_slice %arg10[%dma_wait3A_660, %dma_wait3A_661, %dma_wait3A_662] : memref<8x120x32xf32, #tpu.memory_space<vmem>> -> memref<1x120x32xf32, #tpu.memory_space<vmem>>
      %dma_wait3A_664 = tpu.memref_squeeze %dma_wait3A_663 : memref<1x120x32xf32, #tpu.memory_space<vmem>> -> memref<120x32xf32, #tpu.memory_space<vmem>>
      %dma_wait3A_665 = arith.constant 0 : i32
      %dma_wait3A_666 = tpu.memref_slice %arg9[%add3A_351, %dma_wait3A_665] : memref<16x120xi32, #tpu.memory_space<vmem>> -> memref<1x120xi32, #tpu.memory_space<vmem>>
      %dma_wait3A_667 = tpu.memref_squeeze %dma_wait3A_666 : memref<1x120xi32, #tpu.memory_space<vmem>> -> memref<120xi32, #tpu.memory_space<vmem>>
      %dma_wait3A_668 = arith.constant 0 : i32
      %dma_wait3A_669 = arith.constant 0 : i32
      %dma_wait3A_670 = tpu.memref_slice %arg13[%dma_wait3A_668, %dma_wait3A_669] : memref<10112x32xf32, #tpu.memory_space<vmem_shared>> -> memref<10112x32xf32, #tpu.memory_space<vmem_shared>>
      tpu.wait_indirect_dma semaphore(%arg16 : memref<!tpu.dma_semaphore, #tpu.memory_space<semaphore_mem>>) src(%dma_wait3A_664 : memref<120x32xf32, #tpu.memory_space<vmem>>) dst(%dma_wait3A_670 : memref<10112x32xf32, #tpu.memory_space<vmem_shared>>)
      %dma_wait3A_671 = arith.constant 2 : i32
      %dma_wait3A_672 = arith.constant 0 : i32
      %dma_wait3A_673 = arith.constant 0 : i32
      %dma_wait3A_674 = tpu.memref_slice %arg11[%dma_wait3A_671, %dma_wait3A_672, %dma_wait3A_673] : memref<8x120x32xf32, #tpu.memory_space<vmem>> -> memref<1x120x32xf32, #tpu.memory_space<vmem>>
      %dma_wait3A_675 = tpu.memref_squeeze %dma_wait3A_674 : memref<1x120x32xf32, #tpu.memory_space<vmem>> -> memref<120x32xf32, #tpu.memory_space<vmem>>
      %dma_wait3A_676 = arith.constant 0 : i32
      %dma_wait3A_677 = tpu.memref_slice %arg9[%add3A_364, %dma_wait3A_676] : memref<16x120xi32, #tpu.memory_space<vmem>> -> memref<1x120xi32, #tpu.memory_space<vmem>>
      %dma_wait3A_678 = tpu.memref_squeeze %dma_wait3A_677 : memref<1x120xi32, #tpu.memory_space<vmem>> -> memref<120xi32, #tpu.memory_space<vmem>>
      %dma_wait3A_679 = arith.constant 0 : i32
      %dma_wait3A_680 = arith.constant 0 : i32
      %dma_wait3A_681 = tpu.memref_slice %arg14[%dma_wait3A_679, %dma_wait3A_680] : memref<10112x32xf32, #tpu.memory_space<vmem_shared>> -> memref<10112x32xf32, #tpu.memory_space<vmem_shared>>
      tpu.wait_indirect_dma semaphore(%arg16 : memref<!tpu.dma_semaphore, #tpu.memory_space<semaphore_mem>>) src(%dma_wait3A_675 : memref<120x32xf32, #tpu.memory_space<vmem>>) dst(%dma_wait3A_681 : memref<10112x32xf32, #tpu.memory_space<vmem_shared>>)
      %dma_wait3A_682 = arith.constant 3 : i32
      %dma_wait3A_683 = arith.constant 0 : i32
      %dma_wait3A_684 = arith.constant 0 : i32
      %dma_wait3A_685 = tpu.memref_slice %arg10[%dma_wait3A_682, %dma_wait3A_683, %dma_wait3A_684] : memref<8x120x32xf32, #tpu.memory_space<vmem>> -> memref<1x120x32xf32, #tpu.memory_space<vmem>>
      %dma_wait3A_686 = tpu.memref_squeeze %dma_wait3A_685 : memref<1x120x32xf32, #tpu.memory_space<vmem>> -> memref<120x32xf32, #tpu.memory_space<vmem>>
      %dma_wait3A_687 = arith.constant 0 : i32
      %dma_wait3A_688 = tpu.memref_slice %arg9[%add3A_399, %dma_wait3A_687] : memref<16x120xi32, #tpu.memory_space<vmem>> -> memref<1x120xi32, #tpu.memory_space<vmem>>
      %dma_wait3A_689 = tpu.memref_squeeze %dma_wait3A_688 : memref<1x120xi32, #tpu.memory_space<vmem>> -> memref<120xi32, #tpu.memory_space<vmem>>
      %dma_wait3A_690 = arith.constant 0 : i32
      %dma_wait3A_691 = arith.constant 0 : i32
      %dma_wait3A_692 = tpu.memref_slice %arg13[%dma_wait3A_690, %dma_wait3A_691] : memref<10112x32xf32, #tpu.memory_space<vmem_shared>> -> memref<10112x32xf32, #tpu.memory_space<vmem_shared>>
      tpu.wait_indirect_dma semaphore(%arg16 : memref<!tpu.dma_semaphore, #tpu.memory_space<semaphore_mem>>) src(%dma_wait3A_686 : memref<120x32xf32, #tpu.memory_space<vmem>>) dst(%dma_wait3A_692 : memref<10112x32xf32, #tpu.memory_space<vmem_shared>>)
      %dma_wait3A_693 = arith.constant 3 : i32
      %dma_wait3A_694 = arith.constant 0 : i32
      %dma_wait3A_695 = arith.constant 0 : i32
      %dma_wait3A_696 = tpu.memref_slice %arg11[%dma_wait3A_693, %dma_wait3A_694, %dma_wait3A_695] : memref<8x120x32xf32, #tpu.memory_space<vmem>> -> memref<1x120x32xf32, #tpu.memory_space<vmem>>
      %dma_wait3A_697 = tpu.memref_squeeze %dma_wait3A_696 : memref<1x120x32xf32, #tpu.memory_space<vmem>> -> memref<120x32xf32, #tpu.memory_space<vmem>>
      %dma_wait3A_698 = arith.constant 0 : i32
      %dma_wait3A_699 = tpu.memref_slice %arg9[%add3A_412, %dma_wait3A_698] : memref<16x120xi32, #tpu.memory_space<vmem>> -> memref<1x120xi32, #tpu.memory_space<vmem>>
      %dma_wait3A_700 = tpu.memref_squeeze %dma_wait3A_699 : memref<1x120xi32, #tpu.memory_space<vmem>> -> memref<120xi32, #tpu.memory_space<vmem>>
      %dma_wait3A_701 = arith.constant 0 : i32
      %dma_wait3A_702 = arith.constant 0 : i32
      %dma_wait3A_703 = tpu.memref_slice %arg14[%dma_wait3A_701, %dma_wait3A_702] : memref<10112x32xf32, #tpu.memory_space<vmem_shared>> -> memref<10112x32xf32, #tpu.memory_space<vmem_shared>>
      tpu.wait_indirect_dma semaphore(%arg16 : memref<!tpu.dma_semaphore, #tpu.memory_space<semaphore_mem>>) src(%dma_wait3A_697 : memref<120x32xf32, #tpu.memory_space<vmem>>) dst(%dma_wait3A_703 : memref<10112x32xf32, #tpu.memory_space<vmem_shared>>)
      %dma_wait3A_704 = arith.constant 4 : i32
      %dma_wait3A_705 = arith.constant 0 : i32
      %dma_wait3A_706 = arith.constant 0 : i32
      %dma_wait3A_707 = tpu.memref_slice %arg10[%dma_wait3A_704, %dma_wait3A_705, %dma_wait3A_706] : memref<8x120x32xf32, #tpu.memory_space<vmem>> -> memref<1x120x32xf32, #tpu.memory_space<vmem>>
      %dma_wait3A_708 = tpu.memref_squeeze %dma_wait3A_707 : memref<1x120x32xf32, #tpu.memory_space<vmem>> -> memref<120x32xf32, #tpu.memory_space<vmem>>
      %dma_wait3A_709 = arith.constant 0 : i32
      %dma_wait3A_710 = tpu.memref_slice %arg9[%add3A_447, %dma_wait3A_709] : memref<16x120xi32, #tpu.memory_space<vmem>> -> memref<1x120xi32, #tpu.memory_space<vmem>>
      %dma_wait3A_711 = tpu.memref_squeeze %dma_wait3A_710 : memref<1x120xi32, #tpu.memory_space<vmem>> -> memref<120xi32, #tpu.memory_space<vmem>>
      %dma_wait3A_712 = arith.constant 0 : i32
      %dma_wait3A_713 = arith.constant 0 : i32
      %dma_wait3A_714 = tpu.memref_slice %arg13[%dma_wait3A_712, %dma_wait3A_713] : memref<10112x32xf32, #tpu.memory_space<vmem_shared>> -> memref<10112x32xf32, #tpu.memory_space<vmem_shared>>
      tpu.wait_indirect_dma semaphore(%arg16 : memref<!tpu.dma_semaphore, #tpu.memory_space<semaphore_mem>>) src(%dma_wait3A_708 : memref<120x32xf32, #tpu.memory_space<vmem>>) dst(%dma_wait3A_714 : memref<10112x32xf32, #tpu.memory_space<vmem_shared>>)
      %dma_wait3A_715 = arith.constant 4 : i32
      %dma_wait3A_716 = arith.constant 0 : i32
      %dma_wait3A_717 = arith.constant 0 : i32
      %dma_wait3A_718 = tpu.memref_slice %arg11[%dma_wait3A_715, %dma_wait3A_716, %dma_wait3A_717] : memref<8x120x32xf32, #tpu.memory_space<vmem>> -> memref<1x120x32xf32, #tpu.memory_space<vmem>>
      %dma_wait3A_719 = tpu.memref_squeeze %dma_wait3A_718 : memref<1x120x32xf32, #tpu.memory_space<vmem>> -> memref<120x32xf32, #tpu.memory_space<vmem>>
      %dma_wait3A_720 = arith.constant 0 : i32
      %dma_wait3A_721 = tpu.memref_slice %arg9[%add3A_460, %dma_wait3A_720] : memref<16x120xi32, #tpu.memory_space<vmem>> -> memref<1x120xi32, #tpu.memory_space<vmem>>
      %dma_wait3A_722 = tpu.memref_squeeze %dma_wait3A_721 : memref<1x120xi32, #tpu.memory_space<vmem>> -> memref<120xi32, #tpu.memory_space<vmem>>
      %dma_wait3A_723 = arith.constant 0 : i32
      %dma_wait3A_724 = arith.constant 0 : i32
      %dma_wait3A_725 = tpu.memref_slice %arg14[%dma_wait3A_723, %dma_wait3A_724] : memref<10112x32xf32, #tpu.memory_space<vmem_shared>> -> memref<10112x32xf32, #tpu.memory_space<vmem_shared>>
      tpu.wait_indirect_dma semaphore(%arg16 : memref<!tpu.dma_semaphore, #tpu.memory_space<semaphore_mem>>) src(%dma_wait3A_719 : memref<120x32xf32, #tpu.memory_space<vmem>>) dst(%dma_wait3A_725 : memref<10112x32xf32, #tpu.memory_space<vmem_shared>>)
      %dma_wait3A_726 = arith.constant 5 : i32
      %dma_wait3A_727 = arith.constant 0 : i32
      %dma_wait3A_728 = arith.constant 0 : i32
      %dma_wait3A_729 = tpu.memref_slice %arg10[%dma_wait3A_726, %dma_wait3A_727, %dma_wait3A_728] : memref<8x120x32xf32, #tpu.memory_space<vmem>> -> memref<1x120x32xf32, #tpu.memory_space<vmem>>
      %dma_wait3A_730 = tpu.memref_squeeze %dma_wait3A_729 : memref<1x120x32xf32, #tpu.memory_space<vmem>> -> memref<120x32xf32, #tpu.memory_space<vmem>>
      %dma_wait3A_731 = arith.constant 0 : i32
      %dma_wait3A_732 = tpu.memref_slice %arg9[%add3A_495, %dma_wait3A_731] : memref<16x120xi32, #tpu.memory_space<vmem>> -> memref<1x120xi32, #tpu.memory_space<vmem>>
      %dma_wait3A_733 = tpu.memref_squeeze %dma_wait3A_732 : memref<1x120xi32, #tpu.memory_space<vmem>> -> memref<120xi32, #tpu.memory_space<vmem>>
      %dma_wait3A_734 = arith.constant 0 : i32
      %dma_wait3A_735 = arith.constant 0 : i32
      %dma_wait3A_736 = tpu.memref_slice %arg13[%dma_wait3A_734, %dma_wait3A_735] : memref<10112x32xf32, #tpu.memory_space<vmem_shared>> -> memref<10112x32xf32, #tpu.memory_space<vmem_shared>>
      tpu.wait_indirect_dma semaphore(%arg16 : memref<!tpu.dma_semaphore, #tpu.memory_space<semaphore_mem>>) src(%dma_wait3A_730 : memref<120x32xf32, #tpu.memory_space<vmem>>) dst(%dma_wait3A_736 : memref<10112x32xf32, #tpu.memory_space<vmem_shared>>)
      %dma_wait3A_737 = arith.constant 5 : i32
      %dma_wait3A_738 = arith.constant 0 : i32
      %dma_wait3A_739 = arith.constant 0 : i32
      %dma_wait3A_740 = tpu.memref_slice %arg11[%dma_wait3A_737, %dma_wait3A_738, %dma_wait3A_739] : memref<8x120x32xf32, #tpu.memory_space<vmem>> -> memref<1x120x32xf32, #tpu.memory_space<vmem>>
      %dma_wait3A_741 = tpu.memref_squeeze %dma_wait3A_740 : memref<1x120x32xf32, #tpu.memory_space<vmem>> -> memref<120x32xf32, #tpu.memory_space<vmem>>
      %dma_wait3A_742 = arith.constant 0 : i32
      %dma_wait3A_743 = tpu.memref_slice %arg9[%add3A_508, %dma_wait3A_742] : memref<16x120xi32, #tpu.memory_space<vmem>> -> memref<1x120xi32, #tpu.memory_space<vmem>>
      %dma_wait3A_744 = tpu.memref_squeeze %dma_wait3A_743 : memref<1x120xi32, #tpu.memory_space<vmem>> -> memref<120xi32, #tpu.memory_space<vmem>>
      %dma_wait3A_745 = arith.constant 0 : i32
      %dma_wait3A_746 = arith.constant 0 : i32
      %dma_wait3A_747 = tpu.memref_slice %arg14[%dma_wait3A_745, %dma_wait3A_746] : memref<10112x32xf32, #tpu.memory_space<vmem_shared>> -> memref<10112x32xf32, #tpu.memory_space<vmem_shared>>
      tpu.wait_indirect_dma semaphore(%arg16 : memref<!tpu.dma_semaphore, #tpu.memory_space<semaphore_mem>>) src(%dma_wait3A_741 : memref<120x32xf32, #tpu.memory_space<vmem>>) dst(%dma_wait3A_747 : memref<10112x32xf32, #tpu.memory_space<vmem_shared>>)
      %dma_wait3A_748 = arith.constant 6 : i32
      %dma_wait3A_749 = arith.constant 0 : i32
      %dma_wait3A_750 = arith.constant 0 : i32
      %dma_wait3A_751 = tpu.memref_slice %arg10[%dma_wait3A_748, %dma_wait3A_749, %dma_wait3A_750] : memref<8x120x32xf32, #tpu.memory_space<vmem>> -> memref<1x120x32xf32, #tpu.memory_space<vmem>>
      %dma_wait3A_752 = tpu.memref_squeeze %dma_wait3A_751 : memref<1x120x32xf32, #tpu.memory_space<vmem>> -> memref<120x32xf32, #tpu.memory_space<vmem>>
      %dma_wait3A_753 = arith.constant 0 : i32
      %dma_wait3A_754 = tpu.memref_slice %arg9[%add3A_543, %dma_wait3A_753] : memref<16x120xi32, #tpu.memory_space<vmem>> -> memref<1x120xi32, #tpu.memory_space<vmem>>
      %dma_wait3A_755 = tpu.memref_squeeze %dma_wait3A_754 : memref<1x120xi32, #tpu.memory_space<vmem>> -> memref<120xi32, #tpu.memory_space<vmem>>
      %dma_wait3A_756 = arith.constant 0 : i32
      %dma_wait3A_757 = arith.constant 0 : i32
      %dma_wait3A_758 = tpu.memref_slice %arg13[%dma_wait3A_756, %dma_wait3A_757] : memref<10112x32xf32, #tpu.memory_space<vmem_shared>> -> memref<10112x32xf32, #tpu.memory_space<vmem_shared>>
      tpu.wait_indirect_dma semaphore(%arg16 : memref<!tpu.dma_semaphore, #tpu.memory_space<semaphore_mem>>) src(%dma_wait3A_752 : memref<120x32xf32, #tpu.memory_space<vmem>>) dst(%dma_wait3A_758 : memref<10112x32xf32, #tpu.memory_space<vmem_shared>>)
      %dma_wait3A_759 = arith.constant 6 : i32
      %dma_wait3A_760 = arith.constant 0 : i32
      %dma_wait3A_761 = arith.constant 0 : i32
      %dma_wait3A_762 = tpu.memref_slice %arg11[%dma_wait3A_759, %dma_wait3A_760, %dma_wait3A_761] : memref<8x120x32xf32, #tpu.memory_space<vmem>> -> memref<1x120x32xf32, #tpu.memory_space<vmem>>
      %dma_wait3A_763 = tpu.memref_squeeze %dma_wait3A_762 : memref<1x120x32xf32, #tpu.memory_space<vmem>> -> memref<120x32xf32, #tpu.memory_space<vmem>>
      %dma_wait3A_764 = arith.constant 0 : i32
      %dma_wait3A_765 = tpu.memref_slice %arg9[%add3A_556, %dma_wait3A_764] : memref<16x120xi32, #tpu.memory_space<vmem>> -> memref<1x120xi32, #tpu.memory_space<vmem>>
      %dma_wait3A_766 = tpu.memref_squeeze %dma_wait3A_765 : memref<1x120xi32, #tpu.memory_space<vmem>> -> memref<120xi32, #tpu.memory_space<vmem>>
      %dma_wait3A_767 = arith.constant 0 : i32
      %dma_wait3A_768 = arith.constant 0 : i32
      %dma_wait3A_769 = tpu.memref_slice %arg14[%dma_wait3A_767, %dma_wait3A_768] : memref<10112x32xf32, #tpu.memory_space<vmem_shared>> -> memref<10112x32xf32, #tpu.memory_space<vmem_shared>>
      tpu.wait_indirect_dma semaphore(%arg16 : memref<!tpu.dma_semaphore, #tpu.memory_space<semaphore_mem>>) src(%dma_wait3A_763 : memref<120x32xf32, #tpu.memory_space<vmem>>) dst(%dma_wait3A_769 : memref<10112x32xf32, #tpu.memory_space<vmem_shared>>)
      %dma_wait3A_770 = arith.constant 7 : i32
      %dma_wait3A_771 = arith.constant 0 : i32
      %dma_wait3A_772 = arith.constant 0 : i32
      %dma_wait3A_773 = tpu.memref_slice %arg10[%dma_wait3A_770, %dma_wait3A_771, %dma_wait3A_772] : memref<8x120x32xf32, #tpu.memory_space<vmem>> -> memref<1x120x32xf32, #tpu.memory_space<vmem>>
      %dma_wait3A_774 = tpu.memref_squeeze %dma_wait3A_773 : memref<1x120x32xf32, #tpu.memory_space<vmem>> -> memref<120x32xf32, #tpu.memory_space<vmem>>
      %dma_wait3A_775 = arith.constant 0 : i32
      %dma_wait3A_776 = tpu.memref_slice %arg9[%add3A_591, %dma_wait3A_775] : memref<16x120xi32, #tpu.memory_space<vmem>> -> memref<1x120xi32, #tpu.memory_space<vmem>>
      %dma_wait3A_777 = tpu.memref_squeeze %dma_wait3A_776 : memref<1x120xi32, #tpu.memory_space<vmem>> -> memref<120xi32, #tpu.memory_space<vmem>>
      %dma_wait3A_778 = arith.constant 0 : i32
      %dma_wait3A_779 = arith.constant 0 : i32
      %dma_wait3A_780 = tpu.memref_slice %arg13[%dma_wait3A_778, %dma_wait3A_779] : memref<10112x32xf32, #tpu.memory_space<vmem_shared>> -> memref<10112x32xf32, #tpu.memory_space<vmem_shared>>
      tpu.wait_indirect_dma semaphore(%arg16 : memref<!tpu.dma_semaphore, #tpu.memory_space<semaphore_mem>>) src(%dma_wait3A_774 : memref<120x32xf32, #tpu.memory_space<vmem>>) dst(%dma_wait3A_780 : memref<10112x32xf32, #tpu.memory_space<vmem_shared>>)
      %dma_wait3A_781 = arith.constant 7 : i32
      %dma_wait3A_782 = arith.constant 0 : i32
      %dma_wait3A_783 = arith.constant 0 : i32
      %dma_wait3A_784 = tpu.memref_slice %arg11[%dma_wait3A_781, %dma_wait3A_782, %dma_wait3A_783] : memref<8x120x32xf32, #tpu.memory_space<vmem>> -> memref<1x120x32xf32, #tpu.memory_space<vmem>>
      %dma_wait3A_785 = tpu.memref_squeeze %dma_wait3A_784 : memref<1x120x32xf32, #tpu.memory_space<vmem>> -> memref<120x32xf32, #tpu.memory_space<vmem>>
      %dma_wait3A_786 = arith.constant 0 : i32
      %dma_wait3A_787 = tpu.memref_slice %arg9[%add3A_604, %dma_wait3A_786] : memref<16x120xi32, #tpu.memory_space<vmem>> -> memref<1x120xi32, #tpu.memory_space<vmem>>
      %dma_wait3A_788 = tpu.memref_squeeze %dma_wait3A_787 : memref<1x120xi32, #tpu.memory_space<vmem>> -> memref<120xi32, #tpu.memory_space<vmem>>
      %dma_wait3A_789 = arith.constant 0 : i32
      %dma_wait3A_790 = arith.constant 0 : i32
      %dma_wait3A_791 = tpu.memref_slice %arg14[%dma_wait3A_789, %dma_wait3A_790] : memref<10112x32xf32, #tpu.memory_space<vmem_shared>> -> memref<10112x32xf32, #tpu.memory_space<vmem_shared>>
      tpu.wait_indirect_dma semaphore(%arg16 : memref<!tpu.dma_semaphore, #tpu.memory_space<semaphore_mem>>) src(%dma_wait3A_785 : memref<120x32xf32, #tpu.memory_space<vmem>>) dst(%dma_wait3A_791 : memref<10112x32xf32, #tpu.memory_space<vmem_shared>>)
      %scan3A_792 = arith.constant 0 : i32
      scf.yield %scan3A_792 : i32
    }
    %scan3A_18 = arith.constant 2 : i32
    %barrier3A_19 = arith.constant 0 : index
    tpu.barrier barrier_id(%barrier3A_19)
    %mul3A_20 = arith.constant 632 : i32
    %mul3A_21 = arith.muli %arg1, %mul3A_20 : i32
    "tpu.region"() ({
      %run_scoped3A = tpu.sem_alloc : memref<!tpu.dma_semaphore, #tpu.memory_space<semaphore_mem>>
      %dma_start3A = arith.constant 0 : i32
      %dma_start3A_22 = tpu.memref_slice %arg6[%arg0, %mul3A_21, %dma_start3A] : memref<2x10112x32xf32, #tpu.memory_space<hbm>> -> memref<1x632x32xf32, #tpu.memory_space<hbm>>
      %dma_start3A_23 = tpu.memref_squeeze %dma_start3A_22 : memref<1x632x32xf32, #tpu.memory_space<hbm>> -> memref<632x32xf32, #tpu.memory_space<hbm>>
      %dma_start3A_24 = arith.constant 0 : i32
      %dma_start3A_25 = tpu.memref_slice %arg13[%mul3A_21, %dma_start3A_24] : memref<10112x32xf32, #tpu.memory_space<vmem_shared>> -> memref<632x32xf32, #tpu.memory_space<vmem_shared>>
      tpu.enqueue_dma source(%dma_start3A_25 : memref<632x32xf32, #tpu.memory_space<vmem_shared>>) target(%dma_start3A_23 : memref<632x32xf32, #tpu.memory_space<hbm>>) target_semaphore(%run_scoped3A : memref<!tpu.dma_semaphore, #tpu.memory_space<semaphore_mem>>)
      %dma_wait3A = arith.constant 0 : i32
      %dma_wait3A_26 = tpu.memref_slice %arg6[%arg0, %mul3A_21, %dma_wait3A] : memref<2x10112x32xf32, #tpu.memory_space<hbm>> -> memref<1x632x32xf32, #tpu.memory_space<hbm>>
      %dma_wait3A_27 = tpu.memref_squeeze %dma_wait3A_26 : memref<1x632x32xf32, #tpu.memory_space<hbm>> -> memref<632x32xf32, #tpu.memory_space<hbm>>
      %dma_wait3A_28 = arith.constant 0 : i32
      %dma_wait3A_29 = tpu.memref_slice %arg13[%mul3A_21, %dma_wait3A_28] : memref<10112x32xf32, #tpu.memory_space<vmem_shared>> -> memref<632x32xf32, #tpu.memory_space<vmem_shared>>
      tpu.wait_dma2 semaphore(%run_scoped3A : memref<!tpu.dma_semaphore, #tpu.memory_space<semaphore_mem>>) src(%dma_wait3A_29 : memref<632x32xf32, #tpu.memory_space<vmem_shared>>) dst(%dma_wait3A_27 : memref<632x32xf32, #tpu.memory_space<hbm>>)
      tpu.yield
    }) : () -> ()
    "tpu.region"() ({
      %run_scoped3A = tpu.sem_alloc : memref<!tpu.dma_semaphore, #tpu.memory_space<semaphore_mem>>
      %dma_start3A = arith.constant 0 : i32
      %dma_start3A_22 = tpu.memref_slice %arg7[%arg0, %mul3A_21, %dma_start3A] : memref<2x10112x32xf32, #tpu.memory_space<hbm>> -> memref<1x632x32xf32, #tpu.memory_space<hbm>>
      %dma_start3A_23 = tpu.memref_squeeze %dma_start3A_22 : memref<1x632x32xf32, #tpu.memory_space<hbm>> -> memref<632x32xf32, #tpu.memory_space<hbm>>
      %dma_start3A_24 = arith.constant 0 : i32
      %dma_start3A_25 = tpu.memref_slice %arg14[%mul3A_21, %dma_start3A_24] : memref<10112x32xf32, #tpu.memory_space<vmem_shared>> -> memref<632x32xf32, #tpu.memory_space<vmem_shared>>
      tpu.enqueue_dma source(%dma_start3A_25 : memref<632x32xf32, #tpu.memory_space<vmem_shared>>) target(%dma_start3A_23 : memref<632x32xf32, #tpu.memory_space<hbm>>) target_semaphore(%run_scoped3A : memref<!tpu.dma_semaphore, #tpu.memory_space<semaphore_mem>>)
      %dma_wait3A = arith.constant 0 : i32
      %dma_wait3A_26 = tpu.memref_slice %arg7[%arg0, %mul3A_21, %dma_wait3A] : memref<2x10112x32xf32, #tpu.memory_space<hbm>> -> memref<1x632x32xf32, #tpu.memory_space<hbm>>
      %dma_wait3A_27 = tpu.memref_squeeze %dma_wait3A_26 : memref<1x632x32xf32, #tpu.memory_space<hbm>> -> memref<632x32xf32, #tpu.memory_space<hbm>>
      %dma_wait3A_28 = arith.constant 0 : i32
      %dma_wait3A_29 = tpu.memref_slice %arg14[%mul3A_21, %dma_wait3A_28] : memref<10112x32xf32, #tpu.memory_space<vmem_shared>> -> memref<632x32xf32, #tpu.memory_space<vmem_shared>>
      tpu.wait_dma2 semaphore(%run_scoped3A : memref<!tpu.dma_semaphore, #tpu.memory_space<semaphore_mem>>) src(%dma_wait3A_29 : memref<632x32xf32, #tpu.memory_space<vmem_shared>>) dst(%dma_wait3A_27 : memref<632x32xf32, #tpu.memory_space<hbm>>)
      tpu.yield
    }) : () -> ()
    return
  }
}

#map = affine_map<(d0, d1) -> (0, 0)>
#map1 = affine_map<(d0, d1) -> (0, 0, 0)>
module attributes {stable_mosaic.version = 14 : i64} {
  func.func @k(%arg0: i32, %arg1: i32, %arg2: memref<10000x16xf32, #tpu.memory_space<hbm>>, %arg3: memref<32x16x120xi32, #tpu.memory_space<hbm>>, %arg4: memref<32x16x120xi32, #tpu.memory_space<hbm>>, %arg5: memref<2x10112x16xf32, #tpu.memory_space<hbm>>, %arg6: memref<2x10112x16xf32, #tpu.memory_space<hbm>>, %arg7: memref<16x120xi32, #tpu.memory_space<vmem>>, %arg8: memref<16x120xi32, #tpu.memory_space<vmem>>, %arg9: memref<8x120x16xf32, #tpu.memory_space<vmem>>, %arg10: memref<632x16xf32, #tpu.memory_space<vmem>>, %arg11: memref<10112x16xf32, #tpu.memory_space<vmem_shared>>, %arg12: memref<!tpu.dma_semaphore, #tpu.memory_space<semaphore_mem>>, %arg13: memref<!tpu.dma_semaphore, #tpu.memory_space<semaphore_mem>>, %arg14: memref<120x16xf32, #tpu.memory_space<vmem>>, %arg15: memref<632x16xf32, #tpu.memory_space<vmem>>, %arg16: memref<10112x16xf32, #tpu.memory_space<vmem_shared>>) attributes {dimension_semantics = [#tpu.dimension_semantics<core_parallel>, #tpu.dimension_semantics<subcore_parallel>], iteration_bounds = array<i64: 2, 16>, scalar_prefetch = 0 : i64, scratch_operands = 10 : i64, tpu.core_type = #tpu.core_type<sc_vector_subcore>, window_params = [{transform_indices = #map}, {transform_indices = #map1}, {transform_indices = #map1}, {transform_indices = #map1}, {transform_indices = #map1}]} {
    %mul3A = arith.constant 16 : i32
    %mul3A_0 = arith.muli %arg0, %mul3A : i32
    %add3A = arith.addi %mul3A_0, %arg1 : i32
    %broadcast_in_dim3A = arith.constant 0.000000e+00 : f32
    %broadcast_in_dim3A_1 = vector.broadcast %broadcast_in_dim3A : f32 to vector<16xf32>
    %broadcast_in_dim3A_2 = arith.constant 1.000000e+00 : f32
    %broadcast_in_dim3A_3 = vector.broadcast %broadcast_in_dim3A_2 : f32 to vector<16xf32>
    %scan3A = arith.constant 0 : i32
    %scan3A_4 = arith.constant 0 : i32
    %scan3A_5 = arith.constant 79 : i32
    %scan3A_6 = arith.addi %scan3A_4, %scan3A_5 : i32
    %scan3A_7 = arith.constant 1 : i32
    %scan3A_8 = scf.for %scan3A_31 = %scan3A_4 to %scan3A_6 step %scan3A_7 iter_args(%scan3A_32 = %scan3A) -> (i32)  : i32 {
      %mul3A_33 = arith.constant 8 : i32
      %mul3A_34 = arith.muli %mul3A_33, %scan3A_31 : i32
      %add3A_35 = arith.constant 0 : i32
      %add3A_36 = arith.addi %mul3A_34, %add3A_35 : i32
      %swap3A = arith.index_cast %add3A_36 : i32 to index
      %swap3A_37 = arith.constant 0 : index
      %swap3A_38 = tpu.vector_load %arg10[%swap3A, %swap3A_37] {strides = array<i32>} : memref<632x16xf32, #tpu.memory_space<vmem>>, vector<16xf32>,
      tpu.vector_store %arg10[%swap3A, %swap3A_37], %broadcast_in_dim3A_1 {strides = array<i32>} : memref<632x16xf32, #tpu.memory_space<vmem>>, vector<16xf32>,
      %mul3A_39 = arith.constant 8 : i32
      %mul3A_40 = arith.muli %mul3A_39, %scan3A_31 : i32
      %add3A_41 = arith.constant 0 : i32
      %add3A_42 = arith.addi %mul3A_40, %add3A_41 : i32
      %swap3A_43 = arith.index_cast %add3A_42 : i32 to index
      %swap3A_44 = arith.constant 0 : index
      %swap3A_45 = tpu.vector_load %arg15[%swap3A_43, %swap3A_44] {strides = array<i32>} : memref<632x16xf32, #tpu.memory_space<vmem>>, vector<16xf32>,
      tpu.vector_store %arg15[%swap3A_43, %swap3A_44], %broadcast_in_dim3A_1 {strides = array<i32>} : memref<632x16xf32, #tpu.memory_space<vmem>>, vector<16xf32>,
      %mul3A_46 = arith.constant 8 : i32
      %mul3A_47 = arith.muli %mul3A_46, %scan3A_31 : i32
      %add3A_48 = arith.constant 1 : i32
      %add3A_49 = arith.addi %mul3A_47, %add3A_48 : i32
      %swap3A_50 = arith.index_cast %add3A_49 : i32 to index
      %swap3A_51 = arith.constant 0 : index
      %swap3A_52 = tpu.vector_load %arg10[%swap3A_50, %swap3A_51] {strides = array<i32>} : memref<632x16xf32, #tpu.memory_space<vmem>>, vector<16xf32>,
      tpu.vector_store %arg10[%swap3A_50, %swap3A_51], %broadcast_in_dim3A_1 {strides = array<i32>} : memref<632x16xf32, #tpu.memory_space<vmem>>, vector<16xf32>,
      %mul3A_53 = arith.constant 8 : i32
      %mul3A_54 = arith.muli %mul3A_53, %scan3A_31 : i32
      %add3A_55 = arith.constant 1 : i32
      %add3A_56 = arith.addi %mul3A_54, %add3A_55 : i32
      %swap3A_57 = arith.index_cast %add3A_56 : i32 to index
      %swap3A_58 = arith.constant 0 : index
      %swap3A_59 = tpu.vector_load %arg15[%swap3A_57, %swap3A_58] {strides = array<i32>} : memref<632x16xf32, #tpu.memory_space<vmem>>, vector<16xf32>,
      tpu.vector_store %arg15[%swap3A_57, %swap3A_58], %broadcast_in_dim3A_1 {strides = array<i32>} : memref<632x16xf32, #tpu.memory_space<vmem>>, vector<16xf32>,
      %mul3A_60 = arith.constant 8 : i32
      %mul3A_61 = arith.muli %mul3A_60, %scan3A_31 : i32
      %add3A_62 = arith.constant 2 : i32
      %add3A_63 = arith.addi %mul3A_61, %add3A_62 : i32
      %swap3A_64 = arith.index_cast %add3A_63 : i32 to index
      %swap3A_65 = arith.constant 0 : index
      %swap3A_66 = tpu.vector_load %arg10[%swap3A_64, %swap3A_65] {strides = array<i32>} : memref<632x16xf32, #tpu.memory_space<vmem>>, vector<16xf32>,
      tpu.vector_store %arg10[%swap3A_64, %swap3A_65], %broadcast_in_dim3A_1 {strides = array<i32>} : memref<632x16xf32, #tpu.memory_space<vmem>>, vector<16xf32>,
      %mul3A_67 = arith.constant 8 : i32
      %mul3A_68 = arith.muli %mul3A_67, %scan3A_31 : i32
      %add3A_69 = arith.constant 2 : i32
      %add3A_70 = arith.addi %mul3A_68, %add3A_69 : i32
      %swap3A_71 = arith.index_cast %add3A_70 : i32 to index
      %swap3A_72 = arith.constant 0 : index
      %swap3A_73 = tpu.vector_load %arg15[%swap3A_71, %swap3A_72] {strides = array<i32>} : memref<632x16xf32, #tpu.memory_space<vmem>>, vector<16xf32>,
      tpu.vector_store %arg15[%swap3A_71, %swap3A_72], %broadcast_in_dim3A_1 {strides = array<i32>} : memref<632x16xf32, #tpu.memory_space<vmem>>, vector<16xf32>,
      %mul3A_74 = arith.constant 8 : i32
      %mul3A_75 = arith.muli %mul3A_74, %scan3A_31 : i32
      %add3A_76 = arith.constant 3 : i32
      %add3A_77 = arith.addi %mul3A_75, %add3A_76 : i32
      %swap3A_78 = arith.index_cast %add3A_77 : i32 to index
      %swap3A_79 = arith.constant 0 : index
      %swap3A_80 = tpu.vector_load %arg10[%swap3A_78, %swap3A_79] {strides = array<i32>} : memref<632x16xf32, #tpu.memory_space<vmem>>, vector<16xf32>,
      tpu.vector_store %arg10[%swap3A_78, %swap3A_79], %broadcast_in_dim3A_1 {strides = array<i32>} : memref<632x16xf32, #tpu.memory_space<vmem>>, vector<16xf32>,
      %mul3A_81 = arith.constant 8 : i32
      %mul3A_82 = arith.muli %mul3A_81, %scan3A_31 : i32
      %add3A_83 = arith.constant 3 : i32
      %add3A_84 = arith.addi %mul3A_82, %add3A_83 : i32
      %swap3A_85 = arith.index_cast %add3A_84 : i32 to index
      %swap3A_86 = arith.constant 0 : index
      %swap3A_87 = tpu.vector_load %arg15[%swap3A_85, %swap3A_86] {strides = array<i32>} : memref<632x16xf32, #tpu.memory_space<vmem>>, vector<16xf32>,
      tpu.vector_store %arg15[%swap3A_85, %swap3A_86], %broadcast_in_dim3A_1 {strides = array<i32>} : memref<632x16xf32, #tpu.memory_space<vmem>>, vector<16xf32>,
      %mul3A_88 = arith.constant 8 : i32
      %mul3A_89 = arith.muli %mul3A_88, %scan3A_31 : i32
      %add3A_90 = arith.constant 4 : i32
      %add3A_91 = arith.addi %mul3A_89, %add3A_90 : i32
      %swap3A_92 = arith.index_cast %add3A_91 : i32 to index
      %swap3A_93 = arith.constant 0 : index
      %swap3A_94 = tpu.vector_load %arg10[%swap3A_92, %swap3A_93] {strides = array<i32>} : memref<632x16xf32, #tpu.memory_space<vmem>>, vector<16xf32>,
      tpu.vector_store %arg10[%swap3A_92, %swap3A_93], %broadcast_in_dim3A_1 {strides = array<i32>} : memref<632x16xf32, #tpu.memory_space<vmem>>, vector<16xf32>,
      %mul3A_95 = arith.constant 8 : i32
      %mul3A_96 = arith.muli %mul3A_95, %scan3A_31 : i32
      %add3A_97 = arith.constant 4 : i32
      %add3A_98 = arith.addi %mul3A_96, %add3A_97 : i32
      %swap3A_99 = arith.index_cast %add3A_98 : i32 to index
      %swap3A_100 = arith.constant 0 : index
      %swap3A_101 = tpu.vector_load %arg15[%swap3A_99, %swap3A_100] {strides = array<i32>} : memref<632x16xf32, #tpu.memory_space<vmem>>, vector<16xf32>,
      tpu.vector_store %arg15[%swap3A_99, %swap3A_100], %broadcast_in_dim3A_1 {strides = array<i32>} : memref<632x16xf32, #tpu.memory_space<vmem>>, vector<16xf32>,
      %mul3A_102 = arith.constant 8 : i32
      %mul3A_103 = arith.muli %mul3A_102, %scan3A_31 : i32
      %add3A_104 = arith.constant 5 : i32
      %add3A_105 = arith.addi %mul3A_103, %add3A_104 : i32
      %swap3A_106 = arith.index_cast %add3A_105 : i32 to index
      %swap3A_107 = arith.constant 0 : index
      %swap3A_108 = tpu.vector_load %arg10[%swap3A_106, %swap3A_107] {strides = array<i32>} : memref<632x16xf32, #tpu.memory_space<vmem>>, vector<16xf32>,
      tpu.vector_store %arg10[%swap3A_106, %swap3A_107], %broadcast_in_dim3A_1 {strides = array<i32>} : memref<632x16xf32, #tpu.memory_space<vmem>>, vector<16xf32>,
      %mul3A_109 = arith.constant 8 : i32
      %mul3A_110 = arith.muli %mul3A_109, %scan3A_31 : i32
      %add3A_111 = arith.constant 5 : i32
      %add3A_112 = arith.addi %mul3A_110, %add3A_111 : i32
      %swap3A_113 = arith.index_cast %add3A_112 : i32 to index
      %swap3A_114 = arith.constant 0 : index
      %swap3A_115 = tpu.vector_load %arg15[%swap3A_113, %swap3A_114] {strides = array<i32>} : memref<632x16xf32, #tpu.memory_space<vmem>>, vector<16xf32>,
      tpu.vector_store %arg15[%swap3A_113, %swap3A_114], %broadcast_in_dim3A_1 {strides = array<i32>} : memref<632x16xf32, #tpu.memory_space<vmem>>, vector<16xf32>,
      %mul3A_116 = arith.constant 8 : i32
      %mul3A_117 = arith.muli %mul3A_116, %scan3A_31 : i32
      %add3A_118 = arith.constant 6 : i32
      %add3A_119 = arith.addi %mul3A_117, %add3A_118 : i32
      %swap3A_120 = arith.index_cast %add3A_119 : i32 to index
      %swap3A_121 = arith.constant 0 : index
      %swap3A_122 = tpu.vector_load %arg10[%swap3A_120, %swap3A_121] {strides = array<i32>} : memref<632x16xf32, #tpu.memory_space<vmem>>, vector<16xf32>,
      tpu.vector_store %arg10[%swap3A_120, %swap3A_121], %broadcast_in_dim3A_1 {strides = array<i32>} : memref<632x16xf32, #tpu.memory_space<vmem>>, vector<16xf32>,
      %mul3A_123 = arith.constant 8 : i32
      %mul3A_124 = arith.muli %mul3A_123, %scan3A_31 : i32
      %add3A_125 = arith.constant 6 : i32
      %add3A_126 = arith.addi %mul3A_124, %add3A_125 : i32
      %swap3A_127 = arith.index_cast %add3A_126 : i32 to index
      %swap3A_128 = arith.constant 0 : index
      %swap3A_129 = tpu.vector_load %arg15[%swap3A_127, %swap3A_128] {strides = array<i32>} : memref<632x16xf32, #tpu.memory_space<vmem>>, vector<16xf32>,
      tpu.vector_store %arg15[%swap3A_127, %swap3A_128], %broadcast_in_dim3A_1 {strides = array<i32>} : memref<632x16xf32, #tpu.memory_space<vmem>>, vector<16xf32>,
      %mul3A_130 = arith.constant 8 : i32
      %mul3A_131 = arith.muli %mul3A_130, %scan3A_31 : i32
      %add3A_132 = arith.constant 7 : i32
      %add3A_133 = arith.addi %mul3A_131, %add3A_132 : i32
      %swap3A_134 = arith.index_cast %add3A_133 : i32 to index
      %swap3A_135 = arith.constant 0 : index
      %swap3A_136 = tpu.vector_load %arg10[%swap3A_134, %swap3A_135] {strides = array<i32>} : memref<632x16xf32, #tpu.memory_space<vmem>>, vector<16xf32>,
      tpu.vector_store %arg10[%swap3A_134, %swap3A_135], %broadcast_in_dim3A_1 {strides = array<i32>} : memref<632x16xf32, #tpu.memory_space<vmem>>, vector<16xf32>,
      %mul3A_137 = arith.constant 8 : i32
      %mul3A_138 = arith.muli %mul3A_137, %scan3A_31 : i32
      %add3A_139 = arith.constant 7 : i32
      %add3A_140 = arith.addi %mul3A_138, %add3A_139 : i32
      %swap3A_141 = arith.index_cast %add3A_140 : i32 to index
      %swap3A_142 = arith.constant 0 : index
      %swap3A_143 = tpu.vector_load %arg15[%swap3A_141, %swap3A_142] {strides = array<i32>} : memref<632x16xf32, #tpu.memory_space<vmem>>, vector<16xf32>,
      tpu.vector_store %arg15[%swap3A_141, %swap3A_142], %broadcast_in_dim3A_1 {strides = array<i32>} : memref<632x16xf32, #tpu.memory_space<vmem>>, vector<16xf32>,
      %scan3A_144 = arith.constant 0 : i32
      scf.yield %scan3A_144 : i32
    }
    %scan3A_9 = arith.constant 79 : i32
    %scan3A_10 = arith.constant 0 : i32
    %scan3A_11 = arith.constant 0 : i32
    %scan3A_12 = arith.constant 15 : i32
    %scan3A_13 = arith.addi %scan3A_11, %scan3A_12 : i32
    %scan3A_14 = arith.constant 1 : i32
    %scan3A_15 = scf.for %scan3A_31 = %scan3A_11 to %scan3A_13 step %scan3A_14 iter_args(%scan3A_32 = %scan3A_10) -> (i32)  : i32 {
      %mul3A_33 = arith.constant 8 : i32
      %mul3A_34 = arith.muli %mul3A_33, %scan3A_31 : i32
      %add3A_35 = arith.constant 0 : i32
      %add3A_36 = arith.addi %mul3A_34, %add3A_35 : i32
      %swap3A = arith.index_cast %add3A_36 : i32 to index
      %swap3A_37 = arith.constant 0 : index
      %swap3A_38 = tpu.vector_load %arg14[%swap3A, %swap3A_37] {strides = array<i32>} : memref<120x16xf32, #tpu.memory_space<vmem>>, vector<16xf32>,
      tpu.vector_store %arg14[%swap3A, %swap3A_37], %broadcast_in_dim3A_3 {strides = array<i32>} : memref<120x16xf32, #tpu.memory_space<vmem>>, vector<16xf32>,
      %mul3A_39 = arith.constant 8 : i32
      %mul3A_40 = arith.muli %mul3A_39, %scan3A_31 : i32
      %add3A_41 = arith.constant 1 : i32
      %add3A_42 = arith.addi %mul3A_40, %add3A_41 : i32
      %swap3A_43 = arith.index_cast %add3A_42 : i32 to index
      %swap3A_44 = arith.constant 0 : index
      %swap3A_45 = tpu.vector_load %arg14[%swap3A_43, %swap3A_44] {strides = array<i32>} : memref<120x16xf32, #tpu.memory_space<vmem>>, vector<16xf32>,
      tpu.vector_store %arg14[%swap3A_43, %swap3A_44], %broadcast_in_dim3A_3 {strides = array<i32>} : memref<120x16xf32, #tpu.memory_space<vmem>>, vector<16xf32>,
      %mul3A_46 = arith.constant 8 : i32
      %mul3A_47 = arith.muli %mul3A_46, %scan3A_31 : i32
      %add3A_48 = arith.constant 2 : i32
      %add3A_49 = arith.addi %mul3A_47, %add3A_48 : i32
      %swap3A_50 = arith.index_cast %add3A_49 : i32 to index
      %swap3A_51 = arith.constant 0 : index
      %swap3A_52 = tpu.vector_load %arg14[%swap3A_50, %swap3A_51] {strides = array<i32>} : memref<120x16xf32, #tpu.memory_space<vmem>>, vector<16xf32>,
      tpu.vector_store %arg14[%swap3A_50, %swap3A_51], %broadcast_in_dim3A_3 {strides = array<i32>} : memref<120x16xf32, #tpu.memory_space<vmem>>, vector<16xf32>,
      %mul3A_53 = arith.constant 8 : i32
      %mul3A_54 = arith.muli %mul3A_53, %scan3A_31 : i32
      %add3A_55 = arith.constant 3 : i32
      %add3A_56 = arith.addi %mul3A_54, %add3A_55 : i32
      %swap3A_57 = arith.index_cast %add3A_56 : i32 to index
      %swap3A_58 = arith.constant 0 : index
      %swap3A_59 = tpu.vector_load %arg14[%swap3A_57, %swap3A_58] {strides = array<i32>} : memref<120x16xf32, #tpu.memory_space<vmem>>, vector<16xf32>,
      tpu.vector_store %arg14[%swap3A_57, %swap3A_58], %broadcast_in_dim3A_3 {strides = array<i32>} : memref<120x16xf32, #tpu.memory_space<vmem>>, vector<16xf32>,
      %mul3A_60 = arith.constant 8 : i32
      %mul3A_61 = arith.muli %mul3A_60, %scan3A_31 : i32
      %add3A_62 = arith.constant 4 : i32
      %add3A_63 = arith.addi %mul3A_61, %add3A_62 : i32
      %swap3A_64 = arith.index_cast %add3A_63 : i32 to index
      %swap3A_65 = arith.constant 0 : index
      %swap3A_66 = tpu.vector_load %arg14[%swap3A_64, %swap3A_65] {strides = array<i32>} : memref<120x16xf32, #tpu.memory_space<vmem>>, vector<16xf32>,
      tpu.vector_store %arg14[%swap3A_64, %swap3A_65], %broadcast_in_dim3A_3 {strides = array<i32>} : memref<120x16xf32, #tpu.memory_space<vmem>>, vector<16xf32>,
      %mul3A_67 = arith.constant 8 : i32
      %mul3A_68 = arith.muli %mul3A_67, %scan3A_31 : i32
      %add3A_69 = arith.constant 5 : i32
      %add3A_70 = arith.addi %mul3A_68, %add3A_69 : i32
      %swap3A_71 = arith.index_cast %add3A_70 : i32 to index
      %swap3A_72 = arith.constant 0 : index
      %swap3A_73 = tpu.vector_load %arg14[%swap3A_71, %swap3A_72] {strides = array<i32>} : memref<120x16xf32, #tpu.memory_space<vmem>>, vector<16xf32>,
      tpu.vector_store %arg14[%swap3A_71, %swap3A_72], %broadcast_in_dim3A_3 {strides = array<i32>} : memref<120x16xf32, #tpu.memory_space<vmem>>, vector<16xf32>,
      %mul3A_74 = arith.constant 8 : i32
      %mul3A_75 = arith.muli %mul3A_74, %scan3A_31 : i32
      %add3A_76 = arith.constant 6 : i32
      %add3A_77 = arith.addi %mul3A_75, %add3A_76 : i32
      %swap3A_78 = arith.index_cast %add3A_77 : i32 to index
      %swap3A_79 = arith.constant 0 : index
      %swap3A_80 = tpu.vector_load %arg14[%swap3A_78, %swap3A_79] {strides = array<i32>} : memref<120x16xf32, #tpu.memory_space<vmem>>, vector<16xf32>,
      tpu.vector_store %arg14[%swap3A_78, %swap3A_79], %broadcast_in_dim3A_3 {strides = array<i32>} : memref<120x16xf32, #tpu.memory_space<vmem>>, vector<16xf32>,
      %mul3A_81 = arith.constant 8 : i32
      %mul3A_82 = arith.muli %mul3A_81, %scan3A_31 : i32
      %add3A_83 = arith.constant 7 : i32
      %add3A_84 = arith.addi %mul3A_82, %add3A_83 : i32
      %swap3A_85 = arith.index_cast %add3A_84 : i32 to index
      %swap3A_86 = arith.constant 0 : index
      %swap3A_87 = tpu.vector_load %arg14[%swap3A_85, %swap3A_86] {strides = array<i32>} : memref<120x16xf32, #tpu.memory_space<vmem>>, vector<16xf32>,
      tpu.vector_store %arg14[%swap3A_85, %swap3A_86], %broadcast_in_dim3A_3 {strides = array<i32>} : memref<120x16xf32, #tpu.memory_space<vmem>>, vector<16xf32>,
      %scan3A_88 = arith.constant 0 : i32
      scf.yield %scan3A_88 : i32
    }
    %scan3A_16 = arith.constant 15 : i32
    %mul3A_17 = arith.constant 632 : i32
    %mul3A_18 = arith.muli %arg1, %mul3A_17 : i32
    "tpu.region"() ({
      %run_scoped3A = tpu.sem_alloc : memref<!tpu.dma_semaphore, #tpu.memory_space<semaphore_mem>>
      %dma_start3A = arith.constant 0 : i32
      %dma_start3A_31 = tpu.memref_slice %arg11[%mul3A_18, %dma_start3A] : memref<10112x16xf32, #tpu.memory_space<vmem_shared>> -> memref<632x16xf32, #tpu.memory_space<vmem_shared>>
      %dma_start3A_32 = arith.constant 0 : i32
      %dma_start3A_33 = tpu.memref_slice %arg11[%mul3A_18, %dma_start3A_32] : memref<10112x16xf32, #tpu.memory_space<vmem_shared>> -> memref<632x16xf32, #tpu.memory_space<vmem_shared>>
      tpu.enqueue_dma source(%arg10 : memref<632x16xf32, #tpu.memory_space<vmem>>) target(%dma_start3A_33 : memref<632x16xf32, #tpu.memory_space<vmem_shared>>) target_semaphore(%run_scoped3A : memref<!tpu.dma_semaphore, #tpu.memory_space<semaphore_mem>>)
      %dma_wait3A = arith.constant 0 : i32
      %dma_wait3A_34 = tpu.memref_slice %arg11[%mul3A_18, %dma_wait3A] : memref<10112x16xf32, #tpu.memory_space<vmem_shared>> -> memref<632x16xf32, #tpu.memory_space<vmem_shared>>
      %dma_wait3A_35 = arith.constant 0 : i32
      %dma_wait3A_36 = tpu.memref_slice %arg11[%mul3A_18, %dma_wait3A_35] : memref<10112x16xf32, #tpu.memory_space<vmem_shared>> -> memref<632x16xf32, #tpu.memory_space<vmem_shared>>
      tpu.wait_dma2 semaphore(%run_scoped3A : memref<!tpu.dma_semaphore, #tpu.memory_space<semaphore_mem>>) src(%arg10 : memref<632x16xf32, #tpu.memory_space<vmem>>) dst(%dma_wait3A_36 : memref<632x16xf32, #tpu.memory_space<vmem_shared>>)
      tpu.yield
    }) : () -> ()
    %mul3A_19 = arith.constant 632 : i32
    %mul3A_20 = arith.muli %arg1, %mul3A_19 : i32
    "tpu.region"() ({
      %run_scoped3A = tpu.sem_alloc : memref<!tpu.dma_semaphore, #tpu.memory_space<semaphore_mem>>
      %dma_start3A = arith.constant 0 : i32
      %dma_start3A_31 = tpu.memref_slice %arg16[%mul3A_20, %dma_start3A] : memref<10112x16xf32, #tpu.memory_space<vmem_shared>> -> memref<632x16xf32, #tpu.memory_space<vmem_shared>>
      %dma_start3A_32 = arith.constant 0 : i32
      %dma_start3A_33 = tpu.memref_slice %arg16[%mul3A_20, %dma_start3A_32] : memref<10112x16xf32, #tpu.memory_space<vmem_shared>> -> memref<632x16xf32, #tpu.memory_space<vmem_shared>>
      tpu.enqueue_dma source(%arg15 : memref<632x16xf32, #tpu.memory_space<vmem>>) target(%dma_start3A_33 : memref<632x16xf32, #tpu.memory_space<vmem_shared>>) target_semaphore(%run_scoped3A : memref<!tpu.dma_semaphore, #tpu.memory_space<semaphore_mem>>)
      %dma_wait3A = arith.constant 0 : i32
      %dma_wait3A_34 = tpu.memref_slice %arg16[%mul3A_20, %dma_wait3A] : memref<10112x16xf32, #tpu.memory_space<vmem_shared>> -> memref<632x16xf32, #tpu.memory_space<vmem_shared>>
      %dma_wait3A_35 = arith.constant 0 : i32
      %dma_wait3A_36 = tpu.memref_slice %arg16[%mul3A_20, %dma_wait3A_35] : memref<10112x16xf32, #tpu.memory_space<vmem_shared>> -> memref<632x16xf32, #tpu.memory_space<vmem_shared>>
      tpu.wait_dma2 semaphore(%run_scoped3A : memref<!tpu.dma_semaphore, #tpu.memory_space<semaphore_mem>>) src(%arg15 : memref<632x16xf32, #tpu.memory_space<vmem>>) dst(%dma_wait3A_36 : memref<632x16xf32, #tpu.memory_space<vmem_shared>>)
      tpu.yield
    }) : () -> ()
    "tpu.region"() ({
      %run_scoped3A = tpu.sem_alloc : memref<!tpu.dma_semaphore, #tpu.memory_space<semaphore_mem>>
      %dma_start3A = arith.constant 0 : i32
      %dma_start3A_31 = arith.constant 0 : i32
      %dma_start3A_32 = tpu.memref_slice %arg3[%add3A, %dma_start3A, %dma_start3A_31] : memref<32x16x120xi32, #tpu.memory_space<hbm>> -> memref<1x16x120xi32, #tpu.memory_space<hbm>>
      %dma_start3A_33 = tpu.memref_squeeze %dma_start3A_32 : memref<1x16x120xi32, #tpu.memory_space<hbm>> -> memref<16x120xi32, #tpu.memory_space<hbm>>
      %dma_start3A_34 = arith.constant 0 : i32
      %dma_start3A_35 = arith.constant 0 : i32
      %dma_start3A_36 = tpu.memref_slice %arg3[%add3A, %dma_start3A_34, %dma_start3A_35] : memref<32x16x120xi32, #tpu.memory_space<hbm>> -> memref<1x16x120xi32, #tpu.memory_space<hbm>>
      %dma_start3A_37 = tpu.memref_squeeze %dma_start3A_36 : memref<1x16x120xi32, #tpu.memory_space<hbm>> -> memref<16x120xi32, #tpu.memory_space<hbm>>
      tpu.enqueue_dma source(%dma_start3A_37 : memref<16x120xi32, #tpu.memory_space<hbm>>) target(%arg7 : memref<16x120xi32, #tpu.memory_space<vmem>>) target_semaphore(%run_scoped3A : memref<!tpu.dma_semaphore, #tpu.memory_space<semaphore_mem>>)
      %dma_wait3A = arith.constant 0 : i32
      %dma_wait3A_38 = arith.constant 0 : i32
      %dma_wait3A_39 = tpu.memref_slice %arg3[%add3A, %dma_wait3A, %dma_wait3A_38] : memref<32x16x120xi32, #tpu.memory_space<hbm>> -> memref<1x16x120xi32, #tpu.memory_space<hbm>>
      %dma_wait3A_40 = tpu.memref_squeeze %dma_wait3A_39 : memref<1x16x120xi32, #tpu.memory_space<hbm>> -> memref<16x120xi32, #tpu.memory_space<hbm>>
      %dma_wait3A_41 = arith.constant 0 : i32
      %dma_wait3A_42 = arith.constant 0 : i32
      %dma_wait3A_43 = tpu.memref_slice %arg3[%add3A, %dma_wait3A_41, %dma_wait3A_42] : memref<32x16x120xi32, #tpu.memory_space<hbm>> -> memref<1x16x120xi32, #tpu.memory_space<hbm>>
      %dma_wait3A_44 = tpu.memref_squeeze %dma_wait3A_43 : memref<1x16x120xi32, #tpu.memory_space<hbm>> -> memref<16x120xi32, #tpu.memory_space<hbm>>
      tpu.wait_dma2 semaphore(%run_scoped3A : memref<!tpu.dma_semaphore, #tpu.memory_space<semaphore_mem>>) src(%dma_wait3A_44 : memref<16x120xi32, #tpu.memory_space<hbm>>) dst(%arg7 : memref<16x120xi32, #tpu.memory_space<vmem>>)
      tpu.yield
    }) : () -> ()
    "tpu.region"() ({
      %run_scoped3A = tpu.sem_alloc : memref<!tpu.dma_semaphore, #tpu.memory_space<semaphore_mem>>
      %dma_start3A = arith.constant 0 : i32
      %dma_start3A_31 = arith.constant 0 : i32
      %dma_start3A_32 = tpu.memref_slice %arg4[%add3A, %dma_start3A, %dma_start3A_31] : memref<32x16x120xi32, #tpu.memory_space<hbm>> -> memref<1x16x120xi32, #tpu.memory_space<hbm>>
      %dma_start3A_33 = tpu.memref_squeeze %dma_start3A_32 : memref<1x16x120xi32, #tpu.memory_space<hbm>> -> memref<16x120xi32, #tpu.memory_space<hbm>>
      %dma_start3A_34 = arith.constant 0 : i32
      %dma_start3A_35 = arith.constant 0 : i32
      %dma_start3A_36 = tpu.memref_slice %arg4[%add3A, %dma_start3A_34, %dma_start3A_35] : memref<32x16x120xi32, #tpu.memory_space<hbm>> -> memref<1x16x120xi32, #tpu.memory_space<hbm>>
      %dma_start3A_37 = tpu.memref_squeeze %dma_start3A_36 : memref<1x16x120xi32, #tpu.memory_space<hbm>> -> memref<16x120xi32, #tpu.memory_space<hbm>>
      tpu.enqueue_dma source(%dma_start3A_37 : memref<16x120xi32, #tpu.memory_space<hbm>>) target(%arg8 : memref<16x120xi32, #tpu.memory_space<vmem>>) target_semaphore(%run_scoped3A : memref<!tpu.dma_semaphore, #tpu.memory_space<semaphore_mem>>)
      %dma_wait3A = arith.constant 0 : i32
      %dma_wait3A_38 = arith.constant 0 : i32
      %dma_wait3A_39 = tpu.memref_slice %arg4[%add3A, %dma_wait3A, %dma_wait3A_38] : memref<32x16x120xi32, #tpu.memory_space<hbm>> -> memref<1x16x120xi32, #tpu.memory_space<hbm>>
      %dma_wait3A_40 = tpu.memref_squeeze %dma_wait3A_39 : memref<1x16x120xi32, #tpu.memory_space<hbm>> -> memref<16x120xi32, #tpu.memory_space<hbm>>
      %dma_wait3A_41 = arith.constant 0 : i32
      %dma_wait3A_42 = arith.constant 0 : i32
      %dma_wait3A_43 = tpu.memref_slice %arg4[%add3A, %dma_wait3A_41, %dma_wait3A_42] : memref<32x16x120xi32, #tpu.memory_space<hbm>> -> memref<1x16x120xi32, #tpu.memory_space<hbm>>
      %dma_wait3A_44 = tpu.memref_squeeze %dma_wait3A_43 : memref<1x16x120xi32, #tpu.memory_space<hbm>> -> memref<16x120xi32, #tpu.memory_space<hbm>>
      tpu.wait_dma2 semaphore(%run_scoped3A : memref<!tpu.dma_semaphore, #tpu.memory_space<semaphore_mem>>) src(%dma_wait3A_44 : memref<16x120xi32, #tpu.memory_space<hbm>>) dst(%arg8 : memref<16x120xi32, #tpu.memory_space<vmem>>)
      tpu.yield
    }) : () -> ()
    %barrier3A = arith.constant 0 : index
    tpu.barrier barrier_id(%barrier3A)
    %scan3A_21 = arith.constant 0 : i32
    %scan3A_22 = arith.constant 0 : i32
    %scan3A_23 = arith.constant 2 : i32
    %scan3A_24 = arith.addi %scan3A_22, %scan3A_23 : i32
    %scan3A_25 = arith.constant 1 : i32
    %scan3A_26 = scf.for %scan3A_31 = %scan3A_22 to %scan3A_24 step %scan3A_25 iter_args(%scan3A_32 = %scan3A_21) -> (i32)  : i32 {
      %mul3A_33 = arith.constant 8 : i32
      %mul3A_34 = arith.muli %scan3A_31, %mul3A_33 : i32
      %add3A_35 = arith.constant 0 : i32
      %add3A_36 = arith.addi %mul3A_34, %add3A_35 : i32
      %dma_start3A = arith.constant 0 : i32
      %dma_start3A_37 = arith.constant 0 : i32
      %dma_start3A_38 = arith.constant 0 : i32
      %dma_start3A_39 = tpu.memref_slice %arg9[%dma_start3A, %dma_start3A_37, %dma_start3A_38] : memref<8x120x16xf32, #tpu.memory_space<vmem>> -> memref<1x120x16xf32, #tpu.memory_space<vmem>>
      %dma_start3A_40 = tpu.memref_squeeze %dma_start3A_39 : memref<1x120x16xf32, #tpu.memory_space<vmem>> -> memref<120x16xf32, #tpu.memory_space<vmem>>
      %dma_start3A_41 = arith.constant 0 : i32
      %dma_start3A_42 = tpu.memref_slice %arg7[%add3A_36, %dma_start3A_41] : memref<16x120xi32, #tpu.memory_space<vmem>> -> memref<1x120xi32, #tpu.memory_space<vmem>>
      %dma_start3A_43 = tpu.memref_squeeze %dma_start3A_42 : memref<1x120xi32, #tpu.memory_space<vmem>> -> memref<120xi32, #tpu.memory_space<vmem>>
      %dma_start3A_44 = arith.constant 0 : i32
      %dma_start3A_45 = arith.constant 0 : i32
      %dma_start3A_46 = tpu.memref_slice %arg2[%dma_start3A_44, %dma_start3A_45] : memref<10000x16xf32, #tpu.memory_space<hbm>> -> memref<10000x16xf32, #tpu.memory_space<hbm>>
      tpu.enqueue_indirect_dma source(%dma_start3A_46 : memref<10000x16xf32, #tpu.memory_space<hbm>>) target(%dma_start3A_40 : memref<120x16xf32, #tpu.memory_space<vmem>>) offsets(%dma_start3A_43 : memref<120xi32, #tpu.memory_space<vmem>>) semaphore(%arg12 : memref<!tpu.dma_semaphore, #tpu.memory_space<semaphore_mem>>)
      %add3A_47 = arith.constant 1 : i32
      %add3A_48 = arith.addi %mul3A_34, %add3A_47 : i32
      %dma_start3A_49 = arith.constant 1 : i32
      %dma_start3A_50 = arith.constant 0 : i32
      %dma_start3A_51 = arith.constant 0 : i32
      %dma_start3A_52 = tpu.memref_slice %arg9[%dma_start3A_49, %dma_start3A_50, %dma_start3A_51] : memref<8x120x16xf32, #tpu.memory_space<vmem>> -> memref<1x120x16xf32, #tpu.memory_space<vmem>>
      %dma_start3A_53 = tpu.memref_squeeze %dma_start3A_52 : memref<1x120x16xf32, #tpu.memory_space<vmem>> -> memref<120x16xf32, #tpu.memory_space<vmem>>
      %dma_start3A_54 = arith.constant 0 : i32
      %dma_start3A_55 = tpu.memref_slice %arg7[%add3A_48, %dma_start3A_54] : memref<16x120xi32, #tpu.memory_space<vmem>> -> memref<1x120xi32, #tpu.memory_space<vmem>>
      %dma_start3A_56 = tpu.memref_squeeze %dma_start3A_55 : memref<1x120xi32, #tpu.memory_space<vmem>> -> memref<120xi32, #tpu.memory_space<vmem>>
      %dma_start3A_57 = arith.constant 0 : i32
      %dma_start3A_58 = arith.constant 0 : i32
      %dma_start3A_59 = tpu.memref_slice %arg2[%dma_start3A_57, %dma_start3A_58] : memref<10000x16xf32, #tpu.memory_space<hbm>> -> memref<10000x16xf32, #tpu.memory_space<hbm>>
      tpu.enqueue_indirect_dma source(%dma_start3A_59 : memref<10000x16xf32, #tpu.memory_space<hbm>>) target(%dma_start3A_53 : memref<120x16xf32, #tpu.memory_space<vmem>>) offsets(%dma_start3A_56 : memref<120xi32, #tpu.memory_space<vmem>>) semaphore(%arg12 : memref<!tpu.dma_semaphore, #tpu.memory_space<semaphore_mem>>)
      %add3A_60 = arith.constant 2 : i32
      %add3A_61 = arith.addi %mul3A_34, %add3A_60 : i32
      %dma_start3A_62 = arith.constant 2 : i32
      %dma_start3A_63 = arith.constant 0 : i32
      %dma_start3A_64 = arith.constant 0 : i32
      %dma_start3A_65 = tpu.memref_slice %arg9[%dma_start3A_62, %dma_start3A_63, %dma_start3A_64] : memref<8x120x16xf32, #tpu.memory_space<vmem>> -> memref<1x120x16xf32, #tpu.memory_space<vmem>>
      %dma_start3A_66 = tpu.memref_squeeze %dma_start3A_65 : memref<1x120x16xf32, #tpu.memory_space<vmem>> -> memref<120x16xf32, #tpu.memory_space<vmem>>
      %dma_start3A_67 = arith.constant 0 : i32
      %dma_start3A_68 = tpu.memref_slice %arg7[%add3A_61, %dma_start3A_67] : memref<16x120xi32, #tpu.memory_space<vmem>> -> memref<1x120xi32, #tpu.memory_space<vmem>>
      %dma_start3A_69 = tpu.memref_squeeze %dma_start3A_68 : memref<1x120xi32, #tpu.memory_space<vmem>> -> memref<120xi32, #tpu.memory_space<vmem>>
      %dma_start3A_70 = arith.constant 0 : i32
      %dma_start3A_71 = arith.constant 0 : i32
      %dma_start3A_72 = tpu.memref_slice %arg2[%dma_start3A_70, %dma_start3A_71] : memref<10000x16xf32, #tpu.memory_space<hbm>> -> memref<10000x16xf32, #tpu.memory_space<hbm>>
      tpu.enqueue_indirect_dma source(%dma_start3A_72 : memref<10000x16xf32, #tpu.memory_space<hbm>>) target(%dma_start3A_66 : memref<120x16xf32, #tpu.memory_space<vmem>>) offsets(%dma_start3A_69 : memref<120xi32, #tpu.memory_space<vmem>>) semaphore(%arg12 : memref<!tpu.dma_semaphore, #tpu.memory_space<semaphore_mem>>)
      %add3A_73 = arith.constant 3 : i32
      %add3A_74 = arith.addi %mul3A_34, %add3A_73 : i32
      %dma_start3A_75 = arith.constant 3 : i32
      %dma_start3A_76 = arith.constant 0 : i32
      %dma_start3A_77 = arith.constant 0 : i32
      %dma_start3A_78 = tpu.memref_slice %arg9[%dma_start3A_75, %dma_start3A_76, %dma_start3A_77] : memref<8x120x16xf32, #tpu.memory_space<vmem>> -> memref<1x120x16xf32, #tpu.memory_space<vmem>>
      %dma_start3A_79 = tpu.memref_squeeze %dma_start3A_78 : memref<1x120x16xf32, #tpu.memory_space<vmem>> -> memref<120x16xf32, #tpu.memory_space<vmem>>
      %dma_start3A_80 = arith.constant 0 : i32
      %dma_start3A_81 = tpu.memref_slice %arg7[%add3A_74, %dma_start3A_80] : memref<16x120xi32, #tpu.memory_space<vmem>> -> memref<1x120xi32, #tpu.memory_space<vmem>>
      %dma_start3A_82 = tpu.memref_squeeze %dma_start3A_81 : memref<1x120xi32, #tpu.memory_space<vmem>> -> memref<120xi32, #tpu.memory_space<vmem>>
      %dma_start3A_83 = arith.constant 0 : i32
      %dma_start3A_84 = arith.constant 0 : i32
      %dma_start3A_85 = tpu.memref_slice %arg2[%dma_start3A_83, %dma_start3A_84] : memref<10000x16xf32, #tpu.memory_space<hbm>> -> memref<10000x16xf32, #tpu.memory_space<hbm>>
      tpu.enqueue_indirect_dma source(%dma_start3A_85 : memref<10000x16xf32, #tpu.memory_space<hbm>>) target(%dma_start3A_79 : memref<120x16xf32, #tpu.memory_space<vmem>>) offsets(%dma_start3A_82 : memref<120xi32, #tpu.memory_space<vmem>>) semaphore(%arg12 : memref<!tpu.dma_semaphore, #tpu.memory_space<semaphore_mem>>)
      %add3A_86 = arith.constant 4 : i32
      %add3A_87 = arith.addi %mul3A_34, %add3A_86 : i32
      %dma_start3A_88 = arith.constant 4 : i32
      %dma_start3A_89 = arith.constant 0 : i32
      %dma_start3A_90 = arith.constant 0 : i32
      %dma_start3A_91 = tpu.memref_slice %arg9[%dma_start3A_88, %dma_start3A_89, %dma_start3A_90] : memref<8x120x16xf32, #tpu.memory_space<vmem>> -> memref<1x120x16xf32, #tpu.memory_space<vmem>>
      %dma_start3A_92 = tpu.memref_squeeze %dma_start3A_91 : memref<1x120x16xf32, #tpu.memory_space<vmem>> -> memref<120x16xf32, #tpu.memory_space<vmem>>
      %dma_start3A_93 = arith.constant 0 : i32
      %dma_start3A_94 = tpu.memref_slice %arg7[%add3A_87, %dma_start3A_93] : memref<16x120xi32, #tpu.memory_space<vmem>> -> memref<1x120xi32, #tpu.memory_space<vmem>>
      %dma_start3A_95 = tpu.memref_squeeze %dma_start3A_94 : memref<1x120xi32, #tpu.memory_space<vmem>> -> memref<120xi32, #tpu.memory_space<vmem>>
      %dma_start3A_96 = arith.constant 0 : i32
      %dma_start3A_97 = arith.constant 0 : i32
      %dma_start3A_98 = tpu.memref_slice %arg2[%dma_start3A_96, %dma_start3A_97] : memref<10000x16xf32, #tpu.memory_space<hbm>> -> memref<10000x16xf32, #tpu.memory_space<hbm>>
      tpu.enqueue_indirect_dma source(%dma_start3A_98 : memref<10000x16xf32, #tpu.memory_space<hbm>>) target(%dma_start3A_92 : memref<120x16xf32, #tpu.memory_space<vmem>>) offsets(%dma_start3A_95 : memref<120xi32, #tpu.memory_space<vmem>>) semaphore(%arg12 : memref<!tpu.dma_semaphore, #tpu.memory_space<semaphore_mem>>)
      %add3A_99 = arith.constant 5 : i32
      %add3A_100 = arith.addi %mul3A_34, %add3A_99 : i32
      %dma_start3A_101 = arith.constant 5 : i32
      %dma_start3A_102 = arith.constant 0 : i32
      %dma_start3A_103 = arith.constant 0 : i32
      %dma_start3A_104 = tpu.memref_slice %arg9[%dma_start3A_101, %dma_start3A_102, %dma_start3A_103] : memref<8x120x16xf32, #tpu.memory_space<vmem>> -> memref<1x120x16xf32, #tpu.memory_space<vmem>>
      %dma_start3A_105 = tpu.memref_squeeze %dma_start3A_104 : memref<1x120x16xf32, #tpu.memory_space<vmem>> -> memref<120x16xf32, #tpu.memory_space<vmem>>
      %dma_start3A_106 = arith.constant 0 : i32
      %dma_start3A_107 = tpu.memref_slice %arg7[%add3A_100, %dma_start3A_106] : memref<16x120xi32, #tpu.memory_space<vmem>> -> memref<1x120xi32, #tpu.memory_space<vmem>>
      %dma_start3A_108 = tpu.memref_squeeze %dma_start3A_107 : memref<1x120xi32, #tpu.memory_space<vmem>> -> memref<120xi32, #tpu.memory_space<vmem>>
      %dma_start3A_109 = arith.constant 0 : i32
      %dma_start3A_110 = arith.constant 0 : i32
      %dma_start3A_111 = tpu.memref_slice %arg2[%dma_start3A_109, %dma_start3A_110] : memref<10000x16xf32, #tpu.memory_space<hbm>> -> memref<10000x16xf32, #tpu.memory_space<hbm>>
      tpu.enqueue_indirect_dma source(%dma_start3A_111 : memref<10000x16xf32, #tpu.memory_space<hbm>>) target(%dma_start3A_105 : memref<120x16xf32, #tpu.memory_space<vmem>>) offsets(%dma_start3A_108 : memref<120xi32, #tpu.memory_space<vmem>>) semaphore(%arg12 : memref<!tpu.dma_semaphore, #tpu.memory_space<semaphore_mem>>)
      %add3A_112 = arith.constant 6 : i32
      %add3A_113 = arith.addi %mul3A_34, %add3A_112 : i32
      %dma_start3A_114 = arith.constant 6 : i32
      %dma_start3A_115 = arith.constant 0 : i32
      %dma_start3A_116 = arith.constant 0 : i32
      %dma_start3A_117 = tpu.memref_slice %arg9[%dma_start3A_114, %dma_start3A_115, %dma_start3A_116] : memref<8x120x16xf32, #tpu.memory_space<vmem>> -> memref<1x120x16xf32, #tpu.memory_space<vmem>>
      %dma_start3A_118 = tpu.memref_squeeze %dma_start3A_117 : memref<1x120x16xf32, #tpu.memory_space<vmem>> -> memref<120x16xf32, #tpu.memory_space<vmem>>
      %dma_start3A_119 = arith.constant 0 : i32
      %dma_start3A_120 = tpu.memref_slice %arg7[%add3A_113, %dma_start3A_119] : memref<16x120xi32, #tpu.memory_space<vmem>> -> memref<1x120xi32, #tpu.memory_space<vmem>>
      %dma_start3A_121 = tpu.memref_squeeze %dma_start3A_120 : memref<1x120xi32, #tpu.memory_space<vmem>> -> memref<120xi32, #tpu.memory_space<vmem>>
      %dma_start3A_122 = arith.constant 0 : i32
      %dma_start3A_123 = arith.constant 0 : i32
      %dma_start3A_124 = tpu.memref_slice %arg2[%dma_start3A_122, %dma_start3A_123] : memref<10000x16xf32, #tpu.memory_space<hbm>> -> memref<10000x16xf32, #tpu.memory_space<hbm>>
      tpu.enqueue_indirect_dma source(%dma_start3A_124 : memref<10000x16xf32, #tpu.memory_space<hbm>>) target(%dma_start3A_118 : memref<120x16xf32, #tpu.memory_space<vmem>>) offsets(%dma_start3A_121 : memref<120xi32, #tpu.memory_space<vmem>>) semaphore(%arg12 : memref<!tpu.dma_semaphore, #tpu.memory_space<semaphore_mem>>)
      %add3A_125 = arith.constant 7 : i32
      %add3A_126 = arith.addi %mul3A_34, %add3A_125 : i32
      %dma_start3A_127 = arith.constant 7 : i32
      %dma_start3A_128 = arith.constant 0 : i32
      %dma_start3A_129 = arith.constant 0 : i32
      %dma_start3A_130 = tpu.memref_slice %arg9[%dma_start3A_127, %dma_start3A_128, %dma_start3A_129] : memref<8x120x16xf32, #tpu.memory_space<vmem>> -> memref<1x120x16xf32, #tpu.memory_space<vmem>>
      %dma_start3A_131 = tpu.memref_squeeze %dma_start3A_130 : memref<1x120x16xf32, #tpu.memory_space<vmem>> -> memref<120x16xf32, #tpu.memory_space<vmem>>
      %dma_start3A_132 = arith.constant 0 : i32
      %dma_start3A_133 = tpu.memref_slice %arg7[%add3A_126, %dma_start3A_132] : memref<16x120xi32, #tpu.memory_space<vmem>> -> memref<1x120xi32, #tpu.memory_space<vmem>>
      %dma_start3A_134 = tpu.memref_squeeze %dma_start3A_133 : memref<1x120xi32, #tpu.memory_space<vmem>> -> memref<120xi32, #tpu.memory_space<vmem>>
      %dma_start3A_135 = arith.constant 0 : i32
      %dma_start3A_136 = arith.constant 0 : i32
      %dma_start3A_137 = tpu.memref_slice %arg2[%dma_start3A_135, %dma_start3A_136] : memref<10000x16xf32, #tpu.memory_space<hbm>> -> memref<10000x16xf32, #tpu.memory_space<hbm>>
      tpu.enqueue_indirect_dma source(%dma_start3A_137 : memref<10000x16xf32, #tpu.memory_space<hbm>>) target(%dma_start3A_131 : memref<120x16xf32, #tpu.memory_space<vmem>>) offsets(%dma_start3A_134 : memref<120xi32, #tpu.memory_space<vmem>>) semaphore(%arg12 : memref<!tpu.dma_semaphore, #tpu.memory_space<semaphore_mem>>)
      %dma_wait3A = arith.constant 0 : i32
      %dma_wait3A_138 = arith.constant 0 : i32
      %dma_wait3A_139 = arith.constant 0 : i32
      %dma_wait3A_140 = tpu.memref_slice %arg9[%dma_wait3A, %dma_wait3A_138, %dma_wait3A_139] : memref<8x120x16xf32, #tpu.memory_space<vmem>> -> memref<1x120x16xf32, #tpu.memory_space<vmem>>
      %dma_wait3A_141 = tpu.memref_squeeze %dma_wait3A_140 : memref<1x120x16xf32, #tpu.memory_space<vmem>> -> memref<120x16xf32, #tpu.memory_space<vmem>>
      %dma_wait3A_142 = arith.constant 0 : i32
      %dma_wait3A_143 = tpu.memref_slice %arg7[%add3A_36, %dma_wait3A_142] : memref<16x120xi32, #tpu.memory_space<vmem>> -> memref<1x120xi32, #tpu.memory_space<vmem>>
      %dma_wait3A_144 = tpu.memref_squeeze %dma_wait3A_143 : memref<1x120xi32, #tpu.memory_space<vmem>> -> memref<120xi32, #tpu.memory_space<vmem>>
      %dma_wait3A_145 = arith.constant 0 : i32
      %dma_wait3A_146 = arith.constant 0 : i32
      %dma_wait3A_147 = tpu.memref_slice %arg2[%dma_wait3A_145, %dma_wait3A_146] : memref<10000x16xf32, #tpu.memory_space<hbm>> -> memref<10000x16xf32, #tpu.memory_space<hbm>>
      tpu.wait_indirect_dma semaphore(%arg12 : memref<!tpu.dma_semaphore, #tpu.memory_space<semaphore_mem>>) src(%dma_wait3A_147 : memref<10000x16xf32, #tpu.memory_space<hbm>>) dst(%dma_wait3A_141 : memref<120x16xf32, #tpu.memory_space<vmem>>)
      %add3A_148 = arith.constant 0 : i32
      %add3A_149 = arith.addi %mul3A_34, %add3A_148 : i32
      %dma_start3A_150 = arith.constant 0 : i32
      %dma_start3A_151 = arith.constant 0 : i32
      %dma_start3A_152 = arith.constant 0 : i32
      %dma_start3A_153 = tpu.memref_slice %arg9[%dma_start3A_150, %dma_start3A_151, %dma_start3A_152] : memref<8x120x16xf32, #tpu.memory_space<vmem>> -> memref<1x120x16xf32, #tpu.memory_space<vmem>>
      %dma_start3A_154 = tpu.memref_squeeze %dma_start3A_153 : memref<1x120x16xf32, #tpu.memory_space<vmem>> -> memref<120x16xf32, #tpu.memory_space<vmem>>
      %dma_start3A_155 = arith.constant 0 : i32
      %dma_start3A_156 = tpu.memref_slice %arg8[%add3A_149, %dma_start3A_155] : memref<16x120xi32, #tpu.memory_space<vmem>> -> memref<1x120xi32, #tpu.memory_space<vmem>>
      %dma_start3A_157 = tpu.memref_squeeze %dma_start3A_156 : memref<1x120xi32, #tpu.memory_space<vmem>> -> memref<120xi32, #tpu.memory_space<vmem>>
      %dma_start3A_158 = arith.constant 0 : i32
      %dma_start3A_159 = arith.constant 0 : i32
      %dma_start3A_160 = tpu.memref_slice %arg11[%dma_start3A_158, %dma_start3A_159] : memref<10112x16xf32, #tpu.memory_space<vmem_shared>> -> memref<10112x16xf32, #tpu.memory_space<vmem_shared>>
      tpu.enqueue_indirect_dma source(%dma_start3A_154 : memref<120x16xf32, #tpu.memory_space<vmem>>) target(%dma_start3A_160 : memref<10112x16xf32, #tpu.memory_space<vmem_shared>>) offsets(%dma_start3A_157 : memref<120xi32, #tpu.memory_space<vmem>>) semaphore(%arg13 : memref<!tpu.dma_semaphore, #tpu.memory_space<semaphore_mem>>) {add = true}
      %add3A_161 = arith.constant 0 : i32
      %add3A_162 = arith.addi %mul3A_34, %add3A_161 : i32
      %dma_start3A_163 = arith.constant 0 : i32
      %dma_start3A_164 = tpu.memref_slice %arg8[%add3A_162, %dma_start3A_163] : memref<16x120xi32, #tpu.memory_space<vmem>> -> memref<1x120xi32, #tpu.memory_space<vmem>>
      %dma_start3A_165 = tpu.memref_squeeze %dma_start3A_164 : memref<1x120xi32, #tpu.memory_space<vmem>> -> memref<120xi32, #tpu.memory_space<vmem>>
      %dma_start3A_166 = arith.constant 0 : i32
      %dma_start3A_167 = arith.constant 0 : i32
      %dma_start3A_168 = tpu.memref_slice %arg16[%dma_start3A_166, %dma_start3A_167] : memref<10112x16xf32, #tpu.memory_space<vmem_shared>> -> memref<10112x16xf32, #tpu.memory_space<vmem_shared>>
      tpu.enqueue_indirect_dma source(%arg14 : memref<120x16xf32, #tpu.memory_space<vmem>>) target(%dma_start3A_168 : memref<10112x16xf32, #tpu.memory_space<vmem_shared>>) offsets(%dma_start3A_165 : memref<120xi32, #tpu.memory_space<vmem>>) semaphore(%arg13 : memref<!tpu.dma_semaphore, #tpu.memory_space<semaphore_mem>>) {add = true}
      %dma_wait3A_169 = arith.constant 1 : i32
      %dma_wait3A_170 = arith.constant 0 : i32
      %dma_wait3A_171 = arith.constant 0 : i32
      %dma_wait3A_172 = tpu.memref_slice %arg9[%dma_wait3A_169, %dma_wait3A_170, %dma_wait3A_171] : memref<8x120x16xf32, #tpu.memory_space<vmem>> -> memref<1x120x16xf32, #tpu.memory_space<vmem>>
      %dma_wait3A_173 = tpu.memref_squeeze %dma_wait3A_172 : memref<1x120x16xf32, #tpu.memory_space<vmem>> -> memref<120x16xf32, #tpu.memory_space<vmem>>
      %dma_wait3A_174 = arith.constant 0 : i32
      %dma_wait3A_175 = tpu.memref_slice %arg7[%add3A_48, %dma_wait3A_174] : memref<16x120xi32, #tpu.memory_space<vmem>> -> memref<1x120xi32, #tpu.memory_space<vmem>>
      %dma_wait3A_176 = tpu.memref_squeeze %dma_wait3A_175 : memref<1x120xi32, #tpu.memory_space<vmem>> -> memref<120xi32, #tpu.memory_space<vmem>>
      %dma_wait3A_177 = arith.constant 0 : i32
      %dma_wait3A_178 = arith.constant 0 : i32
      %dma_wait3A_179 = tpu.memref_slice %arg2[%dma_wait3A_177, %dma_wait3A_178] : memref<10000x16xf32, #tpu.memory_space<hbm>> -> memref<10000x16xf32, #tpu.memory_space<hbm>>
      tpu.wait_indirect_dma semaphore(%arg12 : memref<!tpu.dma_semaphore, #tpu.memory_space<semaphore_mem>>) src(%dma_wait3A_179 : memref<10000x16xf32, #tpu.memory_space<hbm>>) dst(%dma_wait3A_173 : memref<120x16xf32, #tpu.memory_space<vmem>>)
      %add3A_180 = arith.constant 1 : i32
      %add3A_181 = arith.addi %mul3A_34, %add3A_180 : i32
      %dma_start3A_182 = arith.constant 1 : i32
      %dma_start3A_183 = arith.constant 0 : i32
      %dma_start3A_184 = arith.constant 0 : i32
      %dma_start3A_185 = tpu.memref_slice %arg9[%dma_start3A_182, %dma_start3A_183, %dma_start3A_184] : memref<8x120x16xf32, #tpu.memory_space<vmem>> -> memref<1x120x16xf32, #tpu.memory_space<vmem>>
      %dma_start3A_186 = tpu.memref_squeeze %dma_start3A_185 : memref<1x120x16xf32, #tpu.memory_space<vmem>> -> memref<120x16xf32, #tpu.memory_space<vmem>>
      %dma_start3A_187 = arith.constant 0 : i32
      %dma_start3A_188 = tpu.memref_slice %arg8[%add3A_181, %dma_start3A_187] : memref<16x120xi32, #tpu.memory_space<vmem>> -> memref<1x120xi32, #tpu.memory_space<vmem>>
      %dma_start3A_189 = tpu.memref_squeeze %dma_start3A_188 : memref<1x120xi32, #tpu.memory_space<vmem>> -> memref<120xi32, #tpu.memory_space<vmem>>
      %dma_start3A_190 = arith.constant 0 : i32
      %dma_start3A_191 = arith.constant 0 : i32
      %dma_start3A_192 = tpu.memref_slice %arg11[%dma_start3A_190, %dma_start3A_191] : memref<10112x16xf32, #tpu.memory_space<vmem_shared>> -> memref<10112x16xf32, #tpu.memory_space<vmem_shared>>
      tpu.enqueue_indirect_dma source(%dma_start3A_186 : memref<120x16xf32, #tpu.memory_space<vmem>>) target(%dma_start3A_192 : memref<10112x16xf32, #tpu.memory_space<vmem_shared>>) offsets(%dma_start3A_189 : memref<120xi32, #tpu.memory_space<vmem>>) semaphore(%arg13 : memref<!tpu.dma_semaphore, #tpu.memory_space<semaphore_mem>>) {add = true}
      %add3A_193 = arith.constant 1 : i32
      %add3A_194 = arith.addi %mul3A_34, %add3A_193 : i32
      %dma_start3A_195 = arith.constant 0 : i32
      %dma_start3A_196 = tpu.memref_slice %arg8[%add3A_194, %dma_start3A_195] : memref<16x120xi32, #tpu.memory_space<vmem>> -> memref<1x120xi32, #tpu.memory_space<vmem>>
      %dma_start3A_197 = tpu.memref_squeeze %dma_start3A_196 : memref<1x120xi32, #tpu.memory_space<vmem>> -> memref<120xi32, #tpu.memory_space<vmem>>
      %dma_start3A_198 = arith.constant 0 : i32
      %dma_start3A_199 = arith.constant 0 : i32
      %dma_start3A_200 = tpu.memref_slice %arg16[%dma_start3A_198, %dma_start3A_199] : memref<10112x16xf32, #tpu.memory_space<vmem_shared>> -> memref<10112x16xf32, #tpu.memory_space<vmem_shared>>
      tpu.enqueue_indirect_dma source(%arg14 : memref<120x16xf32, #tpu.memory_space<vmem>>) target(%dma_start3A_200 : memref<10112x16xf32, #tpu.memory_space<vmem_shared>>) offsets(%dma_start3A_197 : memref<120xi32, #tpu.memory_space<vmem>>) semaphore(%arg13 : memref<!tpu.dma_semaphore, #tpu.memory_space<semaphore_mem>>) {add = true}
      %dma_wait3A_201 = arith.constant 2 : i32
      %dma_wait3A_202 = arith.constant 0 : i32
      %dma_wait3A_203 = arith.constant 0 : i32
      %dma_wait3A_204 = tpu.memref_slice %arg9[%dma_wait3A_201, %dma_wait3A_202, %dma_wait3A_203] : memref<8x120x16xf32, #tpu.memory_space<vmem>> -> memref<1x120x16xf32, #tpu.memory_space<vmem>>
      %dma_wait3A_205 = tpu.memref_squeeze %dma_wait3A_204 : memref<1x120x16xf32, #tpu.memory_space<vmem>> -> memref<120x16xf32, #tpu.memory_space<vmem>>
      %dma_wait3A_206 = arith.constant 0 : i32
      %dma_wait3A_207 = tpu.memref_slice %arg7[%add3A_61, %dma_wait3A_206] : memref<16x120xi32, #tpu.memory_space<vmem>> -> memref<1x120xi32, #tpu.memory_space<vmem>>
      %dma_wait3A_208 = tpu.memref_squeeze %dma_wait3A_207 : memref<1x120xi32, #tpu.memory_space<vmem>> -> memref<120xi32, #tpu.memory_space<vmem>>
      %dma_wait3A_209 = arith.constant 0 : i32
      %dma_wait3A_210 = arith.constant 0 : i32
      %dma_wait3A_211 = tpu.memref_slice %arg2[%dma_wait3A_209, %dma_wait3A_210] : memref<10000x16xf32, #tpu.memory_space<hbm>> -> memref<10000x16xf32, #tpu.memory_space<hbm>>
      tpu.wait_indirect_dma semaphore(%arg12 : memref<!tpu.dma_semaphore, #tpu.memory_space<semaphore_mem>>) src(%dma_wait3A_211 : memref<10000x16xf32, #tpu.memory_space<hbm>>) dst(%dma_wait3A_205 : memref<120x16xf32, #tpu.memory_space<vmem>>)
      %add3A_212 = arith.constant 2 : i32
      %add3A_213 = arith.addi %mul3A_34, %add3A_212 : i32
      %dma_start3A_214 = arith.constant 2 : i32
      %dma_start3A_215 = arith.constant 0 : i32
      %dma_start3A_216 = arith.constant 0 : i32
      %dma_start3A_217 = tpu.memref_slice %arg9[%dma_start3A_214, %dma_start3A_215, %dma_start3A_216] : memref<8x120x16xf32, #tpu.memory_space<vmem>> -> memref<1x120x16xf32, #tpu.memory_space<vmem>>
      %dma_start3A_218 = tpu.memref_squeeze %dma_start3A_217 : memref<1x120x16xf32, #tpu.memory_space<vmem>> -> memref<120x16xf32, #tpu.memory_space<vmem>>
      %dma_start3A_219 = arith.constant 0 : i32
      %dma_start3A_220 = tpu.memref_slice %arg8[%add3A_213, %dma_start3A_219] : memref<16x120xi32, #tpu.memory_space<vmem>> -> memref<1x120xi32, #tpu.memory_space<vmem>>
      %dma_start3A_221 = tpu.memref_squeeze %dma_start3A_220 : memref<1x120xi32, #tpu.memory_space<vmem>> -> memref<120xi32, #tpu.memory_space<vmem>>
      %dma_start3A_222 = arith.constant 0 : i32
      %dma_start3A_223 = arith.constant 0 : i32
      %dma_start3A_224 = tpu.memref_slice %arg11[%dma_start3A_222, %dma_start3A_223] : memref<10112x16xf32, #tpu.memory_space<vmem_shared>> -> memref<10112x16xf32, #tpu.memory_space<vmem_shared>>
      tpu.enqueue_indirect_dma source(%dma_start3A_218 : memref<120x16xf32, #tpu.memory_space<vmem>>) target(%dma_start3A_224 : memref<10112x16xf32, #tpu.memory_space<vmem_shared>>) offsets(%dma_start3A_221 : memref<120xi32, #tpu.memory_space<vmem>>) semaphore(%arg13 : memref<!tpu.dma_semaphore, #tpu.memory_space<semaphore_mem>>) {add = true}
      %add3A_225 = arith.constant 2 : i32
      %add3A_226 = arith.addi %mul3A_34, %add3A_225 : i32
      %dma_start3A_227 = arith.constant 0 : i32
      %dma_start3A_228 = tpu.memref_slice %arg8[%add3A_226, %dma_start3A_227] : memref<16x120xi32, #tpu.memory_space<vmem>> -> memref<1x120xi32, #tpu.memory_space<vmem>>
      %dma_start3A_229 = tpu.memref_squeeze %dma_start3A_228 : memref<1x120xi32, #tpu.memory_space<vmem>> -> memref<120xi32, #tpu.memory_space<vmem>>
      %dma_start3A_230 = arith.constant 0 : i32
      %dma_start3A_231 = arith.constant 0 : i32
      %dma_start3A_232 = tpu.memref_slice %arg16[%dma_start3A_230, %dma_start3A_231] : memref<10112x16xf32, #tpu.memory_space<vmem_shared>> -> memref<10112x16xf32, #tpu.memory_space<vmem_shared>>
      tpu.enqueue_indirect_dma source(%arg14 : memref<120x16xf32, #tpu.memory_space<vmem>>) target(%dma_start3A_232 : memref<10112x16xf32, #tpu.memory_space<vmem_shared>>) offsets(%dma_start3A_229 : memref<120xi32, #tpu.memory_space<vmem>>) semaphore(%arg13 : memref<!tpu.dma_semaphore, #tpu.memory_space<semaphore_mem>>) {add = true}
      %dma_wait3A_233 = arith.constant 3 : i32
      %dma_wait3A_234 = arith.constant 0 : i32
      %dma_wait3A_235 = arith.constant 0 : i32
      %dma_wait3A_236 = tpu.memref_slice %arg9[%dma_wait3A_233, %dma_wait3A_234, %dma_wait3A_235] : memref<8x120x16xf32, #tpu.memory_space<vmem>> -> memref<1x120x16xf32, #tpu.memory_space<vmem>>
      %dma_wait3A_237 = tpu.memref_squeeze %dma_wait3A_236 : memref<1x120x16xf32, #tpu.memory_space<vmem>> -> memref<120x16xf32, #tpu.memory_space<vmem>>
      %dma_wait3A_238 = arith.constant 0 : i32
      %dma_wait3A_239 = tpu.memref_slice %arg7[%add3A_74, %dma_wait3A_238] : memref<16x120xi32, #tpu.memory_space<vmem>> -> memref<1x120xi32, #tpu.memory_space<vmem>>
      %dma_wait3A_240 = tpu.memref_squeeze %dma_wait3A_239 : memref<1x120xi32, #tpu.memory_space<vmem>> -> memref<120xi32, #tpu.memory_space<vmem>>
      %dma_wait3A_241 = arith.constant 0 : i32
      %dma_wait3A_242 = arith.constant 0 : i32
      %dma_wait3A_243 = tpu.memref_slice %arg2[%dma_wait3A_241, %dma_wait3A_242] : memref<10000x16xf32, #tpu.memory_space<hbm>> -> memref<10000x16xf32, #tpu.memory_space<hbm>>
      tpu.wait_indirect_dma semaphore(%arg12 : memref<!tpu.dma_semaphore, #tpu.memory_space<semaphore_mem>>) src(%dma_wait3A_243 : memref<10000x16xf32, #tpu.memory_space<hbm>>) dst(%dma_wait3A_237 : memref<120x16xf32, #tpu.memory_space<vmem>>)
      %add3A_244 = arith.constant 3 : i32
      %add3A_245 = arith.addi %mul3A_34, %add3A_244 : i32
      %dma_start3A_246 = arith.constant 3 : i32
      %dma_start3A_247 = arith.constant 0 : i32
      %dma_start3A_248 = arith.constant 0 : i32
      %dma_start3A_249 = tpu.memref_slice %arg9[%dma_start3A_246, %dma_start3A_247, %dma_start3A_248] : memref<8x120x16xf32, #tpu.memory_space<vmem>> -> memref<1x120x16xf32, #tpu.memory_space<vmem>>
      %dma_start3A_250 = tpu.memref_squeeze %dma_start3A_249 : memref<1x120x16xf32, #tpu.memory_space<vmem>> -> memref<120x16xf32, #tpu.memory_space<vmem>>
      %dma_start3A_251 = arith.constant 0 : i32
      %dma_start3A_252 = tpu.memref_slice %arg8[%add3A_245, %dma_start3A_251] : memref<16x120xi32, #tpu.memory_space<vmem>> -> memref<1x120xi32, #tpu.memory_space<vmem>>
      %dma_start3A_253 = tpu.memref_squeeze %dma_start3A_252 : memref<1x120xi32, #tpu.memory_space<vmem>> -> memref<120xi32, #tpu.memory_space<vmem>>
      %dma_start3A_254 = arith.constant 0 : i32
      %dma_start3A_255 = arith.constant 0 : i32
      %dma_start3A_256 = tpu.memref_slice %arg11[%dma_start3A_254, %dma_start3A_255] : memref<10112x16xf32, #tpu.memory_space<vmem_shared>> -> memref<10112x16xf32, #tpu.memory_space<vmem_shared>>
      tpu.enqueue_indirect_dma source(%dma_start3A_250 : memref<120x16xf32, #tpu.memory_space<vmem>>) target(%dma_start3A_256 : memref<10112x16xf32, #tpu.memory_space<vmem_shared>>) offsets(%dma_start3A_253 : memref<120xi32, #tpu.memory_space<vmem>>) semaphore(%arg13 : memref<!tpu.dma_semaphore, #tpu.memory_space<semaphore_mem>>) {add = true}
      %add3A_257 = arith.constant 3 : i32
      %add3A_258 = arith.addi %mul3A_34, %add3A_257 : i32
      %dma_start3A_259 = arith.constant 0 : i32
      %dma_start3A_260 = tpu.memref_slice %arg8[%add3A_258, %dma_start3A_259] : memref<16x120xi32, #tpu.memory_space<vmem>> -> memref<1x120xi32, #tpu.memory_space<vmem>>
      %dma_start3A_261 = tpu.memref_squeeze %dma_start3A_260 : memref<1x120xi32, #tpu.memory_space<vmem>> -> memref<120xi32, #tpu.memory_space<vmem>>
      %dma_start3A_262 = arith.constant 0 : i32
      %dma_start3A_263 = arith.constant 0 : i32
      %dma_start3A_264 = tpu.memref_slice %arg16[%dma_start3A_262, %dma_start3A_263] : memref<10112x16xf32, #tpu.memory_space<vmem_shared>> -> memref<10112x16xf32, #tpu.memory_space<vmem_shared>>
      tpu.enqueue_indirect_dma source(%arg14 : memref<120x16xf32, #tpu.memory_space<vmem>>) target(%dma_start3A_264 : memref<10112x16xf32, #tpu.memory_space<vmem_shared>>) offsets(%dma_start3A_261 : memref<120xi32, #tpu.memory_space<vmem>>) semaphore(%arg13 : memref<!tpu.dma_semaphore, #tpu.memory_space<semaphore_mem>>) {add = true}
      %dma_wait3A_265 = arith.constant 4 : i32
      %dma_wait3A_266 = arith.constant 0 : i32
      %dma_wait3A_267 = arith.constant 0 : i32
      %dma_wait3A_268 = tpu.memref_slice %arg9[%dma_wait3A_265, %dma_wait3A_266, %dma_wait3A_267] : memref<8x120x16xf32, #tpu.memory_space<vmem>> -> memref<1x120x16xf32, #tpu.memory_space<vmem>>
      %dma_wait3A_269 = tpu.memref_squeeze %dma_wait3A_268 : memref<1x120x16xf32, #tpu.memory_space<vmem>> -> memref<120x16xf32, #tpu.memory_space<vmem>>
      %dma_wait3A_270 = arith.constant 0 : i32
      %dma_wait3A_271 = tpu.memref_slice %arg7[%add3A_87, %dma_wait3A_270] : memref<16x120xi32, #tpu.memory_space<vmem>> -> memref<1x120xi32, #tpu.memory_space<vmem>>
      %dma_wait3A_272 = tpu.memref_squeeze %dma_wait3A_271 : memref<1x120xi32, #tpu.memory_space<vmem>> -> memref<120xi32, #tpu.memory_space<vmem>>
      %dma_wait3A_273 = arith.constant 0 : i32
      %dma_wait3A_274 = arith.constant 0 : i32
      %dma_wait3A_275 = tpu.memref_slice %arg2[%dma_wait3A_273, %dma_wait3A_274] : memref<10000x16xf32, #tpu.memory_space<hbm>> -> memref<10000x16xf32, #tpu.memory_space<hbm>>
      tpu.wait_indirect_dma semaphore(%arg12 : memref<!tpu.dma_semaphore, #tpu.memory_space<semaphore_mem>>) src(%dma_wait3A_275 : memref<10000x16xf32, #tpu.memory_space<hbm>>) dst(%dma_wait3A_269 : memref<120x16xf32, #tpu.memory_space<vmem>>)
      %add3A_276 = arith.constant 4 : i32
      %add3A_277 = arith.addi %mul3A_34, %add3A_276 : i32
      %dma_start3A_278 = arith.constant 4 : i32
      %dma_start3A_279 = arith.constant 0 : i32
      %dma_start3A_280 = arith.constant 0 : i32
      %dma_start3A_281 = tpu.memref_slice %arg9[%dma_start3A_278, %dma_start3A_279, %dma_start3A_280] : memref<8x120x16xf32, #tpu.memory_space<vmem>> -> memref<1x120x16xf32, #tpu.memory_space<vmem>>
      %dma_start3A_282 = tpu.memref_squeeze %dma_start3A_281 : memref<1x120x16xf32, #tpu.memory_space<vmem>> -> memref<120x16xf32, #tpu.memory_space<vmem>>
      %dma_start3A_283 = arith.constant 0 : i32
      %dma_start3A_284 = tpu.memref_slice %arg8[%add3A_277, %dma_start3A_283] : memref<16x120xi32, #tpu.memory_space<vmem>> -> memref<1x120xi32, #tpu.memory_space<vmem>>
      %dma_start3A_285 = tpu.memref_squeeze %dma_start3A_284 : memref<1x120xi32, #tpu.memory_space<vmem>> -> memref<120xi32, #tpu.memory_space<vmem>>
      %dma_start3A_286 = arith.constant 0 : i32
      %dma_start3A_287 = arith.constant 0 : i32
      %dma_start3A_288 = tpu.memref_slice %arg11[%dma_start3A_286, %dma_start3A_287] : memref<10112x16xf32, #tpu.memory_space<vmem_shared>> -> memref<10112x16xf32, #tpu.memory_space<vmem_shared>>
      tpu.enqueue_indirect_dma source(%dma_start3A_282 : memref<120x16xf32, #tpu.memory_space<vmem>>) target(%dma_start3A_288 : memref<10112x16xf32, #tpu.memory_space<vmem_shared>>) offsets(%dma_start3A_285 : memref<120xi32, #tpu.memory_space<vmem>>) semaphore(%arg13 : memref<!tpu.dma_semaphore, #tpu.memory_space<semaphore_mem>>) {add = true}
      %add3A_289 = arith.constant 4 : i32
      %add3A_290 = arith.addi %mul3A_34, %add3A_289 : i32
      %dma_start3A_291 = arith.constant 0 : i32
      %dma_start3A_292 = tpu.memref_slice %arg8[%add3A_290, %dma_start3A_291] : memref<16x120xi32, #tpu.memory_space<vmem>> -> memref<1x120xi32, #tpu.memory_space<vmem>>
      %dma_start3A_293 = tpu.memref_squeeze %dma_start3A_292 : memref<1x120xi32, #tpu.memory_space<vmem>> -> memref<120xi32, #tpu.memory_space<vmem>>
      %dma_start3A_294 = arith.constant 0 : i32
      %dma_start3A_295 = arith.constant 0 : i32
      %dma_start3A_296 = tpu.memref_slice %arg16[%dma_start3A_294, %dma_start3A_295] : memref<10112x16xf32, #tpu.memory_space<vmem_shared>> -> memref<10112x16xf32, #tpu.memory_space<vmem_shared>>
      tpu.enqueue_indirect_dma source(%arg14 : memref<120x16xf32, #tpu.memory_space<vmem>>) target(%dma_start3A_296 : memref<10112x16xf32, #tpu.memory_space<vmem_shared>>) offsets(%dma_start3A_293 : memref<120xi32, #tpu.memory_space<vmem>>) semaphore(%arg13 : memref<!tpu.dma_semaphore, #tpu.memory_space<semaphore_mem>>) {add = true}
      %dma_wait3A_297 = arith.constant 5 : i32
      %dma_wait3A_298 = arith.constant 0 : i32
      %dma_wait3A_299 = arith.constant 0 : i32
      %dma_wait3A_300 = tpu.memref_slice %arg9[%dma_wait3A_297, %dma_wait3A_298, %dma_wait3A_299] : memref<8x120x16xf32, #tpu.memory_space<vmem>> -> memref<1x120x16xf32, #tpu.memory_space<vmem>>
      %dma_wait3A_301 = tpu.memref_squeeze %dma_wait3A_300 : memref<1x120x16xf32, #tpu.memory_space<vmem>> -> memref<120x16xf32, #tpu.memory_space<vmem>>
      %dma_wait3A_302 = arith.constant 0 : i32
      %dma_wait3A_303 = tpu.memref_slice %arg7[%add3A_100, %dma_wait3A_302] : memref<16x120xi32, #tpu.memory_space<vmem>> -> memref<1x120xi32, #tpu.memory_space<vmem>>
      %dma_wait3A_304 = tpu.memref_squeeze %dma_wait3A_303 : memref<1x120xi32, #tpu.memory_space<vmem>> -> memref<120xi32, #tpu.memory_space<vmem>>
      %dma_wait3A_305 = arith.constant 0 : i32
      %dma_wait3A_306 = arith.constant 0 : i32
      %dma_wait3A_307 = tpu.memref_slice %arg2[%dma_wait3A_305, %dma_wait3A_306] : memref<10000x16xf32, #tpu.memory_space<hbm>> -> memref<10000x16xf32, #tpu.memory_space<hbm>>
      tpu.wait_indirect_dma semaphore(%arg12 : memref<!tpu.dma_semaphore, #tpu.memory_space<semaphore_mem>>) src(%dma_wait3A_307 : memref<10000x16xf32, #tpu.memory_space<hbm>>) dst(%dma_wait3A_301 : memref<120x16xf32, #tpu.memory_space<vmem>>)
      %add3A_308 = arith.constant 5 : i32
      %add3A_309 = arith.addi %mul3A_34, %add3A_308 : i32
      %dma_start3A_310 = arith.constant 5 : i32
      %dma_start3A_311 = arith.constant 0 : i32
      %dma_start3A_312 = arith.constant 0 : i32
      %dma_start3A_313 = tpu.memref_slice %arg9[%dma_start3A_310, %dma_start3A_311, %dma_start3A_312] : memref<8x120x16xf32, #tpu.memory_space<vmem>> -> memref<1x120x16xf32, #tpu.memory_space<vmem>>
      %dma_start3A_314 = tpu.memref_squeeze %dma_start3A_313 : memref<1x120x16xf32, #tpu.memory_space<vmem>> -> memref<120x16xf32, #tpu.memory_space<vmem>>
      %dma_start3A_315 = arith.constant 0 : i32
      %dma_start3A_316 = tpu.memref_slice %arg8[%add3A_309, %dma_start3A_315] : memref<16x120xi32, #tpu.memory_space<vmem>> -> memref<1x120xi32, #tpu.memory_space<vmem>>
      %dma_start3A_317 = tpu.memref_squeeze %dma_start3A_316 : memref<1x120xi32, #tpu.memory_space<vmem>> -> memref<120xi32, #tpu.memory_space<vmem>>
      %dma_start3A_318 = arith.constant 0 : i32
      %dma_start3A_319 = arith.constant 0 : i32
      %dma_start3A_320 = tpu.memref_slice %arg11[%dma_start3A_318, %dma_start3A_319] : memref<10112x16xf32, #tpu.memory_space<vmem_shared>> -> memref<10112x16xf32, #tpu.memory_space<vmem_shared>>
      tpu.enqueue_indirect_dma source(%dma_start3A_314 : memref<120x16xf32, #tpu.memory_space<vmem>>) target(%dma_start3A_320 : memref<10112x16xf32, #tpu.memory_space<vmem_shared>>) offsets(%dma_start3A_317 : memref<120xi32, #tpu.memory_space<vmem>>) semaphore(%arg13 : memref<!tpu.dma_semaphore, #tpu.memory_space<semaphore_mem>>) {add = true}
      %add3A_321 = arith.constant 5 : i32
      %add3A_322 = arith.addi %mul3A_34, %add3A_321 : i32
      %dma_start3A_323 = arith.constant 0 : i32
      %dma_start3A_324 = tpu.memref_slice %arg8[%add3A_322, %dma_start3A_323] : memref<16x120xi32, #tpu.memory_space<vmem>> -> memref<1x120xi32, #tpu.memory_space<vmem>>
      %dma_start3A_325 = tpu.memref_squeeze %dma_start3A_324 : memref<1x120xi32, #tpu.memory_space<vmem>> -> memref<120xi32, #tpu.memory_space<vmem>>
      %dma_start3A_326 = arith.constant 0 : i32
      %dma_start3A_327 = arith.constant 0 : i32
      %dma_start3A_328 = tpu.memref_slice %arg16[%dma_start3A_326, %dma_start3A_327] : memref<10112x16xf32, #tpu.memory_space<vmem_shared>> -> memref<10112x16xf32, #tpu.memory_space<vmem_shared>>
      tpu.enqueue_indirect_dma source(%arg14 : memref<120x16xf32, #tpu.memory_space<vmem>>) target(%dma_start3A_328 : memref<10112x16xf32, #tpu.memory_space<vmem_shared>>) offsets(%dma_start3A_325 : memref<120xi32, #tpu.memory_space<vmem>>) semaphore(%arg13 : memref<!tpu.dma_semaphore, #tpu.memory_space<semaphore_mem>>) {add = true}
      %dma_wait3A_329 = arith.constant 6 : i32
      %dma_wait3A_330 = arith.constant 0 : i32
      %dma_wait3A_331 = arith.constant 0 : i32
      %dma_wait3A_332 = tpu.memref_slice %arg9[%dma_wait3A_329, %dma_wait3A_330, %dma_wait3A_331] : memref<8x120x16xf32, #tpu.memory_space<vmem>> -> memref<1x120x16xf32, #tpu.memory_space<vmem>>
      %dma_wait3A_333 = tpu.memref_squeeze %dma_wait3A_332 : memref<1x120x16xf32, #tpu.memory_space<vmem>> -> memref<120x16xf32, #tpu.memory_space<vmem>>
      %dma_wait3A_334 = arith.constant 0 : i32
      %dma_wait3A_335 = tpu.memref_slice %arg7[%add3A_113, %dma_wait3A_334] : memref<16x120xi32, #tpu.memory_space<vmem>> -> memref<1x120xi32, #tpu.memory_space<vmem>>
      %dma_wait3A_336 = tpu.memref_squeeze %dma_wait3A_335 : memref<1x120xi32, #tpu.memory_space<vmem>> -> memref<120xi32, #tpu.memory_space<vmem>>
      %dma_wait3A_337 = arith.constant 0 : i32
      %dma_wait3A_338 = arith.constant 0 : i32
      %dma_wait3A_339 = tpu.memref_slice %arg2[%dma_wait3A_337, %dma_wait3A_338] : memref<10000x16xf32, #tpu.memory_space<hbm>> -> memref<10000x16xf32, #tpu.memory_space<hbm>>
      tpu.wait_indirect_dma semaphore(%arg12 : memref<!tpu.dma_semaphore, #tpu.memory_space<semaphore_mem>>) src(%dma_wait3A_339 : memref<10000x16xf32, #tpu.memory_space<hbm>>) dst(%dma_wait3A_333 : memref<120x16xf32, #tpu.memory_space<vmem>>)
      %add3A_340 = arith.constant 6 : i32
      %add3A_341 = arith.addi %mul3A_34, %add3A_340 : i32
      %dma_start3A_342 = arith.constant 6 : i32
      %dma_start3A_343 = arith.constant 0 : i32
      %dma_start3A_344 = arith.constant 0 : i32
      %dma_start3A_345 = tpu.memref_slice %arg9[%dma_start3A_342, %dma_start3A_343, %dma_start3A_344] : memref<8x120x16xf32, #tpu.memory_space<vmem>> -> memref<1x120x16xf32, #tpu.memory_space<vmem>>
      %dma_start3A_346 = tpu.memref_squeeze %dma_start3A_345 : memref<1x120x16xf32, #tpu.memory_space<vmem>> -> memref<120x16xf32, #tpu.memory_space<vmem>>
      %dma_start3A_347 = arith.constant 0 : i32
      %dma_start3A_348 = tpu.memref_slice %arg8[%add3A_341, %dma_start3A_347] : memref<16x120xi32, #tpu.memory_space<vmem>> -> memref<1x120xi32, #tpu.memory_space<vmem>>
      %dma_start3A_349 = tpu.memref_squeeze %dma_start3A_348 : memref<1x120xi32, #tpu.memory_space<vmem>> -> memref<120xi32, #tpu.memory_space<vmem>>
      %dma_start3A_350 = arith.constant 0 : i32
      %dma_start3A_351 = arith.constant 0 : i32
      %dma_start3A_352 = tpu.memref_slice %arg11[%dma_start3A_350, %dma_start3A_351] : memref<10112x16xf32, #tpu.memory_space<vmem_shared>> -> memref<10112x16xf32, #tpu.memory_space<vmem_shared>>
      tpu.enqueue_indirect_dma source(%dma_start3A_346 : memref<120x16xf32, #tpu.memory_space<vmem>>) target(%dma_start3A_352 : memref<10112x16xf32, #tpu.memory_space<vmem_shared>>) offsets(%dma_start3A_349 : memref<120xi32, #tpu.memory_space<vmem>>) semaphore(%arg13 : memref<!tpu.dma_semaphore, #tpu.memory_space<semaphore_mem>>) {add = true}
      %add3A_353 = arith.constant 6 : i32
      %add3A_354 = arith.addi %mul3A_34, %add3A_353 : i32
      %dma_start3A_355 = arith.constant 0 : i32
      %dma_start3A_356 = tpu.memref_slice %arg8[%add3A_354, %dma_start3A_355] : memref<16x120xi32, #tpu.memory_space<vmem>> -> memref<1x120xi32, #tpu.memory_space<vmem>>
      %dma_start3A_357 = tpu.memref_squeeze %dma_start3A_356 : memref<1x120xi32, #tpu.memory_space<vmem>> -> memref<120xi32, #tpu.memory_space<vmem>>
      %dma_start3A_358 = arith.constant 0 : i32
      %dma_start3A_359 = arith.constant 0 : i32
      %dma_start3A_360 = tpu.memref_slice %arg16[%dma_start3A_358, %dma_start3A_359] : memref<10112x16xf32, #tpu.memory_space<vmem_shared>> -> memref<10112x16xf32, #tpu.memory_space<vmem_shared>>
      tpu.enqueue_indirect_dma source(%arg14 : memref<120x16xf32, #tpu.memory_space<vmem>>) target(%dma_start3A_360 : memref<10112x16xf32, #tpu.memory_space<vmem_shared>>) offsets(%dma_start3A_357 : memref<120xi32, #tpu.memory_space<vmem>>) semaphore(%arg13 : memref<!tpu.dma_semaphore, #tpu.memory_space<semaphore_mem>>) {add = true}
      %dma_wait3A_361 = arith.constant 7 : i32
      %dma_wait3A_362 = arith.constant 0 : i32
      %dma_wait3A_363 = arith.constant 0 : i32
      %dma_wait3A_364 = tpu.memref_slice %arg9[%dma_wait3A_361, %dma_wait3A_362, %dma_wait3A_363] : memref<8x120x16xf32, #tpu.memory_space<vmem>> -> memref<1x120x16xf32, #tpu.memory_space<vmem>>
      %dma_wait3A_365 = tpu.memref_squeeze %dma_wait3A_364 : memref<1x120x16xf32, #tpu.memory_space<vmem>> -> memref<120x16xf32, #tpu.memory_space<vmem>>
      %dma_wait3A_366 = arith.constant 0 : i32
      %dma_wait3A_367 = tpu.memref_slice %arg7[%add3A_126, %dma_wait3A_366] : memref<16x120xi32, #tpu.memory_space<vmem>> -> memref<1x120xi32, #tpu.memory_space<vmem>>
      %dma_wait3A_368 = tpu.memref_squeeze %dma_wait3A_367 : memref<1x120xi32, #tpu.memory_space<vmem>> -> memref<120xi32, #tpu.memory_space<vmem>>
      %dma_wait3A_369 = arith.constant 0 : i32
      %dma_wait3A_370 = arith.constant 0 : i32
      %dma_wait3A_371 = tpu.memref_slice %arg2[%dma_wait3A_369, %dma_wait3A_370] : memref<10000x16xf32, #tpu.memory_space<hbm>> -> memref<10000x16xf32, #tpu.memory_space<hbm>>
      tpu.wait_indirect_dma semaphore(%arg12 : memref<!tpu.dma_semaphore, #tpu.memory_space<semaphore_mem>>) src(%dma_wait3A_371 : memref<10000x16xf32, #tpu.memory_space<hbm>>) dst(%dma_wait3A_365 : memref<120x16xf32, #tpu.memory_space<vmem>>)
      %add3A_372 = arith.constant 7 : i32
      %add3A_373 = arith.addi %mul3A_34, %add3A_372 : i32
      %dma_start3A_374 = arith.constant 7 : i32
      %dma_start3A_375 = arith.constant 0 : i32
      %dma_start3A_376 = arith.constant 0 : i32
      %dma_start3A_377 = tpu.memref_slice %arg9[%dma_start3A_374, %dma_start3A_375, %dma_start3A_376] : memref<8x120x16xf32, #tpu.memory_space<vmem>> -> memref<1x120x16xf32, #tpu.memory_space<vmem>>
      %dma_start3A_378 = tpu.memref_squeeze %dma_start3A_377 : memref<1x120x16xf32, #tpu.memory_space<vmem>> -> memref<120x16xf32, #tpu.memory_space<vmem>>
      %dma_start3A_379 = arith.constant 0 : i32
      %dma_start3A_380 = tpu.memref_slice %arg8[%add3A_373, %dma_start3A_379] : memref<16x120xi32, #tpu.memory_space<vmem>> -> memref<1x120xi32, #tpu.memory_space<vmem>>
      %dma_start3A_381 = tpu.memref_squeeze %dma_start3A_380 : memref<1x120xi32, #tpu.memory_space<vmem>> -> memref<120xi32, #tpu.memory_space<vmem>>
      %dma_start3A_382 = arith.constant 0 : i32
      %dma_start3A_383 = arith.constant 0 : i32
      %dma_start3A_384 = tpu.memref_slice %arg11[%dma_start3A_382, %dma_start3A_383] : memref<10112x16xf32, #tpu.memory_space<vmem_shared>> -> memref<10112x16xf32, #tpu.memory_space<vmem_shared>>
      tpu.enqueue_indirect_dma source(%dma_start3A_378 : memref<120x16xf32, #tpu.memory_space<vmem>>) target(%dma_start3A_384 : memref<10112x16xf32, #tpu.memory_space<vmem_shared>>) offsets(%dma_start3A_381 : memref<120xi32, #tpu.memory_space<vmem>>) semaphore(%arg13 : memref<!tpu.dma_semaphore, #tpu.memory_space<semaphore_mem>>) {add = true}
      %add3A_385 = arith.constant 7 : i32
      %add3A_386 = arith.addi %mul3A_34, %add3A_385 : i32
      %dma_start3A_387 = arith.constant 0 : i32
      %dma_start3A_388 = tpu.memref_slice %arg8[%add3A_386, %dma_start3A_387] : memref<16x120xi32, #tpu.memory_space<vmem>> -> memref<1x120xi32, #tpu.memory_space<vmem>>
      %dma_start3A_389 = tpu.memref_squeeze %dma_start3A_388 : memref<1x120xi32, #tpu.memory_space<vmem>> -> memref<120xi32, #tpu.memory_space<vmem>>
      %dma_start3A_390 = arith.constant 0 : i32
      %dma_start3A_391 = arith.constant 0 : i32
      %dma_start3A_392 = tpu.memref_slice %arg16[%dma_start3A_390, %dma_start3A_391] : memref<10112x16xf32, #tpu.memory_space<vmem_shared>> -> memref<10112x16xf32, #tpu.memory_space<vmem_shared>>
      tpu.enqueue_indirect_dma source(%arg14 : memref<120x16xf32, #tpu.memory_space<vmem>>) target(%dma_start3A_392 : memref<10112x16xf32, #tpu.memory_space<vmem_shared>>) offsets(%dma_start3A_389 : memref<120xi32, #tpu.memory_space<vmem>>) semaphore(%arg13 : memref<!tpu.dma_semaphore, #tpu.memory_space<semaphore_mem>>) {add = true}
      %dma_wait3A_393 = arith.constant 0 : i32
      %dma_wait3A_394 = arith.constant 0 : i32
      %dma_wait3A_395 = arith.constant 0 : i32
      %dma_wait3A_396 = tpu.memref_slice %arg9[%dma_wait3A_393, %dma_wait3A_394, %dma_wait3A_395] : memref<8x120x16xf32, #tpu.memory_space<vmem>> -> memref<1x120x16xf32, #tpu.memory_space<vmem>>
      %dma_wait3A_397 = tpu.memref_squeeze %dma_wait3A_396 : memref<1x120x16xf32, #tpu.memory_space<vmem>> -> memref<120x16xf32, #tpu.memory_space<vmem>>
      %dma_wait3A_398 = arith.constant 0 : i32
      %dma_wait3A_399 = tpu.memref_slice %arg8[%add3A_149, %dma_wait3A_398] : memref<16x120xi32, #tpu.memory_space<vmem>> -> memref<1x120xi32, #tpu.memory_space<vmem>>
      %dma_wait3A_400 = tpu.memref_squeeze %dma_wait3A_399 : memref<1x120xi32, #tpu.memory_space<vmem>> -> memref<120xi32, #tpu.memory_space<vmem>>
      %dma_wait3A_401 = arith.constant 0 : i32
      %dma_wait3A_402 = arith.constant 0 : i32
      %dma_wait3A_403 = tpu.memref_slice %arg11[%dma_wait3A_401, %dma_wait3A_402] : memref<10112x16xf32, #tpu.memory_space<vmem_shared>> -> memref<10112x16xf32, #tpu.memory_space<vmem_shared>>
      tpu.wait_indirect_dma semaphore(%arg13 : memref<!tpu.dma_semaphore, #tpu.memory_space<semaphore_mem>>) src(%dma_wait3A_397 : memref<120x16xf32, #tpu.memory_space<vmem>>) dst(%dma_wait3A_403 : memref<10112x16xf32, #tpu.memory_space<vmem_shared>>)
      %dma_wait3A_404 = arith.constant 0 : i32
      %dma_wait3A_405 = tpu.memref_slice %arg8[%add3A_162, %dma_wait3A_404] : memref<16x120xi32, #tpu.memory_space<vmem>> -> memref<1x120xi32, #tpu.memory_space<vmem>>
      %dma_wait3A_406 = tpu.memref_squeeze %dma_wait3A_405 : memref<1x120xi32, #tpu.memory_space<vmem>> -> memref<120xi32, #tpu.memory_space<vmem>>
      %dma_wait3A_407 = arith.constant 0 : i32
      %dma_wait3A_408 = arith.constant 0 : i32
      %dma_wait3A_409 = tpu.memref_slice %arg16[%dma_wait3A_407, %dma_wait3A_408] : memref<10112x16xf32, #tpu.memory_space<vmem_shared>> -> memref<10112x16xf32, #tpu.memory_space<vmem_shared>>
      tpu.wait_indirect_dma semaphore(%arg13 : memref<!tpu.dma_semaphore, #tpu.memory_space<semaphore_mem>>) src(%arg14 : memref<120x16xf32, #tpu.memory_space<vmem>>) dst(%dma_wait3A_409 : memref<10112x16xf32, #tpu.memory_space<vmem_shared>>)
      %dma_wait3A_410 = arith.constant 1 : i32
      %dma_wait3A_411 = arith.constant 0 : i32
      %dma_wait3A_412 = arith.constant 0 : i32
      %dma_wait3A_413 = tpu.memref_slice %arg9[%dma_wait3A_410, %dma_wait3A_411, %dma_wait3A_412] : memref<8x120x16xf32, #tpu.memory_space<vmem>> -> memref<1x120x16xf32, #tpu.memory_space<vmem>>
      %dma_wait3A_414 = tpu.memref_squeeze %dma_wait3A_413 : memref<1x120x16xf32, #tpu.memory_space<vmem>> -> memref<120x16xf32, #tpu.memory_space<vmem>>
      %dma_wait3A_415 = arith.constant 0 : i32
      %dma_wait3A_416 = tpu.memref_slice %arg8[%add3A_181, %dma_wait3A_415] : memref<16x120xi32, #tpu.memory_space<vmem>> -> memref<1x120xi32, #tpu.memory_space<vmem>>
      %dma_wait3A_417 = tpu.memref_squeeze %dma_wait3A_416 : memref<1x120xi32, #tpu.memory_space<vmem>> -> memref<120xi32, #tpu.memory_space<vmem>>
      %dma_wait3A_418 = arith.constant 0 : i32
      %dma_wait3A_419 = arith.constant 0 : i32
      %dma_wait3A_420 = tpu.memref_slice %arg11[%dma_wait3A_418, %dma_wait3A_419] : memref<10112x16xf32, #tpu.memory_space<vmem_shared>> -> memref<10112x16xf32, #tpu.memory_space<vmem_shared>>
      tpu.wait_indirect_dma semaphore(%arg13 : memref<!tpu.dma_semaphore, #tpu.memory_space<semaphore_mem>>) src(%dma_wait3A_414 : memref<120x16xf32, #tpu.memory_space<vmem>>) dst(%dma_wait3A_420 : memref<10112x16xf32, #tpu.memory_space<vmem_shared>>)
      %dma_wait3A_421 = arith.constant 0 : i32
      %dma_wait3A_422 = tpu.memref_slice %arg8[%add3A_194, %dma_wait3A_421] : memref<16x120xi32, #tpu.memory_space<vmem>> -> memref<1x120xi32, #tpu.memory_space<vmem>>
      %dma_wait3A_423 = tpu.memref_squeeze %dma_wait3A_422 : memref<1x120xi32, #tpu.memory_space<vmem>> -> memref<120xi32, #tpu.memory_space<vmem>>
      %dma_wait3A_424 = arith.constant 0 : i32
      %dma_wait3A_425 = arith.constant 0 : i32
      %dma_wait3A_426 = tpu.memref_slice %arg16[%dma_wait3A_424, %dma_wait3A_425] : memref<10112x16xf32, #tpu.memory_space<vmem_shared>> -> memref<10112x16xf32, #tpu.memory_space<vmem_shared>>
      tpu.wait_indirect_dma semaphore(%arg13 : memref<!tpu.dma_semaphore, #tpu.memory_space<semaphore_mem>>) src(%arg14 : memref<120x16xf32, #tpu.memory_space<vmem>>) dst(%dma_wait3A_426 : memref<10112x16xf32, #tpu.memory_space<vmem_shared>>)
      %dma_wait3A_427 = arith.constant 2 : i32
      %dma_wait3A_428 = arith.constant 0 : i32
      %dma_wait3A_429 = arith.constant 0 : i32
      %dma_wait3A_430 = tpu.memref_slice %arg9[%dma_wait3A_427, %dma_wait3A_428, %dma_wait3A_429] : memref<8x120x16xf32, #tpu.memory_space<vmem>> -> memref<1x120x16xf32, #tpu.memory_space<vmem>>
      %dma_wait3A_431 = tpu.memref_squeeze %dma_wait3A_430 : memref<1x120x16xf32, #tpu.memory_space<vmem>> -> memref<120x16xf32, #tpu.memory_space<vmem>>
      %dma_wait3A_432 = arith.constant 0 : i32
      %dma_wait3A_433 = tpu.memref_slice %arg8[%add3A_213, %dma_wait3A_432] : memref<16x120xi32, #tpu.memory_space<vmem>> -> memref<1x120xi32, #tpu.memory_space<vmem>>
      %dma_wait3A_434 = tpu.memref_squeeze %dma_wait3A_433 : memref<1x120xi32, #tpu.memory_space<vmem>> -> memref<120xi32, #tpu.memory_space<vmem>>
      %dma_wait3A_435 = arith.constant 0 : i32
      %dma_wait3A_436 = arith.constant 0 : i32
      %dma_wait3A_437 = tpu.memref_slice %arg11[%dma_wait3A_435, %dma_wait3A_436] : memref<10112x16xf32, #tpu.memory_space<vmem_shared>> -> memref<10112x16xf32, #tpu.memory_space<vmem_shared>>
      tpu.wait_indirect_dma semaphore(%arg13 : memref<!tpu.dma_semaphore, #tpu.memory_space<semaphore_mem>>) src(%dma_wait3A_431 : memref<120x16xf32, #tpu.memory_space<vmem>>) dst(%dma_wait3A_437 : memref<10112x16xf32, #tpu.memory_space<vmem_shared>>)
      %dma_wait3A_438 = arith.constant 0 : i32
      %dma_wait3A_439 = tpu.memref_slice %arg8[%add3A_226, %dma_wait3A_438] : memref<16x120xi32, #tpu.memory_space<vmem>> -> memref<1x120xi32, #tpu.memory_space<vmem>>
      %dma_wait3A_440 = tpu.memref_squeeze %dma_wait3A_439 : memref<1x120xi32, #tpu.memory_space<vmem>> -> memref<120xi32, #tpu.memory_space<vmem>>
      %dma_wait3A_441 = arith.constant 0 : i32
      %dma_wait3A_442 = arith.constant 0 : i32
      %dma_wait3A_443 = tpu.memref_slice %arg16[%dma_wait3A_441, %dma_wait3A_442] : memref<10112x16xf32, #tpu.memory_space<vmem_shared>> -> memref<10112x16xf32, #tpu.memory_space<vmem_shared>>
      tpu.wait_indirect_dma semaphore(%arg13 : memref<!tpu.dma_semaphore, #tpu.memory_space<semaphore_mem>>) src(%arg14 : memref<120x16xf32, #tpu.memory_space<vmem>>) dst(%dma_wait3A_443 : memref<10112x16xf32, #tpu.memory_space<vmem_shared>>)
      %dma_wait3A_444 = arith.constant 3 : i32
      %dma_wait3A_445 = arith.constant 0 : i32
      %dma_wait3A_446 = arith.constant 0 : i32
      %dma_wait3A_447 = tpu.memref_slice %arg9[%dma_wait3A_444, %dma_wait3A_445, %dma_wait3A_446] : memref<8x120x16xf32, #tpu.memory_space<vmem>> -> memref<1x120x16xf32, #tpu.memory_space<vmem>>
      %dma_wait3A_448 = tpu.memref_squeeze %dma_wait3A_447 : memref<1x120x16xf32, #tpu.memory_space<vmem>> -> memref<120x16xf32, #tpu.memory_space<vmem>>
      %dma_wait3A_449 = arith.constant 0 : i32
      %dma_wait3A_450 = tpu.memref_slice %arg8[%add3A_245, %dma_wait3A_449] : memref<16x120xi32, #tpu.memory_space<vmem>> -> memref<1x120xi32, #tpu.memory_space<vmem>>
      %dma_wait3A_451 = tpu.memref_squeeze %dma_wait3A_450 : memref<1x120xi32, #tpu.memory_space<vmem>> -> memref<120xi32, #tpu.memory_space<vmem>>
      %dma_wait3A_452 = arith.constant 0 : i32
      %dma_wait3A_453 = arith.constant 0 : i32
      %dma_wait3A_454 = tpu.memref_slice %arg11[%dma_wait3A_452, %dma_wait3A_453] : memref<10112x16xf32, #tpu.memory_space<vmem_shared>> -> memref<10112x16xf32, #tpu.memory_space<vmem_shared>>
      tpu.wait_indirect_dma semaphore(%arg13 : memref<!tpu.dma_semaphore, #tpu.memory_space<semaphore_mem>>) src(%dma_wait3A_448 : memref<120x16xf32, #tpu.memory_space<vmem>>) dst(%dma_wait3A_454 : memref<10112x16xf32, #tpu.memory_space<vmem_shared>>)
      %dma_wait3A_455 = arith.constant 0 : i32
      %dma_wait3A_456 = tpu.memref_slice %arg8[%add3A_258, %dma_wait3A_455] : memref<16x120xi32, #tpu.memory_space<vmem>> -> memref<1x120xi32, #tpu.memory_space<vmem>>
      %dma_wait3A_457 = tpu.memref_squeeze %dma_wait3A_456 : memref<1x120xi32, #tpu.memory_space<vmem>> -> memref<120xi32, #tpu.memory_space<vmem>>
      %dma_wait3A_458 = arith.constant 0 : i32
      %dma_wait3A_459 = arith.constant 0 : i32
      %dma_wait3A_460 = tpu.memref_slice %arg16[%dma_wait3A_458, %dma_wait3A_459] : memref<10112x16xf32, #tpu.memory_space<vmem_shared>> -> memref<10112x16xf32, #tpu.memory_space<vmem_shared>>
      tpu.wait_indirect_dma semaphore(%arg13 : memref<!tpu.dma_semaphore, #tpu.memory_space<semaphore_mem>>) src(%arg14 : memref<120x16xf32, #tpu.memory_space<vmem>>) dst(%dma_wait3A_460 : memref<10112x16xf32, #tpu.memory_space<vmem_shared>>)
      %dma_wait3A_461 = arith.constant 4 : i32
      %dma_wait3A_462 = arith.constant 0 : i32
      %dma_wait3A_463 = arith.constant 0 : i32
      %dma_wait3A_464 = tpu.memref_slice %arg9[%dma_wait3A_461, %dma_wait3A_462, %dma_wait3A_463] : memref<8x120x16xf32, #tpu.memory_space<vmem>> -> memref<1x120x16xf32, #tpu.memory_space<vmem>>
      %dma_wait3A_465 = tpu.memref_squeeze %dma_wait3A_464 : memref<1x120x16xf32, #tpu.memory_space<vmem>> -> memref<120x16xf32, #tpu.memory_space<vmem>>
      %dma_wait3A_466 = arith.constant 0 : i32
      %dma_wait3A_467 = tpu.memref_slice %arg8[%add3A_277, %dma_wait3A_466] : memref<16x120xi32, #tpu.memory_space<vmem>> -> memref<1x120xi32, #tpu.memory_space<vmem>>
      %dma_wait3A_468 = tpu.memref_squeeze %dma_wait3A_467 : memref<1x120xi32, #tpu.memory_space<vmem>> -> memref<120xi32, #tpu.memory_space<vmem>>
      %dma_wait3A_469 = arith.constant 0 : i32
      %dma_wait3A_470 = arith.constant 0 : i32
      %dma_wait3A_471 = tpu.memref_slice %arg11[%dma_wait3A_469, %dma_wait3A_470] : memref<10112x16xf32, #tpu.memory_space<vmem_shared>> -> memref<10112x16xf32, #tpu.memory_space<vmem_shared>>
      tpu.wait_indirect_dma semaphore(%arg13 : memref<!tpu.dma_semaphore, #tpu.memory_space<semaphore_mem>>) src(%dma_wait3A_465 : memref<120x16xf32, #tpu.memory_space<vmem>>) dst(%dma_wait3A_471 : memref<10112x16xf32, #tpu.memory_space<vmem_shared>>)
      %dma_wait3A_472 = arith.constant 0 : i32
      %dma_wait3A_473 = tpu.memref_slice %arg8[%add3A_290, %dma_wait3A_472] : memref<16x120xi32, #tpu.memory_space<vmem>> -> memref<1x120xi32, #tpu.memory_space<vmem>>
      %dma_wait3A_474 = tpu.memref_squeeze %dma_wait3A_473 : memref<1x120xi32, #tpu.memory_space<vmem>> -> memref<120xi32, #tpu.memory_space<vmem>>
      %dma_wait3A_475 = arith.constant 0 : i32
      %dma_wait3A_476 = arith.constant 0 : i32
      %dma_wait3A_477 = tpu.memref_slice %arg16[%dma_wait3A_475, %dma_wait3A_476] : memref<10112x16xf32, #tpu.memory_space<vmem_shared>> -> memref<10112x16xf32, #tpu.memory_space<vmem_shared>>
      tpu.wait_indirect_dma semaphore(%arg13 : memref<!tpu.dma_semaphore, #tpu.memory_space<semaphore_mem>>) src(%arg14 : memref<120x16xf32, #tpu.memory_space<vmem>>) dst(%dma_wait3A_477 : memref<10112x16xf32, #tpu.memory_space<vmem_shared>>)
      %dma_wait3A_478 = arith.constant 5 : i32
      %dma_wait3A_479 = arith.constant 0 : i32
      %dma_wait3A_480 = arith.constant 0 : i32
      %dma_wait3A_481 = tpu.memref_slice %arg9[%dma_wait3A_478, %dma_wait3A_479, %dma_wait3A_480] : memref<8x120x16xf32, #tpu.memory_space<vmem>> -> memref<1x120x16xf32, #tpu.memory_space<vmem>>
      %dma_wait3A_482 = tpu.memref_squeeze %dma_wait3A_481 : memref<1x120x16xf32, #tpu.memory_space<vmem>> -> memref<120x16xf32, #tpu.memory_space<vmem>>
      %dma_wait3A_483 = arith.constant 0 : i32
      %dma_wait3A_484 = tpu.memref_slice %arg8[%add3A_309, %dma_wait3A_483] : memref<16x120xi32, #tpu.memory_space<vmem>> -> memref<1x120xi32, #tpu.memory_space<vmem>>
      %dma_wait3A_485 = tpu.memref_squeeze %dma_wait3A_484 : memref<1x120xi32, #tpu.memory_space<vmem>> -> memref<120xi32, #tpu.memory_space<vmem>>
      %dma_wait3A_486 = arith.constant 0 : i32
      %dma_wait3A_487 = arith.constant 0 : i32
      %dma_wait3A_488 = tpu.memref_slice %arg11[%dma_wait3A_486, %dma_wait3A_487] : memref<10112x16xf32, #tpu.memory_space<vmem_shared>> -> memref<10112x16xf32, #tpu.memory_space<vmem_shared>>
      tpu.wait_indirect_dma semaphore(%arg13 : memref<!tpu.dma_semaphore, #tpu.memory_space<semaphore_mem>>) src(%dma_wait3A_482 : memref<120x16xf32, #tpu.memory_space<vmem>>) dst(%dma_wait3A_488 : memref<10112x16xf32, #tpu.memory_space<vmem_shared>>)
      %dma_wait3A_489 = arith.constant 0 : i32
      %dma_wait3A_490 = tpu.memref_slice %arg8[%add3A_322, %dma_wait3A_489] : memref<16x120xi32, #tpu.memory_space<vmem>> -> memref<1x120xi32, #tpu.memory_space<vmem>>
      %dma_wait3A_491 = tpu.memref_squeeze %dma_wait3A_490 : memref<1x120xi32, #tpu.memory_space<vmem>> -> memref<120xi32, #tpu.memory_space<vmem>>
      %dma_wait3A_492 = arith.constant 0 : i32
      %dma_wait3A_493 = arith.constant 0 : i32
      %dma_wait3A_494 = tpu.memref_slice %arg16[%dma_wait3A_492, %dma_wait3A_493] : memref<10112x16xf32, #tpu.memory_space<vmem_shared>> -> memref<10112x16xf32, #tpu.memory_space<vmem_shared>>
      tpu.wait_indirect_dma semaphore(%arg13 : memref<!tpu.dma_semaphore, #tpu.memory_space<semaphore_mem>>) src(%arg14 : memref<120x16xf32, #tpu.memory_space<vmem>>) dst(%dma_wait3A_494 : memref<10112x16xf32, #tpu.memory_space<vmem_shared>>)
      %dma_wait3A_495 = arith.constant 6 : i32
      %dma_wait3A_496 = arith.constant 0 : i32
      %dma_wait3A_497 = arith.constant 0 : i32
      %dma_wait3A_498 = tpu.memref_slice %arg9[%dma_wait3A_495, %dma_wait3A_496, %dma_wait3A_497] : memref<8x120x16xf32, #tpu.memory_space<vmem>> -> memref<1x120x16xf32, #tpu.memory_space<vmem>>
      %dma_wait3A_499 = tpu.memref_squeeze %dma_wait3A_498 : memref<1x120x16xf32, #tpu.memory_space<vmem>> -> memref<120x16xf32, #tpu.memory_space<vmem>>
      %dma_wait3A_500 = arith.constant 0 : i32
      %dma_wait3A_501 = tpu.memref_slice %arg8[%add3A_341, %dma_wait3A_500] : memref<16x120xi32, #tpu.memory_space<vmem>> -> memref<1x120xi32, #tpu.memory_space<vmem>>
      %dma_wait3A_502 = tpu.memref_squeeze %dma_wait3A_501 : memref<1x120xi32, #tpu.memory_space<vmem>> -> memref<120xi32, #tpu.memory_space<vmem>>
      %dma_wait3A_503 = arith.constant 0 : i32
      %dma_wait3A_504 = arith.constant 0 : i32
      %dma_wait3A_505 = tpu.memref_slice %arg11[%dma_wait3A_503, %dma_wait3A_504] : memref<10112x16xf32, #tpu.memory_space<vmem_shared>> -> memref<10112x16xf32, #tpu.memory_space<vmem_shared>>
      tpu.wait_indirect_dma semaphore(%arg13 : memref<!tpu.dma_semaphore, #tpu.memory_space<semaphore_mem>>) src(%dma_wait3A_499 : memref<120x16xf32, #tpu.memory_space<vmem>>) dst(%dma_wait3A_505 : memref<10112x16xf32, #tpu.memory_space<vmem_shared>>)
      %dma_wait3A_506 = arith.constant 0 : i32
      %dma_wait3A_507 = tpu.memref_slice %arg8[%add3A_354, %dma_wait3A_506] : memref<16x120xi32, #tpu.memory_space<vmem>> -> memref<1x120xi32, #tpu.memory_space<vmem>>
      %dma_wait3A_508 = tpu.memref_squeeze %dma_wait3A_507 : memref<1x120xi32, #tpu.memory_space<vmem>> -> memref<120xi32, #tpu.memory_space<vmem>>
      %dma_wait3A_509 = arith.constant 0 : i32
      %dma_wait3A_510 = arith.constant 0 : i32
      %dma_wait3A_511 = tpu.memref_slice %arg16[%dma_wait3A_509, %dma_wait3A_510] : memref<10112x16xf32, #tpu.memory_space<vmem_shared>> -> memref<10112x16xf32, #tpu.memory_space<vmem_shared>>
      tpu.wait_indirect_dma semaphore(%arg13 : memref<!tpu.dma_semaphore, #tpu.memory_space<semaphore_mem>>) src(%arg14 : memref<120x16xf32, #tpu.memory_space<vmem>>) dst(%dma_wait3A_511 : memref<10112x16xf32, #tpu.memory_space<vmem_shared>>)
      %dma_wait3A_512 = arith.constant 7 : i32
      %dma_wait3A_513 = arith.constant 0 : i32
      %dma_wait3A_514 = arith.constant 0 : i32
      %dma_wait3A_515 = tpu.memref_slice %arg9[%dma_wait3A_512, %dma_wait3A_513, %dma_wait3A_514] : memref<8x120x16xf32, #tpu.memory_space<vmem>> -> memref<1x120x16xf32, #tpu.memory_space<vmem>>
      %dma_wait3A_516 = tpu.memref_squeeze %dma_wait3A_515 : memref<1x120x16xf32, #tpu.memory_space<vmem>> -> memref<120x16xf32, #tpu.memory_space<vmem>>
      %dma_wait3A_517 = arith.constant 0 : i32
      %dma_wait3A_518 = tpu.memref_slice %arg8[%add3A_373, %dma_wait3A_517] : memref<16x120xi32, #tpu.memory_space<vmem>> -> memref<1x120xi32, #tpu.memory_space<vmem>>
      %dma_wait3A_519 = tpu.memref_squeeze %dma_wait3A_518 : memref<1x120xi32, #tpu.memory_space<vmem>> -> memref<120xi32, #tpu.memory_space<vmem>>
      %dma_wait3A_520 = arith.constant 0 : i32
      %dma_wait3A_521 = arith.constant 0 : i32
      %dma_wait3A_522 = tpu.memref_slice %arg11[%dma_wait3A_520, %dma_wait3A_521] : memref<10112x16xf32, #tpu.memory_space<vmem_shared>> -> memref<10112x16xf32, #tpu.memory_space<vmem_shared>>
      tpu.wait_indirect_dma semaphore(%arg13 : memref<!tpu.dma_semaphore, #tpu.memory_space<semaphore_mem>>) src(%dma_wait3A_516 : memref<120x16xf32, #tpu.memory_space<vmem>>) dst(%dma_wait3A_522 : memref<10112x16xf32, #tpu.memory_space<vmem_shared>>)
      %dma_wait3A_523 = arith.constant 0 : i32
      %dma_wait3A_524 = tpu.memref_slice %arg8[%add3A_386, %dma_wait3A_523] : memref<16x120xi32, #tpu.memory_space<vmem>> -> memref<1x120xi32, #tpu.memory_space<vmem>>
      %dma_wait3A_525 = tpu.memref_squeeze %dma_wait3A_524 : memref<1x120xi32, #tpu.memory_space<vmem>> -> memref<120xi32, #tpu.memory_space<vmem>>
      %dma_wait3A_526 = arith.constant 0 : i32
      %dma_wait3A_527 = arith.constant 0 : i32
      %dma_wait3A_528 = tpu.memref_slice %arg16[%dma_wait3A_526, %dma_wait3A_527] : memref<10112x16xf32, #tpu.memory_space<vmem_shared>> -> memref<10112x16xf32, #tpu.memory_space<vmem_shared>>
      tpu.wait_indirect_dma semaphore(%arg13 : memref<!tpu.dma_semaphore, #tpu.memory_space<semaphore_mem>>) src(%arg14 : memref<120x16xf32, #tpu.memory_space<vmem>>) dst(%dma_wait3A_528 : memref<10112x16xf32, #tpu.memory_space<vmem_shared>>)
      %scan3A_529 = arith.constant 0 : i32
      scf.yield %scan3A_529 : i32
    }
    %scan3A_27 = arith.constant 2 : i32
    %barrier3A_28 = arith.constant 0 : index
    tpu.barrier barrier_id(%barrier3A_28)
    %mul3A_29 = arith.constant 632 : i32
    %mul3A_30 = arith.muli %arg1, %mul3A_29 : i32
    "tpu.region"() ({
      %run_scoped3A = tpu.sem_alloc : memref<!tpu.dma_semaphore, #tpu.memory_space<semaphore_mem>>
      %dma_start3A = arith.constant 0 : i32
      %dma_start3A_31 = tpu.memref_slice %arg5[%arg0, %mul3A_30, %dma_start3A] : memref<2x10112x16xf32, #tpu.memory_space<hbm>> -> memref<1x632x16xf32, #tpu.memory_space<hbm>>
      %dma_start3A_32 = tpu.memref_squeeze %dma_start3A_31 : memref<1x632x16xf32, #tpu.memory_space<hbm>> -> memref<632x16xf32, #tpu.memory_space<hbm>>
      %dma_start3A_33 = arith.constant 0 : i32
      %dma_start3A_34 = tpu.memref_slice %arg11[%mul3A_30, %dma_start3A_33] : memref<10112x16xf32, #tpu.memory_space<vmem_shared>> -> memref<632x16xf32, #tpu.memory_space<vmem_shared>>
      tpu.enqueue_dma source(%dma_start3A_34 : memref<632x16xf32, #tpu.memory_space<vmem_shared>>) target(%dma_start3A_32 : memref<632x16xf32, #tpu.memory_space<hbm>>) target_semaphore(%run_scoped3A : memref<!tpu.dma_semaphore, #tpu.memory_space<semaphore_mem>>)
      %dma_wait3A = arith.constant 0 : i32
      %dma_wait3A_35 = tpu.memref_slice %arg5[%arg0, %mul3A_30, %dma_wait3A] : memref<2x10112x16xf32, #tpu.memory_space<hbm>> -> memref<1x632x16xf32, #tpu.memory_space<hbm>>
      %dma_wait3A_36 = tpu.memref_squeeze %dma_wait3A_35 : memref<1x632x16xf32, #tpu.memory_space<hbm>> -> memref<632x16xf32, #tpu.memory_space<hbm>>
      %dma_wait3A_37 = arith.constant 0 : i32
      %dma_wait3A_38 = tpu.memref_slice %arg11[%mul3A_30, %dma_wait3A_37] : memref<10112x16xf32, #tpu.memory_space<vmem_shared>> -> memref<632x16xf32, #tpu.memory_space<vmem_shared>>
      tpu.wait_dma2 semaphore(%run_scoped3A : memref<!tpu.dma_semaphore, #tpu.memory_space<semaphore_mem>>) src(%dma_wait3A_38 : memref<632x16xf32, #tpu.memory_space<vmem_shared>>) dst(%dma_wait3A_36 : memref<632x16xf32, #tpu.memory_space<hbm>>)
      tpu.yield
    }) : () -> ()
    "tpu.region"() ({
      %run_scoped3A = tpu.sem_alloc : memref<!tpu.dma_semaphore, #tpu.memory_space<semaphore_mem>>
      %dma_start3A = arith.constant 0 : i32
      %dma_start3A_31 = tpu.memref_slice %arg6[%arg0, %mul3A_30, %dma_start3A] : memref<2x10112x16xf32, #tpu.memory_space<hbm>> -> memref<1x632x16xf32, #tpu.memory_space<hbm>>
      %dma_start3A_32 = tpu.memref_squeeze %dma_start3A_31 : memref<1x632x16xf32, #tpu.memory_space<hbm>> -> memref<632x16xf32, #tpu.memory_space<hbm>>
      %dma_start3A_33 = arith.constant 0 : i32
      %dma_start3A_34 = tpu.memref_slice %arg16[%mul3A_30, %dma_start3A_33] : memref<10112x16xf32, #tpu.memory_space<vmem_shared>> -> memref<632x16xf32, #tpu.memory_space<vmem_shared>>
      tpu.enqueue_dma source(%dma_start3A_34 : memref<632x16xf32, #tpu.memory_space<vmem_shared>>) target(%dma_start3A_32 : memref<632x16xf32, #tpu.memory_space<hbm>>) target_semaphore(%run_scoped3A : memref<!tpu.dma_semaphore, #tpu.memory_space<semaphore_mem>>)
      %dma_wait3A = arith.constant 0 : i32
      %dma_wait3A_35 = tpu.memref_slice %arg6[%arg0, %mul3A_30, %dma_wait3A] : memref<2x10112x16xf32, #tpu.memory_space<hbm>> -> memref<1x632x16xf32, #tpu.memory_space<hbm>>
      %dma_wait3A_36 = tpu.memref_squeeze %dma_wait3A_35 : memref<1x632x16xf32, #tpu.memory_space<hbm>> -> memref<632x16xf32, #tpu.memory_space<hbm>>
      %dma_wait3A_37 = arith.constant 0 : i32
      %dma_wait3A_38 = tpu.memref_slice %arg16[%mul3A_30, %dma_wait3A_37] : memref<10112x16xf32, #tpu.memory_space<vmem_shared>> -> memref<632x16xf32, #tpu.memory_space<vmem_shared>>
      tpu.wait_dma2 semaphore(%run_scoped3A : memref<!tpu.dma_semaphore, #tpu.memory_space<semaphore_mem>>) src(%dma_wait3A_38 : memref<632x16xf32, #tpu.memory_space<vmem_shared>>) dst(%dma_wait3A_36 : memref<632x16xf32, #tpu.memory_space<hbm>>)
      tpu.yield
    }) : () -> ()
    return
  }
}

#map = affine_map<(d0, d1) -> (0)>
#map1 = affine_map<(d0, d1) -> (0, 0, 0)>
module attributes {stable_mosaic.version = 14 : i64} {
  func.func @k(%arg0: i32, %arg1: i32, %arg2: memref<2500xf32, #tpu.memory_space<hbm>>, %arg3: memref<32x5x96xi32, #tpu.memory_space<hbm>>, %arg4: memref<32x5x96xi32, #tpu.memory_space<hbm>>, %arg5: memref<5120xf32, #tpu.memory_space<hbm>>, %arg6: memref<5120xf32, #tpu.memory_space<hbm>>, %arg7: memref<2500xf32, #tpu.memory_space<vmem>>, %arg8: memref<96xi32, #tpu.memory_space<vmem>>, %arg9: memref<5x96xi32, #tpu.memory_space<vmem>>, %arg10: memref<96xf32, #tpu.memory_space<vmem>>, %arg11: memref<96xf32, #tpu.memory_space<vmem>>, %arg12: memref<160xf32, #tpu.memory_space<vmem>>, %arg13: memref<2560xf32, #tpu.memory_space<vmem_shared>>, %arg14: memref<2560xf32, #tpu.memory_space<vmem_shared>>) attributes {dimension_semantics = [#tpu.dimension_semantics<core_parallel>, #tpu.dimension_semantics<subcore_parallel>], iteration_bounds = array<i64: 2, 16>, scalar_prefetch = 0 : i64, scratch_operands = 8 : i64, tpu.core_type = #tpu.core_type<sc_vector_subcore>, window_params = [{transform_indices = #map}, {transform_indices = #map1}, {transform_indices = #map1}, {transform_indices = #map}, {transform_indices = #map}]} {
    %mul3A = arith.constant 16 : i32
    %mul3A_0 = arith.muli %arg0, %mul3A : i32
    %add3A = arith.addi %mul3A_0, %arg1 : i32
    %broadcast_in_dim3A = arith.constant 0.000000e+00 : f32
    %broadcast_in_dim3A_1 = vector.broadcast %broadcast_in_dim3A : f32 to vector<16xf32>
    %broadcast_in_dim3A_2 = arith.constant 1.000000e+00 : f32
    %broadcast_in_dim3A_3 = vector.broadcast %broadcast_in_dim3A_2 : f32 to vector<16xf32>
    %swap3A = arith.constant 0 : index
    %swap3A_4 = tpu.vector_load %arg12[%swap3A] {strides = array<i32>} : memref<160xf32, #tpu.memory_space<vmem>>, vector<16xf32>,
    tpu.vector_store %arg12[%swap3A], %broadcast_in_dim3A_1 {strides = array<i32>} : memref<160xf32, #tpu.memory_space<vmem>>, vector<16xf32>,
    %swap3A_5 = arith.constant 16 : index
    %swap3A_6 = tpu.vector_load %arg12[%swap3A_5] {strides = array<i32>} : memref<160xf32, #tpu.memory_space<vmem>>, vector<16xf32>,
    tpu.vector_store %arg12[%swap3A_5], %broadcast_in_dim3A_1 {strides = array<i32>} : memref<160xf32, #tpu.memory_space<vmem>>, vector<16xf32>,
    %swap3A_7 = arith.constant 32 : index
    %swap3A_8 = tpu.vector_load %arg12[%swap3A_7] {strides = array<i32>} : memref<160xf32, #tpu.memory_space<vmem>>, vector<16xf32>,
    tpu.vector_store %arg12[%swap3A_7], %broadcast_in_dim3A_1 {strides = array<i32>} : memref<160xf32, #tpu.memory_space<vmem>>, vector<16xf32>,
    %swap3A_9 = arith.constant 48 : index
    %swap3A_10 = tpu.vector_load %arg12[%swap3A_9] {strides = array<i32>} : memref<160xf32, #tpu.memory_space<vmem>>, vector<16xf32>,
    tpu.vector_store %arg12[%swap3A_9], %broadcast_in_dim3A_1 {strides = array<i32>} : memref<160xf32, #tpu.memory_space<vmem>>, vector<16xf32>,
    %swap3A_11 = arith.constant 64 : index
    %swap3A_12 = tpu.vector_load %arg12[%swap3A_11] {strides = array<i32>} : memref<160xf32, #tpu.memory_space<vmem>>, vector<16xf32>,
    tpu.vector_store %arg12[%swap3A_11], %broadcast_in_dim3A_1 {strides = array<i32>} : memref<160xf32, #tpu.memory_space<vmem>>, vector<16xf32>,
    %swap3A_13 = arith.constant 80 : index
    %swap3A_14 = tpu.vector_load %arg12[%swap3A_13] {strides = array<i32>} : memref<160xf32, #tpu.memory_space<vmem>>, vector<16xf32>,
    tpu.vector_store %arg12[%swap3A_13], %broadcast_in_dim3A_1 {strides = array<i32>} : memref<160xf32, #tpu.memory_space<vmem>>, vector<16xf32>,
    %swap3A_15 = arith.constant 96 : index
    %swap3A_16 = tpu.vector_load %arg12[%swap3A_15] {strides = array<i32>} : memref<160xf32, #tpu.memory_space<vmem>>, vector<16xf32>,
    tpu.vector_store %arg12[%swap3A_15], %broadcast_in_dim3A_1 {strides = array<i32>} : memref<160xf32, #tpu.memory_space<vmem>>, vector<16xf32>,
    %swap3A_17 = arith.constant 112 : index
    %swap3A_18 = tpu.vector_load %arg12[%swap3A_17] {strides = array<i32>} : memref<160xf32, #tpu.memory_space<vmem>>, vector<16xf32>,
    tpu.vector_store %arg12[%swap3A_17], %broadcast_in_dim3A_1 {strides = array<i32>} : memref<160xf32, #tpu.memory_space<vmem>>, vector<16xf32>,
    %swap3A_19 = arith.constant 128 : index
    %swap3A_20 = tpu.vector_load %arg12[%swap3A_19] {strides = array<i32>} : memref<160xf32, #tpu.memory_space<vmem>>, vector<16xf32>,
    tpu.vector_store %arg12[%swap3A_19], %broadcast_in_dim3A_1 {strides = array<i32>} : memref<160xf32, #tpu.memory_space<vmem>>, vector<16xf32>,
    %swap3A_21 = arith.constant 144 : index
    %swap3A_22 = tpu.vector_load %arg12[%swap3A_21] {strides = array<i32>} : memref<160xf32, #tpu.memory_space<vmem>>, vector<16xf32>,
    tpu.vector_store %arg12[%swap3A_21], %broadcast_in_dim3A_1 {strides = array<i32>} : memref<160xf32, #tpu.memory_space<vmem>>, vector<16xf32>,
    %swap3A_23 = arith.constant 0 : index
    %swap3A_24 = tpu.vector_load %arg11[%swap3A_23] {strides = array<i32>} : memref<96xf32, #tpu.memory_space<vmem>>, vector<16xf32>,
    tpu.vector_store %arg11[%swap3A_23], %broadcast_in_dim3A_3 {strides = array<i32>} : memref<96xf32, #tpu.memory_space<vmem>>, vector<16xf32>,
    %swap3A_25 = arith.constant 16 : index
    %swap3A_26 = tpu.vector_load %arg11[%swap3A_25] {strides = array<i32>} : memref<96xf32, #tpu.memory_space<vmem>>, vector<16xf32>,
    tpu.vector_store %arg11[%swap3A_25], %broadcast_in_dim3A_3 {strides = array<i32>} : memref<96xf32, #tpu.memory_space<vmem>>, vector<16xf32>,
    %swap3A_27 = arith.constant 32 : index
    %swap3A_28 = tpu.vector_load %arg11[%swap3A_27] {strides = array<i32>} : memref<96xf32, #tpu.memory_space<vmem>>, vector<16xf32>,
    tpu.vector_store %arg11[%swap3A_27], %broadcast_in_dim3A_3 {strides = array<i32>} : memref<96xf32, #tpu.memory_space<vmem>>, vector<16xf32>,
    %swap3A_29 = arith.constant 48 : index
    %swap3A_30 = tpu.vector_load %arg11[%swap3A_29] {strides = array<i32>} : memref<96xf32, #tpu.memory_space<vmem>>, vector<16xf32>,
    tpu.vector_store %arg11[%swap3A_29], %broadcast_in_dim3A_3 {strides = array<i32>} : memref<96xf32, #tpu.memory_space<vmem>>, vector<16xf32>,
    %swap3A_31 = arith.constant 64 : index
    %swap3A_32 = tpu.vector_load %arg11[%swap3A_31] {strides = array<i32>} : memref<96xf32, #tpu.memory_space<vmem>>, vector<16xf32>,
    tpu.vector_store %arg11[%swap3A_31], %broadcast_in_dim3A_3 {strides = array<i32>} : memref<96xf32, #tpu.memory_space<vmem>>, vector<16xf32>,
    %swap3A_33 = arith.constant 80 : index
    %swap3A_34 = tpu.vector_load %arg11[%swap3A_33] {strides = array<i32>} : memref<96xf32, #tpu.memory_space<vmem>>, vector<16xf32>,
    tpu.vector_store %arg11[%swap3A_33], %broadcast_in_dim3A_3 {strides = array<i32>} : memref<96xf32, #tpu.memory_space<vmem>>, vector<16xf32>,
    %mul3A_35 = arith.constant 160 : i32
    %mul3A_36 = arith.muli %arg1, %mul3A_35 : i32
    "tpu.region"() ({
      %run_scoped3A = tpu.sem_alloc : memref<!tpu.dma_semaphore, #tpu.memory_space<semaphore_mem>>
      %dma_start3A = tpu.memref_slice %arg13[%mul3A_36] : memref<2560xf32, #tpu.memory_space<vmem_shared>> -> memref<160xf32, #tpu.memory_space<vmem_shared>>
      %dma_start3A_53 = tpu.memref_slice %arg13[%mul3A_36] : memref<2560xf32, #tpu.memory_space<vmem_shared>> -> memref<160xf32, #tpu.memory_space<vmem_shared>>
      tpu.enqueue_dma source(%arg12 : memref<160xf32, #tpu.memory_space<vmem>>) target(%dma_start3A_53 : memref<160xf32, #tpu.memory_space<vmem_shared>>) target_semaphore(%run_scoped3A : memref<!tpu.dma_semaphore, #tpu.memory_space<semaphore_mem>>)
      %dma_wait3A = tpu.memref_slice %arg13[%mul3A_36] : memref<2560xf32, #tpu.memory_space<vmem_shared>> -> memref<160xf32, #tpu.memory_space<vmem_shared>>
      %dma_wait3A_54 = tpu.memref_slice %arg13[%mul3A_36] : memref<2560xf32, #tpu.memory_space<vmem_shared>> -> memref<160xf32, #tpu.memory_space<vmem_shared>>
      tpu.wait_dma2 semaphore(%run_scoped3A : memref<!tpu.dma_semaphore, #tpu.memory_space<semaphore_mem>>) src(%arg12 : memref<160xf32, #tpu.memory_space<vmem>>) dst(%dma_wait3A_54 : memref<160xf32, #tpu.memory_space<vmem_shared>>)
      tpu.yield
    }) : () -> ()
    %mul3A_37 = arith.constant 160 : i32
    %mul3A_38 = arith.muli %arg1, %mul3A_37 : i32
    "tpu.region"() ({
      %run_scoped3A = tpu.sem_alloc : memref<!tpu.dma_semaphore, #tpu.memory_space<semaphore_mem>>
      %dma_start3A = tpu.memref_slice %arg14[%mul3A_38] : memref<2560xf32, #tpu.memory_space<vmem_shared>> -> memref<160xf32, #tpu.memory_space<vmem_shared>>
      %dma_start3A_53 = tpu.memref_slice %arg14[%mul3A_38] : memref<2560xf32, #tpu.memory_space<vmem_shared>> -> memref<160xf32, #tpu.memory_space<vmem_shared>>
      tpu.enqueue_dma source(%arg12 : memref<160xf32, #tpu.memory_space<vmem>>) target(%dma_start3A_53 : memref<160xf32, #tpu.memory_space<vmem_shared>>) target_semaphore(%run_scoped3A : memref<!tpu.dma_semaphore, #tpu.memory_space<semaphore_mem>>)
      %dma_wait3A = tpu.memref_slice %arg14[%mul3A_38] : memref<2560xf32, #tpu.memory_space<vmem_shared>> -> memref<160xf32, #tpu.memory_space<vmem_shared>>
      %dma_wait3A_54 = tpu.memref_slice %arg14[%mul3A_38] : memref<2560xf32, #tpu.memory_space<vmem_shared>> -> memref<160xf32, #tpu.memory_space<vmem_shared>>
      tpu.wait_dma2 semaphore(%run_scoped3A : memref<!tpu.dma_semaphore, #tpu.memory_space<semaphore_mem>>) src(%arg12 : memref<160xf32, #tpu.memory_space<vmem>>) dst(%dma_wait3A_54 : memref<160xf32, #tpu.memory_space<vmem_shared>>)
      tpu.yield
    }) : () -> ()
    "tpu.region"() ({
      %run_scoped3A = tpu.sem_alloc : memref<!tpu.dma_semaphore, #tpu.memory_space<semaphore_mem>>
      tpu.enqueue_dma source(%arg2 : memref<2500xf32, #tpu.memory_space<hbm>>) target(%arg7 : memref<2500xf32, #tpu.memory_space<vmem>>) target_semaphore(%run_scoped3A : memref<!tpu.dma_semaphore, #tpu.memory_space<semaphore_mem>>)
      tpu.wait_dma2 semaphore(%run_scoped3A : memref<!tpu.dma_semaphore, #tpu.memory_space<semaphore_mem>>) src(%arg2 : memref<2500xf32, #tpu.memory_space<hbm>>) dst(%arg7 : memref<2500xf32, #tpu.memory_space<vmem>>)
      tpu.yield
    }) : () -> ()
    "tpu.region"() ({
      %run_scoped3A = tpu.sem_alloc : memref<!tpu.dma_semaphore, #tpu.memory_space<semaphore_mem>>
      %dma_start3A = arith.constant 0 : i32
      %dma_start3A_53 = arith.constant 0 : i32
      %dma_start3A_54 = tpu.memref_slice %arg4[%add3A, %dma_start3A, %dma_start3A_53] : memref<32x5x96xi32, #tpu.memory_space<hbm>> -> memref<1x5x96xi32, #tpu.memory_space<hbm>>
      %dma_start3A_55 = tpu.memref_squeeze %dma_start3A_54 : memref<1x5x96xi32, #tpu.memory_space<hbm>> -> memref<5x96xi32, #tpu.memory_space<hbm>>
      %dma_start3A_56 = arith.constant 0 : i32
      %dma_start3A_57 = arith.constant 0 : i32
      %dma_start3A_58 = tpu.memref_slice %arg4[%add3A, %dma_start3A_56, %dma_start3A_57] : memref<32x5x96xi32, #tpu.memory_space<hbm>> -> memref<1x5x96xi32, #tpu.memory_space<hbm>>
      %dma_start3A_59 = tpu.memref_squeeze %dma_start3A_58 : memref<1x5x96xi32, #tpu.memory_space<hbm>> -> memref<5x96xi32, #tpu.memory_space<hbm>>
      tpu.enqueue_dma source(%dma_start3A_59 : memref<5x96xi32, #tpu.memory_space<hbm>>) target(%arg9 : memref<5x96xi32, #tpu.memory_space<vmem>>) target_semaphore(%run_scoped3A : memref<!tpu.dma_semaphore, #tpu.memory_space<semaphore_mem>>)
      %dma_wait3A = arith.constant 0 : i32
      %dma_wait3A_60 = arith.constant 0 : i32
      %dma_wait3A_61 = tpu.memref_slice %arg4[%add3A, %dma_wait3A, %dma_wait3A_60] : memref<32x5x96xi32, #tpu.memory_space<hbm>> -> memref<1x5x96xi32, #tpu.memory_space<hbm>>
      %dma_wait3A_62 = tpu.memref_squeeze %dma_wait3A_61 : memref<1x5x96xi32, #tpu.memory_space<hbm>> -> memref<5x96xi32, #tpu.memory_space<hbm>>
      %dma_wait3A_63 = arith.constant 0 : i32
      %dma_wait3A_64 = arith.constant 0 : i32
      %dma_wait3A_65 = tpu.memref_slice %arg4[%add3A, %dma_wait3A_63, %dma_wait3A_64] : memref<32x5x96xi32, #tpu.memory_space<hbm>> -> memref<1x5x96xi32, #tpu.memory_space<hbm>>
      %dma_wait3A_66 = tpu.memref_squeeze %dma_wait3A_65 : memref<1x5x96xi32, #tpu.memory_space<hbm>> -> memref<5x96xi32, #tpu.memory_space<hbm>>
      tpu.wait_dma2 semaphore(%run_scoped3A : memref<!tpu.dma_semaphore, #tpu.memory_space<semaphore_mem>>) src(%dma_wait3A_66 : memref<5x96xi32, #tpu.memory_space<hbm>>) dst(%arg9 : memref<5x96xi32, #tpu.memory_space<vmem>>)
      tpu.yield
    }) : () -> ()
    %barrier3A = arith.constant 0 : index
    tpu.barrier barrier_id(%barrier3A)
    %scan3A = arith.constant 0 : i32
    %scan3A_39 = arith.constant 0 : i32
    %scan3A_40 = arith.constant 5 : i32
    %scan3A_41 = arith.addi %scan3A_39, %scan3A_40 : i32
    %scan3A_42 = arith.constant 1 : i32
    %scan3A_43 = scf.for %scan3A_53 = %scan3A_39 to %scan3A_41 step %scan3A_42 iter_args(%scan3A_54 = %scan3A) -> (i32)  : i32 {
      "tpu.region"() ({
        %run_scoped3A = tpu.sem_alloc : memref<!tpu.dma_semaphore, #tpu.memory_space<semaphore_mem>>
        %dma_start3A = arith.constant 0 : i32
        %dma_start3A_84 = tpu.memref_slice %arg3[%add3A, %scan3A_53, %dma_start3A] : memref<32x5x96xi32, #tpu.memory_space<hbm>> -> memref<1x1x96xi32, #tpu.memory_space<hbm>>
        %dma_start3A_85 = tpu.memref_squeeze %dma_start3A_84 : memref<1x1x96xi32, #tpu.memory_space<hbm>> -> memref<96xi32, #tpu.memory_space<hbm>>
        %dma_start3A_86 = arith.constant 0 : i32
        %dma_start3A_87 = tpu.memref_slice %arg3[%add3A, %scan3A_53, %dma_start3A_86] : memref<32x5x96xi32, #tpu.memory_space<hbm>> -> memref<1x1x96xi32, #tpu.memory_space<hbm>>
        %dma_start3A_88 = tpu.memref_squeeze %dma_start3A_87 : memref<1x1x96xi32, #tpu.memory_space<hbm>> -> memref<96xi32, #tpu.memory_space<hbm>>
        tpu.enqueue_dma source(%dma_start3A_88 : memref<96xi32, #tpu.memory_space<hbm>>) target(%arg8 : memref<96xi32, #tpu.memory_space<vmem>>) target_semaphore(%run_scoped3A : memref<!tpu.dma_semaphore, #tpu.memory_space<semaphore_mem>>)
        %dma_wait3A = arith.constant 0 : i32
        %dma_wait3A_89 = tpu.memref_slice %arg3[%add3A, %scan3A_53, %dma_wait3A] : memref<32x5x96xi32, #tpu.memory_space<hbm>> -> memref<1x1x96xi32, #tpu.memory_space<hbm>>
        %dma_wait3A_90 = tpu.memref_squeeze %dma_wait3A_89 : memref<1x1x96xi32, #tpu.memory_space<hbm>> -> memref<96xi32, #tpu.memory_space<hbm>>
        %dma_wait3A_91 = arith.constant 0 : i32
        %dma_wait3A_92 = tpu.memref_slice %arg3[%add3A, %scan3A_53, %dma_wait3A_91] : memref<32x5x96xi32, #tpu.memory_space<hbm>> -> memref<1x1x96xi32, #tpu.memory_space<hbm>>
        %dma_wait3A_93 = tpu.memref_squeeze %dma_wait3A_92 : memref<1x1x96xi32, #tpu.memory_space<hbm>> -> memref<96xi32, #tpu.memory_space<hbm>>
        tpu.wait_dma2 semaphore(%run_scoped3A : memref<!tpu.dma_semaphore, #tpu.memory_space<semaphore_mem>>) src(%dma_wait3A_93 : memref<96xi32, #tpu.memory_space<hbm>>) dst(%arg8 : memref<96xi32, #tpu.memory_space<vmem>>)
        tpu.yield
      }) : () -> ()
      %get3A = arith.constant 0 : index
      %get3A_55 = tpu.vector_load %arg8[%get3A] {strides = array<i32>} : memref<96xi32, #tpu.memory_space<vmem>>, vector<16xi32>,
      %gather3A = tpu.vector_load_idx %arg7[%get3A_55] : memref<2500xf32, #tpu.memory_space<vmem>>[vector<16xi32>], vector<16xf32>,
      %swap3A_56 = arith.constant 0 : index
      %swap3A_57 = tpu.vector_load %arg10[%swap3A_56] {strides = array<i32>} : memref<96xf32, #tpu.memory_space<vmem>>, vector<16xf32>,
      tpu.vector_store %arg10[%swap3A_56], %gather3A {strides = array<i32>} : memref<96xf32, #tpu.memory_space<vmem>>, vector<16xf32>,
      %get3A_58 = arith.constant 16 : index
      %get3A_59 = tpu.vector_load %arg8[%get3A_58] {strides = array<i32>} : memref<96xi32, #tpu.memory_space<vmem>>, vector<16xi32>,
      %gather3A_60 = tpu.vector_load_idx %arg7[%get3A_59] : memref<2500xf32, #tpu.memory_space<vmem>>[vector<16xi32>], vector<16xf32>,
      %swap3A_61 = arith.constant 16 : index
      %swap3A_62 = tpu.vector_load %arg10[%swap3A_61] {strides = array<i32>} : memref<96xf32, #tpu.memory_space<vmem>>, vector<16xf32>,
      tpu.vector_store %arg10[%swap3A_61], %gather3A_60 {strides = array<i32>} : memref<96xf32, #tpu.memory_space<vmem>>, vector<16xf32>,
      %get3A_63 = arith.constant 32 : index
      %get3A_64 = tpu.vector_load %arg8[%get3A_63] {strides = array<i32>} : memref<96xi32, #tpu.memory_space<vmem>>, vector<16xi32>,
      %gather3A_65 = tpu.vector_load_idx %arg7[%get3A_64] : memref<2500xf32, #tpu.memory_space<vmem>>[vector<16xi32>], vector<16xf32>,
      %swap3A_66 = arith.constant 32 : index
      %swap3A_67 = tpu.vector_load %arg10[%swap3A_66] {strides = array<i32>} : memref<96xf32, #tpu.memory_space<vmem>>, vector<16xf32>,
      tpu.vector_store %arg10[%swap3A_66], %gather3A_65 {strides = array<i32>} : memref<96xf32, #tpu.memory_space<vmem>>, vector<16xf32>,
      %get3A_68 = arith.constant 48 : index
      %get3A_69 = tpu.vector_load %arg8[%get3A_68] {strides = array<i32>} : memref<96xi32, #tpu.memory_space<vmem>>, vector<16xi32>,
      %gather3A_70 = tpu.vector_load_idx %arg7[%get3A_69] : memref<2500xf32, #tpu.memory_space<vmem>>[vector<16xi32>], vector<16xf32>,
      %swap3A_71 = arith.constant 48 : index
      %swap3A_72 = tpu.vector_load %arg10[%swap3A_71] {strides = array<i32>} : memref<96xf32, #tpu.memory_space<vmem>>, vector<16xf32>,
      tpu.vector_store %arg10[%swap3A_71], %gather3A_70 {strides = array<i32>} : memref<96xf32, #tpu.memory_space<vmem>>, vector<16xf32>,
      %get3A_73 = arith.constant 64 : index
      %get3A_74 = tpu.vector_load %arg8[%get3A_73] {strides = array<i32>} : memref<96xi32, #tpu.memory_space<vmem>>, vector<16xi32>,
      %gather3A_75 = tpu.vector_load_idx %arg7[%get3A_74] : memref<2500xf32, #tpu.memory_space<vmem>>[vector<16xi32>], vector<16xf32>,
      %swap3A_76 = arith.constant 64 : index
      %swap3A_77 = tpu.vector_load %arg10[%swap3A_76] {strides = array<i32>} : memref<96xf32, #tpu.memory_space<vmem>>, vector<16xf32>,
      tpu.vector_store %arg10[%swap3A_76], %gather3A_75 {strides = array<i32>} : memref<96xf32, #tpu.memory_space<vmem>>, vector<16xf32>,
      %get3A_78 = arith.constant 80 : index
      %get3A_79 = tpu.vector_load %arg8[%get3A_78] {strides = array<i32>} : memref<96xi32, #tpu.memory_space<vmem>>, vector<16xi32>,
      %gather3A_80 = tpu.vector_load_idx %arg7[%get3A_79] : memref<2500xf32, #tpu.memory_space<vmem>>[vector<16xi32>], vector<16xf32>,
      %swap3A_81 = arith.constant 80 : index
      %swap3A_82 = tpu.vector_load %arg10[%swap3A_81] {strides = array<i32>} : memref<96xf32, #tpu.memory_space<vmem>>, vector<16xf32>,
      tpu.vector_store %arg10[%swap3A_81], %gather3A_80 {strides = array<i32>} : memref<96xf32, #tpu.memory_space<vmem>>, vector<16xf32>,
      "tpu.region"() ({
        %run_scoped3A = tpu.sem_alloc : memref<!tpu.dma_semaphore, #tpu.memory_space<semaphore_mem>>
        %dma_start3A = arith.constant 0 : i32
        %dma_start3A_84 = tpu.memref_slice %arg9[%scan3A_53, %dma_start3A] : memref<5x96xi32, #tpu.memory_space<vmem>> -> memref<1x96xi32, #tpu.memory_space<vmem>>
        %dma_start3A_85 = tpu.memref_squeeze %dma_start3A_84 : memref<1x96xi32, #tpu.memory_space<vmem>> -> memref<96xi32, #tpu.memory_space<vmem>>
        %dma_start3A_86 = arith.constant 0 : i32
        %dma_start3A_87 = tpu.memref_slice %arg13[%dma_start3A_86] : memref<2560xf32, #tpu.memory_space<vmem_shared>> -> memref<2560xf32, #tpu.memory_space<vmem_shared>>
        tpu.enqueue_indirect_dma source(%arg10 : memref<96xf32, #tpu.memory_space<vmem>>) target(%dma_start3A_87 : memref<2560xf32, #tpu.memory_space<vmem_shared>>) offsets(%dma_start3A_85 : memref<96xi32, #tpu.memory_space<vmem>>) semaphore(%run_scoped3A : memref<!tpu.dma_semaphore, #tpu.memory_space<semaphore_mem>>) {add = true}
        %dma_wait3A = arith.constant 0 : i32
        %dma_wait3A_88 = tpu.memref_slice %arg9[%scan3A_53, %dma_wait3A] : memref<5x96xi32, #tpu.memory_space<vmem>> -> memref<1x96xi32, #tpu.memory_space<vmem>>
        %dma_wait3A_89 = tpu.memref_squeeze %dma_wait3A_88 : memref<1x96xi32, #tpu.memory_space<vmem>> -> memref<96xi32, #tpu.memory_space<vmem>>
        %dma_wait3A_90 = arith.constant 0 : i32
        %dma_wait3A_91 = tpu.memref_slice %arg13[%dma_wait3A_90] : memref<2560xf32, #tpu.memory_space<vmem_shared>> -> memref<2560xf32, #tpu.memory_space<vmem_shared>>
        tpu.wait_indirect_dma semaphore(%run_scoped3A : memref<!tpu.dma_semaphore, #tpu.memory_space<semaphore_mem>>) src(%arg10 : memref<96xf32, #tpu.memory_space<vmem>>) dst(%dma_wait3A_91 : memref<2560xf32, #tpu.memory_space<vmem_shared>>)
        tpu.yield
      }) : () -> ()
      "tpu.region"() ({
        %run_scoped3A = tpu.sem_alloc : memref<!tpu.dma_semaphore, #tpu.memory_space<semaphore_mem>>
        %dma_start3A = arith.constant 0 : i32
        %dma_start3A_84 = tpu.memref_slice %arg9[%scan3A_53, %dma_start3A] : memref<5x96xi32, #tpu.memory_space<vmem>> -> memref<1x96xi32, #tpu.memory_space<vmem>>
        %dma_start3A_85 = tpu.memref_squeeze %dma_start3A_84 : memref<1x96xi32, #tpu.memory_space<vmem>> -> memref<96xi32, #tpu.memory_space<vmem>>
        %dma_start3A_86 = arith.constant 0 : i32
        %dma_start3A_87 = tpu.memref_slice %arg14[%dma_start3A_86] : memref<2560xf32, #tpu.memory_space<vmem_shared>> -> memref<2560xf32, #tpu.memory_space<vmem_shared>>
        tpu.enqueue_indirect_dma source(%arg11 : memref<96xf32, #tpu.memory_space<vmem>>) target(%dma_start3A_87 : memref<2560xf32, #tpu.memory_space<vmem_shared>>) offsets(%dma_start3A_85 : memref<96xi32, #tpu.memory_space<vmem>>) semaphore(%run_scoped3A : memref<!tpu.dma_semaphore, #tpu.memory_space<semaphore_mem>>) {add = true}
        %dma_wait3A = arith.constant 0 : i32
        %dma_wait3A_88 = tpu.memref_slice %arg9[%scan3A_53, %dma_wait3A] : memref<5x96xi32, #tpu.memory_space<vmem>> -> memref<1x96xi32, #tpu.memory_space<vmem>>
        %dma_wait3A_89 = tpu.memref_squeeze %dma_wait3A_88 : memref<1x96xi32, #tpu.memory_space<vmem>> -> memref<96xi32, #tpu.memory_space<vmem>>
        %dma_wait3A_90 = arith.constant 0 : i32
        %dma_wait3A_91 = tpu.memref_slice %arg14[%dma_wait3A_90] : memref<2560xf32, #tpu.memory_space<vmem_shared>> -> memref<2560xf32, #tpu.memory_space<vmem_shared>>
        tpu.wait_indirect_dma semaphore(%run_scoped3A : memref<!tpu.dma_semaphore, #tpu.memory_space<semaphore_mem>>) src(%arg11 : memref<96xf32, #tpu.memory_space<vmem>>) dst(%dma_wait3A_91 : memref<2560xf32, #tpu.memory_space<vmem_shared>>)
        tpu.yield
      }) : () -> ()
      %scan3A_83 = arith.constant 0 : i32
      scf.yield %scan3A_83 : i32
    }
    %scan3A_44 = arith.constant 5 : i32
    %barrier3A_45 = arith.constant 0 : index
    tpu.barrier barrier_id(%barrier3A_45)
    %mul3A_46 = arith.constant 160 : i32
    %mul3A_47 = arith.muli %arg1, %mul3A_46 : i32
    %mul3A_48 = arith.constant 2560 : i32
    %mul3A_49 = arith.muli %arg0, %mul3A_48 : i32
    %mul3A_50 = arith.constant 160 : i32
    %mul3A_51 = arith.muli %arg1, %mul3A_50 : i32
    %add3A_52 = arith.addi %mul3A_49, %mul3A_51 : i32
    "tpu.region"() ({
      %run_scoped3A = tpu.sem_alloc : memref<!tpu.dma_semaphore, #tpu.memory_space<semaphore_mem>>
      %dma_start3A = tpu.memref_slice %arg13[%mul3A_47] : memref<2560xf32, #tpu.memory_space<vmem_shared>> -> memref<160xf32, #tpu.memory_space<vmem_shared>>
      %dma_start3A_53 = tpu.memref_slice %arg13[%mul3A_47] : memref<2560xf32, #tpu.memory_space<vmem_shared>> -> memref<160xf32, #tpu.memory_space<vmem_shared>>
      tpu.enqueue_dma source(%dma_start3A_53 : memref<160xf32, #tpu.memory_space<vmem_shared>>) target(%arg12 : memref<160xf32, #tpu.memory_space<vmem>>) target_semaphore(%run_scoped3A : memref<!tpu.dma_semaphore, #tpu.memory_space<semaphore_mem>>)
      %dma_wait3A = tpu.memref_slice %arg13[%mul3A_47] : memref<2560xf32, #tpu.memory_space<vmem_shared>> -> memref<160xf32, #tpu.memory_space<vmem_shared>>
      %dma_wait3A_54 = tpu.memref_slice %arg13[%mul3A_47] : memref<2560xf32, #tpu.memory_space<vmem_shared>> -> memref<160xf32, #tpu.memory_space<vmem_shared>>
      tpu.wait_dma2 semaphore(%run_scoped3A : memref<!tpu.dma_semaphore, #tpu.memory_space<semaphore_mem>>) src(%dma_wait3A_54 : memref<160xf32, #tpu.memory_space<vmem_shared>>) dst(%arg12 : memref<160xf32, #tpu.memory_space<vmem>>)
      tpu.yield
    }) : () -> ()
    "tpu.region"() ({
      %run_scoped3A = tpu.sem_alloc : memref<!tpu.dma_semaphore, #tpu.memory_space<semaphore_mem>>
      %dma_start3A = tpu.memref_slice %arg5[%add3A_52] : memref<5120xf32, #tpu.memory_space<hbm>> -> memref<160xf32, #tpu.memory_space<hbm>>
      %dma_start3A_53 = tpu.memref_slice %arg5[%add3A_52] : memref<5120xf32, #tpu.memory_space<hbm>> -> memref<160xf32, #tpu.memory_space<hbm>>
      tpu.enqueue_dma source(%arg12 : memref<160xf32, #tpu.memory_space<vmem>>) target(%dma_start3A_53 : memref<160xf32, #tpu.memory_space<hbm>>) target_semaphore(%run_scoped3A : memref<!tpu.dma_semaphore, #tpu.memory_space<semaphore_mem>>)
      %dma_wait3A = tpu.memref_slice %arg5[%add3A_52] : memref<5120xf32, #tpu.memory_space<hbm>> -> memref<160xf32, #tpu.memory_space<hbm>>
      %dma_wait3A_54 = tpu.memref_slice %arg5[%add3A_52] : memref<5120xf32, #tpu.memory_space<hbm>> -> memref<160xf32, #tpu.memory_space<hbm>>
      tpu.wait_dma2 semaphore(%run_scoped3A : memref<!tpu.dma_semaphore, #tpu.memory_space<semaphore_mem>>) src(%arg12 : memref<160xf32, #tpu.memory_space<vmem>>) dst(%dma_wait3A_54 : memref<160xf32, #tpu.memory_space<hbm>>)
      tpu.yield
    }) : () -> ()
    "tpu.region"() ({
      %run_scoped3A = tpu.sem_alloc : memref<!tpu.dma_semaphore, #tpu.memory_space<semaphore_mem>>
      %dma_start3A = tpu.memref_slice %arg14[%mul3A_47] : memref<2560xf32, #tpu.memory_space<vmem_shared>> -> memref<160xf32, #tpu.memory_space<vmem_shared>>
      %dma_start3A_53 = tpu.memref_slice %arg14[%mul3A_47] : memref<2560xf32, #tpu.memory_space<vmem_shared>> -> memref<160xf32, #tpu.memory_space<vmem_shared>>
      tpu.enqueue_dma source(%dma_start3A_53 : memref<160xf32, #tpu.memory_space<vmem_shared>>) target(%arg12 : memref<160xf32, #tpu.memory_space<vmem>>) target_semaphore(%run_scoped3A : memref<!tpu.dma_semaphore, #tpu.memory_space<semaphore_mem>>)
      %dma_wait3A = tpu.memref_slice %arg14[%mul3A_47] : memref<2560xf32, #tpu.memory_space<vmem_shared>> -> memref<160xf32, #tpu.memory_space<vmem_shared>>
      %dma_wait3A_54 = tpu.memref_slice %arg14[%mul3A_47] : memref<2560xf32, #tpu.memory_space<vmem_shared>> -> memref<160xf32, #tpu.memory_space<vmem_shared>>
      tpu.wait_dma2 semaphore(%run_scoped3A : memref<!tpu.dma_semaphore, #tpu.memory_space<semaphore_mem>>) src(%dma_wait3A_54 : memref<160xf32, #tpu.memory_space<vmem_shared>>) dst(%arg12 : memref<160xf32, #tpu.memory_space<vmem>>)
      tpu.yield
    }) : () -> ()
    "tpu.region"() ({
      %run_scoped3A = tpu.sem_alloc : memref<!tpu.dma_semaphore, #tpu.memory_space<semaphore_mem>>
      %dma_start3A = tpu.memref_slice %arg6[%add3A_52] : memref<5120xf32, #tpu.memory_space<hbm>> -> memref<160xf32, #tpu.memory_space<hbm>>
      %dma_start3A_53 = tpu.memref_slice %arg6[%add3A_52] : memref<5120xf32, #tpu.memory_space<hbm>> -> memref<160xf32, #tpu.memory_space<hbm>>
      tpu.enqueue_dma source(%arg12 : memref<160xf32, #tpu.memory_space<vmem>>) target(%dma_start3A_53 : memref<160xf32, #tpu.memory_space<hbm>>) target_semaphore(%run_scoped3A : memref<!tpu.dma_semaphore, #tpu.memory_space<semaphore_mem>>)
      %dma_wait3A = tpu.memref_slice %arg6[%add3A_52] : memref<5120xf32, #tpu.memory_space<hbm>> -> memref<160xf32, #tpu.memory_space<hbm>>
      %dma_wait3A_54 = tpu.memref_slice %arg6[%add3A_52] : memref<5120xf32, #tpu.memory_space<hbm>> -> memref<160xf32, #tpu.memory_space<hbm>>
      tpu.wait_dma2 semaphore(%run_scoped3A : memref<!tpu.dma_semaphore, #tpu.memory_space<semaphore_mem>>) src(%arg12 : memref<160xf32, #tpu.memory_space<vmem>>) dst(%dma_wait3A_54 : memref<160xf32, #tpu.memory_space<hbm>>)
      tpu.yield
    }) : () -> ()
    return
  }
}

module attributes {stable_mosaic.version = 14 : i64} {
  func.func @body(%arg0: memref<4x128xf32, #tpu.memory_space<vmem>>, %arg1: memref<144x128xf32, #tpu.memory_space<vmem>>, %arg2: memref<144xf32, #tpu.memory_space<vmem>>, %arg3: memref<2500x625xf32, #tpu.memory_space<vmem>>, %arg4: memref<4x144xf32, #tpu.memory_space<vmem>>, %arg5: memref<2500x1xf32, #tpu.memory_space<vmem>>) attributes {dimension_semantics = [], scalar_prefetch = 0 : i64, scratch_operands = 0 : i64, tpu.core_type = #tpu.core_type<tc>} {
    %get3A = arith.constant 0 : index
    %get3A_0 = arith.constant 0 : index
    %get3A_1 = vector.load %arg0[%get3A, %get3A_0] : memref<4x128xf32, #tpu.memory_space<vmem>>, vector<4x128xf32>
    %get3A_2 = arith.constant 0 : index
    %get3A_3 = arith.constant 0 : index
    %get3A_4 = vector.load %arg1[%get3A_2, %get3A_3] : memref<144x128xf32, #tpu.memory_space<vmem>>, vector<144x128xf32>
    %dot_general3A = arith.constant dense<0.000000e+00> : vector<4x144xf32>
    %dot_general3A_5 = tpu.matmul %get3A_1, %get3A_4, %dot_general3A {dimension_numbers = #tpu.dot_dimension_numbers<[1], [1], [0], [0], [0, 0, 1, 0], [], []>, transpose_lhs_hint = false} : vector<4x128xf32>, vector<144x128xf32>, vector<4x144xf32> -> vector<4x144xf32>
    %get3A_6 = arith.constant 0 : index
    %get3A_7 = vector.load %arg2[%get3A_6] : memref<144xf32, #tpu.memory_space<vmem>>, vector<144xf32>
    %broadcast_in_dim3A = vector.shape_cast %get3A_7 : vector<144xf32> to vector<1x144xf32>
    %add3A = vector.broadcast %broadcast_in_dim3A : vector<1x144xf32> to vector<4x144xf32>
    %add3A_8 = arith.addf %dot_general3A_5, %add3A : vector<4x144xf32>
    %swap3A = arith.constant 0 : index
    %swap3A_9 = arith.constant 0 : index
    %swap3A_10 = vector.load %arg4[%swap3A, %swap3A_9] : memref<4x144xf32, #tpu.memory_space<vmem>>, vector<4x144xf32>
    tpu.vector_store %arg4[%swap3A, %swap3A_9], %add3A_8 {strides = array<i32>} : memref<4x144xf32, #tpu.memory_space<vmem>>, vector<4x144xf32>,
    %get3A_11 = arith.constant 0 : index
    %get3A_12 = arith.constant 0 : index
    %get3A_13 = vector.load %arg3[%get3A_11, %get3A_12] : memref<2500x625xf32, #tpu.memory_space<vmem>>, vector<2500x625xf32>
    %reduce_sum3A = arith.constant dense<0.000000e+00> : vector<2500xf32>
    %reduce_sum3A_14 = vector.multi_reduction <add>, %get3A_13, %reduce_sum3A [1] : vector<2500x625xf32> to vector<2500xf32>
    %broadcast_in_dim3A_15 = vector.shape_cast %reduce_sum3A_14 : vector<2500xf32> to vector<2500x1xf32>
    %swap3A_16 = arith.constant 0 : index
    %swap3A_17 = arith.constant 0 : index
    %swap3A_18 = vector.load %arg5[%swap3A_16, %swap3A_17] : memref<2500x1xf32, #tpu.memory_space<vmem>>, vector<2500x1xf32>
    tpu.vector_store %arg5[%swap3A_16, %swap3A_17], %broadcast_in_dim3A_15 {strides = array<i32>} : memref<2500x1xf32, #tpu.memory_space<vmem>>, vector<2500x1xf32>,
    return
  }
}

module attributes {stable_mosaic.version = 14 : i64} {
  func.func @body(%arg0: i32, %arg1: memref<1000x16x128xf32, #tpu.memory_space<vmem>>, %arg2: memref<4x144xf32, #tpu.memory_space<vmem>>, %arg3: memref<1000x16xf32, #tpu.memory_space<vmem>>, %arg4: memref<1000x16xf32, #tpu.memory_space<vmem>>) attributes {dimension_semantics = [#tpu.dimension_semantics<arbitrary>], iteration_bounds = array<i64: 10>, scalar_prefetch = 0 : i64, scratch_operands = 0 : i64, tpu.core_type = #tpu.core_type<tc>, window_params = [{transform_indices = @transform_0, window_bounds = array<i64: 1000, 16, 128>}, {pipeline_mode = #tpu.pipeline_mode<synchronous>, transform_indices = @transform_1, window_bounds = array<i64: 4, 144>}, {transform_indices = @transform_2, window_bounds = array<i64: 1000, 16>}, {transform_indices = @transform_3, window_bounds = array<i64: 1000, 16>}]} {
    %get3A = arith.constant 0 : index
    %get3A_0 = arith.constant 16 : index
    %get3A_1 = vector.load %arg2[%get3A, %get3A_0] : memref<4x144xf32, #tpu.memory_space<vmem>>, vector<1x128xf32>
    %get3A_2 = arith.constant 0 : index
    %get3A_3 = arith.constant 0 : index
    %get3A_4 = arith.constant 0 : index
    %get3A_5 = vector.load %arg1[%get3A_2, %get3A_3, %get3A_4] : memref<1000x16x128xf32, #tpu.memory_space<vmem>>, vector<1000x16x128xf32>
    %broadcast_in_dim3A = vector.shape_cast %get3A_1 : vector<1x128xf32> to vector<1x1x128xf32>
    %mul3A = vector.broadcast %broadcast_in_dim3A : vector<1x1x128xf32> to vector<1000x16x128xf32>
    %mul3A_6 = arith.mulf %get3A_5, %mul3A : vector<1000x16x128xf32>
    %reduce_sum3A = arith.constant dense<0.000000e+00> : vector<1000x16xf32>
    %reduce_sum3A_7 = vector.multi_reduction <add>, %mul3A_6, %reduce_sum3A [2] : vector<1000x16x128xf32> to vector<1000x16xf32>
    %get3A_8 = arith.constant 0 : index
    %get3A_9 = arith.constant 0 : index
    %get3A_10 = vector.load %arg3[%get3A_8, %get3A_9] : memref<1000x16xf32, #tpu.memory_space<vmem>>, vector<1000x16xf32>
    %add3A = arith.addf %reduce_sum3A_7, %get3A_10 : vector<1000x16xf32>
    %swap3A = arith.constant 0 : index
    %swap3A_11 = arith.constant 0 : index
    %swap3A_12 = vector.load %arg4[%swap3A, %swap3A_11] : memref<1000x16xf32, #tpu.memory_space<vmem>>, vector<1000x16xf32>
    tpu.vector_store %arg4[%swap3A, %swap3A_11], %add3A {strides = array<i32>} : memref<1000x16xf32, #tpu.memory_space<vmem>>, vector<1000x16xf32>,
    return
  }
  func.func @transform_0(%arg0: i32) -> (i32, i32, i32) {
    %c0_i32 = arith.constant 0 : i32
    %c0_i32_0 = arith.constant 0 : i32
    %c0_i32_1 = arith.constant 0 : i32
    return %arg0, %c0_i32, %c0_i32_0 : i32, i32, i32
  }
  func.func @transform_1(%arg0: i32) -> (i32, i32) {
    %c0_i32 = arith.constant 0 : i32
    %c0_i32_0 = arith.constant 0 : i32
    %c0_i32_1 = arith.constant 0 : i32
    return %c0_i32, %c0_i32_0 : i32, i32
  }
  func.func @transform_2(%arg0: i32) -> (i32, i32) {
    %c0_i32 = arith.constant 0 : i32
    %c0_i32_0 = arith.constant 0 : i32
    return %arg0, %c0_i32 : i32, i32
  }
  func.func @transform_3(%arg0: i32) -> (i32, i32) {
    %c0_i32 = arith.constant 0 : i32
    %c0_i32_0 = arith.constant 0 : i32
    return %arg0, %c0_i32 : i32, i32
  }
}

module attributes {stable_mosaic.version = 14 : i64} {
  func.func @body(%arg0: memref<2x10112x16xf32, #tpu.memory_space<vmem>>, %arg1: memref<2x10112x16xf32, #tpu.memory_space<vmem>>, %arg2: memref<16x32xf32, #tpu.memory_space<vmem>>, %arg3: memref<32xf32, #tpu.memory_space<vmem>>, %arg4: memref<32xf32, #tpu.memory_space<vmem>>, %arg5: memref<32xf32, #tpu.memory_space<vmem>>, %arg6: memref<10000x32xf32, #tpu.memory_space<vmem>>) attributes {dimension_semantics = [], scalar_prefetch = 0 : i64, scratch_operands = 0 : i64, tpu.core_type = #tpu.core_type<tc>} {
    %get3A = arith.constant 0 : index
    %get3A_0 = arith.constant 0 : index
    %get3A_1 = arith.constant 0 : index
    %get3A_2 = vector.load %arg0[%get3A, %get3A_0, %get3A_1] : memref<2x10112x16xf32, #tpu.memory_space<vmem>>, vector<1x10112x16xf32>
    %get3A_3 = vector.shape_cast %get3A_2 : vector<1x10112x16xf32> to vector<10112x16xf32>
    %get3A_4 = arith.constant 1 : index
    %get3A_5 = arith.constant 0 : index
    %get3A_6 = arith.constant 0 : index
    %get3A_7 = vector.load %arg0[%get3A_4, %get3A_5, %get3A_6] : memref<2x10112x16xf32, #tpu.memory_space<vmem>>, vector<1x10112x16xf32>
    %get3A_8 = vector.shape_cast %get3A_7 : vector<1x10112x16xf32> to vector<10112x16xf32>
    %add3A = arith.addf %get3A_3, %get3A_8 : vector<10112x16xf32>
    %get3A_9 = arith.constant 0 : index
    %get3A_10 = arith.constant 0 : index
    %get3A_11 = arith.constant 0 : index
    %get3A_12 = vector.load %arg1[%get3A_9, %get3A_10, %get3A_11] : memref<2x10112x16xf32, #tpu.memory_space<vmem>>, vector<1x10112x16xf32>
    %get3A_13 = vector.shape_cast %get3A_12 : vector<1x10112x16xf32> to vector<10112x16xf32>
    %get3A_14 = arith.constant 1 : index
    %get3A_15 = arith.constant 0 : index
    %get3A_16 = arith.constant 0 : index
    %get3A_17 = vector.load %arg1[%get3A_14, %get3A_15, %get3A_16] : memref<2x10112x16xf32, #tpu.memory_space<vmem>>, vector<1x10112x16xf32>
    %get3A_18 = vector.shape_cast %get3A_17 : vector<1x10112x16xf32> to vector<10112x16xf32>
    %add3A_19 = arith.addf %get3A_13, %get3A_18 : vector<10112x16xf32>
    %slice3A = vector.extract_strided_slice %add3A_19 {offsets = [0, 0], sizes = [10000, 1], strides = [1, 1]} : vector<10112x16xf32> to vector<10000x1xf32>
    %slice3A_20 = vector.extract_strided_slice %add3A {offsets = [0, 0], sizes = [10000, 16], strides = [1, 1]} : vector<10112x16xf32> to vector<10000x16xf32>
    %max3A = arith.constant 1.000000e+00 : f32
    %max3A_21 = vector.broadcast %max3A : f32 to vector<10000x1xf32>
    %max3A_22 = arith.maximumf %slice3A, %max3A_21 : vector<10000x1xf32>
    %div3A = vector.broadcast %max3A_22 : vector<10000x1xf32> to vector<10000x16xf32>
    %div3A_23 = arith.divf %slice3A_20, %div3A : vector<10000x16xf32>
    %get3A_24 = arith.constant 0 : index
    %get3A_25 = vector.load %arg3[%get3A_24] : memref<32xf32, #tpu.memory_space<vmem>>, vector<32xf32>
    %broadcast_in_dim3A = vector.shape_cast %get3A_25 : vector<32xf32> to vector<1x32xf32>
    %get3A_26 = arith.constant 0 : index
    %get3A_27 = arith.constant 0 : index
    %get3A_28 = vector.load %arg2[%get3A_26, %get3A_27] : memref<16x32xf32, #tpu.memory_space<vmem>>, vector<16x32xf32>
    %dot_general3A = arith.constant dense<0.000000e+00> : vector<10000x32xf32>
    %dot_general3A_29 = tpu.matmul %div3A_23, %get3A_28, %dot_general3A {dimension_numbers = #tpu.dot_dimension_numbers<[1], [0], [0], [1], [0, 0, 1, 1], [], []>, transpose_lhs_hint = false} : vector<10000x16xf32>, vector<16x32xf32>, vector<10000x32xf32> -> vector<10000x32xf32>
    %add3A_30 = vector.broadcast %broadcast_in_dim3A : vector<1x32xf32> to vector<10000x32xf32>
    %add3A_31 = arith.addf %dot_general3A_29, %add3A_30 : vector<10000x32xf32>
    %reduce_sum3A = arith.constant dense<0.000000e+00> : vector<32xf32>
    %reduce_sum3A_32 = vector.multi_reduction <add>, %add3A_31, %reduce_sum3A [0] : vector<10000x32xf32> to vector<32xf32>
    %broadcast_in_dim3A_33 = vector.shape_cast %reduce_sum3A_32 : vector<32xf32> to vector<1x32xf32>
    %mul3A = arith.constant 3.000000e+04 : f32
    %mul3A_34 = vector.broadcast %mul3A : f32 to vector<1x32xf32>
    %mul3A_35 = arith.mulf %mul3A_34, %broadcast_in_dim3A : vector<1x32xf32>
    %add3A_36 = arith.addf %broadcast_in_dim3A_33, %mul3A_35 : vector<1x32xf32>
    %div3A_37 = arith.constant 4.000000e+04 : f32
    %div3A_38 = vector.broadcast %div3A_37 : f32 to vector<1x32xf32>
    %div3A_39 = arith.divf %add3A_36, %div3A_38 : vector<1x32xf32>
    %mul3A_40 = arith.mulf %add3A_31, %add3A_31 : vector<10000x32xf32>
    %reduce_sum3A_41 = arith.constant dense<0.000000e+00> : vector<32xf32>
    %reduce_sum3A_42 = vector.multi_reduction <add>, %mul3A_40, %reduce_sum3A_41 [0] : vector<10000x32xf32> to vector<32xf32>
    %broadcast_in_dim3A_43 = vector.shape_cast %reduce_sum3A_42 : vector<32xf32> to vector<1x32xf32>
    %mul3A_44 = arith.constant 3.000000e+04 : f32
    %mul3A_45 = vector.broadcast %mul3A_44 : f32 to vector<1x32xf32>
    %mul3A_46 = arith.mulf %mul3A_45, %broadcast_in_dim3A : vector<1x32xf32>
    %mul3A_47 = arith.mulf %mul3A_46, %broadcast_in_dim3A : vector<1x32xf32>
    %add3A_48 = arith.addf %broadcast_in_dim3A_43, %mul3A_47 : vector<1x32xf32>
    %div3A_49 = arith.constant 4.000000e+04 : f32
    %div3A_50 = vector.broadcast %div3A_49 : f32 to vector<1x32xf32>
    %div3A_51 = arith.divf %add3A_48, %div3A_50 : vector<1x32xf32>
    %mul3A_52 = arith.mulf %div3A_39, %div3A_39 : vector<1x32xf32>
    %sub3A = arith.subf %div3A_51, %mul3A_52 : vector<1x32xf32>
    %sub3A_53 = vector.broadcast %div3A_39 : vector<1x32xf32> to vector<10000x32xf32>
    %sub3A_54 = arith.subf %add3A_31, %sub3A_53 : vector<10000x32xf32>
    %add3A_55 = arith.constant 9.99999974E-6 : f32
    %add3A_56 = vector.broadcast %add3A_55 : f32 to vector<1x32xf32>
    %add3A_57 = arith.addf %sub3A, %add3A_56 : vector<1x32xf32>
    %sqrt3A = math.sqrt %add3A_57 : vector<1x32xf32>
    %div3A_58 = vector.broadcast %sqrt3A : vector<1x32xf32> to vector<10000x32xf32>
    %div3A_59 = arith.divf %sub3A_54, %div3A_58 : vector<10000x32xf32>
    %get3A_60 = arith.constant 0 : index
    %get3A_61 = vector.load %arg4[%get3A_60] : memref<32xf32, #tpu.memory_space<vmem>>, vector<32xf32>
    %broadcast_in_dim3A_62 = vector.shape_cast %get3A_61 : vector<32xf32> to vector<1x32xf32>
    %mul3A_63 = vector.broadcast %broadcast_in_dim3A_62 : vector<1x32xf32> to vector<10000x32xf32>
    %mul3A_64 = arith.mulf %div3A_59, %mul3A_63 : vector<10000x32xf32>
    %get3A_65 = arith.constant 0 : index
    %get3A_66 = vector.load %arg5[%get3A_65] : memref<32xf32, #tpu.memory_space<vmem>>, vector<32xf32>
    %broadcast_in_dim3A_67 = vector.shape_cast %get3A_66 : vector<32xf32> to vector<1x32xf32>
    %add3A_68 = vector.broadcast %broadcast_in_dim3A_67 : vector<1x32xf32> to vector<10000x32xf32>
    %add3A_69 = arith.addf %mul3A_64, %add3A_68 : vector<10000x32xf32>
    %ge3A = arith.constant 0.000000e+00 : f32
    %ge3A_70 = vector.broadcast %ge3A : f32 to vector<10000x32xf32>
    %ge3A_71 = arith.cmpf oge, %add3A_69, %ge3A_70 : vector<10000x32xf32>
    %mul3A_72 = arith.constant 0.00999999977 : f32
    %mul3A_73 = vector.broadcast %mul3A_72 : f32 to vector<10000x32xf32>
    %mul3A_74 = arith.mulf %mul3A_73, %add3A_69 : vector<10000x32xf32>
    %select_n3A = arith.select %ge3A_71, %add3A_69, %mul3A_74 : vector<10000x32xi1>, vector<10000x32xf32>
    %swap3A = arith.constant 0 : index
    %swap3A_75 = arith.constant 0 : index
    %swap3A_76 = vector.load %arg6[%swap3A, %swap3A_75] : memref<10000x32xf32, #tpu.memory_space<vmem>>, vector<10000x32xf32>
    tpu.vector_store %arg6[%swap3A, %swap3A_75], %select_n3A {strides = array<i32>} : memref<10000x32xf32, #tpu.memory_space<vmem>>, vector<10000x32xf32>,
    return
  }
}

module attributes {stable_mosaic.version = 14 : i64} {
  func.func @body(%arg0: memref<4x144xf32, #tpu.memory_space<vmem>>, %arg1: memref<2x2560xf32, #tpu.memory_space<vmem>>, %arg2: memref<2x2560xf32, #tpu.memory_space<vmem>>, %arg3: memref<16x32xf32, #tpu.memory_space<vmem>>, %arg4: memref<32xf32, #tpu.memory_space<vmem>>, %arg5: memref<32xf32, #tpu.memory_space<vmem>>, %arg6: memref<32xf32, #tpu.memory_space<vmem>>, %arg7: memref<2500x32xf32, #tpu.memory_space<vmem>>) attributes {dimension_semantics = [], scalar_prefetch = 0 : i64, scratch_operands = 0 : i64, tpu.core_type = #tpu.core_type<tc>} {
    %get3A = arith.constant 0 : index
    %get3A_0 = arith.constant 0 : index
    %get3A_1 = vector.load %arg0[%get3A, %get3A_0] : memref<4x144xf32, #tpu.memory_space<vmem>>, vector<1x16xf32>
    %get3A_2 = arith.constant 0 : index
    %get3A_3 = arith.constant 0 : index
    %get3A_4 = vector.load %arg3[%get3A_2, %get3A_3] : memref<16x32xf32, #tpu.memory_space<vmem>>, vector<16x32xf32>
    %dot_general3A = arith.constant dense<0.000000e+00> : vector<1x32xf32>
    %dot_general3A_5 = tpu.matmul %get3A_1, %get3A_4, %dot_general3A {dimension_numbers = #tpu.dot_dimension_numbers<[1], [0], [0], [1], [0, 0, 1, 1], [], []>, transpose_lhs_hint = false} : vector<1x16xf32>, vector<16x32xf32>, vector<1x32xf32> -> vector<1x32xf32>
    %get3A_6 = arith.constant 0 : index
    %get3A_7 = arith.constant 0 : index
    %get3A_8 = vector.load %arg1[%get3A_6, %get3A_7] : memref<2x2560xf32, #tpu.memory_space<vmem>>, vector<1x2560xf32>
    %get3A_9 = vector.shape_cast %get3A_8 : vector<1x2560xf32> to vector<2560xf32>
    %get3A_10 = arith.constant 1 : index
    %get3A_11 = arith.constant 0 : index
    %get3A_12 = vector.load %arg1[%get3A_10, %get3A_11] : memref<2x2560xf32, #tpu.memory_space<vmem>>, vector<1x2560xf32>
    %get3A_13 = vector.shape_cast %get3A_12 : vector<1x2560xf32> to vector<2560xf32>
    %add3A = arith.addf %get3A_9, %get3A_13 : vector<2560xf32>
    %slice3A = vector.extract_strided_slice %add3A {offsets = [0], sizes = [2500], strides = [1]} : vector<2560xf32> to vector<2500xf32>
    %broadcast_in_dim3A = vector.shape_cast %slice3A : vector<2500xf32> to vector<2500x1xf32>
    %get3A_14 = arith.constant 0 : index
    %get3A_15 = arith.constant 0 : index
    %get3A_16 = vector.load %arg2[%get3A_14, %get3A_15] : memref<2x2560xf32, #tpu.memory_space<vmem>>, vector<1x2560xf32>
    %get3A_17 = vector.shape_cast %get3A_16 : vector<1x2560xf32> to vector<2560xf32>
    %get3A_18 = arith.constant 1 : index
    %get3A_19 = arith.constant 0 : index
    %get3A_20 = vector.load %arg2[%get3A_18, %get3A_19] : memref<2x2560xf32, #tpu.memory_space<vmem>>, vector<1x2560xf32>
    %get3A_21 = vector.shape_cast %get3A_20 : vector<1x2560xf32> to vector<2560xf32>
    %add3A_22 = arith.addf %get3A_17, %get3A_21 : vector<2560xf32>
    %slice3A_23 = vector.extract_strided_slice %add3A_22 {offsets = [0], sizes = [2500], strides = [1]} : vector<2560xf32> to vector<2500xf32>
    %broadcast_in_dim3A_24 = vector.shape_cast %slice3A_23 : vector<2500xf32> to vector<2500x1xf32>
    %max3A = arith.constant 1.000000e+00 : f32
    %max3A_25 = vector.broadcast %max3A : f32 to vector<2500x1xf32>
    %max3A_26 = arith.maximumf %broadcast_in_dim3A_24, %max3A_25 : vector<2500x1xf32>
    %div3A = arith.divf %broadcast_in_dim3A, %max3A_26 : vector<2500x1xf32>
    %get3A_27 = arith.constant 0 : index
    %get3A_28 = vector.load %arg4[%get3A_27] : memref<32xf32, #tpu.memory_space<vmem>>, vector<32xf32>
    %broadcast_in_dim3A_29 = vector.shape_cast %get3A_28 : vector<32xf32> to vector<1x32xf32>
    %mul3A = vector.broadcast %div3A : vector<2500x1xf32> to vector<2500x32xf32>
    %mul3A_30 = vector.broadcast %dot_general3A_5 : vector<1x32xf32> to vector<2500x32xf32>
    %mul3A_31 = arith.mulf %mul3A, %mul3A_30 : vector<2500x32xf32>
    %add3A_32 = vector.broadcast %broadcast_in_dim3A_29 : vector<1x32xf32> to vector<2500x32xf32>
    %add3A_33 = arith.addf %mul3A_31, %add3A_32 : vector<2500x32xf32>
    %reduce_sum3A = arith.constant dense<0.000000e+00> : vector<32xf32>
    %reduce_sum3A_34 = vector.multi_reduction <add>, %add3A_33, %reduce_sum3A [0] : vector<2500x32xf32> to vector<32xf32>
    %broadcast_in_dim3A_35 = vector.shape_cast %reduce_sum3A_34 : vector<32xf32> to vector<1x32xf32>
    %mul3A_36 = arith.constant 7.500000e+03 : f32
    %mul3A_37 = vector.broadcast %mul3A_36 : f32 to vector<1x32xf32>
    %mul3A_38 = arith.mulf %mul3A_37, %broadcast_in_dim3A_29 : vector<1x32xf32>
    %add3A_39 = arith.addf %broadcast_in_dim3A_35, %mul3A_38 : vector<1x32xf32>
    %div3A_40 = arith.constant 1.000000e+04 : f32
    %div3A_41 = vector.broadcast %div3A_40 : f32 to vector<1x32xf32>
    %div3A_42 = arith.divf %add3A_39, %div3A_41 : vector<1x32xf32>
    %mul3A_43 = arith.mulf %add3A_33, %add3A_33 : vector<2500x32xf32>
    %reduce_sum3A_44 = arith.constant dense<0.000000e+00> : vector<32xf32>
    %reduce_sum3A_45 = vector.multi_reduction <add>, %mul3A_43, %reduce_sum3A_44 [0] : vector<2500x32xf32> to vector<32xf32>
    %broadcast_in_dim3A_46 = vector.shape_cast %reduce_sum3A_45 : vector<32xf32> to vector<1x32xf32>
    %mul3A_47 = arith.constant 7.500000e+03 : f32
    %mul3A_48 = vector.broadcast %mul3A_47 : f32 to vector<1x32xf32>
    %mul3A_49 = arith.mulf %mul3A_48, %broadcast_in_dim3A_29 : vector<1x32xf32>
    %mul3A_50 = arith.mulf %mul3A_49, %broadcast_in_dim3A_29 : vector<1x32xf32>
    %add3A_51 = arith.addf %broadcast_in_dim3A_46, %mul3A_50 : vector<1x32xf32>
    %div3A_52 = arith.constant 1.000000e+04 : f32
    %div3A_53 = vector.broadcast %div3A_52 : f32 to vector<1x32xf32>
    %div3A_54 = arith.divf %add3A_51, %div3A_53 : vector<1x32xf32>
    %mul3A_55 = arith.mulf %div3A_42, %div3A_42 : vector<1x32xf32>
    %sub3A = arith.subf %div3A_54, %mul3A_55 : vector<1x32xf32>
    %sub3A_56 = vector.broadcast %div3A_42 : vector<1x32xf32> to vector<2500x32xf32>
    %sub3A_57 = arith.subf %add3A_33, %sub3A_56 : vector<2500x32xf32>
    %add3A_58 = arith.constant 9.99999974E-6 : f32
    %add3A_59 = vector.broadcast %add3A_58 : f32 to vector<1x32xf32>
    %add3A_60 = arith.addf %sub3A, %add3A_59 : vector<1x32xf32>
    %sqrt3A = math.sqrt %add3A_60 : vector<1x32xf32>
    %div3A_61 = vector.broadcast %sqrt3A : vector<1x32xf32> to vector<2500x32xf32>
    %div3A_62 = arith.divf %sub3A_57, %div3A_61 : vector<2500x32xf32>
    %get3A_63 = arith.constant 0 : index
    %get3A_64 = vector.load %arg5[%get3A_63] : memref<32xf32, #tpu.memory_space<vmem>>, vector<32xf32>
    %broadcast_in_dim3A_65 = vector.shape_cast %get3A_64 : vector<32xf32> to vector<1x32xf32>
    %mul3A_66 = vector.broadcast %broadcast_in_dim3A_65 : vector<1x32xf32> to vector<2500x32xf32>
    %mul3A_67 = arith.mulf %div3A_62, %mul3A_66 : vector<2500x32xf32>
    %get3A_68 = arith.constant 0 : index
    %get3A_69 = vector.load %arg6[%get3A_68] : memref<32xf32, #tpu.memory_space<vmem>>, vector<32xf32>
    %broadcast_in_dim3A_70 = vector.shape_cast %get3A_69 : vector<32xf32> to vector<1x32xf32>
    %add3A_71 = vector.broadcast %broadcast_in_dim3A_70 : vector<1x32xf32> to vector<2500x32xf32>
    %add3A_72 = arith.addf %mul3A_67, %add3A_71 : vector<2500x32xf32>
    %ge3A = arith.constant 0.000000e+00 : f32
    %ge3A_73 = vector.broadcast %ge3A : f32 to vector<2500x32xf32>
    %ge3A_74 = arith.cmpf oge, %add3A_72, %ge3A_73 : vector<2500x32xf32>
    %mul3A_75 = arith.constant 0.00999999977 : f32
    %mul3A_76 = vector.broadcast %mul3A_75 : f32 to vector<2500x32xf32>
    %mul3A_77 = arith.mulf %mul3A_76, %add3A_72 : vector<2500x32xf32>
    %select_n3A = arith.select %ge3A_74, %add3A_72, %mul3A_77 : vector<2500x32xi1>, vector<2500x32xf32>
    %swap3A = arith.constant 0 : index
    %swap3A_78 = arith.constant 0 : index
    %swap3A_79 = vector.load %arg7[%swap3A, %swap3A_78] : memref<2500x32xf32, #tpu.memory_space<vmem>>, vector<2500x32xf32>
    tpu.vector_store %arg7[%swap3A, %swap3A_78], %select_n3A {strides = array<i32>} : memref<2500x32xf32, #tpu.memory_space<vmem>>, vector<2500x32xf32>,
    return
  }
}

module attributes {stable_mosaic.version = 14 : i64} {
  func.func @body(%arg0: i32, %arg1: memref<10000x2500xf32, #tpu.memory_space<hbm>>, %arg2: memref<2500x32xf32, #tpu.memory_space<vmem>>, %arg3: memref<1000x32xf32, #tpu.memory_space<vmem>>, %arg4: memref<2x1000x2500xf32, #tpu.memory_space<vmem>>, %arg5: memref<!tpu.dma_semaphore, #tpu.memory_space<semaphore_mem>>, %arg6: memref<!tpu.dma_semaphore, #tpu.memory_space<semaphore_mem>>) attributes {dimension_semantics = [#tpu.dimension_semantics<arbitrary>], iteration_bounds = array<i64: 10>, scalar_prefetch = 0 : i64, scratch_operands = 3 : i64, tpu.core_type = #tpu.core_type<tc>, window_params = [{}, {pipeline_mode = #tpu.pipeline_mode<synchronous>, transform_indices = @transform_1, window_bounds = array<i64: 2500, 32>}, {transform_indices = @transform_2, window_bounds = array<i64: 1000, 32>}]} {
    %eq3A = arith.constant 0 : i32
    %eq3A_0 = arith.cmpi eq, %arg0, %eq3A : i32
    %convert_element_type3A = arith.extui %eq3A_0 : i1 to i32
    %cond3A = arith.constant 0 : i32
    %cond3A_1 = arith.cmpi ne, %convert_element_type3A, %cond3A : i32
    scf.if %cond3A_1 {
      %dma_start3A = arith.constant 0 : i32
      %dma_start3A_44 = arith.constant 0 : i32
      %dma_start3A_45 = arith.constant 0 : i32
      %dma_start3A_46 = tpu.memref_slice %arg4[%dma_start3A, %dma_start3A_44, %dma_start3A_45] : memref<2x1000x2500xf32, #tpu.memory_space<vmem>> -> memref<1x1000x2500xf32, #tpu.memory_space<vmem>>
      %dma_start3A_47 = tpu.memref_squeeze %dma_start3A_46 : memref<1x1000x2500xf32, #tpu.memory_space<vmem>> -> memref<1000x2500xf32, #tpu.memory_space<vmem>>
      %dma_start3A_48 = arith.constant 0 : i32
      %dma_start3A_49 = arith.constant 0 : i32
      %dma_start3A_50 = tpu.memref_slice %arg1[%dma_start3A_48, %dma_start3A_49] : memref<10000x2500xf32, #tpu.memory_space<hbm>> -> memref<1000x2500xf32, #tpu.memory_space<hbm>>
      tpu.enqueue_dma source(%dma_start3A_50 : memref<1000x2500xf32, #tpu.memory_space<hbm>>) target(%dma_start3A_47 : memref<1000x2500xf32, #tpu.memory_space<vmem>>) target_semaphore(%arg5 : memref<!tpu.dma_semaphore, #tpu.memory_space<semaphore_mem>>)
    } else {
    }
    %add3A = arith.constant 1 : i32
    %add3A_2 = arith.addi %arg0, %add3A : i32
    %lt3A = arith.constant 10 : i32
    %lt3A_3 = arith.cmpi slt, %add3A_2, %lt3A : i32
    %convert_element_type3A_4 = arith.extui %lt3A_3 : i1 to i32
    %cond3A_5 = arith.constant 0 : i32
    %cond3A_6 = arith.cmpi ne, %convert_element_type3A_4, %cond3A_5 : i32
    scf.if %cond3A_6 {
      %jit3A_44 = arith.constant 2 : i32
      %eq3A_45 = arith.constant 0 : i32
      %eq3A_46 = arith.cmpi eq, %jit3A_44, %eq3A_45 : i32
      %jit3A_47 = arith.constant 1 : i32
      %select_n3A_48 = arith.select %eq3A_46, %jit3A_47, %jit3A_44 : i32
      %rem3A_49 = arith.remsi %arg0, %select_n3A_48 : i32
      %ne3A_50 = arith.constant 0 : i32
      %ne3A_51 = arith.cmpi ne, %rem3A_49, %ne3A_50 : i32
      %lt3A_52 = arith.constant 0 : i32
      %lt3A_53 = arith.cmpi slt, %rem3A_49, %lt3A_52 : i32
      %lt3A_54 = arith.constant 0 : i32
      %lt3A_55 = arith.cmpi slt, %select_n3A_48, %lt3A_54 : i32
      %ne3A_56 = arith.xori %lt3A_53, %lt3A_55 : i1
      %and3A_57 = arith.andi %ne3A_56, %ne3A_51 : i1
      %add3A_58 = arith.addi %rem3A_49, %select_n3A_48 : i32
      %select_n3A_59 = arith.select %and3A_57, %add3A_58, %rem3A_49 : i32
      %eq3A_60 = arith.constant 0 : i32
      %eq3A_61 = arith.cmpi eq, %select_n3A_59, %eq3A_60 : i32
      %convert_element_type3A_62 = arith.extui %eq3A_61 : i1 to i32
      %cond3A_63 = arith.constant 0 : i32
      %cond3A_64 = arith.cmpi ne, %convert_element_type3A_62, %cond3A_63 : i32
      scf.if %cond3A_64 {
        %add3A_86 = arith.constant 1 : i32
        %add3A_87 = arith.addi %arg0, %add3A_86 : i32
        %mul3A = arith.constant 1000 : i32
        %mul3A_88 = arith.muli %add3A_87, %mul3A : i32
        %dma_start3A = arith.constant 1 : i32
        %dma_start3A_89 = arith.constant 0 : i32
        %dma_start3A_90 = arith.constant 0 : i32
        %dma_start3A_91 = tpu.memref_slice %arg4[%dma_start3A, %dma_start3A_89, %dma_start3A_90] : memref<2x1000x2500xf32, #tpu.memory_space<vmem>> -> memref<1x1000x2500xf32, #tpu.memory_space<vmem>>
        %dma_start3A_92 = tpu.memref_squeeze %dma_start3A_91 : memref<1x1000x2500xf32, #tpu.memory_space<vmem>> -> memref<1000x2500xf32, #tpu.memory_space<vmem>>
        %dma_start3A_93 = arith.constant 0 : i32
        %dma_start3A_94 = tpu.memref_slice %arg1[%mul3A_88, %dma_start3A_93] : memref<10000x2500xf32, #tpu.memory_space<hbm>> -> memref<1000x2500xf32, #tpu.memory_space<hbm>>
        tpu.enqueue_dma source(%dma_start3A_94 : memref<1000x2500xf32, #tpu.memory_space<hbm>>) target(%dma_start3A_92 : memref<1000x2500xf32, #tpu.memory_space<vmem>>) target_semaphore(%arg6 : memref<!tpu.dma_semaphore, #tpu.memory_space<semaphore_mem>>)
      } else {
      }
      %jit3A_65 = arith.constant 2 : i32
      %eq3A_66 = arith.constant 0 : i32
      %eq3A_67 = arith.cmpi eq, %jit3A_65, %eq3A_66 : i32
      %jit3A_68 = arith.constant 1 : i32
      %select_n3A_69 = arith.select %eq3A_67, %jit3A_68, %jit3A_65 : i32
      %rem3A_70 = arith.remsi %arg0, %select_n3A_69 : i32
      %ne3A_71 = arith.constant 0 : i32
      %ne3A_72 = arith.cmpi ne, %rem3A_70, %ne3A_71 : i32
      %lt3A_73 = arith.constant 0 : i32
      %lt3A_74 = arith.cmpi slt, %rem3A_70, %lt3A_73 : i32
      %lt3A_75 = arith.constant 0 : i32
      %lt3A_76 = arith.cmpi slt, %select_n3A_69, %lt3A_75 : i32
      %ne3A_77 = arith.xori %lt3A_74, %lt3A_76 : i1
      %and3A_78 = arith.andi %ne3A_77, %ne3A_72 : i1
      %add3A_79 = arith.addi %rem3A_70, %select_n3A_69 : i32
      %select_n3A_80 = arith.select %and3A_78, %add3A_79, %rem3A_70 : i32
      %eq3A_81 = arith.constant 1 : i32
      %eq3A_82 = arith.cmpi eq, %select_n3A_80, %eq3A_81 : i32
      %convert_element_type3A_83 = arith.extui %eq3A_82 : i1 to i32
      %cond3A_84 = arith.constant 0 : i32
      %cond3A_85 = arith.cmpi ne, %convert_element_type3A_83, %cond3A_84 : i32
      scf.if %cond3A_85 {
        %add3A_86 = arith.constant 1 : i32
        %add3A_87 = arith.addi %arg0, %add3A_86 : i32
        %mul3A = arith.constant 1000 : i32
        %mul3A_88 = arith.muli %add3A_87, %mul3A : i32
        %dma_start3A = arith.constant 0 : i32
        %dma_start3A_89 = arith.constant 0 : i32
        %dma_start3A_90 = arith.constant 0 : i32
        %dma_start3A_91 = tpu.memref_slice %arg4[%dma_start3A, %dma_start3A_89, %dma_start3A_90] : memref<2x1000x2500xf32, #tpu.memory_space<vmem>> -> memref<1x1000x2500xf32, #tpu.memory_space<vmem>>
        %dma_start3A_92 = tpu.memref_squeeze %dma_start3A_91 : memref<1x1000x2500xf32, #tpu.memory_space<vmem>> -> memref<1000x2500xf32, #tpu.memory_space<vmem>>
        %dma_start3A_93 = arith.constant 0 : i32
        %dma_start3A_94 = tpu.memref_slice %arg1[%mul3A_88, %dma_start3A_93] : memref<10000x2500xf32, #tpu.memory_space<hbm>> -> memref<1000x2500xf32, #tpu.memory_space<hbm>>
        tpu.enqueue_dma source(%dma_start3A_94 : memref<1000x2500xf32, #tpu.memory_space<hbm>>) target(%dma_start3A_92 : memref<1000x2500xf32, #tpu.memory_space<vmem>>) target_semaphore(%arg5 : memref<!tpu.dma_semaphore, #tpu.memory_space<semaphore_mem>>)
      } else {
      }
    } else {
    }
    %jit3A = arith.constant 2 : i32
    %eq3A_7 = arith.constant 0 : i32
    %eq3A_8 = arith.cmpi eq, %jit3A, %eq3A_7 : i32
    %jit3A_9 = arith.constant 1 : i32
    %select_n3A = arith.select %eq3A_8, %jit3A_9, %jit3A : i32
    %rem3A = arith.remsi %arg0, %select_n3A : i32
    %ne3A = arith.constant 0 : i32
    %ne3A_10 = arith.cmpi ne, %rem3A, %ne3A : i32
    %lt3A_11 = arith.constant 0 : i32
    %lt3A_12 = arith.cmpi slt, %rem3A, %lt3A_11 : i32
    %lt3A_13 = arith.constant 0 : i32
    %lt3A_14 = arith.cmpi slt, %select_n3A, %lt3A_13 : i32
    %ne3A_15 = arith.xori %lt3A_12, %lt3A_14 : i1
    %and3A = arith.andi %ne3A_15, %ne3A_10 : i1
    %add3A_16 = arith.addi %rem3A, %select_n3A : i32
    %select_n3A_17 = arith.select %and3A, %add3A_16, %rem3A : i32
    %eq3A_18 = arith.constant 0 : i32
    %eq3A_19 = arith.cmpi eq, %select_n3A_17, %eq3A_18 : i32
    %convert_element_type3A_20 = arith.extui %eq3A_19 : i1 to i32
    %cond3A_21 = arith.constant 0 : i32
    %cond3A_22 = arith.cmpi ne, %convert_element_type3A_20, %cond3A_21 : i32
    scf.if %cond3A_22 {
      %mul3A = arith.constant 1000 : i32
      %mul3A_44 = arith.muli %arg0, %mul3A : i32
      %dma_wait3A = arith.constant 0 : i32
      %dma_wait3A_45 = arith.constant 0 : i32
      %dma_wait3A_46 = arith.constant 0 : i32
      %dma_wait3A_47 = tpu.memref_slice %arg4[%dma_wait3A, %dma_wait3A_45, %dma_wait3A_46] : memref<2x1000x2500xf32, #tpu.memory_space<vmem>> -> memref<1x1000x2500xf32, #tpu.memory_space<vmem>>
      %dma_wait3A_48 = tpu.memref_squeeze %dma_wait3A_47 : memref<1x1000x2500xf32, #tpu.memory_space<vmem>> -> memref<1000x2500xf32, #tpu.memory_space<vmem>>
      %dma_wait3A_49 = arith.constant 0 : i32
      %dma_wait3A_50 = tpu.memref_slice %arg1[%mul3A_44, %dma_wait3A_49] : memref<10000x2500xf32, #tpu.memory_space<hbm>> -> memref<1000x2500xf32, #tpu.memory_space<hbm>>
      tpu.wait_dma2 semaphore(%arg5 : memref<!tpu.dma_semaphore, #tpu.memory_space<semaphore_mem>>) src(%dma_wait3A_50 : memref<1000x2500xf32, #tpu.memory_space<hbm>>) dst(%dma_wait3A_48 : memref<1000x2500xf32, #tpu.memory_space<vmem>>)
      %get3A = arith.constant 0 : index
      %get3A_51 = arith.constant 0 : index
      %get3A_52 = arith.constant 0 : index
      %get3A_53 = vector.load %arg4[%get3A, %get3A_51, %get3A_52] : memref<2x1000x2500xf32, #tpu.memory_space<vmem>>, vector<1x1000x2500xf32>
      %get3A_54 = vector.shape_cast %get3A_53 : vector<1x1000x2500xf32> to vector<1000x2500xf32>
      %get3A_55 = arith.constant 0 : index
      %get3A_56 = arith.constant 0 : index
      %get3A_57 = vector.load %arg2[%get3A_55, %get3A_56] : memref<2500x32xf32, #tpu.memory_space<vmem>>, vector<2500x32xf32>
      %dot_general3A = arith.constant dense<0.000000e+00> : vector<1000x32xf32>
      %dot_general3A_58 = tpu.matmul %get3A_54, %get3A_57, %dot_general3A {dimension_numbers = #tpu.dot_dimension_numbers<[1], [0], [0], [1], [0, 0, 1, 1], [], []>, transpose_lhs_hint = false} : vector<1000x2500xf32>, vector<2500x32xf32>, vector<1000x32xf32> -> vector<1000x32xf32>
      %swap3A = arith.constant 0 : index
      %swap3A_59 = arith.constant 0 : index
      %swap3A_60 = vector.load %arg3[%swap3A, %swap3A_59] : memref<1000x32xf32, #tpu.memory_space<vmem>>, vector<1000x32xf32>
      tpu.vector_store %arg3[%swap3A, %swap3A_59], %dot_general3A_58 {strides = array<i32>} : memref<1000x32xf32, #tpu.memory_space<vmem>>, vector<1000x32xf32>,
    } else {
    }
    %jit3A_23 = arith.constant 2 : i32
    %eq3A_24 = arith.constant 0 : i32
    %eq3A_25 = arith.cmpi eq, %jit3A_23, %eq3A_24 : i32
    %jit3A_26 = arith.constant 1 : i32
    %select_n3A_27 = arith.select %eq3A_25, %jit3A_26, %jit3A_23 : i32
    %rem3A_28 = arith.remsi %arg0, %select_n3A_27 : i32
    %ne3A_29 = arith.constant 0 : i32
    %ne3A_30 = arith.cmpi ne, %rem3A_28, %ne3A_29 : i32
    %lt3A_31 = arith.constant 0 : i32
    %lt3A_32 = arith.cmpi slt, %rem3A_28, %lt3A_31 : i32
    %lt3A_33 = arith.constant 0 : i32
    %lt3A_34 = arith.cmpi slt, %select_n3A_27, %lt3A_33 : i32
    %ne3A_35 = arith.xori %lt3A_32, %lt3A_34 : i1
    %and3A_36 = arith.andi %ne3A_35, %ne3A_30 : i1
    %add3A_37 = arith.addi %rem3A_28, %select_n3A_27 : i32
    %select_n3A_38 = arith.select %and3A_36, %add3A_37, %rem3A_28 : i32
    %eq3A_39 = arith.constant 1 : i32
    %eq3A_40 = arith.cmpi eq, %select_n3A_38, %eq3A_39 : i32
    %convert_element_type3A_41 = arith.extui %eq3A_40 : i1 to i32
    %cond3A_42 = arith.constant 0 : i32
    %cond3A_43 = arith.cmpi ne, %convert_element_type3A_41, %cond3A_42 : i32
    scf.if %cond3A_43 {
      %mul3A = arith.constant 1000 : i32
      %mul3A_44 = arith.muli %arg0, %mul3A : i32
      %dma_wait3A = arith.constant 1 : i32
      %dma_wait3A_45 = arith.constant 0 : i32
      %dma_wait3A_46 = arith.constant 0 : i32
      %dma_wait3A_47 = tpu.memref_slice %arg4[%dma_wait3A, %dma_wait3A_45, %dma_wait3A_46] : memref<2x1000x2500xf32, #tpu.memory_space<vmem>> -> memref<1x1000x2500xf32, #tpu.memory_space<vmem>>
      %dma_wait3A_48 = tpu.memref_squeeze %dma_wait3A_47 : memref<1x1000x2500xf32, #tpu.memory_space<vmem>> -> memref<1000x2500xf32, #tpu.memory_space<vmem>>
      %dma_wait3A_49 = arith.constant 0 : i32
      %dma_wait3A_50 = tpu.memref_slice %arg1[%mul3A_44, %dma_wait3A_49] : memref<10000x2500xf32, #tpu.memory_space<hbm>> -> memref<1000x2500xf32, #tpu.memory_space<hbm>>
      tpu.wait_dma2 semaphore(%arg6 : memref<!tpu.dma_semaphore, #tpu.memory_space<semaphore_mem>>) src(%dma_wait3A_50 : memref<1000x2500xf32, #tpu.memory_space<hbm>>) dst(%dma_wait3A_48 : memref<1000x2500xf32, #tpu.memory_space<vmem>>)
      %get3A = arith.constant 1 : index
      %get3A_51 = arith.constant 0 : index
      %get3A_52 = arith.constant 0 : index
      %get3A_53 = vector.load %arg4[%get3A, %get3A_51, %get3A_52] : memref<2x1000x2500xf32, #tpu.memory_space<vmem>>, vector<1x1000x2500xf32>
      %get3A_54 = vector.shape_cast %get3A_53 : vector<1x1000x2500xf32> to vector<1000x2500xf32>
      %get3A_55 = arith.constant 0 : index
      %get3A_56 = arith.constant 0 : index
      %get3A_57 = vector.load %arg2[%get3A_55, %get3A_56] : memref<2500x32xf32, #tpu.memory_space<vmem>>, vector<2500x32xf32>
      %dot_general3A = arith.constant dense<0.000000e+00> : vector<1000x32xf32>
      %dot_general3A_58 = tpu.matmul %get3A_54, %get3A_57, %dot_general3A {dimension_numbers = #tpu.dot_dimension_numbers<[1], [0], [0], [1], [0, 0, 1, 1], [], []>, transpose_lhs_hint = false} : vector<1000x2500xf32>, vector<2500x32xf32>, vector<1000x32xf32> -> vector<1000x32xf32>
      %swap3A = arith.constant 0 : index
      %swap3A_59 = arith.constant 0 : index
      %swap3A_60 = vector.load %arg3[%swap3A, %swap3A_59] : memref<1000x32xf32, #tpu.memory_space<vmem>>, vector<1000x32xf32>
      tpu.vector_store %arg3[%swap3A, %swap3A_59], %dot_general3A_58 {strides = array<i32>} : memref<1000x32xf32, #tpu.memory_space<vmem>>, vector<1000x32xf32>,
    } else {
    }
    return
  }
  func.func @transform_1(%arg0: i32) -> (i32, i32) {
    %c0_i32 = arith.constant 0 : i32
    %c0_i32_0 = arith.constant 0 : i32
    %c0_i32_1 = arith.constant 0 : i32
    return %c0_i32, %c0_i32_0 : i32, i32
  }
  func.func @transform_2(%arg0: i32) -> (i32, i32) {
    %c0_i32 = arith.constant 0 : i32
    %c0_i32_0 = arith.constant 0 : i32
    return %arg0, %c0_i32 : i32, i32
  }
}

module attributes {stable_mosaic.version = 14 : i64} {
  func.func @body(%arg0: i32, %arg1: memref<2x10112x32xf32, #tpu.memory_space<vmem>>, %arg2: memref<2x10112x32xf32, #tpu.memory_space<vmem>>, %arg3: memref<2x10112x16xf32, #tpu.memory_space<vmem>>, %arg4: memref<32x64xf32, #tpu.memory_space<vmem>>, %arg5: memref<64xf32, #tpu.memory_space<vmem>>, %arg6: memref<32x64xf32, #tpu.memory_space<vmem>>, %arg7: memref<64xf32, #tpu.memory_space<vmem>>, %arg8: memref<10000x64xf32, #tpu.memory_space<vmem>>) attributes {dimension_semantics = [#tpu.dimension_semantics<arbitrary>], iteration_bounds = array<i64: 4>, scalar_prefetch = 0 : i64, scratch_operands = 0 : i64, tpu.core_type = #tpu.core_type<tc>, window_params = [{pipeline_mode = #tpu.pipeline_mode<synchronous>, transform_indices = @transform_0, window_bounds = array<i64: 2, 10112, 32>}, {pipeline_mode = #tpu.pipeline_mode<synchronous>, transform_indices = @transform_1, window_bounds = array<i64: 2, 10112, 32>}, {pipeline_mode = #tpu.pipeline_mode<synchronous>, transform_indices = @transform_2, window_bounds = array<i64: 2, 10112, 16>}, {pipeline_mode = #tpu.pipeline_mode<synchronous>, transform_indices = @transform_3, window_bounds = array<i64: 32, 64>}, {pipeline_mode = #tpu.pipeline_mode<synchronous>, transform_indices = @transform_4, window_bounds = array<i64: 64>}, {pipeline_mode = #tpu.pipeline_mode<synchronous>, transform_indices = @transform_5, window_bounds = array<i64: 32, 64>}, {pipeline_mode = #tpu.pipeline_mode<synchronous>, transform_indices = @transform_6, window_bounds = array<i64: 64>}, {transform_indices = @transform_7, window_bounds = array<i64: 10000, 64>}]} {
    %get3A = arith.constant 0 : index
    %get3A_0 = vector.load %arg5[%get3A] : memref<64xf32, #tpu.memory_space<vmem>>, vector<64xf32>
    %mul3A = arith.constant 0.00999999977 : f32
    %mul3A_1 = vector.broadcast %mul3A : f32 to vector<64xf32>
    %mul3A_2 = arith.mulf %mul3A_1, %get3A_0 : vector<64xf32>
    %get3A_3 = arith.constant 0 : index
    %get3A_4 = vector.load %arg7[%get3A_3] : memref<64xf32, #tpu.memory_space<vmem>>, vector<64xf32>
    %mul3A_5 = arith.constant 9.900000e-01 : f32
    %mul3A_6 = vector.broadcast %mul3A_5 : f32 to vector<64xf32>
    %mul3A_7 = arith.mulf %mul3A_6, %get3A_4 : vector<64xf32>
    %add3A = arith.addf %mul3A_2, %mul3A_7 : vector<64xf32>
    %broadcast_in_dim3A = vector.shape_cast %add3A : vector<64xf32> to vector<1x64xf32>
    %eq3A = arith.constant 0 : i32
    %eq3A_8 = arith.cmpi eq, %arg0, %eq3A : i32
    %convert_element_type3A = arith.extui %eq3A_8 : i1 to i32
    %cond3A = arith.constant 0 : i32
    %cond3A_9 = arith.cmpi ne, %convert_element_type3A, %cond3A : i32
    scf.if %cond3A_9 {
      %get3A_14 = arith.constant 0 : index
      %get3A_15 = arith.constant 0 : index
      %get3A_16 = arith.constant 0 : index
      %get3A_17 = vector.load %arg3[%get3A_14, %get3A_15, %get3A_16] : memref<2x10112x16xf32, #tpu.memory_space<vmem>>, vector<1x10112x16xf32>
      %get3A_18 = vector.shape_cast %get3A_17 : vector<1x10112x16xf32> to vector<10112x16xf32>
      %get3A_19 = arith.constant 1 : index
      %get3A_20 = arith.constant 0 : index
      %get3A_21 = arith.constant 0 : index
      %get3A_22 = vector.load %arg3[%get3A_19, %get3A_20, %get3A_21] : memref<2x10112x16xf32, #tpu.memory_space<vmem>>, vector<1x10112x16xf32>
      %get3A_23 = vector.shape_cast %get3A_22 : vector<1x10112x16xf32> to vector<10112x16xf32>
      %add3A_24 = arith.addf %get3A_18, %get3A_23 : vector<10112x16xf32>
      %slice3A = vector.extract_strided_slice %add3A_24 {offsets = [0, 0], sizes = [10000, 1], strides = [1, 1]} : vector<10112x16xf32> to vector<10000x1xf32>
      %max3A = arith.constant 1.000000e+00 : f32
      %max3A_25 = vector.broadcast %max3A : f32 to vector<10000x1xf32>
      %max3A_26 = arith.maximumf %slice3A, %max3A_25 : vector<10000x1xf32>
      %get3A_27 = arith.constant 0 : index
      %get3A_28 = arith.constant 0 : index
      %get3A_29 = arith.constant 0 : index
      %get3A_30 = vector.load %arg1[%get3A_27, %get3A_28, %get3A_29] : memref<2x10112x32xf32, #tpu.memory_space<vmem>>, vector<1x10112x32xf32>
      %get3A_31 = vector.shape_cast %get3A_30 : vector<1x10112x32xf32> to vector<10112x32xf32>
      %get3A_32 = arith.constant 1 : index
      %get3A_33 = arith.constant 0 : index
      %get3A_34 = arith.constant 0 : index
      %get3A_35 = vector.load %arg1[%get3A_32, %get3A_33, %get3A_34] : memref<2x10112x32xf32, #tpu.memory_space<vmem>>, vector<1x10112x32xf32>
      %get3A_36 = vector.shape_cast %get3A_35 : vector<1x10112x32xf32> to vector<10112x32xf32>
      %add3A_37 = arith.addf %get3A_31, %get3A_36 : vector<10112x32xf32>
      %slice3A_38 = vector.extract_strided_slice %add3A_37 {offsets = [0, 0], sizes = [10000, 32], strides = [1, 1]} : vector<10112x32xf32> to vector<10000x32xf32>
      %div3A = vector.broadcast %max3A_26 : vector<10000x1xf32> to vector<10000x32xf32>
      %div3A_39 = arith.divf %slice3A_38, %div3A : vector<10000x32xf32>
      %get3A_40 = arith.constant 0 : index
      %get3A_41 = arith.constant 0 : index
      %get3A_42 = arith.constant 0 : index
      %get3A_43 = vector.load %arg2[%get3A_40, %get3A_41, %get3A_42] : memref<2x10112x32xf32, #tpu.memory_space<vmem>>, vector<1x10112x32xf32>
      %get3A_44 = vector.shape_cast %get3A_43 : vector<1x10112x32xf32> to vector<10112x32xf32>
      %get3A_45 = arith.constant 1 : index
      %get3A_46 = arith.constant 0 : index
      %get3A_47 = arith.constant 0 : index
      %get3A_48 = vector.load %arg2[%get3A_45, %get3A_46, %get3A_47] : memref<2x10112x32xf32, #tpu.memory_space<vmem>>, vector<1x10112x32xf32>
      %get3A_49 = vector.shape_cast %get3A_48 : vector<1x10112x32xf32> to vector<10112x32xf32>
      %add3A_50 = arith.addf %get3A_44, %get3A_49 : vector<10112x32xf32>
      %slice3A_51 = vector.extract_strided_slice %add3A_50 {offsets = [0, 0], sizes = [10000, 32], strides = [1, 1]} : vector<10112x32xf32> to vector<10000x32xf32>
      %div3A_52 = vector.broadcast %max3A_26 : vector<10000x1xf32> to vector<10000x32xf32>
      %div3A_53 = arith.divf %slice3A_51, %div3A_52 : vector<10000x32xf32>
      %get3A_54 = arith.constant 0 : index
      %get3A_55 = arith.constant 0 : index
      %get3A_56 = vector.load %arg4[%get3A_54, %get3A_55] : memref<32x64xf32, #tpu.memory_space<vmem>>, vector<32x64xf32>
      %dot_general3A = arith.constant dense<0.000000e+00> : vector<10000x64xf32>
      %dot_general3A_57 = tpu.matmul %div3A_39, %get3A_56, %dot_general3A {dimension_numbers = #tpu.dot_dimension_numbers<[1], [0], [0], [1], [0, 0, 1, 1], [], []>, transpose_lhs_hint = false} : vector<10000x32xf32>, vector<32x64xf32>, vector<10000x64xf32> -> vector<10000x64xf32>
      %get3A_58 = arith.constant 0 : index
      %get3A_59 = vector.load %arg5[%get3A_58] : memref<64xf32, #tpu.memory_space<vmem>>, vector<64xf32>
      %broadcast_in_dim3A_60 = vector.shape_cast %get3A_59 : vector<64xf32> to vector<1x64xf32>
      %add3A_61 = vector.broadcast %broadcast_in_dim3A_60 : vector<1x64xf32> to vector<10000x64xf32>
      %add3A_62 = arith.addf %dot_general3A_57, %add3A_61 : vector<10000x64xf32>
      %get3A_63 = arith.constant 0 : index
      %get3A_64 = arith.constant 0 : index
      %get3A_65 = vector.load %arg6[%get3A_63, %get3A_64] : memref<32x64xf32, #tpu.memory_space<vmem>>, vector<32x64xf32>
      %dot_general3A_66 = arith.constant dense<0.000000e+00> : vector<10000x64xf32>
      %dot_general3A_67 = tpu.matmul %div3A_53, %get3A_65, %dot_general3A_66 {dimension_numbers = #tpu.dot_dimension_numbers<[1], [0], [0], [1], [0, 0, 1, 1], [], []>, transpose_lhs_hint = false} : vector<10000x32xf32>, vector<32x64xf32>, vector<10000x64xf32> -> vector<10000x64xf32>
      %get3A_68 = arith.constant 0 : index
      %get3A_69 = vector.load %arg7[%get3A_68] : memref<64xf32, #tpu.memory_space<vmem>>, vector<64xf32>
      %broadcast_in_dim3A_70 = vector.shape_cast %get3A_69 : vector<64xf32> to vector<1x64xf32>
      %add3A_71 = vector.broadcast %broadcast_in_dim3A_70 : vector<1x64xf32> to vector<10000x64xf32>
      %add3A_72 = arith.addf %dot_general3A_67, %add3A_71 : vector<10000x64xf32>
      %mul3A_73 = arith.constant 0.00999999977 : f32
      %mul3A_74 = vector.broadcast %mul3A_73 : f32 to vector<10000x64xf32>
      %mul3A_75 = arith.mulf %mul3A_74, %add3A_62 : vector<10000x64xf32>
      %mul3A_76 = arith.constant 9.900000e-01 : f32
      %mul3A_77 = vector.broadcast %mul3A_76 : f32 to vector<10000x64xf32>
      %mul3A_78 = arith.mulf %mul3A_77, %add3A_72 : vector<10000x64xf32>
      %add3A_79 = arith.addf %mul3A_75, %mul3A_78 : vector<10000x64xf32>
      %swap3A = arith.constant 0 : index
      %swap3A_80 = arith.constant 0 : index
      %swap3A_81 = vector.load %arg8[%swap3A, %swap3A_80] : memref<10000x64xf32, #tpu.memory_space<vmem>>, vector<10000x64xf32>
      tpu.vector_store %arg8[%swap3A, %swap3A_80], %add3A_79 {strides = array<i32>} : memref<10000x64xf32, #tpu.memory_space<vmem>>, vector<10000x64xf32>,
    } else {
    }
    %ne3A = arith.constant 0 : i32
    %ne3A_10 = arith.cmpi ne, %arg0, %ne3A : i32
    %convert_element_type3A_11 = arith.extui %ne3A_10 : i1 to i32
    %cond3A_12 = arith.constant 0 : i32
    %cond3A_13 = arith.cmpi ne, %convert_element_type3A_11, %cond3A_12 : i32
    scf.if %cond3A_13 {
      %broadcast_in_dim3A_14 = vector.shape_cast %broadcast_in_dim3A : vector<1x64xf32> to vector<1x64xf32>
      %broadcast_in_dim3A_15 = vector.broadcast %broadcast_in_dim3A_14 : vector<1x64xf32> to vector<10000x64xf32>
      %swap3A = arith.constant 0 : index
      %swap3A_16 = arith.constant 0 : index
      %swap3A_17 = vector.load %arg8[%swap3A, %swap3A_16] : memref<10000x64xf32, #tpu.memory_space<vmem>>, vector<10000x64xf32>
      tpu.vector_store %arg8[%swap3A, %swap3A_16], %broadcast_in_dim3A_15 {strides = array<i32>} : memref<10000x64xf32, #tpu.memory_space<vmem>>, vector<10000x64xf32>,
    } else {
    }
    return
  }
  func.func @transform_0(%arg0: i32) -> (i32, i32, i32) {
    %c0_i32 = arith.constant 0 : i32
    %c0_i32_0 = arith.constant 0 : i32
    %c0_i32_1 = arith.constant 0 : i32
    %c0_i32_2 = arith.constant 0 : i32
    return %c0_i32, %c0_i32_0, %c0_i32_1 : i32, i32, i32
  }
  func.func @transform_1(%arg0: i32) -> (i32, i32, i32) {
    %c0_i32 = arith.constant 0 : i32
    %c0_i32_0 = arith.constant 0 : i32
    %c0_i32_1 = arith.constant 0 : i32
    %c0_i32_2 = arith.constant 0 : i32
    return %c0_i32, %c0_i32_0, %c0_i32_1 : i32, i32, i32
  }
  func.func @transform_2(%arg0: i32) -> (i32, i32, i32) {
    %c0_i32 = arith.constant 0 : i32
    %c0_i32_0 = arith.constant 0 : i32
    %c0_i32_1 = arith.constant 0 : i32
    %c0_i32_2 = arith.constant 0 : i32
    return %c0_i32, %c0_i32_0, %c0_i32_1 : i32, i32, i32
  }
  func.func @transform_3(%arg0: i32) -> (i32, i32) {
    %c0_i32 = arith.constant 0 : i32
    %c0_i32_0 = arith.constant 0 : i32
    %c0_i32_1 = arith.constant 0 : i32
    return %c0_i32, %c0_i32_0 : i32, i32
  }
  func.func @transform_4(%arg0: i32) -> i32 {
    %c0_i32 = arith.constant 0 : i32
    %c0_i32_0 = arith.constant 0 : i32
    return %c0_i32 : i32
  }
  func.func @transform_5(%arg0: i32) -> (i32, i32) {
    %c0_i32 = arith.constant 0 : i32
    %c0_i32_0 = arith.constant 0 : i32
    %c0_i32_1 = arith.constant 0 : i32
    return %c0_i32, %c0_i32_0 : i32, i32
  }
  func.func @transform_6(%arg0: i32) -> i32 {
    %c0_i32 = arith.constant 0 : i32
    %c0_i32_0 = arith.constant 0 : i32
    return %c0_i32 : i32
  }
  func.func @transform_7(%arg0: i32) -> (i32, i32) {
    %c0_i32 = arith.constant 0 : i32
    %c0_i32_0 = arith.constant 0 : i32
    return %arg0, %c0_i32 : i32, i32
  }
}

</mosaic_0001>

<sc_bundles>
// kernel: kernel.11.cloned.1.call-start
scs
__scs_entry_jumppad:
0x0: {  	(pc) =	sbr.rel $0x88, $3  }
0x1: {  	(tag) =	ssettag $0x0;
	lr =	simm.s32 $0x1  }
0x2: {  	[smem:$0x3F8C] =	sst lr;
	_ =	strace $0xD0000000  }
0x3: {  	_ = 	snop  }
0x4: {  	_ = 	snop  }
0x5: {  	_ = 	snop  }
0x6: {  	_ = 	snop  }
0x7: {  	_ = 	snop  }
__scs_overlays_trampoline_lowered:
0x8: {  	[smem:$0x3F9B] =	sst s0  }
0x9: {  	[smem:$0x3F9C] =	sst s1  }
0xa: {  	[smem:$0x3F9D] =	sst s2  }
0xb: {  	[smem:$0x3F9E] =	sst s3  }
0xc: {  	[smem:$0x3F9F] =	sst s4  }
0xd: {  	[smem:$0x3FA0] =	sst s5  }
0xe: {  	[smem:$0x3FA1] =	sst s6  }
0xf: {  	[smem:$0x3FA2] =	sst s7  }
0x10: {  	[smem:$0x3FA3] =	sst s8  }
0x11: {  	[smem:$0x3FA4] =	sst s9;
	s0 =	simm.s32 @!p0 $0x0  }
0x12: {  	s1 =	sld [smem:$0x3F8A];
	s0 =	simm.s32 @p0 $0x1  }
0x13: {  	[smem:$0x3FA5] =	sst s0;
	s0 =	simm.s32 @!p1 $0x0  }
0x14: {  	s2 =	sld [smem:$0x3F89];
	s0 =	simm.s32 @p1 $0x1  }
0x15: {  	[smem:$0x3FA6] =	sst s0;
	s0 =	simm.s32 @!p2 $0x0  }
0x16: {  	s3 =	sld [smem:$0x3FDB];
	s0 =	simm.s32 @p2 $0x1  }
0x17: {  	s4 =	simm.s32 $0x1BF5;
	[smem:$0x3FA8] =	sst s0  }
0x18: {  	s0 =	sld [smem:$0x3F8B];
	_ =	swait.ge [sflag:s4], $0x0  }
0x19: {  	s7 =	sld [smem:$0x3F8C]  }
0x1a: {  	s8 =	sadd.s32 $0xFFFFE003, lr  }
0x1b: {  	s9 =	sadd.s32 $0xFFFFFEF7, lr;
	s5 =	simm.s32 $0xFFFFFFFF;
	p2 =	slt.u32 s8, $0xFFFFF086  }
0x1c: {  	p1 =	slt.u32 s9, $0xF7A;
	s5 =	simm.s32 @!p2 $0x0  }
0x1d: {  	s5 =	simm.s32 @p1 $0x1;
	p0 =	seq.s32 s7, s2  }
0x1e: {  	s7 =	smul.u32 @!p0 $0xF7A, s2;
	p2 =	seq.s32 @!p0 s5, $0x0  }
0x1f: {  	s9 =	smul.u32 $0xF7A, s1;
	s8 =	simm.s32 @!p0 $0x1BF5;
	p2 =	por !p2, p0  }
0x20: {  	[sflag:s8] =	ssyncset.s32 @!p0 $0xFFFFF086;
	s6 =	sadd.s32 @!p0 s3, s7;
	s7 =	simm.s32 @!p0 $0x108  }
0x21: {  	s3 =	sadd.s32 s3, s9;
	s6 =	sadd.s32 @!p0 $0x88, s6;
	s7 =	simm.s32 @p2 $0x1082  }
0x22: {  	[simem:s7], [sflag:s8] =	dma.local @!p0 [hbm:s6], $0xF7A  }
0x23: {  	s9 =	sor.u32 $0xD0000000, s2;
	s6 =	simm.s32 $0x108;
	_ =	swait.ge @!p0 [sflag:s8], $0x0  }
0x24: {  	s3 =	sadd.s32 $0x88, s3;
	s6 =	simm.s32 @!p1 $0x1082;
	[sflag:s4] =	ssyncset.s32 $0xFFFFF086  }
0x25: {  	[simem:s6], [sflag:s4] =	dma.local [hbm:s3], $0xF7A  }
0x26: {  	[smem:$0x3F8C] =	sst s1;
	(tag) =	ssettag s2;
	_ =	strace s9  }
0x27: {  	s1 =	sld [smem:$0x3F9C]  }
0x28: {  	s2 =	sld [smem:$0x3F9D]  }
0x29: {  	s4 =	sld [smem:$0x3F9F]  }
0x2a: {  	p0 =	seq.s32 s5, $0x0;
	s5 =	sld [smem:$0x3FA0]  }
0x2b: {  	s6 =	sld [smem:$0x3FA1]  }
0x2c: {  	s7 =	sld [smem:$0x3FA2]  }
0x2d: {  	s3 =	simm.s32 $0x108;
	s8 =	sld [smem:$0x3FA3]  }
0x2e: {  	s3 =	simm.s32 @!p0 $0x1082;
	s9 =	sld [smem:$0x3FA4]  }
0x2f: {  	lr =	sadd.s32 s0, s3;
	s0 =	sld [smem:$0x3F9B]  }
0x30: {  	s3 =	sld [smem:$0x3F9E]  }
0x31: {  	[smem:$0x3FA7] =	sst s10  }
0x32: {  	s10 =	sld [smem:$0x3FA5];
	_ =	sdelay $0x3  }
0x33: {  	p0 =	seq.s32 s10, $0x1;
	s10 =	sld [smem:$0x3FA7];
	_ =	sdelay $0x3  }
0x34: {  	[smem:$0x3FA7] =	sst s10  }
0x35: {  	s10 =	sld [smem:$0x3FA6];
	_ =	sdelay $0x3  }
0x36: {  	p1 =	seq.s32 s10, $0x1;
	s10 =	sld [smem:$0x3FA7];
	_ =	sdelay $0x3  }
0x37: {  	[smem:$0x3FA7] =	sst s10  }
0x38: {  	s10 =	sld [smem:$0x3FA8]  }
0x39: {  	_ = 	snop;
	(pc) =	sbr.ind lr, $3  }
0x3a: {  	_ = 	snop  }
0x3b: {  	_ = 	snop  }
0x3c: {  	p2 =	seq.s32 s10, $0x1;
	s10 =	sld [smem:$0x3FA7]  }
0x3d: {  	_ =	shalt  }
0x3e: {  	_ =	shalt  }
0x3f: {  	_ =	shalt  }
0x40: {  	_ =	shalt  }
0x41: {  	_ =	shalt  }
0x42: {  	_ =	shalt  }
0x43: {  	_ =	shalt  }
0x44: {  	_ =	shalt  }
0x45: {  	_ =	shalt  }
0x46: {  	_ =	shalt  }
0x47: {  	_ =	shalt  }
0x48: {  	_ =	shalt  }
0x49: {  	_ =	shalt  }
0x4a: {  	_ =	shalt  }
0x4b: {  	_ =	shalt  }
0x4c: {  	_ =	shalt  }
0x4d: {  	_ =	shalt  }
0x4e: {  	_ =	shalt  }
0x4f: {  	_ =	shalt  }
0x50: {  	_ =	shalt  }
0x51: {  	_ =	shalt  }
0x52: {  	_ =	shalt  }
0x53: {  	_ =	shalt  }
0x54: {  	_ =	shalt  }
0x55: {  	_ =	shalt  }
0x56: {  	_ =	shalt  }
0x57: {  	_ =	shalt  }
0x58: {  	_ =	shalt  }
0x59: {  	_ =	shalt  }
0x5a: {  	_ =	shalt  }
0x5b: {  	_ =	shalt  }
0x5c: {  	_ =	shalt  }
0x5d: {  	_ =	shalt  }
0x5e: {  	_ =	shalt  }
0x5f: {  	_ =	shalt  }
0x60: {  	_ =	shalt  }
0x61: {  	_ =	shalt  }
0x62: {  	_ =	shalt  }
0x63: {  	_ =	shalt  }
0x64: {  	_ =	shalt  }
0x65: {  	_ =	shalt  }
0x66: {  	_ =	shalt  }
0x67: {  	_ =	shalt  }
0x68: {  	_ =	shalt  }
0x69: {  	_ =	shalt  }
0x6a: {  	_ =	shalt  }
0x6b: {  	_ =	shalt  }
0x6c: {  	_ =	shalt  }
0x6d: {  	_ =	shalt  }
0x6e: {  	_ =	shalt  }
0x6f: {  	_ =	shalt  }
0x70: {  	_ =	shalt  }
0x71: {  	_ =	shalt  }
0x72: {  	_ =	shalt  }
0x73: {  	_ =	shalt  }
0x74: {  	_ =	shalt  }
0x75: {  	_ =	shalt  }
0x76: {  	_ =	shalt  }
0x77: {  	_ =	shalt  }
0x78: {  	_ =	shalt  }
0x79: {  	_ =	shalt  }
0x7a: {  	_ =	shalt  }
0x7b: {  	_ =	shalt  }
0x7c: {  	_ =	shalt  }
0x7d: {  	_ =	shalt  }
0x7e: {  	_ =	shalt  }
0x7f: {  	_ =	shalt  }
0x80: {  	_ =	shalt  }
0x81: {  	_ =	shalt  }
0x82: {  	_ =	shalt  }
0x83: {  	_ =	shalt  }
0x84: {  	_ =	shalt  }
0x85: {  	_ =	shalt  }
0x86: {  	_ =	shalt  }
0x87: {  	_ =	shalt  }
.Lfunc_end0:
.L_simem_size_0:
called_computation_lowered:
.L_overlay_start_0:
0x88: {  	s2 =	sld [smem:$0x3FD9]  }
0x89: {  	s3 =	sld [smem:$0x3FFE];
	_ =	sdelay $0x1  }
0x8a: {  	s1 =	srdreg.scid  }
0x8b: {  	s0 =	sand.u32 $0x1, s1  }
0x8c: {  	s16 =	sshll.u32 s0, $0xA;
	s2 =	sadd.s32 s3, s2  }
0x8d: {  	s2 =	sadd.s32 s2, s16  }
0x8e: {  	[smem:$0x3FB3] =	sst s2  }
0x8f: {  	_ = 	snop  }
0x90: {  	(tm) =	ssettm $0x1  }
0x91: {  	s17 =	sld [smem:$0x3FFB];
	_ =	sdelay $0x3  }
0x92: {  	_ =	strace s17  }
0x93: {  	s2 =	sld [smem:$0x3FFC];
	_ =	sdelay $0x3  }
0x94: {  	_ =	strace s2  }
0x95: {  	s2 =	sld [smem:$0x3FFD];
	_ =	sdelay $0x3  }
0x96: {  	_ =	strace s2  }
0x97: {  	_ =	strace $0x8FFFFFFF  }
0x98: {  	s18 =	sld [smem:$0x3FDB];
	_ =	sdelay $0x1  }
0x99: {  	s19 =	simm.s32 $_scs_section_size  }
0x9a: {  	s4 =	simm.s32 $_size__tile_overlayer_lowered;
	s5 =	simm.s32 $_tile_overlayer_lowered  }
0x9b: {  	s22 =	simm.s32 $0x1BFF;
	s21 =	sshll.u32 s5, $0x1;
	s2 =	sadd.s32 s19, s18  }
0x9c: {  	s6 =	simm.s32 $0x0;
	s20 =	sshll.u32 s4, $0x1;
	s4 =	sadd.s32 s21, s2  }
0x9d: {  	[timem:s6], [sflag:s22] =	dma.local [hbm:s4], s20  }
0x9e: {  	_ =	swait.ge [sflag:s22], s20  }
0x9f: {  	s3 =	ssub.s32 $0x0, s20;
	[sflag:s22] =	ssyncset.done $0x0  }
0xa0: {  	[sflag:s22] =	ssyncadd.s32 s3;
	_ =	sdelay $0x1  }
0xa1: {  	s23 =	simm.s32 $0x1B8B  }
0xa2: {  	_ =	swait.ge [sflag:s23], $0x1  }
0xa3: {  	[sflag:s23] =	ssyncset.done $0x0  }
0xa4: {  	s25 =	simm.s32 $0x1B8E;
	s24 =	sld [smem:$0x3FFE];
	[sflag:s23] =	ssyncadd.s32 $0xFFFFFFFF  }
0xa5: {  	s26 =	simm.s32 $execute0_lowered;
	[smem:$0x3FD2] =	sst s25  }
0xa6: {  	s4 =	sshll.u32 s26, $0x1;
	_ =	strace $0x80000046;
	[dreg:$0x1] =	wrdreg $0xFFFFFFFF  }
0xa7: {  	s28 =	simm.s32 $_size_execute0_lowered;
	s2 =	sadd.s32 s2, s4;
	[dreg:$0x0] =	wrdreg $0x0  }
0xa8: {  	s4 =	sshll.u32 s28, $0x1;
	[dreg:$0x2] =	wrdreg s2  }
0xa9: {  	[dreg:$0x3] =	wrdreg s4  }
0xaa: {  	[dreg:$0x4] =	wrdreg $0xC0  }
0xab: {  	_ =	task [dreg:s6], $0x5FFFF  }
0xac: {  	[dreg:$0x1] =	wrdreg $0xFFFFFFFF  }
0xad: {  	[dreg:$0x0] =	wrdreg $0x60  }
0xae: {  	[dreg:$0x2] =	wrdreg s24  }
0xaf: {  	[dreg:$0x3] =	wrdreg $0xD680  }
0xb0: {  	[dreg:$0x4] =	wrdreg $0xE080  }
0xb1: {  	[dreg:$0x5] =	wrdreg $0x9  }
0xb2: {  	_ =	task.clear_ibuf [dreg:s6], $0x6FFFF;
	_ =	strace $0x90000046  }
0xb3: {  	s29 =	simm.s32 $0x9;
	_ =	strace $0x80000048  }
0xb4: {  	_ =	swait.ge [sflag:s29], $0x1  }
0xb5: {  	[sflag:s29] =	ssyncadd.s32 $0xFFFFFFFF  }
0xb6: {  	_ =	strace $0x90000048  }
0xb7: {  	_ =	sfence  }
0xb8: {  	s30 =	sld [smem:$0x0];
	_ =	sdelay $0x2  }
0xb9: {  	s31 =	sshll.u32 s1, $0xD;
	s1 =	sshrl.u32 s1, $0x2  }
0xba: {  	s3 =	sand.u32 $0x4000, s31;
	s1 =	sadd.s32 s1, s30  }
0xbb: {  	s0 =	sor.u32 s3, s0;
	s1 =	sshll.u32 s1, $0x11  }
0xbc: {  	s0 =	sor.u32 s1, s0  }
0xbd: {  	s0 =	sadd.s32 $0x8F2B, s0  }
0xbe: {  	[sflag:s0] =	ssyncadd.remote.s32 $0x1  }
0xbf: {  	_ =	sfence.sel $0xFFFF  }
0xc0: {  	[dreg:$0x0] =	wrdreg $0xFFFFFFFF;
	(pc) =	sbr.abs _section_cstart, $3  }
0xc1: {  	[dreg:$0x1] =	wrdreg $0xFFFFFFFF  }
0xc2: {  	_ =	task.clear_ibuf [dreg:s6], $0x2FFFF;
	_ =	strace $0x9FFFFFFF  }
0xc3: {  	(tm) =	ssettm $0x7FFFFFFF  }
tec
execute0_lowered:
.L_overlay_start_1:
0x0: {  	(tag) =	ssettag $0x1  }
0x1: {  	s6 =	rddreg [dreg:$0x0]  }
0x2: {  	s2 =	rddreg [dreg:$0x1]  }
0x3: {  	s0 =	srdreg.scid;
	s3 =	rddreg [dreg:$0x2]  }
0x4: {  	s1 =	stileid.u32;
	s4 =	simm.s32 $0x0;
	s14 =	simm.s32 $0x1  }
0x5: {  	s15 =	simm.s32 $0x9C8;
	s16 =	simm.s32 $0x60;
	s17 =	simm.s32 $0xC08  }
0x6: {  	s18 =	simm.s32 $0xC68;
	s19 =	simm.s32 $0x0;
	s8 =	smul.u32 $0x1E0, s1  }
0x7: {  	s7 =	sand.u32 $0x1, s0;
	s0 =	rddreg [dreg:$0x3];
	s10 =	smul.u32 $0xA0, s1  }
0x8: {  	[smem:$0x7FF] =	sst s4;
	s5 =	smul.u32 $0x1E00, s7;
	s9 =	sshll.u32 s7, $0x4  }
0x9: {  	s29 =	smul.u32 $0xA00, s7;
	_ =	strace $0x80000047;
	s7 =	ssub.s32 $0x2, s7  }
0xa: {  	s28 =	sor.u32 s1, s9;
	s31 =	sshrl.u32 s7, $0x1;
	s5 =	sadd.s32 s8, s5  }
0xb: {  	s8 =	smul.u32 $0x1E0, s28;
	s9 =	sadd.s32 s10, s29;
	s13 =	ssub.s32 s7, s31  }
0xc: {  	s7 =	sadd.s32 s10, s3;
	s11 =	sshrl.u32 s5, $0x3;
	s5 =	sadd.s32 $0x3A00, s6  }
0xd: {  	s9 =	sshrl.u32 s9, $0x3;
	s12 =	sadd.s32 s11, s6;
	s8 =	sshrl.u32 s8, $0x3  }
0xe: {  	s30 =	sadd.s32 s9, s6;
	s11 =	smax.u32 s13, $0x1;
	s13 =	simm.s32 $0xCC8  }
0xf: {  	s8 =	sadd.s32 s8, s6;
	s6 =	sadd.s32 s10, s2;
	s9 =	sadd.s32 $0x3C00, s30  }
0x10: {  	v0 =	vimm.f32 $0.0e+00;
	v1 =	vimm.f32 $1.000000000e+00;
	s10 =	sadd.s32 $0x4000, s30;
	s12 =	sadd.s32 $0x3200, s12;
	s8 =	sadd.s32 $0x2A00, s8  }
.LBB2_1:
0x11: {  	[tilespmem:$0xCC8] =	vst v0  }
0x12: {  	[tilespmem:$0xCD8] =	vst v0  }
0x13: {  	[tilespmem:$0xCE8] =	vst v0  }
0x14: {  	[tilespmem:$0xCF8] =	vst v0  }
0x15: {  	[tilespmem:$0xD08] =	vst v0  }
0x16: {  	[tilespmem:$0xD18] =	vst v0  }
0x17: {  	[tilespmem:$0xD28] =	vst v0  }
0x18: {  	[tilespmem:$0xD38] =	vst v0  }
0x19: {  	[tilespmem:$0xD48] =	vst v0  }
0x1a: {  	[tilespmem:$0xD58] =	vst v0  }
0x1b: {  	[tilespmem:$0xC68] =	vst v1  }
0x1c: {  	[tilespmem:$0xC78] =	vst v1  }
0x1d: {  	[tilespmem:$0xC88] =	vst v1  }
0x1e: {  	[tilespmem:$0xC98] =	vst v1  }
0x1f: {  	[tilespmem:$0xCA8] =	vst v1  }
0x20: {  	[tilespmem:$0xCB8] =	vst v1  }
0x21: {  	[spmem:s6] =	stream.linear.scatter [tilespmem:s13], [sflag:$0x1], $0xA0, $0x38;
	[tilespmem:$0xEA8] =	vst v63  }
0x22: {  	_ =	swait.ge [sflag:s14], $0xA0  }
0x23: {  	[sflag:s14] =	ssyncset.done $0x0  }
0x24: {  	[sflag:s14] =	ssyncadd.s32 $0xFFFFFF60  }
0x25: {  	[spmem:s7] =	stream.linear.scatter [tilespmem:s13], [sflag:$0x1], $0xA0, $0x38;
	[tilespmem:$0xEA8] =	vst v63  }
0x26: {  	_ =	swait.ge [sflag:s14], $0xA0  }
0x27: {  	[sflag:s14] =	ssyncset.done $0x0  }
0x28: {  	[sflag:s14] =	ssyncadd.s32 $0xFFFFFF60  }
0x29: {  	[tilespmem:s4], [sflag:$0x1] =	stream.linear.gather [hbm4b:s5+s4], $0x9C8, $0x38;
	[tilespmem:$0xEA8] =	vst v63  }
0x2a: {  	_ =	swait.ge [sflag:s14], $0x9C8  }
0x2b: {  	[sflag:s14] =	ssyncset.done $0x0  }
0x2c: {  	s20 =	simm.s32 $0xA28;
	[sflag:s14] =	ssyncadd.s32 $0xFFFFF638  }
0x2d: {  	[tilespmem:s20], [sflag:$0x1] =	stream.linear.gather [hbm4b:s8+s4], $0x1E0, $0x38;
	[tilespmem:$0xEA8] =	vst v63  }
0x2e: {  	_ =	swait.ge [sflag:s14], $0x1E0  }
0x2f: {  	[sflag:s14] =	ssyncset.done $0x0  }
0x30: {  	[sflag:s14] =	ssyncadd.s32 $0xFFFFFE20  }
0x31: {  	s21 =	sadd.s32 $0x0, s12;
	[bflag:$0x0] =	sbarrier.arrive $0xFFFF  }
0x32: {  	[tilespmem:s15], [sflag:$0x1] =	stream.linear.gather [hbm4b:s21+s4], $0x60, $0x38;
	[tilespmem:$0xEA8] =	vst v63  }
0x33: {  	_ =	swait.ge [sflag:s14], $0x60  }
0x34: {  	[sflag:s14] =	ssyncset.done $0x0  }
0x35: {  	[sflag:s14] =	ssyncadd.s32 $0xFFFFFFA0  }
0x36: {  	v2 =	vld [tilespmem:$0x9C8];
	_ =	sdelay $0x5  }
0x37: {  	v3 =	vld [tilespmem:$0x9D8];
	_ =	sdelay $0x1  }
0x38: {  	v2 =	vld.idx.msk [tilespmem:v2+s4+$0x0], $0xffff;
	_ =	sdelay $0x3  }
0x39: {  	v4 =	vld [tilespmem:$0x9E8]  }
0x3a: {  	[tilespmem:$0xC08] =	vst v2  }
0x3b: {  	v2 =	vld.idx.msk [tilespmem:v3+s4+$0x0], $0xffff;
	_ =	sdelay $0x3  }
0x3c: {  	v3 =	vld [tilespmem:$0x9F8]  }
0x3d: {  	[tilespmem:$0xC18] =	vst v2  }
0x3e: {  	v2 =	vld.idx.msk [tilespmem:v4+s4+$0x0], $0xffff;
	_ =	sdelay $0x3  }
0x3f: {  	v63 =	vld [tilespmem:$0xA08]  }
0x40: {  	[tilespmem:$0xC28] =	vst v2  }
0x41: {  	v2 =	vld.idx.msk [tilespmem:v3+s4+$0x0], $0xffff;
	_ =	sdelay $0x3  }
0x42: {  	v3 =	vld [tilespmem:$0xA18]  }
0x43: {  	[tilespmem:$0xC38] =	vst v2  }
0x44: {  	v2 =	vld.idx.msk [tilespmem:v63+s4+$0x0], $0xffff;
	_ =	sdelay $0x4  }
0x45: {  	[tilespmem:$0xC48] =	vst v2  }
0x46: {  	v2 =	vld.idx.msk [tilespmem:v3+s4+$0x0], $0xffff;
	_ =	sdelay $0x4  }
0x47: {  	[tilespmem:$0xC58] =	vst v2  }
0x48: {  	[spmem:s2] =	stream.indirect.scatter.add.f32 [tilespmem:s17], [sflag:$0x1], $0x1, s20, s16, $0xb8;
	[tilespmem:$0xEA8] =	vst v63  }
0x49: {  	_ =	swait.ge [sflag:s14], $0x60  }
0x4a: {  	[sflag:s14] =	ssyncset.done $0x0  }
0x4b: {  	[sflag:s14] =	ssyncadd.s32 $0xFFFFFFA0  }
0x4c: {  	[spmem:s3] =	stream.indirect.scatter.add.f32 [tilespmem:s18], [sflag:$0x1], $0x1, s20, s16, $0xb8;
	[tilespmem:$0xEA8] =	vst v63  }
0x4d: {  	s23 =	simm.s32 $0x18;
	_ =	swait.ge [sflag:s14], $0x60  }
0x4e: {  	s21 =	simm.s32 $0xC;
	s20 =	simm.s32 $0xA88;
	[sflag:s14] =	ssyncset.done $0x0  }
.LBB2_2:
0x4f: {  	s24 =	sadd.s32 s21, s12  }
0x50: {  	[sflag:s14] =	ssyncadd.s32 $0xFFFFFFA0;
	s21 =	smov.u32 s23;
	s22 =	sadd.s32 $0xC, s23  }
0x51: {  	[tilespmem:s15], [sflag:$0x1] =	stream.linear.gather [hbm4b:s24+s4], $0x60, $0x38;
	[tilespmem:$0xEA8] =	vst v63  }
0x52: {  	p0 =	sne.s32 s23, $0x30;
	_ =	swait.ge [sflag:s14], $0x60  }
0x53: {  	[sflag:s14] =	ssyncset.done $0x0  }
0x54: {  	[sflag:s14] =	ssyncadd.s32 $0xFFFFFFA0  }
0x55: {  	v2 =	vld [tilespmem:$0x9C8];
	_ =	sdelay $0x6  }
0x56: {  	v3 =	vld [tilespmem:$0x9D8]  }
0x57: {  	v2 =	vld.idx.msk [tilespmem:v2+s4+$0x0], $0xffff;
	_ =	sdelay $0x5  }
0x58: {  	[tilespmem:$0xC08] =	vst v2;
	v2 =	vld [tilespmem:$0x9E8]  }
0x59: {  	v3 =	vld.idx.msk [tilespmem:v3+s4+$0x0], $0xffff;
	_ =	sdelay $0x5  }
0x5a: {  	[tilespmem:$0xC18] =	vst v3;
	v3 =	vld [tilespmem:$0x9F8]  }
0x5b: {  	v2 =	vld.idx.msk [tilespmem:v2+s4+$0x0], $0xffff;
	_ =	sdelay $0x5  }
0x5c: {  	[tilespmem:$0xC28] =	vst v2;
	v2 =	vld [tilespmem:$0xA08]  }
0x5d: {  	v3 =	vld.idx.msk [tilespmem:v3+s4+$0x0], $0xffff;
	_ =	sdelay $0x5  }
0x5e: {  	[tilespmem:$0xC38] =	vst v3;
	v3 =	vld [tilespmem:$0xA18]  }
0x5f: {  	v2 =	vld.idx.msk [tilespmem:v2+s4+$0x0], $0xffff;
	_ =	sdelay $0x5  }
0x60: {  	[tilespmem:$0xC48] =	vst v2  }
0x61: {  	v2 =	vld.idx.msk [tilespmem:v3+s4+$0x0], $0xffff;
	_ =	sdelay $0x5  }
0x62: {  	[tilespmem:$0xC58] =	vst v2  }
0x63: {  	[spmem:s2] =	stream.indirect.scatter.add.f32 [tilespmem:s17], [sflag:$0x1], $0x1, s20, s16, $0xb8;
	[tilespmem:$0xEA8] =	vst v63  }
0x64: {  	_ =	swait.ge [sflag:s14], $0x60  }
.Ltmp0:
0x65: {  	[sflag:s14] =	ssyncset.done $0x0;
	(pc) =	sbr.rel @p0 .LBB2_2-.Ltmp0, $4  }
0x66: {  	[sflag:s14] =	ssyncadd.s32 $0xFFFFFFA0  }
0x67: {  	[spmem:s3] =	stream.indirect.scatter.add.f32 [tilespmem:s18], [sflag:$0x1], $0x1, s20, s16, $0xb8;
	[tilespmem:$0xEA8] =	vst v63  }
0x68: {  	_ =	swait.ge [sflag:s14], $0x60  }
0x69: {  	s23 =	smov.u32 s22;
	s20 =	sadd.s32 $0x60, s20;
	[sflag:s14] =	ssyncset.done $0x0  }
0x6a: {  	s21 =	sadd.s32 s21, s12;
	[sflag:s14] =	ssyncadd.s32 $0xFFFFFFA0  }
0x6b: {  	[tilespmem:s15], [sflag:$0x1] =	stream.linear.gather [hbm4b:s21+s4], $0x60, $0x38;
	[tilespmem:$0xEA8] =	vst v63  }
0x6c: {  	_ =	swait.ge [sflag:s14], $0x60  }
0x6d: {  	[sflag:s14] =	ssyncset.done $0x0  }
0x6e: {  	[sflag:s14] =	ssyncadd.s32 $0xFFFFFFA0  }
0x6f: {  	v2 =	vld [tilespmem:$0x9C8];
	_ =	sdelay $0x5  }
0x70: {  	v3 =	vld [tilespmem:$0x9D8];
	_ =	sdelay $0x1  }
0x71: {  	v2 =	vld.idx.msk [tilespmem:v2+s4+$0x0], $0xffff;
	_ =	sdelay $0x3  }
0x72: {  	v4 =	vld [tilespmem:$0x9E8]  }
0x73: {  	[tilespmem:$0xC08] =	vst v2  }
0x74: {  	v2 =	vld.idx.msk [tilespmem:v3+s4+$0x0], $0xffff;
	_ =	sdelay $0x3  }
0x75: {  	v3 =	vld [tilespmem:$0x9F8]  }
0x76: {  	[tilespmem:$0xC18] =	vst v2  }
0x77: {  	v2 =	vld.idx.msk [tilespmem:v4+s4+$0x0], $0xffff;
	_ =	sdelay $0x3  }
0x78: {  	v63 =	vld [tilespmem:$0xA08]  }
0x79: {  	[tilespmem:$0xC28] =	vst v2  }
0x7a: {  	v2 =	vld.idx.msk [tilespmem:v3+s4+$0x0], $0xffff;
	_ =	sdelay $0x3  }
0x7b: {  	v3 =	vld [tilespmem:$0xA18]  }
0x7c: {  	[tilespmem:$0xC38] =	vst v2  }
0x7d: {  	v2 =	vld.idx.msk [tilespmem:v63+s4+$0x0], $0xffff;
	_ =	sdelay $0x4  }
0x7e: {  	[tilespmem:$0xC48] =	vst v2  }
0x7f: {  	v2 =	vld.idx.msk [tilespmem:v3+s4+$0x0], $0xffff;
	_ =	sdelay $0x4  }
0x80: {  	[tilespmem:$0xC58] =	vst v2  }
0x81: {  	[spmem:s2] =	stream.indirect.scatter.add.f32 [tilespmem:s17], [sflag:$0x1], $0x1, s20, s16, $0xb8;
	[tilespmem:$0xEA8] =	vst v63  }
0x82: {  	_ =	swait.ge [sflag:s14], $0x60  }
0x83: {  	[sflag:s14] =	ssyncset.done $0x0  }
0x84: {  	[sflag:s14] =	ssyncadd.s32 $0xFFFFFFA0  }
0x85: {  	[spmem:s3] =	stream.indirect.scatter.add.f32 [tilespmem:s18], [sflag:$0x1], $0x1, s20, s16, $0xb8;
	[tilespmem:$0xEA8] =	vst v63  }
0x86: {  	_ =	swait.ge [sflag:s14], $0x60  }
0x87: {  	[sflag:s14] =	ssyncset.done $0x0  }
0x88: {  	[sflag:s14] =	ssyncadd.s32 $0xFFFFFFA0  }
0x89: {  	[bflag:$0x0] =	sbarrier.arrive $0xFFFF  }
0x8a: {  	[tilespmem:s13], [sflag:$0x1] =	stream.linear.gather [spmem:s6], $0xA0, $0x38;
	[tilespmem:$0xEA8] =	vst v63  }
0x8b: {  	_ =	swait.ge [sflag:s14], $0xA0  }
0x8c: {  	[sflag:s14] =	ssyncset.done $0x0  }
0x8d: {  	[sflag:s14] =	ssyncadd.s32 $0xFFFFFF60  }
0x8e: {  	[hbm4b:s9+s4] =	stream.linear.scatter [tilespmem:s13], [sflag:$0x1], $0xA0, $0x38;
	[tilespmem:$0xEA8] =	vst v63  }
0x8f: {  	_ =	swait.ge [sflag:s14], $0xA0  }
0x90: {  	[sflag:s14] =	ssyncset.done $0x0  }
0x91: {  	[sflag:s14] =	ssyncadd.s32 $0xFFFFFF60  }
0x92: {  	[tilespmem:s13], [sflag:$0x1] =	stream.linear.gather [spmem:s7], $0xA0, $0x38;
	[tilespmem:$0xEA8] =	vst v63  }
0x93: {  	s19 =	sadd.s32 $0x1, s19;
	_ =	swait.ge [sflag:s14], $0xA0  }
0x94: {  	p0 =	sne.s32 s19, s11;
	[sflag:s14] =	ssyncset.done $0x0  }
.Ltmp1:
0x95: {  	[sflag:s14] =	ssyncadd.s32 $0xFFFFFF60;
	(pc) =	sbr.rel @p0 .LBB2_1-.Ltmp1, $4  }
0x96: {  	[hbm4b:s10+s4] =	stream.linear.scatter [tilespmem:s13], [sflag:$0x1], $0xA0, $0x38;
	[tilespmem:$0xEA8] =	vst v63  }
0x97: {  	_ =	swait.ge [sflag:s14], $0xA0  }
0x98: {  	[sflag:s14] =	ssyncset.done $0x0  }
0x99: {  	[sflag:s14] =	ssyncadd.s32 $0xFFFFFF60  }
0x9a: {  	_ =	sfence.sel $0x180000  }
0x9b: {  	[bflag:$0x0] =	sbarrier.arrive $0xFFFF  }
0x9c: {  	p0 =	sne.s32 s1, $0x0;
	_ =	strace $0x90000047  }
0x9d: {  	s0 =	sadd.s32 @!p0 $0x100000, s0;
	[bflag:$0x2] =	sbarrier.arrive $0xFFFF  }
0x9e: {  	[sflag:s0] =	ssyncadd.tile.s32 @!p0 $0x1;
	_ =	shalt  }
.Lfunc_end2:
_tile_overlayer_lowered:
.L_overlay_start_2:
0x9f: {  	(tag) =	ssettag $0x2  }
0xa0: {  	s0 =	rddreg [dreg:$0x0];
	s2 =	stileid.u32  }
0xa1: {  	s1 =	rddreg [dreg:$0x1];
	p0 =	sne.s32 s2, $0x0  }
0xa2: {  	s3 =	rddreg [dreg:$0x2];
	[bflag:$0x3] =	sbarrier.arrive $0xFFFF;
	s2 =	simm.s32 @!p0 $0x1C01  }
0xa3: {  	[timem:s3], [sflag:s2] =	dma.local @!p0 [hbm:s0], s1  }
0xa4: {  	s0 =	simm.s32 @!p0 $0x1  }
0xa5: {  	_ =	swait.ge @!p0 [sflag:s0], s1  }
0xa6: {  	s1 =	ssub.s32 @!p0 $0x0, s1;
	[sflag:s0] =	ssyncset.done @!p0 $0x0  }
0xa7: {  	[sflag:s0] =	ssyncadd.s32 @!p0 s1  }
0xa8: {  	[bflag:$0x3] =	sbarrier.arrive $0xFFFF  }
0xa9: {  	_ =	shalt  }

// kernel: kernel.14.cloned.1.call-start
scs
__scs_entry_jumppad:
0x0: {  	(pc) =	sbr.rel $0x88, $3  }
0x1: {  	(tag) =	ssettag $0x0;
	lr =	simm.s32 $0x1  }
0x2: {  	[smem:$0x3F8C] =	sst lr;
	_ =	strace $0xD0000000  }
0x3: {  	_ = 	snop  }
0x4: {  	_ = 	snop  }
0x5: {  	_ = 	snop  }
0x6: {  	_ = 	snop  }
0x7: {  	_ = 	snop  }
__scs_overlays_trampoline_lowered:
0x8: {  	[smem:$0x3F9B] =	sst s0  }
0x9: {  	[smem:$0x3F9C] =	sst s1  }
0xa: {  	[smem:$0x3F9D] =	sst s2  }
0xb: {  	[smem:$0x3F9E] =	sst s3  }
0xc: {  	[smem:$0x3F9F] =	sst s4  }
0xd: {  	[smem:$0x3FA0] =	sst s5  }
0xe: {  	[smem:$0x3FA1] =	sst s6  }
0xf: {  	[smem:$0x3FA2] =	sst s7  }
0x10: {  	[smem:$0x3FA3] =	sst s8  }
0x11: {  	[smem:$0x3FA4] =	sst s9;
	s0 =	simm.s32 @!p0 $0x0  }
0x12: {  	s1 =	sld [smem:$0x3F8A];
	s0 =	simm.s32 @p0 $0x1  }
0x13: {  	[smem:$0x3FA5] =	sst s0;
	s0 =	simm.s32 @!p1 $0x0  }
0x14: {  	s2 =	sld [smem:$0x3F89];
	s0 =	simm.s32 @p1 $0x1  }
0x15: {  	[smem:$0x3FA6] =	sst s0;
	s0 =	simm.s32 @!p2 $0x0  }
0x16: {  	s3 =	sld [smem:$0x3FDB];
	s0 =	simm.s32 @p2 $0x1  }
0x17: {  	s4 =	simm.s32 $0x1BF5;
	[smem:$0x3FA8] =	sst s0  }
0x18: {  	s0 =	sld [smem:$0x3F8B];
	_ =	swait.ge [sflag:s4], $0x0  }
0x19: {  	s7 =	sld [smem:$0x3F8C]  }
0x1a: {  	s8 =	sadd.s32 $0xFFFFE003, lr  }
0x1b: {  	s9 =	sadd.s32 $0xFFFFFEF7, lr;
	s5 =	simm.s32 $0xFFFFFFFF;
	p2 =	slt.u32 s8, $0xFFFFF086  }
0x1c: {  	p1 =	slt.u32 s9, $0xF7A;
	s5 =	simm.s32 @!p2 $0x0  }
0x1d: {  	s5 =	simm.s32 @p1 $0x1;
	p0 =	seq.s32 s7, s2  }
0x1e: {  	s7 =	smul.u32 @!p0 $0xF7A, s2;
	p2 =	seq.s32 @!p0 s5, $0x0  }
0x1f: {  	s9 =	smul.u32 $0xF7A, s1;
	s8 =	simm.s32 @!p0 $0x1BF5;
	p2 =	por !p2, p0  }
0x20: {  	[sflag:s8] =	ssyncset.s32 @!p0 $0xFFFFF086;
	s6 =	sadd.s32 @!p0 s3, s7;
	s7 =	simm.s32 @!p0 $0x108  }
0x21: {  	s3 =	sadd.s32 s3, s9;
	s6 =	sadd.s32 @!p0 $0x88, s6;
	s7 =	simm.s32 @p2 $0x1082  }
0x22: {  	[simem:s7], [sflag:s8] =	dma.local @!p0 [hbm:s6], $0xF7A  }
0x23: {  	s9 =	sor.u32 $0xD0000000, s2;
	s6 =	simm.s32 $0x108;
	_ =	swait.ge @!p0 [sflag:s8], $0x0  }
0x24: {  	s3 =	sadd.s32 $0x88, s3;
	s6 =	simm.s32 @!p1 $0x1082;
	[sflag:s4] =	ssyncset.s32 $0xFFFFF086  }
0x25: {  	[simem:s6], [sflag:s4] =	dma.local [hbm:s3], $0xF7A  }
0x26: {  	[smem:$0x3F8C] =	sst s1;
	(tag) =	ssettag s2;
	_ =	strace s9  }
0x27: {  	s1 =	sld [smem:$0x3F9C]  }
0x28: {  	s2 =	sld [smem:$0x3F9D]  }
0x29: {  	s4 =	sld [smem:$0x3F9F]  }
0x2a: {  	p0 =	seq.s32 s5, $0x0;
	s5 =	sld [smem:$0x3FA0]  }
0x2b: {  	s6 =	sld [smem:$0x3FA1]  }
0x2c: {  	s7 =	sld [smem:$0x3FA2]  }
0x2d: {  	s3 =	simm.s32 $0x108;
	s8 =	sld [smem:$0x3FA3]  }
0x2e: {  	s3 =	simm.s32 @!p0 $0x1082;
	s9 =	sld [smem:$0x3FA4]  }
0x2f: {  	lr =	sadd.s32 s0, s3;
	s0 =	sld [smem:$0x3F9B]  }
0x30: {  	s3 =	sld [smem:$0x3F9E]  }
0x31: {  	[smem:$0x3FA7] =	sst s10  }
0x32: {  	s10 =	sld [smem:$0x3FA5];
	_ =	sdelay $0x3  }
0x33: {  	p0 =	seq.s32 s10, $0x1;
	s10 =	sld [smem:$0x3FA7];
	_ =	sdelay $0x3  }
0x34: {  	[smem:$0x3FA7] =	sst s10  }
0x35: {  	s10 =	sld [smem:$0x3FA6];
	_ =	sdelay $0x3  }
0x36: {  	p1 =	seq.s32 s10, $0x1;
	s10 =	sld [smem:$0x3FA7];
	_ =	sdelay $0x3  }
0x37: {  	[smem:$0x3FA7] =	sst s10  }
0x38: {  	s10 =	sld [smem:$0x3FA8]  }
0x39: {  	_ = 	snop;
	(pc) =	sbr.ind lr, $3  }
0x3a: {  	_ = 	snop  }
0x3b: {  	_ = 	snop  }
0x3c: {  	p2 =	seq.s32 s10, $0x1;
	s10 =	sld [smem:$0x3FA7]  }
0x3d: {  	_ =	shalt  }
0x3e: {  	_ =	shalt  }
0x3f: {  	_ =	shalt  }
0x40: {  	_ =	shalt  }
0x41: {  	_ =	shalt  }
0x42: {  	_ =	shalt  }
0x43: {  	_ =	shalt  }
0x44: {  	_ =	shalt  }
0x45: {  	_ =	shalt  }
0x46: {  	_ =	shalt  }
0x47: {  	_ =	shalt  }
0x48: {  	_ =	shalt  }
0x49: {  	_ =	shalt  }
0x4a: {  	_ =	shalt  }
0x4b: {  	_ =	shalt  }
0x4c: {  	_ =	shalt  }
0x4d: {  	_ =	shalt  }
0x4e: {  	_ =	shalt  }
0x4f: {  	_ =	shalt  }
0x50: {  	_ =	shalt  }
0x51: {  	_ =	shalt  }
0x52: {  	_ =	shalt  }
0x53: {  	_ =	shalt  }
0x54: {  	_ =	shalt  }
0x55: {  	_ =	shalt  }
0x56: {  	_ =	shalt  }
0x57: {  	_ =	shalt  }
0x58: {  	_ =	shalt  }
0x59: {  	_ =	shalt  }
0x5a: {  	_ =	shalt  }
0x5b: {  	_ =	shalt  }
0x5c: {  	_ =	shalt  }
0x5d: {  	_ =	shalt  }
0x5e: {  	_ =	shalt  }
0x5f: {  	_ =	shalt  }
0x60: {  	_ =	shalt  }
0x61: {  	_ =	shalt  }
0x62: {  	_ =	shalt  }
0x63: {  	_ =	shalt  }
0x64: {  	_ =	shalt  }
0x65: {  	_ =	shalt  }
0x66: {  	_ =	shalt  }
0x67: {  	_ =	shalt  }
0x68: {  	_ =	shalt  }
0x69: {  	_ =	shalt  }
0x6a: {  	_ =	shalt  }
0x6b: {  	_ =	shalt  }
0x6c: {  	_ =	shalt  }
0x6d: {  	_ =	shalt  }
0x6e: {  	_ =	shalt  }
0x6f: {  	_ =	shalt  }
0x70: {  	_ =	shalt  }
0x71: {  	_ =	shalt  }
0x72: {  	_ =	shalt  }
0x73: {  	_ =	shalt  }
0x74: {  	_ =	shalt  }
0x75: {  	_ =	shalt  }
0x76: {  	_ =	shalt  }
0x77: {  	_ =	shalt  }
0x78: {  	_ =	shalt  }
0x79: {  	_ =	shalt  }
0x7a: {  	_ =	shalt  }
0x7b: {  	_ =	shalt  }
0x7c: {  	_ =	shalt  }
0x7d: {  	_ =	shalt  }
0x7e: {  	_ =	shalt  }
0x7f: {  	_ =	shalt  }
0x80: {  	_ =	shalt  }
0x81: {  	_ =	shalt  }
0x82: {  	_ =	shalt  }
0x83: {  	_ =	shalt  }
0x84: {  	_ =	shalt  }
0x85: {  	_ =	shalt  }
0x86: {  	_ =	shalt  }
0x87: {  	_ =	shalt  }
.Lfunc_end0:
.L_simem_size_0:
called_computation.1_lowered:
.L_overlay_start_0:
0x88: {  	s2 =	sld [smem:$0x3FD9]  }
0x89: {  	s3 =	sld [smem:$0x3FFE];
	_ =	sdelay $0x1  }
0x8a: {  	s1 =	srdreg.scid  }
0x8b: {  	s0 =	sand.u32 $0x1, s1  }
0x8c: {  	s17 =	sshll.u32 s0, $0xA;
	s2 =	sadd.s32 s3, s2  }
0x8d: {  	s2 =	sadd.s32 s2, s17  }
0x8e: {  	[smem:$0x3FB3] =	sst s2  }
0x8f: {  	_ = 	snop  }
0x90: {  	s18 =	sld [smem:$0x3FD0];
	(tm) =	ssettm $0x1  }
0x91: {  	s19 =	sld [smem:$0x3FFB];
	_ =	sdelay $0x3  }
0x92: {  	_ =	strace s19  }
0x93: {  	s2 =	sld [smem:$0x3FFC];
	_ =	sdelay $0x3  }
0x94: {  	_ =	strace s2  }
0x95: {  	s2 =	sld [smem:$0x3FFD];
	_ =	sdelay $0x3  }
0x96: {  	_ =	strace s2  }
0x97: {  	_ =	strace $0x8FFFFFFF  }
0x98: {  	s20 =	sld [smem:$0x3FDB];
	_ =	sdelay $0x1  }
0x99: {  	s4 =	simm.s32 $_scs_section_size  }
0x9a: {  	s5 =	simm.s32 $_size__tile_overlayer_lowered;
	s6 =	simm.s32 $_tile_overlayer_lowered  }
0x9b: {  	s7 =	simm.s32 $0x1BFF;
	s21 =	sshll.u32 s6, $0x1;
	s4 =	sadd.s32 s4, s20  }
0x9c: {  	s22 =	simm.s32 $0x0;
	s5 =	sshll.u32 s5, $0x1;
	s6 =	sadd.s32 s21, s4  }
0x9d: {  	[timem:s22], [sflag:s7] =	dma.local [hbm:s6], s5  }
0x9e: {  	_ =	swait.ge [sflag:s7], s5  }
0x9f: {  	s5 =	ssub.s32 $0x0, s5;
	[sflag:s7] =	ssyncset.done $0x0  }
0xa0: {  	[sflag:s7] =	ssyncadd.s32 s5;
	_ =	sdelay $0x1  }
0xa1: {  	s23 =	simm.s32 $0x1B8B  }
0xa2: {  	_ =	swait.ge [sflag:s23], $0x1  }
0xa3: {  	[sflag:s23] =	ssyncset.done $0x0  }
0xa4: {  	[sflag:s23] =	ssyncadd.s32 $0xFFFFFFFF  }
0xa5: {  	s5 =	sld [smem:$0x0]  }
0xa6: {  	s6 =	sand.u32 $0xFFFFFFFE, s1  }
0xa7: {  	p0 =	sne.s32 s1, s6  }
0xa8: {  	s6 =	sshll.u32 @p0 s6, $0xE  }
0xa9: {  	s6 =	sadd.s32 @p0 $0x11B8D, s6;
	s7 =	sshll.u32 @p0 s5, $0x11  }
0xaa: {  	s6 =	sor.u32 @p0 s7, s6  }
0xab: {  	[sflag:s6] =	ssyncadd.remote.s32 @p0 $0x1;
	_ =	sdelay $0x1  }
0xac: {  	s6 =	simm.s32 @p0 $0x1B8D  }
0xad: {  	_ =	swait.eq @p0 [sflag:s6], $0x1  }
0xae: {  	[sflag:s6] =	ssyncadd.s32 @p0 $0xFFFFFFFF  }
0xaf: {  	s7 =	sshll.u32 @!p0 s1, $0xE  }
0xb0: {  	s7 =	sor.u32 @!p0 $0x4000, s7;
	s6 =	simm.s32 @!p0 $0x1B8D  }
0xb1: {  	s5 =	sshll.u32 @!p0 s5, $0x11;
	s7 =	sadd.s32 @!p0 $0x11B8D, s7;
	_ =	swait.eq @!p0 [sflag:s6], $0x1  }
0xb2: {  	s5 =	sor.u32 @!p0 s5, s7;
	[sflag:s6] =	ssyncadd.s32 @!p0 $0xFFFFFFFF  }
0xb3: {  	s25 =	simm.s32 $0x1B8E;
	s24 =	sld [smem:$0x3FFE];
	[sflag:s5] =	ssyncadd.remote.s32 @!p0 $0x1  }
0xb4: {  	s26 =	simm.s32 $execute0_lowered;
	[smem:$0x3FD2] =	sst s25  }
0xb5: {  	s6 =	sshll.u32 s26, $0x1;
	_ =	strace $0x80000049;
	[dreg:$0x1] =	wrdreg $0xFFFFFFFF  }
0xb6: {  	s28 =	simm.s32 $_size_execute0_lowered;
	s4 =	sadd.s32 s4, s6;
	[dreg:$0x0] =	wrdreg $0x0  }
0xb7: {  	s6 =	sshll.u32 s28, $0x1;
	[dreg:$0x2] =	wrdreg s4  }
0xb8: {  	[dreg:$0x3] =	wrdreg s6  }
0xb9: {  	[dreg:$0x4] =	wrdreg $0xC0  }
0xba: {  	_ =	task [dreg:s22], $0x5FFFF  }
0xbb: {  	[dreg:$0x1] =	wrdreg $0xFFFFFFFF  }
0xbc: {  	[dreg:$0x0] =	wrdreg $0x60  }
0xbd: {  	[dreg:$0x2] =	wrdreg s24  }
0xbe: {  	[dreg:$0x3] =	wrdreg s18  }
0xbf: {  	[dreg:$0x4] =	wrdreg $0x72800  }
0xc0: {  	[dreg:$0x5] =	wrdreg $0xC9000  }
0xc1: {  	[dreg:$0x6] =	wrdreg $0xA  }
0xc2: {  	_ =	task.clear_ibuf [dreg:s22], $0x7FFFF;
	_ =	strace $0x90000049  }
0xc3: {  	s29 =	simm.s32 $0xA;
	_ =	strace $0x8000004B  }
0xc4: {  	_ =	swait.ge [sflag:s29], $0x1  }
0xc5: {  	[sflag:s29] =	ssyncadd.s32 $0xFFFFFFFF  }
0xc6: {  	_ =	strace $0x9000004B  }
0xc7: {  	_ =	sfence  }
0xc8: {  	s30 =	sld [smem:$0x0];
	_ =	sdelay $0x2  }
0xc9: {  	s31 =	sshll.u32 s1, $0xD;
	s1 =	sshrl.u32 s1, $0x2  }
0xca: {  	s4 =	sand.u32 $0x4000, s31;
	s1 =	sadd.s32 s1, s30  }
0xcb: {  	s0 =	sor.u32 s4, s0;
	s1 =	sshll.u32 s1, $0x11  }
0xcc: {  	s0 =	sor.u32 s1, s0  }
0xcd: {  	s0 =	sadd.s32 $0x8F2B, s0  }
0xce: {  	[sflag:s0] =	ssyncadd.remote.s32 $0x1  }
0xcf: {  	_ =	sfence.sel $0xFFFF  }
0xd0: {  	[dreg:$0x0] =	wrdreg $0xFFFFFFFF;
	(pc) =	sbr.abs _section_cstart, $3  }
0xd1: {  	[dreg:$0x1] =	wrdreg $0xFFFFFFFF  }
0xd2: {  	_ =	task.clear_ibuf [dreg:s22], $0x2FFFF;
	_ =	strace $0x9FFFFFFF  }
0xd3: {  	(tm) =	ssettm $0x7FFFFFFF  }
tec
execute0_lowered:
.L_overlay_start_1:
0x0: {  	(tag) =	ssettag $0x1  }
0x1: {  	s6 =	rddreg [dreg:$0x0]  }
0x2: {  	s10 =	rddreg [dreg:$0x1]  }
0x3: {  	s2 =	rddreg [dreg:$0x2]  }
0x4: {  	s3 =	rddreg [dreg:$0x3];
	s4 =	srdreg.scid  }
0x5: {  	s1 =	stileid.u32;
	s0 =	rddreg [dreg:$0x4];
	s14 =	simm.s32 $0x3  }
0x6: {  	s15 =	simm.s32 $0xA180;
	s16 =	simm.s32 $0x780;
	s17 =	simm.s32 $0x78  }
0x7: {  	s18 =	simm.s32 $0xF00;
	s19 =	simm.s32 $0x1680;
	s20 =	simm.s32 $0x1E00  }
0x8: {  	s21 =	simm.s32 $0x2580;
	s22 =	simm.s32 $0x2D00;
	s23 =	simm.s32 $0x3480  }
0x9: {  	s24 =	simm.s32 $0x3C00;
	s25 =	simm.s32 $0x4380;
	s28 =	simm.s32 $0x9A00  }
0xa: {  	s29 =	simm.s32 $0x2;
	s7 =	sand.u32 $0x1, s4;
	s8 =	smul.u32 $0x2780, s1  }
0xb: {  	s4 =	simm.s32 $0x0;
	s5 =	sshll.u32 s7, $0x4;
	s9 =	smul.u32 $0x27800, s7  }
0xc: {  	[smem:$0x7FF] =	sst s4;
	s7 =	ssub.s32 $0x2, s7;
	s5 =	sor.u32 s1, s5  }
0xd: {  	_ =	strace $0x8000004A;
	s31 =	sshrl.u32 s7, $0x1;
	s11 =	smul.u32 $0xF0, s5  }
0xe: {  	s9 =	sadd.s32 s8, s9;
	s5 =	sadd.s32 $0x6200, s6;
	s13 =	ssub.s32 s7, s31  }
0xf: {  	s7 =	sadd.s32 s8, s3;
	s12 =	sshrl.u32 s9, $0x3;
	s26 =	sadd.s32 s11, s6  }
0x10: {  	s30 =	sadd.s32 s12, s6;
	s6 =	sadd.s32 s8, s2;
	s10 =	sadd.s32 s10, s12  }
0x11: {  	s12 =	smax.u32 s13, $0x1;
	s13 =	simm.s32 $0x4B00;
	s8 =	sadd.s32 $0x4400, s26  }
0x12: {  	v0 =	vimm.f32 $0.0e+00;
	v1 =	vimm.f32 $1.000000000e+00;
	s9 =	sadd.s32 $0xB200, s26;
	s11 =	sadd.s32 $0xD000, s30;
	s26 =	simm.s32 $0x1  }
.LBB2_1:
0x13: {  	s30 =	simm.s32 $0x0;
	s31 =	simm.s32 $0x200  }
.LBB2_2:
0x14: {  	p0 =	sne.s32 s31, $0x9C00;
	[tilespmem:s30+$0xA1F0] =	vst v0  }
0x15: {  	[tilespmem:s30+$0x4B00] =	vst v0  }
0x16: {  	[tilespmem:s30+$0xA180] =	vst v0  }
0x17: {  	[tilespmem:s30+$0x4B10] =	vst v0  }
0x18: {  	[tilespmem:s30+$0xA190] =	vst v0  }
0x19: {  	[tilespmem:s30+$0x4B20] =	vst v0  }
0x1a: {  	[tilespmem:s30+$0xA1A0] =	vst v0  }
0x1b: {  	[tilespmem:s30+$0x4B30] =	vst v0  }
0x1c: {  	[tilespmem:s30+$0xA1B0] =	vst v0  }
0x1d: {  	[tilespmem:s30+$0x4B40] =	vst v0  }
0x1e: {  	[tilespmem:s30+$0xA1C0] =	vst v0  }
.Ltmp0:
0x1f: {  	[tilespmem:s30+$0x4B50] =	vst v0;
	(pc) =	sbr.rel @p0 .LBB2_2-.Ltmp0, $4  }
0x20: {  	[tilespmem:s30+$0xA1D0] =	vst v0  }
0x21: {  	[tilespmem:s30+$0x4B60] =	vst v0  }
0x22: {  	[tilespmem:s30+$0xA1E0] =	vst v0  }
0x23: {  	[tilespmem:s30+$0x4B70] =	vst v0;
	s30 =	sshra.s32 s31, $0x2;
	s31 =	sadd.s32 $0x200, s31  }
0x24: {  	[tilespmem:s30+$0xA1F0] =	vst v0  }
0x25: {  	[tilespmem:s30+$0x4B00] =	vst v0  }
0x26: {  	[tilespmem:s30+$0xA180] =	vst v0  }
0x27: {  	[tilespmem:s30+$0x4B10] =	vst v0  }
0x28: {  	[tilespmem:s30+$0xA190] =	vst v0  }
0x29: {  	[tilespmem:s30+$0x4B20] =	vst v0  }
0x2a: {  	[tilespmem:s30+$0xA1A0] =	vst v0  }
0x2b: {  	[tilespmem:s30+$0x4B30] =	vst v0  }
0x2c: {  	[tilespmem:s30+$0xA1B0] =	vst v0  }
0x2d: {  	[tilespmem:s30+$0x4B40] =	vst v0  }
0x2e: {  	[tilespmem:s30+$0xA1C0] =	vst v0  }
0x2f: {  	[tilespmem:s30+$0x4B50] =	vst v0  }
0x30: {  	[tilespmem:s30+$0xA1D0] =	vst v0  }
0x31: {  	[tilespmem:s30+$0x4B60] =	vst v0  }
0x32: {  	[tilespmem:s30+$0xA1E0] =	vst v0  }
0x33: {  	[tilespmem:s30+$0x4B70] =	vst v0;
	s30 =	simm.s32 $0x0;
	s31 =	simm.s32 $0x200  }
.LBB2_4:
0x34: {  	p0 =	sne.s32 s31, $0x1C00;
	[tilespmem:s30+$0x9A70] =	vst v1  }
0x35: {  	[tilespmem:s30+$0x9A00] =	vst v1  }
0x36: {  	[tilespmem:s30+$0x9A10] =	vst v1  }
.Ltmp1:
0x37: {  	[tilespmem:s30+$0x9A20] =	vst v1;
	(pc) =	sbr.rel @p0 .LBB2_4-.Ltmp1, $4  }
0x38: {  	[tilespmem:s30+$0x9A30] =	vst v1  }
0x39: {  	[tilespmem:s30+$0x9A40] =	vst v1  }
0x3a: {  	[tilespmem:s30+$0x9A50] =	vst v1  }
0x3b: {  	[tilespmem:s30+$0x9A60] =	vst v1;
	s30 =	sshra.s32 s31, $0x2;
	s31 =	sadd.s32 $0x200, s31  }
0x3c: {  	[tilespmem:s30+$0x9A70] =	vst v1  }
0x3d: {  	[tilespmem:s30+$0x9A00] =	vst v1  }
0x3e: {  	[tilespmem:s30+$0x9A10] =	vst v1  }
0x3f: {  	[tilespmem:s30+$0x9A20] =	vst v1  }
0x40: {  	[tilespmem:s30+$0x9A30] =	vst v1  }
0x41: {  	[tilespmem:s30+$0x9A40] =	vst v1  }
0x42: {  	[tilespmem:s30+$0x9A50] =	vst v1  }
0x43: {  	[tilespmem:s30+$0x9A60] =	vst v1  }
0x44: {  	[spmem:s6] =	stream.linear.scatter [tilespmem:s13], [sflag:$0x3], $0x2780, $0x38;
	[tilespmem:$0xF080] =	vst v63  }
0x45: {  	_ =	swait.ge [sflag:s14], $0x2780  }
0x46: {  	[sflag:s14] =	ssyncset.done $0x0  }
0x47: {  	[sflag:s14] =	ssyncadd.s32 $0xFFFFD880  }
0x48: {  	[spmem:s7] =	stream.linear.scatter [tilespmem:s15], [sflag:$0x3], $0x2780, $0x38;
	[tilespmem:$0xF080] =	vst v63  }
0x49: {  	_ =	swait.ge [sflag:s14], $0x2780  }
0x4a: {  	[sflag:s14] =	ssyncset.done $0x0  }
0x4b: {  	s30 =	simm.s32 $0x0;
	[sflag:s14] =	ssyncadd.s32 $0xFFFFD880  }
0x4c: {  	[tilespmem:s30], [sflag:$0x3] =	stream.linear.gather [hbm4b:s8+s30], $0x780, $0x38;
	[tilespmem:$0xF080] =	vst v63  }
0x4d: {  	_ =	swait.ge [sflag:s14], $0x780  }
0x4e: {  	[sflag:s14] =	ssyncset.done $0x0  }
0x4f: {  	[sflag:s14] =	ssyncadd.s32 $0xFFFFF880  }
0x50: {  	[tilespmem:s16], [sflag:$0x3] =	stream.linear.gather [hbm4b:s9+s30], $0x780, $0x38;
	[tilespmem:$0xF080] =	vst v63  }
0x51: {  	_ =	swait.ge [sflag:s14], $0x780  }
0x52: {  	[sflag:s14] =	ssyncset.done $0x0  }
0x53: {  	[sflag:s14] =	ssyncadd.s32 $0xFFFFF880  }
0x54: {  	p0 =	por $0x1, $0x1;
	[bflag:$0x0] =	sbarrier.arrive $0xFFFF  }
.LBB2_6:
0x55: {  	[tilespmem:s18], [sflag:$0x1] =	stream.indirect.gather [hbm4b:s5+s17], $0x10, s30, s17, $0xb8;
	[tilespmem:$0xF080] =	vst v63  }
0x56: {  	s31 =	sadd.s32 $0x78, s30  }
0x57: {  	[tilespmem:s19], [sflag:$0x1] =	stream.indirect.gather [hbm4b:s5+s17], $0x10, s31, s17, $0xb8;
	[tilespmem:$0xF080] =	vst v63  }
0x58: {  	s31 =	sadd.s32 $0xF0, s30  }
0x59: {  	[tilespmem:s20], [sflag:$0x1] =	stream.indirect.gather [hbm4b:s5+s17], $0x10, s31, s17, $0xb8;
	[tilespmem:$0xF080] =	vst v63  }
0x5a: {  	s31 =	sadd.s32 $0x168, s30  }
0x5b: {  	[tilespmem:s21], [sflag:$0x1] =	stream.indirect.gather [hbm4b:s5+s17], $0x10, s31, s17, $0xb8;
	[tilespmem:$0xF080] =	vst v63  }
0x5c: {  	s31 =	sadd.s32 $0x1E0, s30  }
0x5d: {  	[tilespmem:s22], [sflag:$0x1] =	stream.indirect.gather [hbm4b:s5+s17], $0x10, s31, s17, $0xb8;
	[tilespmem:$0xF080] =	vst v63  }
0x5e: {  	s31 =	sadd.s32 $0x258, s30  }
0x5f: {  	[tilespmem:s23], [sflag:$0x1] =	stream.indirect.gather [hbm4b:s5+s17], $0x10, s31, s17, $0xb8;
	[tilespmem:$0xF080] =	vst v63  }
0x60: {  	s31 =	sadd.s32 $0x2D0, s30  }
0x61: {  	[tilespmem:s24], [sflag:$0x1] =	stream.indirect.gather [hbm4b:s5+s17], $0x10, s31, s17, $0xb8;
	[tilespmem:$0xF080] =	vst v63  }
0x62: {  	s31 =	sadd.s32 $0x348, s30  }
0x63: {  	[tilespmem:s25], [sflag:$0x1] =	stream.indirect.gather [hbm4b:s5+s17], $0x10, s31, s17, $0xb8;
	[tilespmem:$0xF080] =	vst v63  }
0x64: {  	_ =	swait.ge [sflag:s26], $0x780  }
0x65: {  	[sflag:s26] =	ssyncset.done $0x0  }
0x66: {  	s31 =	sadd.s32 $0x780, s30;
	[sflag:s26] =	ssyncadd.s32 $0xFFFFF880  }
0x67: {  	[spmem:s2] =	stream.indirect.scatter.add.f32 [tilespmem:s18], [sflag:$0x2], $0x10, s31, s17, $0xb8;
	[tilespmem:$0xF080] =	vst v63  }
0x68: {  	_ = 	snop  }
0x69: {  	[spmem:s3] =	stream.indirect.scatter.add.f32 [tilespmem:s28], [sflag:$0x2], $0x10, s31, s17, $0xb8;
	[tilespmem:$0xF080] =	vst v63  }
0x6a: {  	_ =	swait.ge [sflag:s26], $0x780  }
0x6b: {  	[sflag:s26] =	ssyncset.done $0x0  }
0x6c: {  	s31 =	sadd.s32 $0x7F8, s30;
	[sflag:s26] =	ssyncadd.s32 $0xFFFFF880  }
0x6d: {  	[spmem:s2] =	stream.indirect.scatter.add.f32 [tilespmem:s19], [sflag:$0x2], $0x10, s31, s17, $0xb8;
	[tilespmem:$0xF080] =	vst v63  }
0x6e: {  	_ = 	snop  }
0x6f: {  	[spmem:s3] =	stream.indirect.scatter.add.f32 [tilespmem:s28], [sflag:$0x2], $0x10, s31, s17, $0xb8;
	[tilespmem:$0xF080] =	vst v63  }
0x70: {  	_ =	swait.ge [sflag:s26], $0x780  }
0x71: {  	[sflag:s26] =	ssyncset.done $0x0  }
0x72: {  	s31 =	sadd.s32 $0x870, s30;
	[sflag:s26] =	ssyncadd.s32 $0xFFFFF880  }
0x73: {  	[spmem:s2] =	stream.indirect.scatter.add.f32 [tilespmem:s20], [sflag:$0x2], $0x10, s31, s17, $0xb8;
	[tilespmem:$0xF080] =	vst v63  }
0x74: {  	_ = 	snop  }
0x75: {  	[spmem:s3] =	stream.indirect.scatter.add.f32 [tilespmem:s28], [sflag:$0x2], $0x10, s31, s17, $0xb8;
	[tilespmem:$0xF080] =	vst v63  }
0x76: {  	_ =	swait.ge [sflag:s26], $0x780  }
0x77: {  	[sflag:s26] =	ssyncset.done $0x0  }
0x78: {  	s31 =	sadd.s32 $0x8E8, s30;
	[sflag:s26] =	ssyncadd.s32 $0xFFFFF880  }
0x79: {  	[spmem:s2] =	stream.indirect.scatter.add.f32 [tilespmem:s21], [sflag:$0x2], $0x10, s31, s17, $0xb8;
	[tilespmem:$0xF080] =	vst v63  }
0x7a: {  	_ = 	snop  }
0x7b: {  	[spmem:s3] =	stream.indirect.scatter.add.f32 [tilespmem:s28], [sflag:$0x2], $0x10, s31, s17, $0xb8;
	[tilespmem:$0xF080] =	vst v63  }
0x7c: {  	_ =	swait.ge [sflag:s26], $0x780  }
0x7d: {  	[sflag:s26] =	ssyncset.done $0x0  }
0x7e: {  	s31 =	sadd.s32 $0x960, s30;
	[sflag:s26] =	ssyncadd.s32 $0xFFFFF880  }
0x7f: {  	[spmem:s2] =	stream.indirect.scatter.add.f32 [tilespmem:s22], [sflag:$0x2], $0x10, s31, s17, $0xb8;
	[tilespmem:$0xF080] =	vst v63  }
0x80: {  	_ = 	snop  }
0x81: {  	[spmem:s3] =	stream.indirect.scatter.add.f32 [tilespmem:s28], [sflag:$0x2], $0x10, s31, s17, $0xb8;
	[tilespmem:$0xF080] =	vst v63  }
0x82: {  	_ =	swait.ge [sflag:s26], $0x780  }
0x83: {  	[sflag:s26] =	ssyncset.done $0x0  }
0x84: {  	s31 =	sadd.s32 $0x9D8, s30;
	[sflag:s26] =	ssyncadd.s32 $0xFFFFF880  }
0x85: {  	[spmem:s2] =	stream.indirect.scatter.add.f32 [tilespmem:s23], [sflag:$0x2], $0x10, s31, s17, $0xb8;
	[tilespmem:$0xF080] =	vst v63  }
0x86: {  	_ = 	snop  }
0x87: {  	[spmem:s3] =	stream.indirect.scatter.add.f32 [tilespmem:s28], [sflag:$0x2], $0x10, s31, s17, $0xb8;
	[tilespmem:$0xF080] =	vst v63  }
0x88: {  	_ =	swait.ge [sflag:s26], $0x780  }
0x89: {  	[sflag:s26] =	ssyncset.done $0x0  }
0x8a: {  	s31 =	sadd.s32 $0xA50, s30;
	[sflag:s26] =	ssyncadd.s32 $0xFFFFF880  }
0x8b: {  	[spmem:s2] =	stream.indirect.scatter.add.f32 [tilespmem:s24], [sflag:$0x2], $0x10, s31, s17, $0xb8;
	[tilespmem:$0xF080] =	vst v63  }
0x8c: {  	_ = 	snop  }
0x8d: {  	[spmem:s3] =	stream.indirect.scatter.add.f32 [tilespmem:s28], [sflag:$0x2], $0x10, s31, s17, $0xb8;
	[tilespmem:$0xF080] =	vst v63  }
0x8e: {  	_ =	swait.ge [sflag:s26], $0x780  }
0x8f: {  	[sflag:s26] =	ssyncset.done $0x0  }
0x90: {  	s30 =	sadd.s32 $0xAC8, s30;
	[sflag:s26] =	ssyncadd.s32 $0xFFFFF880  }
0x91: {  	[spmem:s2] =	stream.indirect.scatter.add.f32 [tilespmem:s25], [sflag:$0x2], $0x10, s30, s17, $0xb8;
	[tilespmem:$0xF080] =	vst v63  }
0x92: {  	_ = 	snop  }
0x93: {  	[spmem:s3] =	stream.indirect.scatter.add.f32 [tilespmem:s28], [sflag:$0x2], $0x10, s30, s17, $0xb8;
	[tilespmem:$0xF080] =	vst v63  }
0x94: {  	_ =	swait.ge [sflag:s29], $0x780  }
0x95: {  	[sflag:s29] =	ssyncset.done $0x0  }
0x96: {  	[sflag:s29] =	ssyncadd.s32 $0xFFFFF880  }
0x97: {  	_ =	swait.ge [sflag:s29], $0x780  }
0x98: {  	[sflag:s29] =	ssyncset.done $0x0  }
0x99: {  	[sflag:s29] =	ssyncadd.s32 $0xFFFFF880  }
0x9a: {  	_ =	swait.ge [sflag:s29], $0x780  }
0x9b: {  	[sflag:s29] =	ssyncset.done $0x0  }
0x9c: {  	[sflag:s29] =	ssyncadd.s32 $0xFFFFF880  }
0x9d: {  	_ =	swait.ge [sflag:s29], $0x780  }
0x9e: {  	[sflag:s29] =	ssyncset.done $0x0  }
0x9f: {  	[sflag:s29] =	ssyncadd.s32 $0xFFFFF880  }
0xa0: {  	_ =	swait.ge [sflag:s29], $0x780  }
0xa1: {  	[sflag:s29] =	ssyncset.done $0x0  }
0xa2: {  	[sflag:s29] =	ssyncadd.s32 $0xFFFFF880  }
0xa3: {  	_ =	swait.ge [sflag:s29], $0x780  }
0xa4: {  	[sflag:s29] =	ssyncset.done $0x0  }
0xa5: {  	[sflag:s29] =	ssyncadd.s32 $0xFFFFF880  }
0xa6: {  	_ =	swait.ge [sflag:s29], $0x780  }
0xa7: {  	[sflag:s29] =	ssyncset.done $0x0  }
0xa8: {  	[sflag:s29] =	ssyncadd.s32 $0xFFFFF880  }
0xa9: {  	_ =	swait.ge [sflag:s29], $0x780  }
0xaa: {  	[sflag:s29] =	ssyncset.done $0x0  }
0xab: {  	[sflag:s29] =	ssyncadd.s32 $0xFFFFF880  }
0xac: {  	_ =	swait.ge [sflag:s29], $0x780  }
0xad: {  	[sflag:s29] =	ssyncset.done $0x0  }
0xae: {  	[sflag:s29] =	ssyncadd.s32 $0xFFFFF880  }
0xaf: {  	_ =	swait.ge [sflag:s29], $0x780  }
0xb0: {  	[sflag:s29] =	ssyncset.done $0x0  }
0xb1: {  	[sflag:s29] =	ssyncadd.s32 $0xFFFFF880  }
0xb2: {  	_ =	swait.ge [sflag:s29], $0x780  }
0xb3: {  	[sflag:s29] =	ssyncset.done $0x0  }
0xb4: {  	[sflag:s29] =	ssyncadd.s32 $0xFFFFF880  }
0xb5: {  	_ =	swait.ge [sflag:s29], $0x780  }
0xb6: {  	[sflag:s29] =	ssyncset.done $0x0  }
0xb7: {  	[sflag:s29] =	ssyncadd.s32 $0xFFFFF880  }
0xb8: {  	_ =	swait.ge [sflag:s29], $0x780  }
0xb9: {  	[sflag:s29] =	ssyncset.done $0x0  }
0xba: {  	[sflag:s29] =	ssyncadd.s32 $0xFFFFF880  }
0xbb: {  	_ =	swait.ge [sflag:s29], $0x780  }
0xbc: {  	[sflag:s29] =	ssyncset.done $0x0  }
0xbd: {  	[sflag:s29] =	ssyncadd.s32 $0xFFFFF880  }
0xbe: {  	p1 =	por p0, p0;
	_ =	swait.ge [sflag:s29], $0x780  }
.Ltmp2:
0xbf: {  	[sflag:s29] =	ssyncset.done $0x0;
	(pc) =	sbr.rel @p1 .LBB2_6-.Ltmp2, $4  }
0xc0: {  	[sflag:s29] =	ssyncadd.s32 $0xFFFFF880  }
0xc1: {  	_ =	swait.ge [sflag:s29], $0x780  }
0xc2: {  	[sflag:s29] =	ssyncset.done $0x0  }
0xc3: {  	p0 =	por $0x0, $0x0;
	s30 =	simm.s32 $0x3C0;
	[sflag:s29] =	ssyncadd.s32 $0xFFFFF880  }
0xc4: {  	s30 =	sshll.u32 s1, $0x6  }
0xc5: {  	[bflag:$0x0] =	sbarrier.arrive $0xFFFF;
	s31 =	sshrl.u32 s6, $0x3;
	s30 =	sor.u32 $0x1C03, s30  }
0xc6: {  	[hbm:s10], [sflag:s30] =	dma.local [spmem:s31], $0x4F0  }
0xc7: {  	s4 =	sadd.s32 $0x1, s4;
	_ =	swait.ge [sflag:s14], $0x4F0  }
0xc8: {  	p0 =	sne.s32 s4, s12;
	[sflag:s14] =	ssyncset.done $0x0  }
.Ltmp3:
0xc9: {  	s31 =	sshrl.u32 s7, $0x3;
	[sflag:s14] =	ssyncadd.s32 $0xFFFFFB10;
	(pc) =	sbr.rel @p0 .LBB2_1-.Ltmp3, $4  }
0xca: {  	[hbm:s11], [sflag:s30] =	dma.local [spmem:s31], $0x4F0  }
0xcb: {  	_ =	swait.ge [sflag:s14], $0x4F0  }
0xcc: {  	[sflag:s14] =	ssyncset.done $0x0  }
0xcd: {  	[sflag:s14] =	ssyncadd.s32 $0xFFFFFB10  }
0xce: {  	_ =	sfence.sel $0x180000  }
0xcf: {  	[bflag:$0x0] =	sbarrier.arrive $0xFFFF  }
0xd0: {  	p0 =	sne.s32 s1, $0x0;
	_ =	strace $0x9000004A  }
0xd1: {  	s0 =	sadd.s32 @!p0 $0x100000, s0;
	[bflag:$0x2] =	sbarrier.arrive $0xFFFF  }
0xd2: {  	[sflag:s0] =	ssyncadd.tile.s32 @!p0 $0x1;
	_ =	shalt  }
.Lfunc_end2:
_tile_overlayer_lowered:
.L_overlay_start_2:
0xd3: {  	(tag) =	ssettag $0x2  }
0xd4: {  	s0 =	rddreg [dreg:$0x0];
	s2 =	stileid.u32  }
0xd5: {  	s1 =	rddreg [dreg:$0x1];
	p0 =	sne.s32 s2, $0x0  }
0xd6: {  	s3 =	rddreg [dreg:$0x2];
	[bflag:$0x3] =	sbarrier.arrive $0xFFFF;
	s2 =	simm.s32 @!p0 $0x1C03  }
0xd7: {  	[timem:s3], [sflag:s2] =	dma.local @!p0 [hbm:s0], s1  }
0xd8: {  	s0 =	simm.s32 @!p0 $0x3  }
0xd9: {  	_ =	swait.ge @!p0 [sflag:s0], s1  }
0xda: {  	s1 =	ssub.s32 @!p0 $0x0, s1;
	[sflag:s0] =	ssyncset.done @!p0 $0x0  }
0xdb: {  	[sflag:s0] =	ssyncadd.s32 @!p0 s1  }
0xdc: {  	[bflag:$0x3] =	sbarrier.arrive $0xFFFF  }
0xdd: {  	_ =	shalt  }

// kernel: kernel.17.cloned.1.call-start
scs
__scs_entry_jumppad:
0x0: {  	(pc) =	sbr.rel $0x88, $3  }
0x1: {  	(tag) =	ssettag $0x0;
	lr =	simm.s32 $0x1  }
0x2: {  	[smem:$0x3F8C] =	sst lr;
	_ =	strace $0xD0000000  }
0x3: {  	_ = 	snop  }
0x4: {  	_ = 	snop  }
0x5: {  	_ = 	snop  }
0x6: {  	_ = 	snop  }
0x7: {  	_ = 	snop  }
__scs_overlays_trampoline_lowered:
0x8: {  	[smem:$0x3F9B] =	sst s0  }
0x9: {  	[smem:$0x3F9C] =	sst s1  }
0xa: {  	[smem:$0x3F9D] =	sst s2  }
0xb: {  	[smem:$0x3F9E] =	sst s3  }
0xc: {  	[smem:$0x3F9F] =	sst s4  }
0xd: {  	[smem:$0x3FA0] =	sst s5  }
0xe: {  	[smem:$0x3FA1] =	sst s6  }
0xf: {  	[smem:$0x3FA2] =	sst s7  }
0x10: {  	[smem:$0x3FA3] =	sst s8  }
0x11: {  	[smem:$0x3FA4] =	sst s9;
	s0 =	simm.s32 @!p0 $0x0  }
0x12: {  	s1 =	sld [smem:$0x3F8A];
	s0 =	simm.s32 @p0 $0x1  }
0x13: {  	[smem:$0x3FA5] =	sst s0;
	s0 =	simm.s32 @!p1 $0x0  }
0x14: {  	s2 =	sld [smem:$0x3F89];
	s0 =	simm.s32 @p1 $0x1  }
0x15: {  	[smem:$0x3FA6] =	sst s0;
	s0 =	simm.s32 @!p2 $0x0  }
0x16: {  	s3 =	sld [smem:$0x3FDB];
	s0 =	simm.s32 @p2 $0x1  }
0x17: {  	s4 =	simm.s32 $0x1BF5;
	[smem:$0x3FA8] =	sst s0  }
0x18: {  	s0 =	sld [smem:$0x3F8B];
	_ =	swait.ge [sflag:s4], $0x0  }
0x19: {  	s7 =	sld [smem:$0x3F8C]  }
0x1a: {  	s8 =	sadd.s32 $0xFFFFE003, lr  }
0x1b: {  	s9 =	sadd.s32 $0xFFFFFEF7, lr;
	s5 =	simm.s32 $0xFFFFFFFF;
	p2 =	slt.u32 s8, $0xFFFFF086  }
0x1c: {  	p1 =	slt.u32 s9, $0xF7A;
	s5 =	simm.s32 @!p2 $0x0  }
0x1d: {  	s5 =	simm.s32 @p1 $0x1;
	p0 =	seq.s32 s7, s2  }
0x1e: {  	s7 =	smul.u32 @!p0 $0xF7A, s2;
	p2 =	seq.s32 @!p0 s5, $0x0  }
0x1f: {  	s9 =	smul.u32 $0xF7A, s1;
	s8 =	simm.s32 @!p0 $0x1BF5;
	p2 =	por !p2, p0  }
0x20: {  	[sflag:s8] =	ssyncset.s32 @!p0 $0xFFFFF086;
	s6 =	sadd.s32 @!p0 s3, s7;
	s7 =	simm.s32 @!p0 $0x108  }
0x21: {  	s3 =	sadd.s32 s3, s9;
	s6 =	sadd.s32 @!p0 $0x88, s6;
	s7 =	simm.s32 @p2 $0x1082  }
0x22: {  	[simem:s7], [sflag:s8] =	dma.local @!p0 [hbm:s6], $0xF7A  }
0x23: {  	s9 =	sor.u32 $0xD0000000, s2;
	s6 =	simm.s32 $0x108;
	_ =	swait.ge @!p0 [sflag:s8], $0x0  }
0x24: {  	s3 =	sadd.s32 $0x88, s3;
	s6 =	simm.s32 @!p1 $0x1082;
	[sflag:s4] =	ssyncset.s32 $0xFFFFF086  }
0x25: {  	[simem:s6], [sflag:s4] =	dma.local [hbm:s3], $0xF7A  }
0x26: {  	[smem:$0x3F8C] =	sst s1;
	(tag) =	ssettag s2;
	_ =	strace s9  }
0x27: {  	s1 =	sld [smem:$0x3F9C]  }
0x28: {  	s2 =	sld [smem:$0x3F9D]  }
0x29: {  	s4 =	sld [smem:$0x3F9F]  }
0x2a: {  	p0 =	seq.s32 s5, $0x0;
	s5 =	sld [smem:$0x3FA0]  }
0x2b: {  	s6 =	sld [smem:$0x3FA1]  }
0x2c: {  	s7 =	sld [smem:$0x3FA2]  }
0x2d: {  	s3 =	simm.s32 $0x108;
	s8 =	sld [smem:$0x3FA3]  }
0x2e: {  	s3 =	simm.s32 @!p0 $0x1082;
	s9 =	sld [smem:$0x3FA4]  }
0x2f: {  	lr =	sadd.s32 s0, s3;
	s0 =	sld [smem:$0x3F9B]  }
0x30: {  	s3 =	sld [smem:$0x3F9E]  }
0x31: {  	[smem:$0x3FA7] =	sst s10  }
0x32: {  	s10 =	sld [smem:$0x3FA5];
	_ =	sdelay $0x3  }
0x33: {  	p0 =	seq.s32 s10, $0x1;
	s10 =	sld [smem:$0x3FA7];
	_ =	sdelay $0x3  }
0x34: {  	[smem:$0x3FA7] =	sst s10  }
0x35: {  	s10 =	sld [smem:$0x3FA6];
	_ =	sdelay $0x3  }
0x36: {  	p1 =	seq.s32 s10, $0x1;
	s10 =	sld [smem:$0x3FA7];
	_ =	sdelay $0x3  }
0x37: {  	[smem:$0x3FA7] =	sst s10  }
0x38: {  	s10 =	sld [smem:$0x3FA8]  }
0x39: {  	_ = 	snop;
	(pc) =	sbr.ind lr, $3  }
0x3a: {  	_ = 	snop  }
0x3b: {  	_ = 	snop  }
0x3c: {  	p2 =	seq.s32 s10, $0x1;
	s10 =	sld [smem:$0x3FA7]  }
0x3d: {  	_ =	shalt  }
0x3e: {  	_ =	shalt  }
0x3f: {  	_ =	shalt  }
0x40: {  	_ =	shalt  }
0x41: {  	_ =	shalt  }
0x42: {  	_ =	shalt  }
0x43: {  	_ =	shalt  }
0x44: {  	_ =	shalt  }
0x45: {  	_ =	shalt  }
0x46: {  	_ =	shalt  }
0x47: {  	_ =	shalt  }
0x48: {  	_ =	shalt  }
0x49: {  	_ =	shalt  }
0x4a: {  	_ =	shalt  }
0x4b: {  	_ =	shalt  }
0x4c: {  	_ =	shalt  }
0x4d: {  	_ =	shalt  }
0x4e: {  	_ =	shalt  }
0x4f: {  	_ =	shalt  }
0x50: {  	_ =	shalt  }
0x51: {  	_ =	shalt  }
0x52: {  	_ =	shalt  }
0x53: {  	_ =	shalt  }
0x54: {  	_ =	shalt  }
0x55: {  	_ =	shalt  }
0x56: {  	_ =	shalt  }
0x57: {  	_ =	shalt  }
0x58: {  	_ =	shalt  }
0x59: {  	_ =	shalt  }
0x5a: {  	_ =	shalt  }
0x5b: {  	_ =	shalt  }
0x5c: {  	_ =	shalt  }
0x5d: {  	_ =	shalt  }
0x5e: {  	_ =	shalt  }
0x5f: {  	_ =	shalt  }
0x60: {  	_ =	shalt  }
0x61: {  	_ =	shalt  }
0x62: {  	_ =	shalt  }
0x63: {  	_ =	shalt  }
0x64: {  	_ =	shalt  }
0x65: {  	_ =	shalt  }
0x66: {  	_ =	shalt  }
0x67: {  	_ =	shalt  }
0x68: {  	_ =	shalt  }
0x69: {  	_ =	shalt  }
0x6a: {  	_ =	shalt  }
0x6b: {  	_ =	shalt  }
0x6c: {  	_ =	shalt  }
0x6d: {  	_ =	shalt  }
0x6e: {  	_ =	shalt  }
0x6f: {  	_ =	shalt  }
0x70: {  	_ =	shalt  }
0x71: {  	_ =	shalt  }
0x72: {  	_ =	shalt  }
0x73: {  	_ =	shalt  }
0x74: {  	_ =	shalt  }
0x75: {  	_ =	shalt  }
0x76: {  	_ =	shalt  }
0x77: {  	_ =	shalt  }
0x78: {  	_ =	shalt  }
0x79: {  	_ =	shalt  }
0x7a: {  	_ =	shalt  }
0x7b: {  	_ =	shalt  }
0x7c: {  	_ =	shalt  }
0x7d: {  	_ =	shalt  }
0x7e: {  	_ =	shalt  }
0x7f: {  	_ =	shalt  }
0x80: {  	_ =	shalt  }
0x81: {  	_ =	shalt  }
0x82: {  	_ =	shalt  }
0x83: {  	_ =	shalt  }
0x84: {  	_ =	shalt  }
0x85: {  	_ =	shalt  }
0x86: {  	_ =	shalt  }
0x87: {  	_ =	shalt  }
.Lfunc_end0:
.L_simem_size_0:
called_computation.2_lowered:
.L_overlay_start_0:
0x88: {  	s2 =	sld [smem:$0x3FD9]  }
0x89: {  	s3 =	sld [smem:$0x3FFE];
	_ =	sdelay $0x1  }
0x8a: {  	s1 =	srdreg.scid  }
0x8b: {  	s0 =	sand.u32 $0x1, s1  }
0x8c: {  	s17 =	sshll.u32 s0, $0xA;
	s2 =	sadd.s32 s3, s2  }
0x8d: {  	s2 =	sadd.s32 s2, s17  }
0x8e: {  	[smem:$0x3FB3] =	sst s2  }
0x8f: {  	_ = 	snop  }
0x90: {  	s2 =	sld [smem:$0x3FD0];
	(tm) =	ssettm $0x1  }
0x91: {  	s18 =	sld [smem:$0x3FFB];
	_ =	sdelay $0x3  }
0x92: {  	_ =	strace s18  }
0x93: {  	s3 =	sld [smem:$0x3FFC];
	_ =	sdelay $0x3  }
0x94: {  	_ =	strace s3  }
0x95: {  	s3 =	sld [smem:$0x3FFD];
	_ =	sdelay $0x3  }
0x96: {  	_ =	strace s3  }
0x97: {  	_ =	strace $0x8FFFFFFF  }
0x98: {  	s19 =	sld [smem:$0x3FDB];
	_ =	sdelay $0x1  }
0x99: {  	s4 =	simm.s32 $_scs_section_size  }
0x9a: {  	s5 =	simm.s32 $_size__tile_overlayer_lowered;
	s6 =	simm.s32 $_tile_overlayer_lowered  }
0x9b: {  	s22 =	simm.s32 $0x1BFF;
	s21 =	sshll.u32 s6, $0x1;
	s3 =	sadd.s32 s4, s19  }
0x9c: {  	s7 =	simm.s32 $0x0;
	s20 =	sshll.u32 s5, $0x1;
	s5 =	sadd.s32 s21, s3  }
0x9d: {  	[timem:s7], [sflag:s22] =	dma.local [hbm:s5], s20  }
0x9e: {  	_ =	swait.ge [sflag:s22], s20  }
0x9f: {  	s4 =	ssub.s32 $0x0, s20;
	[sflag:s22] =	ssyncset.done $0x0  }
0xa0: {  	[sflag:s22] =	ssyncadd.s32 s4;
	_ =	sdelay $0x1  }
0xa1: {  	s23 =	simm.s32 $0x1B8B  }
0xa2: {  	_ =	swait.ge [sflag:s23], $0x1  }
0xa3: {  	[sflag:s23] =	ssyncset.done $0x0  }
0xa4: {  	s25 =	simm.s32 $0x1B8E;
	s24 =	sld [smem:$0x3FFE];
	[sflag:s23] =	ssyncadd.s32 $0xFFFFFFFF  }
0xa5: {  	s26 =	simm.s32 $execute0_lowered;
	[smem:$0x3FD2] =	sst s25  }
0xa6: {  	s5 =	sshll.u32 s26, $0x1;
	_ =	strace $0x8000004C;
	[dreg:$0x1] =	wrdreg $0xFFFFFFFF  }
0xa7: {  	s28 =	simm.s32 $_size_execute0_lowered;
	s3 =	sadd.s32 s3, s5;
	[dreg:$0x0] =	wrdreg $0x0  }
0xa8: {  	s5 =	sshll.u32 s28, $0x1;
	[dreg:$0x2] =	wrdreg s3  }
0xa9: {  	[dreg:$0x3] =	wrdreg s5  }
0xaa: {  	[dreg:$0x4] =	wrdreg $0xC0  }
0xab: {  	_ =	task [dreg:s7], $0x5FFFF  }
0xac: {  	[dreg:$0x1] =	wrdreg $0xFFFFFFFF  }
0xad: {  	[dreg:$0x0] =	wrdreg $0x60  }
0xae: {  	[dreg:$0x2] =	wrdreg s24  }
0xaf: {  	[dreg:$0x3] =	wrdreg s2  }
0xb0: {  	[dreg:$0x4] =	wrdreg $0x14E000  }
0xb1: {  	[dreg:$0x5] =	wrdreg $0x19D000  }
0xb2: {  	[dreg:$0x6] =	wrdreg $0x9  }
0xb3: {  	_ =	task.clear_ibuf [dreg:s7], $0x7FFFF;
	_ =	strace $0x9000004C  }
0xb4: {  	s29 =	simm.s32 $0x9;
	_ =	strace $0x8000004E  }
0xb5: {  	_ =	swait.ge [sflag:s29], $0x1  }
0xb6: {  	[sflag:s29] =	ssyncadd.s32 $0xFFFFFFFF  }
0xb7: {  	_ =	strace $0x9000004E  }
0xb8: {  	_ =	sfence  }
0xb9: {  	s30 =	sld [smem:$0x0];
	_ =	sdelay $0x2  }
0xba: {  	s31 =	sshll.u32 s1, $0xD;
	s1 =	sshrl.u32 s1, $0x2  }
0xbb: {  	s3 =	sand.u32 $0x4000, s31;
	s1 =	sadd.s32 s1, s30  }
0xbc: {  	s0 =	sor.u32 s3, s0;
	s1 =	sshll.u32 s1, $0x11  }
0xbd: {  	s0 =	sor.u32 s1, s0  }
0xbe: {  	s0 =	sadd.s32 $0x8F2B, s0  }
0xbf: {  	[sflag:s0] =	ssyncadd.remote.s32 $0x1  }
0xc0: {  	_ =	sfence.sel $0xFFFF  }
0xc1: {  	[dreg:$0x0] =	wrdreg $0xFFFFFFFF;
	(pc) =	sbr.abs _section_cstart, $3  }
0xc2: {  	[dreg:$0x1] =	wrdreg $0xFFFFFFFF  }
0xc3: {  	_ =	task.clear_ibuf [dreg:s7], $0x2FFFF;
	_ =	strace $0x9FFFFFFF  }
0xc4: {  	(tm) =	ssettm $0x7FFFFFFF  }
0xc5: {  	_ =	shalt  }
tec
execute0_lowered:
.L_overlay_start_1:
0x0: {  	(tag) =	ssettag $0x1  }
0x1: {  	s0 =	rddreg [dreg:$0x0]  }
0x2: {  	s1 =	rddreg [dreg:$0x1]  }
0x3: {  	s2 =	rddreg [dreg:$0x2]  }
0x4: {  	s3 =	rddreg [dreg:$0x3]  }
0x5: {  	s5 =	srdreg.scid;
	s9 =	stileid.u32;
	s4 =	simm.s32 $0x0  }
0x6: {  	s15 =	simm.s32 $0x3;
	s17 =	simm.s32 $0x78;
	s18 =	simm.s32 $0xF00  }
0x7: {  	s19 =	simm.s32 $0x8700;
	s20 =	simm.s32 $0x1E00;
	s21 =	simm.s32 $0x9600  }
0x8: {  	s22 =	simm.s32 $0x2D00;
	s23 =	simm.s32 $0xA500;
	s24 =	simm.s32 $0x3C00  }
0x9: {  	s25 =	simm.s32 $0xB400;
	s26 =	simm.s32 $0x4B00;
	s28 =	simm.s32 $0xC300  }
0xa: {  	s29 =	simm.s32 $0x5A00;
	s30 =	simm.s32 $0xD200;
	s31 =	simm.s32 $0x6900  }
0xb: {  	s16 =	simm.s32 $0xF000;
	s14 =	simm.s32 $0x2;
	s7 =	sand.u32 $0x1, s5  }
0xc: {  	s8 =	smul.u32 $0x4F00, s9;
	[smem:$0x7FF] =	sst s4;
	s5 =	sshll.u32 s7, $0x4  }
0xd: {  	s6 =	smul.u32 $0x4F000, s7;
	_ =	strace $0x8000004D;
	s7 =	ssub.s32 $0x2, s7  }
0xe: {  	s9 =	sor.u32 s9, s5;
	s5 =	sadd.s32 $0xD000, s0;
	s11 =	sshrl.u32 s7, $0x1  }
0xf: {  	s9 =	smul.u32 $0xF0, s9;
	s10 =	sadd.s32 s8, s6;
	s6 =	sadd.s32 $0x16E00, s0  }
0x10: {  	s11 =	ssub.s32 s7, s11;
	s7 =	sadd.s32 s8, s2;
	s10 =	sshrl.u32 s10, $0x3  }
0x11: {  	s8 =	sadd.s32 s8, s3;
	s9 =	sadd.s32 s9, s0;
	s1 =	sadd.s32 s1, s10  }
0x12: {  	s13 =	smax.u32 s11, $0x1;
	s12 =	sadd.s32 $0x4400, s9;
	[dreg:$0x7] =	wrdreg s1  }
0x13: {  	s0 =	sadd.s32 s10, s0;
	s9 =	sadd.s32 $0xB200, s9;
	[dreg:$0x5] =	wrdreg s12  }
0x14: {  	s0 =	sadd.s32 $0x20C00, s0;
	s1 =	simm.s32 $0x7800;
	[dreg:$0x6] =	wrdreg s9  }
0x15: {  	v0 =	vimm.f32 $0.0e+00;
	[dreg:$0x8] =	wrdreg s0;
	s0 =	simm.s32 $0xE100;
	s9 =	simm.s32 $0x1  }
.LBB2_1:
0x16: {  	s10 =	simm.s32 $0x0;
	s11 =	simm.s32 $0x400  }
.LBB2_2:
0x17: {  	p0 =	sne.s32 s11, $0x13800;
	[tilespmem:s10+$0xFFF0] =	vst v0  }
0x18: {  	[tilespmem:s10+$0xFF00] =	vst v0  }
0x19: {  	[tilespmem:s10+$0xFF10] =	vst v0  }
0x1a: {  	[tilespmem:s10+$0xFF20] =	vst v0  }
0x1b: {  	[tilespmem:s10+$0xFF30] =	vst v0  }
0x1c: {  	[tilespmem:s10+$0xFF40] =	vst v0  }
0x1d: {  	[tilespmem:s10+$0xFF50] =	vst v0  }
0x1e: {  	[tilespmem:s10+$0xFF60] =	vst v0  }
0x1f: {  	[tilespmem:s10+$0xFF70] =	vst v0  }
0x20: {  	[tilespmem:s10+$0xFF80] =	vst v0  }
0x21: {  	[tilespmem:s10+$0xFF90] =	vst v0  }
.Ltmp0:
0x22: {  	[tilespmem:s10+$0xFFA0] =	vst v0;
	(pc) =	sbr.rel @p0 .LBB2_2-.Ltmp0, $4  }
0x23: {  	[tilespmem:s10+$0xFFB0] =	vst v0  }
0x24: {  	[tilespmem:s10+$0xFFC0] =	vst v0  }
0x25: {  	[tilespmem:s10+$0xFFD0] =	vst v0  }
0x26: {  	[tilespmem:s10+$0xFFE0] =	vst v0;
	s10 =	sshra.s32 s11, $0x2;
	s11 =	sadd.s32 $0x400, s11  }
0x27: {  	[tilespmem:s10+$0xFFF0] =	vst v0  }
0x28: {  	[tilespmem:s10+$0xFF00] =	vst v0  }
0x29: {  	[tilespmem:s10+$0xFF10] =	vst v0  }
0x2a: {  	[tilespmem:s10+$0xFF20] =	vst v0  }
0x2b: {  	[tilespmem:s10+$0xFF30] =	vst v0  }
0x2c: {  	[tilespmem:s10+$0xFF40] =	vst v0  }
0x2d: {  	[tilespmem:s10+$0xFF50] =	vst v0  }
0x2e: {  	[tilespmem:s10+$0xFF60] =	vst v0  }
0x2f: {  	[tilespmem:s10+$0xFF70] =	vst v0  }
0x30: {  	[tilespmem:s10+$0xFF80] =	vst v0  }
0x31: {  	[tilespmem:s10+$0xFF90] =	vst v0  }
0x32: {  	[tilespmem:s10+$0xFFA0] =	vst v0  }
0x33: {  	[tilespmem:s10+$0xFFB0] =	vst v0  }
0x34: {  	[tilespmem:s10+$0xFFC0] =	vst v0  }
0x35: {  	[tilespmem:s10+$0xFFD0] =	vst v0  }
0x36: {  	[tilespmem:s10+$0xFFE0] =	vst v0;
	s12 =	simm.s32 $0xFF00  }
0x37: {  	[spmem:s7] =	stream.linear.scatter [tilespmem:s12], [sflag:$0x3], $0x4F00, $0x38;
	[tilespmem:$0x1EC00] =	vst v63  }
0x38: {  	_ =	swait.ge [sflag:s15], $0x4F00  }
0x39: {  	[sflag:s15] =	ssyncset.done $0x0  }
0x3a: {  	[sflag:s15] =	ssyncadd.s32 $0xFFFFB100  }
0x3b: {  	[spmem:s8] =	stream.linear.scatter [tilespmem:s12], [sflag:$0x3], $0x4F00, $0x38;
	[tilespmem:$0x1EC00] =	vst v63  }
0x3c: {  	_ =	swait.ge [sflag:s15], $0x4F00  }
0x3d: {  	[sflag:s15] =	ssyncset.done $0x0  }
0x3e: {  	s10 =	simm.s32 $0x0;
	s11 =	rddreg [dreg:$0x5];
	[sflag:s15] =	ssyncadd.s32 $0xFFFFB100  }
0x3f: {  	[tilespmem:s10], [sflag:$0x3] =	stream.linear.gather [hbm4b:s11+s10], $0x780, $0x38;
	[tilespmem:$0x1EC00] =	vst v63  }
0x40: {  	_ =	swait.ge [sflag:s15], $0x780  }
0x41: {  	[sflag:s15] =	ssyncset.done $0x0  }
0x42: {  	s12 =	simm.s32 $0x780;
	s11 =	rddreg [dreg:$0x6];
	[sflag:s15] =	ssyncadd.s32 $0xFFFFF880  }
0x43: {  	[tilespmem:s12], [sflag:$0x3] =	stream.linear.gather [hbm4b:s11+s10], $0x780, $0x38;
	[tilespmem:$0x1EC00] =	vst v63  }
0x44: {  	_ =	swait.ge [sflag:s15], $0x780  }
0x45: {  	[sflag:s15] =	ssyncset.done $0x0  }
0x46: {  	[sflag:s15] =	ssyncadd.s32 $0xFFFFF880  }
0x47: {  	p0 =	por $0x1, $0x1;
	[bflag:$0x0] =	sbarrier.arrive $0xFFFF  }
.LBB2_4:
0x48: {  	[tilespmem:s18], [sflag:$0x1] =	stream.indirect.gather [hbm4b:s5+s17], $0x20, s10, s17, $0xb8;
	[tilespmem:$0x1EC00] =	vst v63  }
0x49: {  	_ = 	snop  }
0x4a: {  	[tilespmem:s19], [sflag:$0x1] =	stream.indirect.gather [hbm4b:s6+s17], $0x20, s10, s17, $0xb8;
	[tilespmem:$0x1EC00] =	vst v63  }
0x4b: {  	s11 =	sadd.s32 $0x78, s10  }
0x4c: {  	[tilespmem:s20], [sflag:$0x1] =	stream.indirect.gather [hbm4b:s5+s17], $0x20, s11, s17, $0xb8;
	[tilespmem:$0x1EC00] =	vst v63  }
0x4d: {  	_ = 	snop  }
0x4e: {  	[tilespmem:s21], [sflag:$0x1] =	stream.indirect.gather [hbm4b:s6+s17], $0x20, s11, s17, $0xb8;
	[tilespmem:$0x1EC00] =	vst v63  }
0x4f: {  	s12 =	sadd.s32 $0xF0, s10  }
0x50: {  	[tilespmem:s22], [sflag:$0x1] =	stream.indirect.gather [hbm4b:s5+s17], $0x20, s12, s17, $0xb8;
	[tilespmem:$0x1EC00] =	vst v63  }
0x51: {  	_ = 	snop  }
0x52: {  	[tilespmem:s23], [sflag:$0x1] =	stream.indirect.gather [hbm4b:s6+s17], $0x20, s12, s17, $0xb8;
	[tilespmem:$0x1EC00] =	vst v63  }
0x53: {  	s12 =	sadd.s32 $0x168, s10  }
0x54: {  	[tilespmem:s24], [sflag:$0x1] =	stream.indirect.gather [hbm4b:s5+s17], $0x20, s12, s17, $0xb8;
	[tilespmem:$0x1EC00] =	vst v63  }
0x55: {  	_ = 	snop  }
0x56: {  	[tilespmem:s25], [sflag:$0x1] =	stream.indirect.gather [hbm4b:s6+s17], $0x20, s12, s17, $0xb8;
	[tilespmem:$0x1EC00] =	vst v63  }
0x57: {  	s12 =	sadd.s32 $0x1E0, s10  }
0x58: {  	[tilespmem:s26], [sflag:$0x1] =	stream.indirect.gather [hbm4b:s5+s17], $0x20, s12, s17, $0xb8;
	[tilespmem:$0x1EC00] =	vst v63  }
0x59: {  	_ = 	snop  }
0x5a: {  	[tilespmem:s28], [sflag:$0x1] =	stream.indirect.gather [hbm4b:s6+s17], $0x20, s12, s17, $0xb8;
	[tilespmem:$0x1EC00] =	vst v63  }
0x5b: {  	s12 =	sadd.s32 $0x258, s10  }
0x5c: {  	[tilespmem:s29], [sflag:$0x1] =	stream.indirect.gather [hbm4b:s5+s17], $0x20, s12, s17, $0xb8;
	[tilespmem:$0x1EC00] =	vst v63  }
0x5d: {  	_ = 	snop  }
0x5e: {  	[tilespmem:s30], [sflag:$0x1] =	stream.indirect.gather [hbm4b:s6+s17], $0x20, s12, s17, $0xb8;
	[tilespmem:$0x1EC00] =	vst v63  }
0x5f: {  	s12 =	sadd.s32 $0x2D0, s10  }
0x60: {  	[tilespmem:s31], [sflag:$0x1] =	stream.indirect.gather [hbm4b:s5+s17], $0x20, s12, s17, $0xb8;
	[tilespmem:$0x1EC00] =	vst v63  }
0x61: {  	_ = 	snop  }
0x62: {  	[tilespmem:s0], [sflag:$0x1] =	stream.indirect.gather [hbm4b:s6+s17], $0x20, s12, s17, $0xb8;
	[tilespmem:$0x1EC00] =	vst v63  }
0x63: {  	s12 =	sadd.s32 $0x348, s10  }
0x64: {  	[tilespmem:s1], [sflag:$0x1] =	stream.indirect.gather [hbm4b:s5+s17], $0x20, s12, s17, $0xb8;
	[tilespmem:$0x1EC00] =	vst v63  }
0x65: {  	_ = 	snop  }
0x66: {  	[tilespmem:s16], [sflag:$0x1] =	stream.indirect.gather [hbm4b:s6+s17], $0x20, s12, s17, $0xb8;
	[tilespmem:$0x1EC00] =	vst v63  }
0x67: {  	_ =	swait.ge [sflag:s9], $0xF00  }
0x68: {  	[sflag:s9] =	ssyncset.done $0x0  }
0x69: {  	[sflag:s9] =	ssyncadd.s32 $0xFFFFF100  }
0x6a: {  	_ =	swait.ge [sflag:s9], $0xF00  }
0x6b: {  	[sflag:s9] =	ssyncset.done $0x0  }
0x6c: {  	s12 =	sadd.s32 $0x780, s10;
	[sflag:s9] =	ssyncadd.s32 $0xFFFFF100  }
0x6d: {  	[spmem:s2] =	stream.indirect.scatter.add.f32 [tilespmem:s18], [sflag:$0x2], $0x20, s12, s17, $0xb8;
	[tilespmem:$0x1EC00] =	vst v63  }
0x6e: {  	_ = 	snop  }
0x6f: {  	[spmem:s3] =	stream.indirect.scatter.add.f32 [tilespmem:s19], [sflag:$0x2], $0x20, s12, s17, $0xb8;
	[tilespmem:$0x1EC00] =	vst v63  }
0x70: {  	_ =	swait.ge [sflag:s9], $0xF00  }
0x71: {  	[sflag:s9] =	ssyncset.done $0x0  }
0x72: {  	[sflag:s9] =	ssyncadd.s32 $0xFFFFF100  }
0x73: {  	_ =	swait.ge [sflag:s9], $0xF00  }
0x74: {  	[sflag:s9] =	ssyncset.done $0x0  }
0x75: {  	s12 =	sadd.s32 $0x7F8, s10;
	[sflag:s9] =	ssyncadd.s32 $0xFFFFF100  }
0x76: {  	[spmem:s2] =	stream.indirect.scatter.add.f32 [tilespmem:s20], [sflag:$0x2], $0x20, s12, s17, $0xb8;
	[tilespmem:$0x1EC00] =	vst v63  }
0x77: {  	_ = 	snop  }
0x78: {  	[spmem:s3] =	stream.indirect.scatter.add.f32 [tilespmem:s21], [sflag:$0x2], $0x20, s12, s17, $0xb8;
	[tilespmem:$0x1EC00] =	vst v63  }
0x79: {  	_ =	swait.ge [sflag:s9], $0xF00  }
0x7a: {  	[sflag:s9] =	ssyncset.done $0x0  }
0x7b: {  	[sflag:s9] =	ssyncadd.s32 $0xFFFFF100  }
0x7c: {  	_ =	swait.ge [sflag:s9], $0xF00  }
0x7d: {  	[sflag:s9] =	ssyncset.done $0x0  }
0x7e: {  	s12 =	sadd.s32 $0x870, s10;
	[sflag:s9] =	ssyncadd.s32 $0xFFFFF100  }
0x7f: {  	[spmem:s2] =	stream.indirect.scatter.add.f32 [tilespmem:s22], [sflag:$0x2], $0x20, s12, s17, $0xb8;
	[tilespmem:$0x1EC00] =	vst v63  }
0x80: {  	_ = 	snop  }
0x81: {  	[spmem:s3] =	stream.indirect.scatter.add.f32 [tilespmem:s23], [sflag:$0x2], $0x20, s12, s17, $0xb8;
	[tilespmem:$0x1EC00] =	vst v63  }
0x82: {  	_ =	swait.ge [sflag:s9], $0xF00  }
0x83: {  	[sflag:s9] =	ssyncset.done $0x0  }
0x84: {  	[sflag:s9] =	ssyncadd.s32 $0xFFFFF100  }
0x85: {  	_ =	swait.ge [sflag:s9], $0xF00  }
0x86: {  	[sflag:s9] =	ssyncset.done $0x0  }
0x87: {  	s12 =	sadd.s32 $0x8E8, s10;
	[sflag:s9] =	ssyncadd.s32 $0xFFFFF100  }
0x88: {  	[spmem:s2] =	stream.indirect.scatter.add.f32 [tilespmem:s24], [sflag:$0x2], $0x20, s12, s17, $0xb8;
	[tilespmem:$0x1EC00] =	vst v63  }
0x89: {  	_ = 	snop  }
0x8a: {  	[spmem:s3] =	stream.indirect.scatter.add.f32 [tilespmem:s25], [sflag:$0x2], $0x20, s12, s17, $0xb8;
	[tilespmem:$0x1EC00] =	vst v63  }
0x8b: {  	_ =	swait.ge [sflag:s9], $0xF00  }
0x8c: {  	[sflag:s9] =	ssyncset.done $0x0  }
0x8d: {  	[sflag:s9] =	ssyncadd.s32 $0xFFFFF100  }
0x8e: {  	_ =	swait.ge [sflag:s9], $0xF00  }
0x8f: {  	[sflag:s9] =	ssyncset.done $0x0  }
0x90: {  	s12 =	sadd.s32 $0x960, s10;
	[sflag:s9] =	ssyncadd.s32 $0xFFFFF100  }
0x91: {  	[spmem:s2] =	stream.indirect.scatter.add.f32 [tilespmem:s26], [sflag:$0x2], $0x20, s12, s17, $0xb8;
	[tilespmem:$0x1EC00] =	vst v63  }
0x92: {  	_ = 	snop  }
0x93: {  	[spmem:s3] =	stream.indirect.scatter.add.f32 [tilespmem:s28], [sflag:$0x2], $0x20, s12, s17, $0xb8;
	[tilespmem:$0x1EC00] =	vst v63  }
0x94: {  	_ =	swait.ge [sflag:s9], $0xF00  }
0x95: {  	[sflag:s9] =	ssyncset.done $0x0  }
0x96: {  	[sflag:s9] =	ssyncadd.s32 $0xFFFFF100  }
0x97: {  	_ =	swait.ge [sflag:s9], $0xF00  }
0x98: {  	[sflag:s9] =	ssyncset.done $0x0  }
0x99: {  	s12 =	sadd.s32 $0x9D8, s10;
	[sflag:s9] =	ssyncadd.s32 $0xFFFFF100  }
0x9a: {  	[spmem:s2] =	stream.indirect.scatter.add.f32 [tilespmem:s29], [sflag:$0x2], $0x20, s12, s17, $0xb8;
	[tilespmem:$0x1EC00] =	vst v63  }
0x9b: {  	_ = 	snop  }
0x9c: {  	[spmem:s3] =	stream.indirect.scatter.add.f32 [tilespmem:s30], [sflag:$0x2], $0x20, s12, s17, $0xb8;
	[tilespmem:$0x1EC00] =	vst v63  }
0x9d: {  	_ =	swait.ge [sflag:s9], $0xF00  }
0x9e: {  	[sflag:s9] =	ssyncset.done $0x0  }
0x9f: {  	[sflag:s9] =	ssyncadd.s32 $0xFFFFF100  }
0xa0: {  	_ =	swait.ge [sflag:s9], $0xF00  }
0xa1: {  	[sflag:s9] =	ssyncset.done $0x0  }
0xa2: {  	s12 =	sadd.s32 $0xA50, s10;
	[sflag:s9] =	ssyncadd.s32 $0xFFFFF100  }
0xa3: {  	[spmem:s2] =	stream.indirect.scatter.add.f32 [tilespmem:s31], [sflag:$0x2], $0x20, s12, s17, $0xb8;
	[tilespmem:$0x1EC00] =	vst v63  }
0xa4: {  	_ = 	snop  }
0xa5: {  	[spmem:s3] =	stream.indirect.scatter.add.f32 [tilespmem:s0], [sflag:$0x2], $0x20, s12, s17, $0xb8;
	[tilespmem:$0x1EC00] =	vst v63  }
0xa6: {  	_ =	swait.ge [sflag:s9], $0xF00  }
0xa7: {  	[sflag:s9] =	ssyncset.done $0x0  }
0xa8: {  	[sflag:s9] =	ssyncadd.s32 $0xFFFFF100  }
0xa9: {  	_ =	swait.ge [sflag:s9], $0xF00  }
0xaa: {  	[sflag:s9] =	ssyncset.done $0x0  }
0xab: {  	s12 =	sadd.s32 $0xAC8, s10;
	[sflag:s9] =	ssyncadd.s32 $0xFFFFF100  }
0xac: {  	[spmem:s2] =	stream.indirect.scatter.add.f32 [tilespmem:s1], [sflag:$0x2], $0x20, s12, s17, $0xb8;
	[tilespmem:$0x1EC00] =	vst v63  }
0xad: {  	_ = 	snop  }
0xae: {  	[spmem:s3] =	stream.indirect.scatter.add.f32 [tilespmem:s16], [sflag:$0x2], $0x20, s12, s17, $0xb8;
	[tilespmem:$0x1EC00] =	vst v63  }
0xaf: {  	_ =	swait.ge [sflag:s14], $0xF00  }
0xb0: {  	[sflag:s14] =	ssyncset.done $0x0  }
0xb1: {  	[sflag:s14] =	ssyncadd.s32 $0xFFFFF100  }
0xb2: {  	_ =	swait.ge [sflag:s14], $0xF00  }
0xb3: {  	[sflag:s14] =	ssyncset.done $0x0  }
0xb4: {  	[sflag:s14] =	ssyncadd.s32 $0xFFFFF100  }
0xb5: {  	_ =	swait.ge [sflag:s14], $0xF00  }
0xb6: {  	[sflag:s14] =	ssyncset.done $0x0  }
0xb7: {  	[sflag:s14] =	ssyncadd.s32 $0xFFFFF100  }
0xb8: {  	_ =	swait.ge [sflag:s14], $0xF00  }
0xb9: {  	[sflag:s14] =	ssyncset.done $0x0  }
0xba: {  	[sflag:s14] =	ssyncadd.s32 $0xFFFFF100  }
0xbb: {  	_ =	swait.ge [sflag:s14], $0xF00  }
0xbc: {  	[sflag:s14] =	ssyncset.done $0x0  }
0xbd: {  	[sflag:s14] =	ssyncadd.s32 $0xFFFFF100  }
0xbe: {  	_ =	swait.ge [sflag:s14], $0xF00  }
0xbf: {  	[sflag:s14] =	ssyncset.done $0x0  }
0xc0: {  	[sflag:s14] =	ssyncadd.s32 $0xFFFFF100  }
0xc1: {  	_ =	swait.ge [sflag:s14], $0xF00  }
0xc2: {  	[sflag:s14] =	ssyncset.done $0x0  }
0xc3: {  	[sflag:s14] =	ssyncadd.s32 $0xFFFFF100  }
0xc4: {  	_ =	swait.ge [sflag:s14], $0xF00  }
0xc5: {  	[sflag:s14] =	ssyncset.done $0x0  }
0xc6: {  	[sflag:s14] =	ssyncadd.s32 $0xFFFFF100  }
0xc7: {  	_ =	swait.ge [sflag:s14], $0xF00  }
0xc8: {  	[sflag:s14] =	ssyncset.done $0x0  }
0xc9: {  	[sflag:s14] =	ssyncadd.s32 $0xFFFFF100  }
0xca: {  	_ =	swait.ge [sflag:s14], $0xF00  }
0xcb: {  	[sflag:s14] =	ssyncset.done $0x0  }
0xcc: {  	[sflag:s14] =	ssyncadd.s32 $0xFFFFF100  }
0xcd: {  	_ =	swait.ge [sflag:s14], $0xF00  }
0xce: {  	[sflag:s14] =	ssyncset.done $0x0  }
0xcf: {  	[sflag:s14] =	ssyncadd.s32 $0xFFFFF100  }
0xd0: {  	_ =	swait.ge [sflag:s14], $0xF00  }
0xd1: {  	[sflag:s14] =	ssyncset.done $0x0  }
0xd2: {  	[sflag:s14] =	ssyncadd.s32 $0xFFFFF100  }
0xd3: {  	_ =	swait.ge [sflag:s14], $0xF00  }
0xd4: {  	[sflag:s14] =	ssyncset.done $0x0  }
0xd5: {  	[sflag:s14] =	ssyncadd.s32 $0xFFFFF100  }
0xd6: {  	_ =	swait.ge [sflag:s14], $0xF00  }
0xd7: {  	[sflag:s14] =	ssyncset.done $0x0  }
0xd8: {  	[sflag:s14] =	ssyncadd.s32 $0xFFFFF100  }
0xd9: {  	p1 =	por p0, p0;
	_ =	swait.ge [sflag:s14], $0xF00  }
.Ltmp1:
0xda: {  	[sflag:s14] =	ssyncset.done $0x0;
	(pc) =	sbr.rel @p1 .LBB2_4-.Ltmp1, $4  }
0xdb: {  	[sflag:s14] =	ssyncadd.s32 $0xFFFFF100  }
0xdc: {  	_ =	swait.ge [sflag:s14], $0xF00  }
0xdd: {  	[sflag:s14] =	ssyncset.done $0x0  }
0xde: {  	p0 =	por $0x0, $0x0;
	s10 =	simm.s32 $0x3C0;
	[sflag:s14] =	ssyncadd.s32 $0xFFFFF100  }
0xdf: {  	s10 =	stileid.u32  }
0xe0: {  	[bflag:$0x0] =	sbarrier.arrive $0xFFFF;
	s10 =	sshll.u32 s10, $0x6  }
0xe1: {  	s11 =	sshrl.u32 s7, $0x3;
	s12 =	rddreg [dreg:$0x7];
	s10 =	sor.u32 $0x1C03, s10  }
0xe2: {  	[hbm:s12], [sflag:s10] =	dma.local [spmem:s11], $0x9E0  }
0xe3: {  	s4 =	sadd.s32 $0x1, s4;
	_ =	swait.ge [sflag:s15], $0x9E0  }
0xe4: {  	p0 =	sne.s32 s4, s13;
	s11 =	sshrl.u32 s8, $0x3;
	[sflag:s15] =	ssyncset.done $0x0  }
.Ltmp2:
0xe5: {  	s12 =	rddreg [dreg:$0x8];
	[sflag:s15] =	ssyncadd.s32 $0xFFFFF620;
	(pc) =	sbr.rel @p0 .LBB2_1-.Ltmp2, $4  }
0xe6: {  	[hbm:s12], [sflag:s10] =	dma.local [spmem:s11], $0x9E0  }
0xe7: {  	_ =	swait.ge [sflag:s15], $0x9E0  }
0xe8: {  	[sflag:s15] =	ssyncset.done $0x0  }
0xe9: {  	[sflag:s15] =	ssyncadd.s32 $0xFFFFF620  }
0xea: {  	_ =	sfence.sel $0x180000  }
0xeb: {  	[bflag:$0x0] =	sbarrier.arrive $0xFFFF  }
0xec: {  	_ =	strace $0x9000004D  }
0xed: {  	s0 =	stileid.u32;
	[bflag:$0x2] =	sbarrier.arrive $0xFFFF  }
0xee: {  	p0 =	sne.s32 s0, $0x0;
	s0 =	rddreg [dreg:$0x4]  }
0xef: {  	s0 =	sadd.s32 @!p0 $0x100000, s0  }
0xf0: {  	[sflag:s0] =	ssyncadd.tile.s32 @!p0 $0x1;
	_ =	shalt  }
.Lfunc_end2:
_tile_overlayer_lowered:
.L_overlay_start_2:
0xf1: {  	(tag) =	ssettag $0x2  }
0xf2: {  	s0 =	rddreg [dreg:$0x0];
	s2 =	stileid.u32  }
0xf3: {  	s1 =	rddreg [dreg:$0x1];
	p0 =	sne.s32 s2, $0x0  }
0xf4: {  	s3 =	rddreg [dreg:$0x2];
	[bflag:$0x3] =	sbarrier.arrive $0xFFFF;
	s2 =	simm.s32 @!p0 $0x1C03  }
0xf5: {  	[timem:s3], [sflag:s2] =	dma.local @!p0 [hbm:s0], s1  }
0xf6: {  	s0 =	simm.s32 @!p0 $0x3  }
0xf7: {  	_ =	swait.ge @!p0 [sflag:s0], s1  }
0xf8: {  	s1 =	ssub.s32 @!p0 $0x0, s1;
	[sflag:s0] =	ssyncset.done @!p0 $0x0  }
0xf9: {  	[sflag:s0] =	ssyncadd.s32 @!p0 s1  }
0xfa: {  	[bflag:$0x3] =	sbarrier.arrive $0xFFFF  }
0xfb: {  	_ =	shalt  }

</sc_bundles>
